<compile_context>
chip_gen: v7x
topology: tpu7x:2x2x1
jax: 0.10.2.dev20260603
libtpu: 0.0.44.dev20260713+nightly
codegen_flags: <defaults>
</compile_context>

<pallas_src>
import functools

import jax
import jax.numpy as jnp
from jax import lax
from jax.experimental import pallas as pl
from jax.experimental.pallas import tpu as pltpu
from jax.experimental.pallas import tpu_sc as plsc

N, E, D, A = 10000, 320000, 128, 5
NP = 10240
CHUNK = 80
NEG = -1e30


def _tab_body(x_ref, wcat_ref, bcat_ref, tab_ref):
    tab_ref[...] = (
        jnp.dot(x_ref[...], wcat_ref[...], preferred_element_type=jnp.float32)
        + bcat_ref[...]
    )


def _merged_body(bam_ref, eap_ref, x_ref, cp_ref, wap_ref, bap_ref, nap_ref,
                 w1a_ref, w1b_ref, bc1_ref, wc2_ref, bc2_ref, wi_ref, bi_ref,
                 ep_ref, out_ref):
    f32 = jnp.float32
    for s in range(2):
        t = lax.dot_general(bam_ref[s], eap_ref[...], (((0,), (0,)), ((), ())),
                            preferred_element_type=f32)
        ep_ref[pl.ds(s * t.shape[0], t.shape[0]), :] = t
    xb = x_ref[...]
    scores = jnp.dot(xb, wap_ref[...], preferred_element_type=f32) + bap_ref[...]
    w = jax.nn.softmax(scores, axis=1)
    npx = xb + jnp.dot(w, nap_ref[...], preferred_element_type=f32)
    coef = jnp.sum(cp_ref[...], axis=0)
    agg = lax.dot_general(coef, eap_ref[...], (((0,), (0,)), ((), ())),
                          preferred_element_type=f32)
    h = jnp.maximum(
        jnp.dot(npx, w1a_ref[...], preferred_element_type=f32)
        + jnp.dot(agg, w1b_ref[...], preferred_element_type=f32)
        + bc1_ref[...], 0.0)
    cstr = jax.nn.sigmoid(
        jnp.dot(h, wc2_ref[...], preferred_element_type=f32) + bc2_ref[...])
    itv = (jnp.dot(npx + agg, wi_ref[...], preferred_element_type=f32)
           + bi_ref[...])
    out_ref[...] = npx + cstr * itv


def _edge_sc(tab, src1d, dst1d):
    info = plsc.get_sparse_core_info()
    NC, NS, L = info.num_cores, info.num_subcores, info.num_lanes
    NW = NC * NS
    ept = E // NW
    nch = ept // CHUNK
    G = CHUNK // L
    CT = 8 * NP

    mesh = plsc.VectorSubcoreMesh(core_axis_name="c", subcore_axis_name="s")

    @functools.partial(
        pl.kernel, mesh=mesh,
        compiler_params=pltpu.CompilerParams(
            needs_layout_passes=False, use_tc_tiling_on_sc=False),
        out_type=(
            jax.ShapeDtypeStruct((NW, 8, ept), jnp.float32),
            jax.ShapeDtypeStruct((NW, CT), jnp.float32),
        ),
        scratch_types=[
            pltpu.VMEM((ept,), jnp.int32),
            pltpu.VMEM((ept,), jnp.int32),
            pltpu.VMEM((CHUNK, 16), jnp.float32),
            pltpu.VMEM((CHUNK, 16), jnp.float32),
            pltpu.VMEM((CHUNK, 16), jnp.float32),
            pltpu.VMEM((CHUNK, 16), jnp.float32),
            pltpu.VMEM((8, CHUNK), jnp.float32),
            pltpu.VMEM((8, CHUNK), jnp.float32),
            pltpu.VMEM((CT,), jnp.float32),
            pltpu.SemaphoreType.DMA,
            pltpu.SemaphoreType.DMA,
            pltpu.SemaphoreType.DMA,
            pltpu.SemaphoreType.DMA,
            pltpu.SemaphoreType.DMA,
            pltpu.SemaphoreType.DMA,
        ],
    )
    def k(tab_h, src_h, dst_h, brows_h, coef_h,
          sidx, didx, srows0, srows1, drows0, drows1, brow0, brow1,
          coefT, sa0, sa1, sb0, sb1, sw0, sw1):
        wid = lax.axis_index("s") * NC + lax.axis_index("c")
        pltpu.sync_copy(src_h.at[pl.ds(wid * ept, ept)], sidx)
        pltpu.sync_copy(dst_h.at[pl.ds(wid * ept, ept)], didx)

        zero = jnp.zeros((L,), jnp.float32)

        for a in range(5, 8):
            for g in range(CHUNK // L):
                brow0[a, pl.ds(g * L, L)] = zero
                brow1[a, pl.ds(g * L, L)] = zero

        def zc(i, carry):
            for j in range(16):
                coefT[pl.ds((i * 16 + j) * L, L)] = zero
            return carry

        lax.fori_loop(0, CT // (16 * L), zc, 0)

        iota = lax.iota(jnp.int32, L)

        def issue(c, sbuf, dbuf, ssem, dsem):
            pltpu.async_copy(
                tab_h.at[sidx.at[pl.ds(c * CHUNK, CHUNK)]], sbuf, ssem)
            pltpu.async_copy(
                tab_h.at[didx.at[pl.ds(c * CHUNK, CHUNK)]], dbuf, dsem)

        def wait_rows(c, sbuf, dbuf, ssem, dsem):
            pltpu.make_async_copy(
                tab_h.at[sidx.at[pl.ds(c * CHUNK, CHUNK)]], sbuf, ssem).wait()
            pltpu.make_async_copy(
                tab_h.at[didx.at[pl.ds(c * CHUNK, CHUNK)]], dbuf, dsem).wait()

        def brow_dst(c):
            return brows_h.at[wid, :, pl.ds(c * CHUNK, CHUNK)]

        def compute(c, sbuf, dbuf, browbuf, wsem):
            for g in range(G):
                ridx = iota + g * L
                sa = [plsc.load_gather(
                          sbuf, [ridx, jnp.full((L,), a, jnp.int32)])
                      for a in range(A)]
                sb = [plsc.load_gather(
                          dbuf, [ridx, jnp.full((L,), a + 5, jnp.int32)])
                      for a in range(A)]
                lg = [v + u for v, u in zip(sa, sb)]
                lg = [jnp.maximum(v, v * 0.01) for v in lg]
                m = jnp.maximum(jnp.maximum(jnp.maximum(lg[0], lg[1]),
                                            jnp.maximum(lg[2], lg[3])), lg[4])
                ex = [jnp.exp(v - m) for v in lg]
                tot = ((ex[0] + ex[1]) + (ex[2] + ex[3])) + ex[4]
                inv = jnp.float32(1.0) / tot
                bb = [e * inv for e in ex]
                si = sidx[pl.ds(c * CHUNK + g * L, L)]
                di = didx[pl.ds(c * CHUNK + g * L, L)]
                for a in range(A):
                    browbuf[a, pl.ds(g * L, L)] = bb[a]
                    plsc.addupdate_scatter(coefT, [si + a * NP], bb[a])
                    plsc.addupdate_scatter(coefT, [di + a * NP], bb[a])
            pltpu.async_copy(browbuf, brow_dst(c), wsem)

        def wait_brow(c_prev, browbuf, wsem):
            pltpu.make_async_copy(browbuf, brow_dst(c_prev), wsem).wait()

        issue(0, srows0, drows0, sa0, sb0)

        def pair_body(kk, carry):
            c0 = 2 * kk
            issue(c0 + 1, srows1, drows1, sa1, sb1)
            wait_rows(c0, srows0, drows0, sa0, sb0)

            @pl.when(kk > 0)
            def _():
                wait_brow(c0 - 2, brow0, sw0)

            compute(c0, srows0, drows0, brow0, sw0)
            issue(c0 + 2, srows0, drows0, sa0, sb0)
            wait_rows(c0 + 1, srows1, drows1, sa1, sb1)

            @pl.when(kk > 0)
            def _():
                wait_brow(c0 - 1, brow1, sw1)

            compute(c0 + 1, srows1, drows1, brow1, sw1)
            return carry

        lax.fori_loop(0, (nch - 1) // 2, pair_body, 0)
        last = nch - 1
        wait_rows(last, srows0, drows0, sa0, sb0)
        wait_brow(last - 2, brow0, sw0)
        compute(last, srows0, drows0, brow0, sw0)
        wait_brow(last - 1, brow1, sw1)
        wait_brow(last, brow0, sw0)
        pltpu.sync_copy(coefT, coef_h.at[wid])

    return k(tab, src1d, dst1d)


def kernel(x, edge_index, layer, W_att, b_att, node_anchor, W_ew, b_ew,
           edge_anchor, W_c1, b_c1, W_c2, b_c2, W_i, b_i):
    f32 = jnp.float32
    wcat = jnp.concatenate(
        [W_ew[:D], W_ew[D:], jnp.zeros((D, 6), f32)], axis=1)
    bcat = jnp.concatenate([b_ew, jnp.zeros((11,), f32)])[None, :]
    wap = jnp.concatenate([W_att, jnp.zeros((D, 3), f32)], axis=1)
    bap = jnp.concatenate([b_att, jnp.full((3,), NEG, f32)])[None, :]
    nap = jnp.concatenate([node_anchor, jnp.zeros((3, D), f32)], axis=0)
    eap8 = jnp.concatenate([edge_anchor, jnp.zeros((3, D), f32)], axis=0)
    w1a, w1b = W_c1[:D], W_c1[D:]
    bc1 = b_c1[None, :]
    bc2 = b_c2[None, :]
    bi = b_i[None, :]
    src1d = edge_index[0]
    dst1d = edge_index[1]

    tab = pl.pallas_call(
        _tab_body,
        grid=(5,),
        in_specs=[
            pl.BlockSpec((2000, D), lambda i: (i, 0)),
            pl.BlockSpec((D, 16), lambda i: (0, 0)),
            pl.BlockSpec((1, 16), lambda i: (0, 0)),
        ],
        out_specs=pl.BlockSpec((2000, 16), lambda i: (i, 0)),
        out_shape=jax.ShapeDtypeStruct((N, 16), f32),
    )(x, wcat, bcat)

    bam, coef_flat = _edge_sc(tab, src1d, dst1d)
    coef_part = coef_flat.reshape(-1, 8, NP)
    ept = E // bam.shape[0]

    NWP = coef_part.shape[0]
    xpad = jnp.concatenate([x, jnp.zeros((NP - N, D), f32)], axis=0)
    NB = NP // 16
    edge_prompt, final_pad = pl.pallas_call(
        _merged_body,
        grid=(16,),
        in_specs=[
            pl.BlockSpec((2, 8, ept), lambda i: (i, 0, 0)),
            pl.BlockSpec((8, D), lambda i: (0, 0)),
            pl.BlockSpec((NB, D), lambda i: (i, 0)),
            pl.BlockSpec((NWP, 8, NB), lambda i: (0, 0, i)),
            pl.BlockSpec((D, 8), lambda i: (0, 0)),
            pl.BlockSpec((1, 8), lambda i: (0, 0)),
            pl.BlockSpec((8, D), lambda i: (0, 0)),
            pl.BlockSpec((D, D), lambda i: (0, 0)),
            pl.BlockSpec((D, D), lambda i: (0, 0)),
            pl.BlockSpec((1, D), lambda i: (0, 0)),
            pl.BlockSpec((D, D), lambda i: (0, 0)),
            pl.BlockSpec((1, D), lambda i: (0, 0)),
            pl.BlockSpec((D, D), lambda i: (0, 0)),
            pl.BlockSpec((1, D), lambda i: (0, 0)),
        ],
        out_specs=[
            pl.BlockSpec((2 * ept, D), lambda i: (i, 0)),
            pl.BlockSpec((NB, D), lambda i: (i, 0)),
        ],
        out_shape=[
            jax.ShapeDtypeStruct((E, D), f32),
            jax.ShapeDtypeStruct((NP, D), f32),
        ],
    )(bam, eap8, xpad, coef_part, wap, bap, nap,
      w1a, w1b, bc1, W_c2, bc2, W_i, bi)

    return (final_pad[:N], edge_prompt)

# --- scband reference (transcript-rebuilt; emitter-appended) ---
"""Pipeline reference for scband-causal-graph-prompt-34248069218346 (READ-ONLY COPY).

The authoritative reference and input builder live on the scoring server;
editing this copy changes nothing except your own understanding.
"""

import jax, jax.numpy as jnp
import numpy as np

N, E, D, A = 10000, 320000, 128, 5

def setup_inputs(seed: int = 0) -> dict:
    key = jax.random.key(seed)
    ks = jax.random.split(key, 12)
    x = jax.random.normal(ks[0], (N, D), dtype=jnp.float32)
    edge_index = jax.random.randint(ks[1], (2, E), 0, N, dtype=jnp.int32)
    W_att = jax.random.normal(ks[2], (D, A), dtype=jnp.float32) * 0.1
    b_att = jnp.zeros((A,), dtype=jnp.float32)
    node_anchor = jax.random.normal(ks[3], (A, D), dtype=jnp.float32) * 0.1
    W_ew = jax.random.normal(ks[4], (2 * D, A), dtype=jnp.float32) * 0.1
    b_ew = jnp.zeros((A,), dtype=jnp.float32)
    edge_anchor = jax.random.normal(ks[5], (A, D), dtype=jnp.float32) * 0.1
    W_c1 = jax.random.normal(ks[6], (2 * D, D), dtype=jnp.float32) * 0.05
    b_c1 = jnp.zeros((D,), dtype=jnp.float32)
    W_c2 = jax.random.normal(ks[7], (D, D), dtype=jnp.float32) * 0.05
    b_c2 = jnp.zeros((D,), dtype=jnp.float32)
    W_i = jax.random.normal(ks[8], (D, D), dtype=jnp.float32) * 0.05
    b_i = jnp.zeros((D,), dtype=jnp.float32)
    return {"x": x, "edge_index": edge_index, "layer": 0,
            "W_att": W_att, "b_att": b_att, "node_anchor": node_anchor,
            "W_ew": W_ew, "b_ew": b_ew, "edge_anchor": edge_anchor,
            "W_c1": W_c1, "b_c1": b_c1, "W_c2": W_c2, "b_c2": b_c2,
            "W_i": W_i, "b_i": b_i}


def reference(x, edge_index, layer, W_att, b_att, node_anchor, W_ew, b_ew, edge_anchor, W_c1, b_c1, W_c2, b_c2, W_i, b_i):
    # NodePromptplus.add
    scores = x @ W_att + b_att
    weights = jax.nn.softmax(scores, axis=1)
    node_prompted_x = x + weights @ node_anchor
    # EdgePromptplus.get_prompt
    src = edge_index[0]
    dst = edge_index[1]
    combined_x = jnp.concatenate([jnp.take(x, src, axis=0), jnp.take(x, dst, axis=0)], axis=1)
    b = jax.nn.softmax(jax.nn.leaky_relu(combined_x @ W_ew + b_ew, negative_slope=0.01), axis=1)
    edge_prompt = b @ edge_anchor
    # scatter-add aggregation (index_add_ on both endpoints)
    edge_aggregated = jnp.zeros_like(x)
    edge_aggregated = edge_aggregated.at[src].add(edge_prompt)
    edge_aggregated = edge_aggregated.at[dst].add(edge_prompt)
    # causal discovery MLP
    combined = jnp.concatenate([node_prompted_x, edge_aggregated], axis=1)
    h = jax.nn.relu(combined @ W_c1 + b_c1)
    causal_strength = jax.nn.sigmoid(h @ W_c2 + b_c2)
    # intervention
    intervened = (node_prompted_x + edge_aggregated) @ W_i + b_i
    final_x = node_prompted_x + causal_strength * intervened
    return (final_x, edge_prompt)

if __name__ == "__main__":
    import jax
    _d = setup_inputs()
    print(jax.jit(kernel)(*tuple(_d.values())))

</pallas_src>

<mosaic_0001>
#map = affine_map<(d0, d1) -> (0, 0)>
#map1 = affine_map<(d0, d1) -> (0)>
#map2 = affine_map<(d0, d1) -> (0, 0, 0)>
module attributes {stable_mosaic.version = 14 : i64} {
  func.func @k(%arg0: i32, %arg1: i32, %arg2: memref<10000x16xf32, #tpu.memory_space<hbm>>, %arg3: memref<320000xi32, #tpu.memory_space<hbm>>, %arg4: memref<320000xi32, #tpu.memory_space<hbm>>, %arg5: memref<32x8x10000xf32, #tpu.memory_space<hbm>>, %arg6: memref<32x81920xf32, #tpu.memory_space<hbm>>, %arg7: memref<10000xi32, #tpu.memory_space<vmem>>, %arg8: memref<10000xi32, #tpu.memory_space<vmem>>, %arg9: memref<80x16xf32, #tpu.memory_space<vmem>>, %arg10: memref<80x16xf32, #tpu.memory_space<vmem>>, %arg11: memref<80x16xf32, #tpu.memory_space<vmem>>, %arg12: memref<80x16xf32, #tpu.memory_space<vmem>>, %arg13: memref<8x80xf32, #tpu.memory_space<vmem>>, %arg14: memref<8x80xf32, #tpu.memory_space<vmem>>, %arg15: memref<81920xf32, #tpu.memory_space<vmem>>, %arg16: memref<!tpu.dma_semaphore, #tpu.memory_space<semaphore_mem>>, %arg17: memref<!tpu.dma_semaphore, #tpu.memory_space<semaphore_mem>>, %arg18: memref<!tpu.dma_semaphore, #tpu.memory_space<semaphore_mem>>, %arg19: memref<!tpu.dma_semaphore, #tpu.memory_space<semaphore_mem>>, %arg20: memref<!tpu.dma_semaphore, #tpu.memory_space<semaphore_mem>>, %arg21: memref<!tpu.dma_semaphore, #tpu.memory_space<semaphore_mem>>) attributes {dimension_semantics = [#tpu.dimension_semantics<core_parallel>, #tpu.dimension_semantics<subcore_parallel>], iteration_bounds = array<i64: 2, 16>, scalar_prefetch = 0 : i64, scratch_operands = 15 : i64, tpu.core_type = #tpu.core_type<sc_vector_subcore>, window_params = [{transform_indices = #map}, {transform_indices = #map1}, {transform_indices = #map1}, {transform_indices = #map2}, {transform_indices = #map}]} {
    %mul3A = arith.constant 2 : i32
    %mul3A_0 = arith.muli %arg1, %mul3A : i32
    %add3A = arith.addi %mul3A_0, %arg0 : i32
    %mul3A_1 = arith.constant 10000 : i32
    %mul3A_2 = arith.muli %add3A, %mul3A_1 : i32
    "tpu.region"() ({
      %run_scoped3A = tpu.sem_alloc : memref<!tpu.dma_semaphore, #tpu.memory_space<semaphore_mem>>
      %dma_start3A_870 = tpu.memref_slice %arg3[%mul3A_2] : memref<320000xi32, #tpu.memory_space<hbm>> -> memref<10000xi32, #tpu.memory_space<hbm>>
      %dma_start3A_871 = tpu.memref_slice %arg3[%mul3A_2] : memref<320000xi32, #tpu.memory_space<hbm>> -> memref<10000xi32, #tpu.memory_space<hbm>>
      tpu.enqueue_dma source(%dma_start3A_871 : memref<10000xi32, #tpu.memory_space<hbm>>) target(%arg7 : memref<10000xi32, #tpu.memory_space<vmem>>) target_semaphore(%run_scoped3A : memref<!tpu.dma_semaphore, #tpu.memory_space<semaphore_mem>>)
      %dma_wait3A_872 = tpu.memref_slice %arg3[%mul3A_2] : memref<320000xi32, #tpu.memory_space<hbm>> -> memref<10000xi32, #tpu.memory_space<hbm>>
      %dma_wait3A_873 = tpu.memref_slice %arg3[%mul3A_2] : memref<320000xi32, #tpu.memory_space<hbm>> -> memref<10000xi32, #tpu.memory_space<hbm>>
      tpu.wait_dma2 semaphore(%run_scoped3A : memref<!tpu.dma_semaphore, #tpu.memory_space<semaphore_mem>>) src(%dma_wait3A_873 : memref<10000xi32, #tpu.memory_space<hbm>>) dst(%arg7 : memref<10000xi32, #tpu.memory_space<vmem>>)
      tpu.yield
    }) : () -> ()
    %mul3A_3 = arith.constant 10000 : i32
    %mul3A_4 = arith.muli %add3A, %mul3A_3 : i32
    "tpu.region"() ({
      %run_scoped3A = tpu.sem_alloc : memref<!tpu.dma_semaphore, #tpu.memory_space<semaphore_mem>>
      %dma_start3A_870 = tpu.memref_slice %arg4[%mul3A_4] : memref<320000xi32, #tpu.memory_space<hbm>> -> memref<10000xi32, #tpu.memory_space<hbm>>
      %dma_start3A_871 = tpu.memref_slice %arg4[%mul3A_4] : memref<320000xi32, #tpu.memory_space<hbm>> -> memref<10000xi32, #tpu.memory_space<hbm>>
      tpu.enqueue_dma source(%dma_start3A_871 : memref<10000xi32, #tpu.memory_space<hbm>>) target(%arg8 : memref<10000xi32, #tpu.memory_space<vmem>>) target_semaphore(%run_scoped3A : memref<!tpu.dma_semaphore, #tpu.memory_space<semaphore_mem>>)
      %dma_wait3A_872 = tpu.memref_slice %arg4[%mul3A_4] : memref<320000xi32, #tpu.memory_space<hbm>> -> memref<10000xi32, #tpu.memory_space<hbm>>
      %dma_wait3A_873 = tpu.memref_slice %arg4[%mul3A_4] : memref<320000xi32, #tpu.memory_space<hbm>> -> memref<10000xi32, #tpu.memory_space<hbm>>
      tpu.wait_dma2 semaphore(%run_scoped3A : memref<!tpu.dma_semaphore, #tpu.memory_space<semaphore_mem>>) src(%dma_wait3A_873 : memref<10000xi32, #tpu.memory_space<hbm>>) dst(%arg8 : memref<10000xi32, #tpu.memory_space<vmem>>)
      tpu.yield
    }) : () -> ()
    %broadcast_in_dim3A = arith.constant 0.000000e+00 : f32
    %broadcast_in_dim3A_5 = vector.broadcast %broadcast_in_dim3A : f32 to vector<16xf32>
    %swap3A = arith.constant 5 : i32
    %swap3A_6 = arith.index_cast %swap3A : i32 to index
    %swap3A_7 = arith.constant 0 : index
    %swap3A_8 = tpu.vector_load %arg13[%swap3A_6, %swap3A_7] {strides = array<i32>} : memref<8x80xf32, #tpu.memory_space<vmem>>, vector<16xf32>,
    tpu.vector_store %arg13[%swap3A_6, %swap3A_7], %broadcast_in_dim3A_5 {strides = array<i32>} : memref<8x80xf32, #tpu.memory_space<vmem>>, vector<16xf32>,
    %swap3A_9 = arith.constant 5 : i32
    %swap3A_10 = arith.index_cast %swap3A_9 : i32 to index
    %swap3A_11 = arith.constant 0 : index
    %swap3A_12 = tpu.vector_load %arg14[%swap3A_10, %swap3A_11] {strides = array<i32>} : memref<8x80xf32, #tpu.memory_space<vmem>>, vector<16xf32>,
    tpu.vector_store %arg14[%swap3A_10, %swap3A_11], %broadcast_in_dim3A_5 {strides = array<i32>} : memref<8x80xf32, #tpu.memory_space<vmem>>, vector<16xf32>,
    %swap3A_13 = arith.constant 5 : i32
    %swap3A_14 = arith.index_cast %swap3A_13 : i32 to index
    %swap3A_15 = arith.constant 16 : index
    %swap3A_16 = tpu.vector_load %arg13[%swap3A_14, %swap3A_15] {strides = array<i32>} : memref<8x80xf32, #tpu.memory_space<vmem>>, vector<16xf32>,
    tpu.vector_store %arg13[%swap3A_14, %swap3A_15], %broadcast_in_dim3A_5 {strides = array<i32>} : memref<8x80xf32, #tpu.memory_space<vmem>>, vector<16xf32>,
    %swap3A_17 = arith.constant 5 : i32
    %swap3A_18 = arith.index_cast %swap3A_17 : i32 to index
    %swap3A_19 = arith.constant 16 : index
    %swap3A_20 = tpu.vector_load %arg14[%swap3A_18, %swap3A_19] {strides = array<i32>} : memref<8x80xf32, #tpu.memory_space<vmem>>, vector<16xf32>,
    tpu.vector_store %arg14[%swap3A_18, %swap3A_19], %broadcast_in_dim3A_5 {strides = array<i32>} : memref<8x80xf32, #tpu.memory_space<vmem>>, vector<16xf32>,
    %swap3A_21 = arith.constant 5 : i32
    %swap3A_22 = arith.index_cast %swap3A_21 : i32 to index
    %swap3A_23 = arith.constant 32 : index
    %swap3A_24 = tpu.vector_load %arg13[%swap3A_22, %swap3A_23] {strides = array<i32>} : memref<8x80xf32, #tpu.memory_space<vmem>>, vector<16xf32>,
    tpu.vector_store %arg13[%swap3A_22, %swap3A_23], %broadcast_in_dim3A_5 {strides = array<i32>} : memref<8x80xf32, #tpu.memory_space<vmem>>, vector<16xf32>,
    %swap3A_25 = arith.constant 5 : i32
    %swap3A_26 = arith.index_cast %swap3A_25 : i32 to index
    %swap3A_27 = arith.constant 32 : index
    %swap3A_28 = tpu.vector_load %arg14[%swap3A_26, %swap3A_27] {strides = array<i32>} : memref<8x80xf32, #tpu.memory_space<vmem>>, vector<16xf32>,
    tpu.vector_store %arg14[%swap3A_26, %swap3A_27], %broadcast_in_dim3A_5 {strides = array<i32>} : memref<8x80xf32, #tpu.memory_space<vmem>>, vector<16xf32>,
    %swap3A_29 = arith.constant 5 : i32
    %swap3A_30 = arith.index_cast %swap3A_29 : i32 to index
    %swap3A_31 = arith.constant 48 : index
    %swap3A_32 = tpu.vector_load %arg13[%swap3A_30, %swap3A_31] {strides = array<i32>} : memref<8x80xf32, #tpu.memory_space<vmem>>, vector<16xf32>,
    tpu.vector_store %arg13[%swap3A_30, %swap3A_31], %broadcast_in_dim3A_5 {strides = array<i32>} : memref<8x80xf32, #tpu.memory_space<vmem>>, vector<16xf32>,
    %swap3A_33 = arith.constant 5 : i32
    %swap3A_34 = arith.index_cast %swap3A_33 : i32 to index
    %swap3A_35 = arith.constant 48 : index
    %swap3A_36 = tpu.vector_load %arg14[%swap3A_34, %swap3A_35] {strides = array<i32>} : memref<8x80xf32, #tpu.memory_space<vmem>>, vector<16xf32>,
    tpu.vector_store %arg14[%swap3A_34, %swap3A_35], %broadcast_in_dim3A_5 {strides = array<i32>} : memref<8x80xf32, #tpu.memory_space<vmem>>, vector<16xf32>,
    %swap3A_37 = arith.constant 5 : i32
    %swap3A_38 = arith.index_cast %swap3A_37 : i32 to index
    %swap3A_39 = arith.constant 64 : index
    %swap3A_40 = tpu.vector_load %arg13[%swap3A_38, %swap3A_39] {strides = array<i32>} : memref<8x80xf32, #tpu.memory_space<vmem>>, vector<16xf32>,
    tpu.vector_store %arg13[%swap3A_38, %swap3A_39], %broadcast_in_dim3A_5 {strides = array<i32>} : memref<8x80xf32, #tpu.memory_space<vmem>>, vector<16xf32>,
    %swap3A_41 = arith.constant 5 : i32
    %swap3A_42 = arith.index_cast %swap3A_41 : i32 to index
    %swap3A_43 = arith.constant 64 : index
    %swap3A_44 = tpu.vector_load %arg14[%swap3A_42, %swap3A_43] {strides = array<i32>} : memref<8x80xf32, #tpu.memory_space<vmem>>, vector<16xf32>,
    tpu.vector_store %arg14[%swap3A_42, %swap3A_43], %broadcast_in_dim3A_5 {strides = array<i32>} : memref<8x80xf32, #tpu.memory_space<vmem>>, vector<16xf32>,
    %swap3A_45 = arith.constant 6 : i32
    %swap3A_46 = arith.index_cast %swap3A_45 : i32 to index
    %swap3A_47 = arith.constant 0 : index
    %swap3A_48 = tpu.vector_load %arg13[%swap3A_46, %swap3A_47] {strides = array<i32>} : memref<8x80xf32, #tpu.memory_space<vmem>>, vector<16xf32>,
    tpu.vector_store %arg13[%swap3A_46, %swap3A_47], %broadcast_in_dim3A_5 {strides = array<i32>} : memref<8x80xf32, #tpu.memory_space<vmem>>, vector<16xf32>,
    %swap3A_49 = arith.constant 6 : i32
    %swap3A_50 = arith.index_cast %swap3A_49 : i32 to index
    %swap3A_51 = arith.constant 0 : index
    %swap3A_52 = tpu.vector_load %arg14[%swap3A_50, %swap3A_51] {strides = array<i32>} : memref<8x80xf32, #tpu.memory_space<vmem>>, vector<16xf32>,
    tpu.vector_store %arg14[%swap3A_50, %swap3A_51], %broadcast_in_dim3A_5 {strides = array<i32>} : memref<8x80xf32, #tpu.memory_space<vmem>>, vector<16xf32>,
    %swap3A_53 = arith.constant 6 : i32
    %swap3A_54 = arith.index_cast %swap3A_53 : i32 to index
    %swap3A_55 = arith.constant 16 : index
    %swap3A_56 = tpu.vector_load %arg13[%swap3A_54, %swap3A_55] {strides = array<i32>} : memref<8x80xf32, #tpu.memory_space<vmem>>, vector<16xf32>,
    tpu.vector_store %arg13[%swap3A_54, %swap3A_55], %broadcast_in_dim3A_5 {strides = array<i32>} : memref<8x80xf32, #tpu.memory_space<vmem>>, vector<16xf32>,
    %swap3A_57 = arith.constant 6 : i32
    %swap3A_58 = arith.index_cast %swap3A_57 : i32 to index
    %swap3A_59 = arith.constant 16 : index
    %swap3A_60 = tpu.vector_load %arg14[%swap3A_58, %swap3A_59] {strides = array<i32>} : memref<8x80xf32, #tpu.memory_space<vmem>>, vector<16xf32>,
    tpu.vector_store %arg14[%swap3A_58, %swap3A_59], %broadcast_in_dim3A_5 {strides = array<i32>} : memref<8x80xf32, #tpu.memory_space<vmem>>, vector<16xf32>,
    %swap3A_61 = arith.constant 6 : i32
    %swap3A_62 = arith.index_cast %swap3A_61 : i32 to index
    %swap3A_63 = arith.constant 32 : index
    %swap3A_64 = tpu.vector_load %arg13[%swap3A_62, %swap3A_63] {strides = array<i32>} : memref<8x80xf32, #tpu.memory_space<vmem>>, vector<16xf32>,
    tpu.vector_store %arg13[%swap3A_62, %swap3A_63], %broadcast_in_dim3A_5 {strides = array<i32>} : memref<8x80xf32, #tpu.memory_space<vmem>>, vector<16xf32>,
    %swap3A_65 = arith.constant 6 : i32
    %swap3A_66 = arith.index_cast %swap3A_65 : i32 to index
    %swap3A_67 = arith.constant 32 : index
    %swap3A_68 = tpu.vector_load %arg14[%swap3A_66, %swap3A_67] {strides = array<i32>} : memref<8x80xf32, #tpu.memory_space<vmem>>, vector<16xf32>,
    tpu.vector_store %arg14[%swap3A_66, %swap3A_67], %broadcast_in_dim3A_5 {strides = array<i32>} : memref<8x80xf32, #tpu.memory_space<vmem>>, vector<16xf32>,
    %swap3A_69 = arith.constant 6 : i32
    %swap3A_70 = arith.index_cast %swap3A_69 : i32 to index
    %swap3A_71 = arith.constant 48 : index
    %swap3A_72 = tpu.vector_load %arg13[%swap3A_70, %swap3A_71] {strides = array<i32>} : memref<8x80xf32, #tpu.memory_space<vmem>>, vector<16xf32>,
    tpu.vector_store %arg13[%swap3A_70, %swap3A_71], %broadcast_in_dim3A_5 {strides = array<i32>} : memref<8x80xf32, #tpu.memory_space<vmem>>, vector<16xf32>,
    %swap3A_73 = arith.constant 6 : i32
    %swap3A_74 = arith.index_cast %swap3A_73 : i32 to index
    %swap3A_75 = arith.constant 48 : index
    %swap3A_76 = tpu.vector_load %arg14[%swap3A_74, %swap3A_75] {strides = array<i32>} : memref<8x80xf32, #tpu.memory_space<vmem>>, vector<16xf32>,
    tpu.vector_store %arg14[%swap3A_74, %swap3A_75], %broadcast_in_dim3A_5 {strides = array<i32>} : memref<8x80xf32, #tpu.memory_space<vmem>>, vector<16xf32>,
    %swap3A_77 = arith.constant 6 : i32
    %swap3A_78 = arith.index_cast %swap3A_77 : i32 to index
    %swap3A_79 = arith.constant 64 : index
    %swap3A_80 = tpu.vector_load %arg13[%swap3A_78, %swap3A_79] {strides = array<i32>} : memref<8x80xf32, #tpu.memory_space<vmem>>, vector<16xf32>,
    tpu.vector_store %arg13[%swap3A_78, %swap3A_79], %broadcast_in_dim3A_5 {strides = array<i32>} : memref<8x80xf32, #tpu.memory_space<vmem>>, vector<16xf32>,
    %swap3A_81 = arith.constant 6 : i32
    %swap3A_82 = arith.index_cast %swap3A_81 : i32 to index
    %swap3A_83 = arith.constant 64 : index
    %swap3A_84 = tpu.vector_load %arg14[%swap3A_82, %swap3A_83] {strides = array<i32>} : memref<8x80xf32, #tpu.memory_space<vmem>>, vector<16xf32>,
    tpu.vector_store %arg14[%swap3A_82, %swap3A_83], %broadcast_in_dim3A_5 {strides = array<i32>} : memref<8x80xf32, #tpu.memory_space<vmem>>, vector<16xf32>,
    %swap3A_85 = arith.constant 7 : i32
    %swap3A_86 = arith.index_cast %swap3A_85 : i32 to index
    %swap3A_87 = arith.constant 0 : index
    %swap3A_88 = tpu.vector_load %arg13[%swap3A_86, %swap3A_87] {strides = array<i32>} : memref<8x80xf32, #tpu.memory_space<vmem>>, vector<16xf32>,
    tpu.vector_store %arg13[%swap3A_86, %swap3A_87], %broadcast_in_dim3A_5 {strides = array<i32>} : memref<8x80xf32, #tpu.memory_space<vmem>>, vector<16xf32>,
    %swap3A_89 = arith.constant 7 : i32
    %swap3A_90 = arith.index_cast %swap3A_89 : i32 to index
    %swap3A_91 = arith.constant 0 : index
    %swap3A_92 = tpu.vector_load %arg14[%swap3A_90, %swap3A_91] {strides = array<i32>} : memref<8x80xf32, #tpu.memory_space<vmem>>, vector<16xf32>,
    tpu.vector_store %arg14[%swap3A_90, %swap3A_91], %broadcast_in_dim3A_5 {strides = array<i32>} : memref<8x80xf32, #tpu.memory_space<vmem>>, vector<16xf32>,
    %swap3A_93 = arith.constant 7 : i32
    %swap3A_94 = arith.index_cast %swap3A_93 : i32 to index
    %swap3A_95 = arith.constant 16 : index
    %swap3A_96 = tpu.vector_load %arg13[%swap3A_94, %swap3A_95] {strides = array<i32>} : memref<8x80xf32, #tpu.memory_space<vmem>>, vector<16xf32>,
    tpu.vector_store %arg13[%swap3A_94, %swap3A_95], %broadcast_in_dim3A_5 {strides = array<i32>} : memref<8x80xf32, #tpu.memory_space<vmem>>, vector<16xf32>,
    %swap3A_97 = arith.constant 7 : i32
    %swap3A_98 = arith.index_cast %swap3A_97 : i32 to index
    %swap3A_99 = arith.constant 16 : index
    %swap3A_100 = tpu.vector_load %arg14[%swap3A_98, %swap3A_99] {strides = array<i32>} : memref<8x80xf32, #tpu.memory_space<vmem>>, vector<16xf32>,
    tpu.vector_store %arg14[%swap3A_98, %swap3A_99], %broadcast_in_dim3A_5 {strides = array<i32>} : memref<8x80xf32, #tpu.memory_space<vmem>>, vector<16xf32>,
    %swap3A_101 = arith.constant 7 : i32
    %swap3A_102 = arith.index_cast %swap3A_101 : i32 to index
    %swap3A_103 = arith.constant 32 : index
    %swap3A_104 = tpu.vector_load %arg13[%swap3A_102, %swap3A_103] {strides = array<i32>} : memref<8x80xf32, #tpu.memory_space<vmem>>, vector<16xf32>,
    tpu.vector_store %arg13[%swap3A_102, %swap3A_103], %broadcast_in_dim3A_5 {strides = array<i32>} : memref<8x80xf32, #tpu.memory_space<vmem>>, vector<16xf32>,
    %swap3A_105 = arith.constant 7 : i32
    %swap3A_106 = arith.index_cast %swap3A_105 : i32 to index
    %swap3A_107 = arith.constant 32 : index
    %swap3A_108 = tpu.vector_load %arg14[%swap3A_106, %swap3A_107] {strides = array<i32>} : memref<8x80xf32, #tpu.memory_space<vmem>>, vector<16xf32>,
    tpu.vector_store %arg14[%swap3A_106, %swap3A_107], %broadcast_in_dim3A_5 {strides = array<i32>} : memref<8x80xf32, #tpu.memory_space<vmem>>, vector<16xf32>,
    %swap3A_109 = arith.constant 7 : i32
    %swap3A_110 = arith.index_cast %swap3A_109 : i32 to index
    %swap3A_111 = arith.constant 48 : index
    %swap3A_112 = tpu.vector_load %arg13[%swap3A_110, %swap3A_111] {strides = array<i32>} : memref<8x80xf32, #tpu.memory_space<vmem>>, vector<16xf32>,
    tpu.vector_store %arg13[%swap3A_110, %swap3A_111], %broadcast_in_dim3A_5 {strides = array<i32>} : memref<8x80xf32, #tpu.memory_space<vmem>>, vector<16xf32>,
    %swap3A_113 = arith.constant 7 : i32
    %swap3A_114 = arith.index_cast %swap3A_113 : i32 to index
    %swap3A_115 = arith.constant 48 : index
    %swap3A_116 = tpu.vector_load %arg14[%swap3A_114, %swap3A_115] {strides = array<i32>} : memref<8x80xf32, #tpu.memory_space<vmem>>, vector<16xf32>,
    tpu.vector_store %arg14[%swap3A_114, %swap3A_115], %broadcast_in_dim3A_5 {strides = array<i32>} : memref<8x80xf32, #tpu.memory_space<vmem>>, vector<16xf32>,
    %swap3A_117 = arith.constant 7 : i32
    %swap3A_118 = arith.index_cast %swap3A_117 : i32 to index
    %swap3A_119 = arith.constant 64 : index
    %swap3A_120 = tpu.vector_load %arg13[%swap3A_118, %swap3A_119] {strides = array<i32>} : memref<8x80xf32, #tpu.memory_space<vmem>>, vector<16xf32>,
    tpu.vector_store %arg13[%swap3A_118, %swap3A_119], %broadcast_in_dim3A_5 {strides = array<i32>} : memref<8x80xf32, #tpu.memory_space<vmem>>, vector<16xf32>,
    %swap3A_121 = arith.constant 7 : i32
    %swap3A_122 = arith.index_cast %swap3A_121 : i32 to index
    %swap3A_123 = arith.constant 64 : index
    %swap3A_124 = tpu.vector_load %arg14[%swap3A_122, %swap3A_123] {strides = array<i32>} : memref<8x80xf32, #tpu.memory_space<vmem>>, vector<16xf32>,
    tpu.vector_store %arg14[%swap3A_122, %swap3A_123], %broadcast_in_dim3A_5 {strides = array<i32>} : memref<8x80xf32, #tpu.memory_space<vmem>>, vector<16xf32>,
    %scan3A = arith.constant 0 : i32
    %scan3A_125 = arith.constant 0 : i32
    %scan3A_126 = arith.constant 320 : i32
    %scan3A_127 = arith.addi %scan3A_125, %scan3A_126 : i32
    %scan3A_128 = arith.constant 1 : i32
    scf.for %scan3A_870 = %scan3A_125 to %scan3A_127 step %scan3A_128  : i32 {
      %mul3A_871 = arith.constant 16 : i32
      %mul3A_872 = arith.muli %scan3A_870, %mul3A_871 : i32
      %add3A_873 = arith.constant 0 : i32
      %add3A_874 = arith.addi %mul3A_872, %add3A_873 : i32
      %mul3A_875 = arith.constant 16 : i32
      %mul3A_876 = arith.muli %add3A_874, %mul3A_875 : i32
      %swap3A_877 = arith.index_cast %mul3A_876 : i32 to index
      %swap3A_878 = tpu.vector_load %arg15[%swap3A_877] {strides = array<i32>} : memref<81920xf32, #tpu.memory_space<vmem>>, vector<16xf32>,
      tpu.vector_store %arg15[%swap3A_877], %broadcast_in_dim3A_5 {strides = array<i32>} : memref<81920xf32, #tpu.memory_space<vmem>>, vector<16xf32>,
      %mul3A_879 = arith.constant 16 : i32
      %mul3A_880 = arith.muli %scan3A_870, %mul3A_879 : i32
      %add3A_881 = arith.constant 1 : i32
      %add3A_882 = arith.addi %mul3A_880, %add3A_881 : i32
      %mul3A_883 = arith.constant 16 : i32
      %mul3A_884 = arith.muli %add3A_882, %mul3A_883 : i32
      %swap3A_885 = arith.index_cast %mul3A_884 : i32 to index
      %swap3A_886 = tpu.vector_load %arg15[%swap3A_885] {strides = array<i32>} : memref<81920xf32, #tpu.memory_space<vmem>>, vector<16xf32>,
      tpu.vector_store %arg15[%swap3A_885], %broadcast_in_dim3A_5 {strides = array<i32>} : memref<81920xf32, #tpu.memory_space<vmem>>, vector<16xf32>,
      %mul3A_887 = arith.constant 16 : i32
      %mul3A_888 = arith.muli %scan3A_870, %mul3A_887 : i32
      %add3A_889 = arith.constant 2 : i32
      %add3A_890 = arith.addi %mul3A_888, %add3A_889 : i32
      %mul3A_891 = arith.constant 16 : i32
      %mul3A_892 = arith.muli %add3A_890, %mul3A_891 : i32
      %swap3A_893 = arith.index_cast %mul3A_892 : i32 to index
      %swap3A_894 = tpu.vector_load %arg15[%swap3A_893] {strides = array<i32>} : memref<81920xf32, #tpu.memory_space<vmem>>, vector<16xf32>,
      tpu.vector_store %arg15[%swap3A_893], %broadcast_in_dim3A_5 {strides = array<i32>} : memref<81920xf32, #tpu.memory_space<vmem>>, vector<16xf32>,
      %mul3A_895 = arith.constant 16 : i32
      %mul3A_896 = arith.muli %scan3A_870, %mul3A_895 : i32
      %add3A_897 = arith.constant 3 : i32
      %add3A_898 = arith.addi %mul3A_896, %add3A_897 : i32
      %mul3A_899 = arith.constant 16 : i32
      %mul3A_900 = arith.muli %add3A_898, %mul3A_899 : i32
      %swap3A_901 = arith.index_cast %mul3A_900 : i32 to index
      %swap3A_902 = tpu.vector_load %arg15[%swap3A_901] {strides = array<i32>} : memref<81920xf32, #tpu.memory_space<vmem>>, vector<16xf32>,
      tpu.vector_store %arg15[%swap3A_901], %broadcast_in_dim3A_5 {strides = array<i32>} : memref<81920xf32, #tpu.memory_space<vmem>>, vector<16xf32>,
      %mul3A_903 = arith.constant 16 : i32
      %mul3A_904 = arith.muli %scan3A_870, %mul3A_903 : i32
      %add3A_905 = arith.constant 4 : i32
      %add3A_906 = arith.addi %mul3A_904, %add3A_905 : i32
      %mul3A_907 = arith.constant 16 : i32
      %mul3A_908 = arith.muli %add3A_906, %mul3A_907 : i32
      %swap3A_909 = arith.index_cast %mul3A_908 : i32 to index
      %swap3A_910 = tpu.vector_load %arg15[%swap3A_909] {strides = array<i32>} : memref<81920xf32, #tpu.memory_space<vmem>>, vector<16xf32>,
      tpu.vector_store %arg15[%swap3A_909], %broadcast_in_dim3A_5 {strides = array<i32>} : memref<81920xf32, #tpu.memory_space<vmem>>, vector<16xf32>,
      %mul3A_911 = arith.constant 16 : i32
      %mul3A_912 = arith.muli %scan3A_870, %mul3A_911 : i32
      %add3A_913 = arith.constant 5 : i32
      %add3A_914 = arith.addi %mul3A_912, %add3A_913 : i32
      %mul3A_915 = arith.constant 16 : i32
      %mul3A_916 = arith.muli %add3A_914, %mul3A_915 : i32
      %swap3A_917 = arith.index_cast %mul3A_916 : i32 to index
      %swap3A_918 = tpu.vector_load %arg15[%swap3A_917] {strides = array<i32>} : memref<81920xf32, #tpu.memory_space<vmem>>, vector<16xf32>,
      tpu.vector_store %arg15[%swap3A_917], %broadcast_in_dim3A_5 {strides = array<i32>} : memref<81920xf32, #tpu.memory_space<vmem>>, vector<16xf32>,
      %mul3A_919 = arith.constant 16 : i32
      %mul3A_920 = arith.muli %scan3A_870, %mul3A_919 : i32
      %add3A_921 = arith.constant 6 : i32
      %add3A_922 = arith.addi %mul3A_920, %add3A_921 : i32
      %mul3A_923 = arith.constant 16 : i32
      %mul3A_924 = arith.muli %add3A_922, %mul3A_923 : i32
      %swap3A_925 = arith.index_cast %mul3A_924 : i32 to index
      %swap3A_926 = tpu.vector_load %arg15[%swap3A_925] {strides = array<i32>} : memref<81920xf32, #tpu.memory_space<vmem>>, vector<16xf32>,
      tpu.vector_store %arg15[%swap3A_925], %broadcast_in_dim3A_5 {strides = array<i32>} : memref<81920xf32, #tpu.memory_space<vmem>>, vector<16xf32>,
      %mul3A_927 = arith.constant 16 : i32
      %mul3A_928 = arith.muli %scan3A_870, %mul3A_927 : i32
      %add3A_929 = arith.constant 7 : i32
      %add3A_930 = arith.addi %mul3A_928, %add3A_929 : i32
      %mul3A_931 = arith.constant 16 : i32
      %mul3A_932 = arith.muli %add3A_930, %mul3A_931 : i32
      %swap3A_933 = arith.index_cast %mul3A_932 : i32 to index
      %swap3A_934 = tpu.vector_load %arg15[%swap3A_933] {strides = array<i32>} : memref<81920xf32, #tpu.memory_space<vmem>>, vector<16xf32>,
      tpu.vector_store %arg15[%swap3A_933], %broadcast_in_dim3A_5 {strides = array<i32>} : memref<81920xf32, #tpu.memory_space<vmem>>, vector<16xf32>,
      %mul3A_935 = arith.constant 16 : i32
      %mul3A_936 = arith.muli %scan3A_870, %mul3A_935 : i32
      %add3A_937 = arith.constant 8 : i32
      %add3A_938 = arith.addi %mul3A_936, %add3A_937 : i32
      %mul3A_939 = arith.constant 16 : i32
      %mul3A_940 = arith.muli %add3A_938, %mul3A_939 : i32
      %swap3A_941 = arith.index_cast %mul3A_940 : i32 to index
      %swap3A_942 = tpu.vector_load %arg15[%swap3A_941] {strides = array<i32>} : memref<81920xf32, #tpu.memory_space<vmem>>, vector<16xf32>,
      tpu.vector_store %arg15[%swap3A_941], %broadcast_in_dim3A_5 {strides = array<i32>} : memref<81920xf32, #tpu.memory_space<vmem>>, vector<16xf32>,
      %mul3A_943 = arith.constant 16 : i32
      %mul3A_944 = arith.muli %scan3A_870, %mul3A_943 : i32
      %add3A_945 = arith.constant 9 : i32
      %add3A_946 = arith.addi %mul3A_944, %add3A_945 : i32
      %mul3A_947 = arith.constant 16 : i32
      %mul3A_948 = arith.muli %add3A_946, %mul3A_947 : i32
      %swap3A_949 = arith.index_cast %mul3A_948 : i32 to index
      %swap3A_950 = tpu.vector_load %arg15[%swap3A_949] {strides = array<i32>} : memref<81920xf32, #tpu.memory_space<vmem>>, vector<16xf32>,
      tpu.vector_store %arg15[%swap3A_949], %broadcast_in_dim3A_5 {strides = array<i32>} : memref<81920xf32, #tpu.memory_space<vmem>>, vector<16xf32>,
      %mul3A_951 = arith.constant 16 : i32
      %mul3A_952 = arith.muli %scan3A_870, %mul3A_951 : i32
      %add3A_953 = arith.constant 10 : i32
      %add3A_954 = arith.addi %mul3A_952, %add3A_953 : i32
      %mul3A_955 = arith.constant 16 : i32
      %mul3A_956 = arith.muli %add3A_954, %mul3A_955 : i32
      %swap3A_957 = arith.index_cast %mul3A_956 : i32 to index
      %swap3A_958 = tpu.vector_load %arg15[%swap3A_957] {strides = array<i32>} : memref<81920xf32, #tpu.memory_space<vmem>>, vector<16xf32>,
      tpu.vector_store %arg15[%swap3A_957], %broadcast_in_dim3A_5 {strides = array<i32>} : memref<81920xf32, #tpu.memory_space<vmem>>, vector<16xf32>,
      %mul3A_959 = arith.constant 16 : i32
      %mul3A_960 = arith.muli %scan3A_870, %mul3A_959 : i32
      %add3A_961 = arith.constant 11 : i32
      %add3A_962 = arith.addi %mul3A_960, %add3A_961 : i32
      %mul3A_963 = arith.constant 16 : i32
      %mul3A_964 = arith.muli %add3A_962, %mul3A_963 : i32
      %swap3A_965 = arith.index_cast %mul3A_964 : i32 to index
      %swap3A_966 = tpu.vector_load %arg15[%swap3A_965] {strides = array<i32>} : memref<81920xf32, #tpu.memory_space<vmem>>, vector<16xf32>,
      tpu.vector_store %arg15[%swap3A_965], %broadcast_in_dim3A_5 {strides = array<i32>} : memref<81920xf32, #tpu.memory_space<vmem>>, vector<16xf32>,
      %mul3A_967 = arith.constant 16 : i32
      %mul3A_968 = arith.muli %scan3A_870, %mul3A_967 : i32
      %add3A_969 = arith.constant 12 : i32
      %add3A_970 = arith.addi %mul3A_968, %add3A_969 : i32
      %mul3A_971 = arith.constant 16 : i32
      %mul3A_972 = arith.muli %add3A_970, %mul3A_971 : i32
      %swap3A_973 = arith.index_cast %mul3A_972 : i32 to index
      %swap3A_974 = tpu.vector_load %arg15[%swap3A_973] {strides = array<i32>} : memref<81920xf32, #tpu.memory_space<vmem>>, vector<16xf32>,
      tpu.vector_store %arg15[%swap3A_973], %broadcast_in_dim3A_5 {strides = array<i32>} : memref<81920xf32, #tpu.memory_space<vmem>>, vector<16xf32>,
      %mul3A_975 = arith.constant 16 : i32
      %mul3A_976 = arith.muli %scan3A_870, %mul3A_975 : i32
      %add3A_977 = arith.constant 13 : i32
      %add3A_978 = arith.addi %mul3A_976, %add3A_977 : i32
      %mul3A_979 = arith.constant 16 : i32
      %mul3A_980 = arith.muli %add3A_978, %mul3A_979 : i32
      %swap3A_981 = arith.index_cast %mul3A_980 : i32 to index
      %swap3A_982 = tpu.vector_load %arg15[%swap3A_981] {strides = array<i32>} : memref<81920xf32, #tpu.memory_space<vmem>>, vector<16xf32>,
      tpu.vector_store %arg15[%swap3A_981], %broadcast_in_dim3A_5 {strides = array<i32>} : memref<81920xf32, #tpu.memory_space<vmem>>, vector<16xf32>,
      %mul3A_983 = arith.constant 16 : i32
      %mul3A_984 = arith.muli %scan3A_870, %mul3A_983 : i32
      %add3A_985 = arith.constant 14 : i32
      %add3A_986 = arith.addi %mul3A_984, %add3A_985 : i32
      %mul3A_987 = arith.constant 16 : i32
      %mul3A_988 = arith.muli %add3A_986, %mul3A_987 : i32
      %swap3A_989 = arith.index_cast %mul3A_988 : i32 to index
      %swap3A_990 = tpu.vector_load %arg15[%swap3A_989] {strides = array<i32>} : memref<81920xf32, #tpu.memory_space<vmem>>, vector<16xf32>,
      tpu.vector_store %arg15[%swap3A_989], %broadcast_in_dim3A_5 {strides = array<i32>} : memref<81920xf32, #tpu.memory_space<vmem>>, vector<16xf32>,
      %mul3A_991 = arith.constant 16 : i32
      %mul3A_992 = arith.muli %scan3A_870, %mul3A_991 : i32
      %add3A_993 = arith.constant 15 : i32
      %add3A_994 = arith.addi %mul3A_992, %add3A_993 : i32
      %mul3A_995 = arith.constant 16 : i32
      %mul3A_996 = arith.muli %add3A_994, %mul3A_995 : i32
      %swap3A_997 = arith.index_cast %mul3A_996 : i32 to index
      %swap3A_998 = tpu.vector_load %arg15[%swap3A_997] {strides = array<i32>} : memref<81920xf32, #tpu.memory_space<vmem>>, vector<16xf32>,
      tpu.vector_store %arg15[%swap3A_997], %broadcast_in_dim3A_5 {strides = array<i32>} : memref<81920xf32, #tpu.memory_space<vmem>>, vector<16xf32>,
    }
    %scan3A_129 = arith.constant 320 : i32
    %iota3A = tpu.iota {dimensions = array<i32: 0>} : vector<16xi32>
    %dma_start3A = arith.constant 0 : i32
    %dma_start3A_130 = tpu.memref_slice %arg7[%dma_start3A] : memref<10000xi32, #tpu.memory_space<vmem>> -> memref<80xi32, #tpu.memory_space<vmem>>
    %dma_start3A_131 = arith.constant 0 : i32
    %dma_start3A_132 = arith.constant 0 : i32
    %dma_start3A_133 = tpu.memref_slice %arg2[%dma_start3A_131, %dma_start3A_132] : memref<10000x16xf32, #tpu.memory_space<hbm>> -> memref<10000x16xf32, #tpu.memory_space<hbm>>
    tpu.enqueue_indirect_dma source(%dma_start3A_133 : memref<10000x16xf32, #tpu.memory_space<hbm>>) target(%arg9 : memref<80x16xf32, #tpu.memory_space<vmem>>) offsets(%dma_start3A_130 : memref<80xi32, #tpu.memory_space<vmem>>) semaphore(%arg16 : memref<!tpu.dma_semaphore, #tpu.memory_space<semaphore_mem>>)
    %dma_start3A_134 = arith.constant 0 : i32
    %dma_start3A_135 = tpu.memref_slice %arg8[%dma_start3A_134] : memref<10000xi32, #tpu.memory_space<vmem>> -> memref<80xi32, #tpu.memory_space<vmem>>
    %dma_start3A_136 = arith.constant 0 : i32
    %dma_start3A_137 = arith.constant 0 : i32
    %dma_start3A_138 = tpu.memref_slice %arg2[%dma_start3A_136, %dma_start3A_137] : memref<10000x16xf32, #tpu.memory_space<hbm>> -> memref<10000x16xf32, #tpu.memory_space<hbm>>
    tpu.enqueue_indirect_dma source(%dma_start3A_138 : memref<10000x16xf32, #tpu.memory_space<hbm>>) target(%arg11 : memref<80x16xf32, #tpu.memory_space<vmem>>) offsets(%dma_start3A_135 : memref<80xi32, #tpu.memory_space<vmem>>) semaphore(%arg18 : memref<!tpu.dma_semaphore, #tpu.memory_space<semaphore_mem>>)
    %scan3A_139 = arith.constant 0 : i32
    %scan3A_140 = arith.constant 0 : i32
    %scan3A_141 = arith.constant 62 : i32
    %scan3A_142 = arith.addi %scan3A_140, %scan3A_141 : i32
    %scan3A_143 = arith.constant 1 : i32
    scf.for %scan3A_870 = %scan3A_140 to %scan3A_142 step %scan3A_143  : i32 {
      %mul3A_871 = arith.constant 2 : i32
      %mul3A_872 = arith.muli %mul3A_871, %scan3A_870 : i32
      %add3A_873 = arith.constant 1 : i32
      %add3A_874 = arith.addi %mul3A_872, %add3A_873 : i32
      %mul3A_875 = arith.constant 80 : i32
      %mul3A_876 = arith.muli %add3A_874, %mul3A_875 : i32
      %dma_start3A_877 = tpu.memref_slice %arg7[%mul3A_876] : memref<10000xi32, #tpu.memory_space<vmem>> -> memref<80xi32, #tpu.memory_space<vmem>>
      %dma_start3A_878 = arith.constant 0 : i32
      %dma_start3A_879 = arith.constant 0 : i32
      %dma_start3A_880 = tpu.memref_slice %arg2[%dma_start3A_878, %dma_start3A_879] : memref<10000x16xf32, #tpu.memory_space<hbm>> -> memref<10000x16xf32, #tpu.memory_space<hbm>>
      tpu.enqueue_indirect_dma source(%dma_start3A_880 : memref<10000x16xf32, #tpu.memory_space<hbm>>) target(%arg10 : memref<80x16xf32, #tpu.memory_space<vmem>>) offsets(%dma_start3A_877 : memref<80xi32, #tpu.memory_space<vmem>>) semaphore(%arg17 : memref<!tpu.dma_semaphore, #tpu.memory_space<semaphore_mem>>)
      %mul3A_881 = arith.constant 80 : i32
      %mul3A_882 = arith.muli %add3A_874, %mul3A_881 : i32
      %dma_start3A_883 = tpu.memref_slice %arg8[%mul3A_882] : memref<10000xi32, #tpu.memory_space<vmem>> -> memref<80xi32, #tpu.memory_space<vmem>>
      %dma_start3A_884 = arith.constant 0 : i32
      %dma_start3A_885 = arith.constant 0 : i32
      %dma_start3A_886 = tpu.memref_slice %arg2[%dma_start3A_884, %dma_start3A_885] : memref<10000x16xf32, #tpu.memory_space<hbm>> -> memref<10000x16xf32, #tpu.memory_space<hbm>>
      tpu.enqueue_indirect_dma source(%dma_start3A_886 : memref<10000x16xf32, #tpu.memory_space<hbm>>) target(%arg12 : memref<80x16xf32, #tpu.memory_space<vmem>>) offsets(%dma_start3A_883 : memref<80xi32, #tpu.memory_space<vmem>>) semaphore(%arg19 : memref<!tpu.dma_semaphore, #tpu.memory_space<semaphore_mem>>)
      %mul3A_887 = arith.constant 80 : i32
      %mul3A_888 = arith.muli %mul3A_872, %mul3A_887 : i32
      %dma_wait3A_889 = tpu.memref_slice %arg7[%mul3A_888] : memref<10000xi32, #tpu.memory_space<vmem>> -> memref<80xi32, #tpu.memory_space<vmem>>
      %dma_wait3A_890 = arith.constant 0 : i32
      %dma_wait3A_891 = arith.constant 0 : i32
      %dma_wait3A_892 = tpu.memref_slice %arg2[%dma_wait3A_890, %dma_wait3A_891] : memref<10000x16xf32, #tpu.memory_space<hbm>> -> memref<10000x16xf32, #tpu.memory_space<hbm>>
      tpu.wait_indirect_dma semaphore(%arg16 : memref<!tpu.dma_semaphore, #tpu.memory_space<semaphore_mem>>) src(%dma_wait3A_892 : memref<10000x16xf32, #tpu.memory_space<hbm>>) dst(%arg9 : memref<80x16xf32, #tpu.memory_space<vmem>>)
      %mul3A_893 = arith.constant 80 : i32
      %mul3A_894 = arith.muli %mul3A_872, %mul3A_893 : i32
      %dma_wait3A_895 = tpu.memref_slice %arg8[%mul3A_894] : memref<10000xi32, #tpu.memory_space<vmem>> -> memref<80xi32, #tpu.memory_space<vmem>>
      %dma_wait3A_896 = arith.constant 0 : i32
      %dma_wait3A_897 = arith.constant 0 : i32
      %dma_wait3A_898 = tpu.memref_slice %arg2[%dma_wait3A_896, %dma_wait3A_897] : memref<10000x16xf32, #tpu.memory_space<hbm>> -> memref<10000x16xf32, #tpu.memory_space<hbm>>
      tpu.wait_indirect_dma semaphore(%arg18 : memref<!tpu.dma_semaphore, #tpu.memory_space<semaphore_mem>>) src(%dma_wait3A_898 : memref<10000x16xf32, #tpu.memory_space<hbm>>) dst(%arg11 : memref<80x16xf32, #tpu.memory_space<vmem>>)
      %gt3A = arith.constant 0 : i32
      %gt3A_899 = arith.cmpi sgt, %scan3A_870, %gt3A : i32
      %convert_element_type3A = arith.extui %gt3A_899 : i1 to i32
      %cond3A = arith.constant 0 : i32
      %cond3A_900 = arith.cmpi ne, %convert_element_type3A, %cond3A : i32
      scf.if %cond3A_900 {
        %sub3A_2412 = arith.constant 2 : i32
        %sub3A_2413 = arith.subi %mul3A_872, %sub3A_2412 : i32
        %mul3A_2414 = arith.constant 80 : i32
        %mul3A_2415 = arith.muli %sub3A_2413, %mul3A_2414 : i32
        %dma_wait3A_2416 = arith.constant 0 : i32
        %dma_wait3A_2417 = tpu.memref_slice %arg5[%add3A, %dma_wait3A_2416, %mul3A_2415] : memref<32x8x10000xf32, #tpu.memory_space<hbm>> -> memref<1x8x80xf32, #tpu.memory_space<hbm>>
        %dma_wait3A_2418 = tpu.memref_squeeze %dma_wait3A_2417 : memref<1x8x80xf32, #tpu.memory_space<hbm>> -> memref<8x80xf32, #tpu.memory_space<hbm>>
        %dma_wait3A_2419 = arith.constant 0 : i32
        %dma_wait3A_2420 = tpu.memref_slice %arg5[%add3A, %dma_wait3A_2419, %mul3A_2415] : memref<32x8x10000xf32, #tpu.memory_space<hbm>> -> memref<1x8x80xf32, #tpu.memory_space<hbm>>
        %dma_wait3A_2421 = tpu.memref_squeeze %dma_wait3A_2420 : memref<1x8x80xf32, #tpu.memory_space<hbm>> -> memref<8x80xf32, #tpu.memory_space<hbm>>
        tpu.wait_dma2 semaphore(%arg20 : memref<!tpu.dma_semaphore, #tpu.memory_space<semaphore_mem>>) src(%arg13 : memref<8x80xf32, #tpu.memory_space<vmem>>) dst(%dma_wait3A_2421 : memref<8x80xf32, #tpu.memory_space<hbm>>)
      } else {
      }
      %add3A_901 = arith.constant 0 : i32
      %add3A_902 = vector.broadcast %add3A_901 : i32 to vector<16xi32>
      %add3A_903 = arith.addi %iota3A, %add3A_902 : vector<16xi32>
      %broadcast_in_dim3A_904 = arith.constant 0 : i32
      %broadcast_in_dim3A_905 = vector.broadcast %broadcast_in_dim3A_904 : i32 to vector<16xi32>
      %gather3A_906 = tpu.vector_load_idx %arg9[%add3A_903, %broadcast_in_dim3A_905] : memref<80x16xf32, #tpu.memory_space<vmem>>[vector<16xi32>, vector<16xi32>], vector<16xf32>,
      %broadcast_in_dim3A_907 = arith.constant 1 : i32
      %broadcast_in_dim3A_908 = vector.broadcast %broadcast_in_dim3A_907 : i32 to vector<16xi32>
      %gather3A_909 = tpu.vector_load_idx %arg9[%add3A_903, %broadcast_in_dim3A_908] : memref<80x16xf32, #tpu.memory_space<vmem>>[vector<16xi32>, vector<16xi32>], vector<16xf32>,
      %broadcast_in_dim3A_910 = arith.constant 2 : i32
      %broadcast_in_dim3A_911 = vector.broadcast %broadcast_in_dim3A_910 : i32 to vector<16xi32>
      %gather3A_912 = tpu.vector_load_idx %arg9[%add3A_903, %broadcast_in_dim3A_911] : memref<80x16xf32, #tpu.memory_space<vmem>>[vector<16xi32>, vector<16xi32>], vector<16xf32>,
      %broadcast_in_dim3A_913 = arith.constant 3 : i32
      %broadcast_in_dim3A_914 = vector.broadcast %broadcast_in_dim3A_913 : i32 to vector<16xi32>
      %gather3A_915 = tpu.vector_load_idx %arg9[%add3A_903, %broadcast_in_dim3A_914] : memref<80x16xf32, #tpu.memory_space<vmem>>[vector<16xi32>, vector<16xi32>], vector<16xf32>,
      %broadcast_in_dim3A_916 = arith.constant 4 : i32
      %broadcast_in_dim3A_917 = vector.broadcast %broadcast_in_dim3A_916 : i32 to vector<16xi32>
      %gather3A_918 = tpu.vector_load_idx %arg9[%add3A_903, %broadcast_in_dim3A_917] : memref<80x16xf32, #tpu.memory_space<vmem>>[vector<16xi32>, vector<16xi32>], vector<16xf32>,
      %broadcast_in_dim3A_919 = arith.constant 5 : i32
      %broadcast_in_dim3A_920 = vector.broadcast %broadcast_in_dim3A_919 : i32 to vector<16xi32>
      %gather3A_921 = tpu.vector_load_idx %arg11[%add3A_903, %broadcast_in_dim3A_920] : memref<80x16xf32, #tpu.memory_space<vmem>>[vector<16xi32>, vector<16xi32>], vector<16xf32>,
      %broadcast_in_dim3A_922 = arith.constant 6 : i32
      %broadcast_in_dim3A_923 = vector.broadcast %broadcast_in_dim3A_922 : i32 to vector<16xi32>
      %gather3A_924 = tpu.vector_load_idx %arg11[%add3A_903, %broadcast_in_dim3A_923] : memref<80x16xf32, #tpu.memory_space<vmem>>[vector<16xi32>, vector<16xi32>], vector<16xf32>,
      %broadcast_in_dim3A_925 = arith.constant 7 : i32
      %broadcast_in_dim3A_926 = vector.broadcast %broadcast_in_dim3A_925 : i32 to vector<16xi32>
      %gather3A_927 = tpu.vector_load_idx %arg11[%add3A_903, %broadcast_in_dim3A_926] : memref<80x16xf32, #tpu.memory_space<vmem>>[vector<16xi32>, vector<16xi32>], vector<16xf32>,
      %broadcast_in_dim3A_928 = arith.constant 8 : i32
      %broadcast_in_dim3A_929 = vector.broadcast %broadcast_in_dim3A_928 : i32 to vector<16xi32>
      %gather3A_930 = tpu.vector_load_idx %arg11[%add3A_903, %broadcast_in_dim3A_929] : memref<80x16xf32, #tpu.memory_space<vmem>>[vector<16xi32>, vector<16xi32>], vector<16xf32>,
      %broadcast_in_dim3A_931 = arith.constant 9 : i32
      %broadcast_in_dim3A_932 = vector.broadcast %broadcast_in_dim3A_931 : i32 to vector<16xi32>
      %gather3A_933 = tpu.vector_load_idx %arg11[%add3A_903, %broadcast_in_dim3A_932] : memref<80x16xf32, #tpu.memory_space<vmem>>[vector<16xi32>, vector<16xi32>], vector<16xf32>,
      %add3A_934 = arith.addf %gather3A_906, %gather3A_921 : vector<16xf32>
      %add3A_935 = arith.addf %gather3A_909, %gather3A_924 : vector<16xf32>
      %add3A_936 = arith.addf %gather3A_912, %gather3A_927 : vector<16xf32>
      %add3A_937 = arith.addf %gather3A_915, %gather3A_930 : vector<16xf32>
      %add3A_938 = arith.addf %gather3A_918, %gather3A_933 : vector<16xf32>
      %mul3A_939 = arith.constant 0.00999999977 : f32
      %mul3A_940 = vector.broadcast %mul3A_939 : f32 to vector<16xf32>
      %mul3A_941 = arith.mulf %add3A_934, %mul3A_940 : vector<16xf32>
      %max3A_942 = arith.maximumf %add3A_934, %mul3A_941 : vector<16xf32>
      %mul3A_943 = arith.constant 0.00999999977 : f32
      %mul3A_944 = vector.broadcast %mul3A_943 : f32 to vector<16xf32>
      %mul3A_945 = arith.mulf %add3A_935, %mul3A_944 : vector<16xf32>
      %max3A_946 = arith.maximumf %add3A_935, %mul3A_945 : vector<16xf32>
      %mul3A_947 = arith.constant 0.00999999977 : f32
      %mul3A_948 = vector.broadcast %mul3A_947 : f32 to vector<16xf32>
      %mul3A_949 = arith.mulf %add3A_936, %mul3A_948 : vector<16xf32>
      %max3A_950 = arith.maximumf %add3A_936, %mul3A_949 : vector<16xf32>
      %mul3A_951 = arith.constant 0.00999999977 : f32
      %mul3A_952 = vector.broadcast %mul3A_951 : f32 to vector<16xf32>
      %mul3A_953 = arith.mulf %add3A_937, %mul3A_952 : vector<16xf32>
      %max3A_954 = arith.maximumf %add3A_937, %mul3A_953 : vector<16xf32>
      %mul3A_955 = arith.constant 0.00999999977 : f32
      %mul3A_956 = vector.broadcast %mul3A_955 : f32 to vector<16xf32>
      %mul3A_957 = arith.mulf %add3A_938, %mul3A_956 : vector<16xf32>
      %max3A_958 = arith.maximumf %add3A_938, %mul3A_957 : vector<16xf32>
      %max3A_959 = arith.maximumf %max3A_942, %max3A_946 : vector<16xf32>
      %max3A_960 = arith.maximumf %max3A_950, %max3A_954 : vector<16xf32>
      %max3A_961 = arith.maximumf %max3A_959, %max3A_960 : vector<16xf32>
      %max3A_962 = arith.maximumf %max3A_961, %max3A_958 : vector<16xf32>
      %sub3A_963 = arith.subf %max3A_942, %max3A_962 : vector<16xf32>
      %exp3A_964 = math.exp %sub3A_963 : vector<16xf32>
      %sub3A_965 = arith.subf %max3A_946, %max3A_962 : vector<16xf32>
      %exp3A_966 = math.exp %sub3A_965 : vector<16xf32>
      %sub3A_967 = arith.subf %max3A_950, %max3A_962 : vector<16xf32>
      %exp3A_968 = math.exp %sub3A_967 : vector<16xf32>
      %sub3A_969 = arith.subf %max3A_954, %max3A_962 : vector<16xf32>
      %exp3A_970 = math.exp %sub3A_969 : vector<16xf32>
      %sub3A_971 = arith.subf %max3A_958, %max3A_962 : vector<16xf32>
      %exp3A_972 = math.exp %sub3A_971 : vector<16xf32>
      %add3A_973 = arith.addf %exp3A_964, %exp3A_966 : vector<16xf32>
      %add3A_974 = arith.addf %exp3A_968, %exp3A_970 : vector<16xf32>
      %add3A_975 = arith.addf %add3A_973, %add3A_974 : vector<16xf32>
      %add3A_976 = arith.addf %add3A_975, %exp3A_972 : vector<16xf32>
      %div3A_977 = arith.constant 1.000000e+00 : f32
      %div3A_978 = vector.broadcast %div3A_977 : f32 to vector<16xf32>
      %div3A_979 = arith.divf %div3A_978, %add3A_976 : vector<16xf32>
      %mul3A_980 = arith.mulf %exp3A_964, %div3A_979 : vector<16xf32>
      %mul3A_981 = arith.mulf %exp3A_966, %div3A_979 : vector<16xf32>
      %mul3A_982 = arith.mulf %exp3A_968, %div3A_979 : vector<16xf32>
      %mul3A_983 = arith.mulf %exp3A_970, %div3A_979 : vector<16xf32>
      %mul3A_984 = arith.mulf %exp3A_972, %div3A_979 : vector<16xf32>
      %mul3A_985 = arith.constant 80 : i32
      %mul3A_986 = arith.muli %mul3A_872, %mul3A_985 : i32
      %add3A_987 = arith.constant 0 : i32
      %add3A_988 = arith.addi %mul3A_986, %add3A_987 : i32
      %get3A_989 = arith.index_cast %add3A_988 : i32 to index
      %get3A_990 = tpu.vector_load %arg7[%get3A_989] {strides = array<i32>} : memref<10000xi32, #tpu.memory_space<vmem>>, vector<16xi32>,
      %mul3A_991 = arith.constant 80 : i32
      %mul3A_992 = arith.muli %mul3A_872, %mul3A_991 : i32
      %add3A_993 = arith.constant 0 : i32
      %add3A_994 = arith.addi %mul3A_992, %add3A_993 : i32
      %get3A_995 = arith.index_cast %add3A_994 : i32 to index
      %get3A_996 = tpu.vector_load %arg8[%get3A_995] {strides = array<i32>} : memref<10000xi32, #tpu.memory_space<vmem>>, vector<16xi32>,
      %swap3A_997 = arith.constant 0 : i32
      %swap3A_998 = arith.index_cast %swap3A_997 : i32 to index
      %swap3A_999 = arith.constant 0 : index
      %swap3A_1000 = tpu.vector_load %arg13[%swap3A_998, %swap3A_999] {strides = array<i32>} : memref<8x80xf32, #tpu.memory_space<vmem>>, vector<16xf32>,
      tpu.vector_store %arg13[%swap3A_998, %swap3A_999], %mul3A_980 {strides = array<i32>} : memref<8x80xf32, #tpu.memory_space<vmem>>, vector<16xf32>,
      %add3A_1001 = arith.constant 0 : i32
      %add3A_1002 = vector.broadcast %add3A_1001 : i32 to vector<16xi32>
      %add3A_1003 = arith.addi %get3A_990, %add3A_1002 : vector<16xi32>
      tpu.vector_store_idx %arg15[%add3A_1003], %mul3A_980 {add = true} : memref<81920xf32, #tpu.memory_space<vmem>>[vector<16xi32>], vector<16xf32>,
      %add3A_1004 = arith.constant 0 : i32
      %add3A_1005 = vector.broadcast %add3A_1004 : i32 to vector<16xi32>
      %add3A_1006 = arith.addi %get3A_996, %add3A_1005 : vector<16xi32>
      tpu.vector_store_idx %arg15[%add3A_1006], %mul3A_980 {add = true} : memref<81920xf32, #tpu.memory_space<vmem>>[vector<16xi32>], vector<16xf32>,
      %swap3A_1007 = arith.constant 1 : i32
      %swap3A_1008 = arith.index_cast %swap3A_1007 : i32 to index
      %swap3A_1009 = arith.constant 0 : index
      %swap3A_1010 = tpu.vector_load %arg13[%swap3A_1008, %swap3A_1009] {strides = array<i32>} : memref<8x80xf32, #tpu.memory_space<vmem>>, vector<16xf32>,
      tpu.vector_store %arg13[%swap3A_1008, %swap3A_1009], %mul3A_981 {strides = array<i32>} : memref<8x80xf32, #tpu.memory_space<vmem>>, vector<16xf32>,
      %add3A_1011 = arith.constant 10240 : i32
      %add3A_1012 = vector.broadcast %add3A_1011 : i32 to vector<16xi32>
      %add3A_1013 = arith.addi %get3A_990, %add3A_1012 : vector<16xi32>
      tpu.vector_store_idx %arg15[%add3A_1013], %mul3A_981 {add = true} : memref<81920xf32, #tpu.memory_space<vmem>>[vector<16xi32>], vector<16xf32>,
      %add3A_1014 = arith.constant 10240 : i32
      %add3A_1015 = vector.broadcast %add3A_1014 : i32 to vector<16xi32>
      %add3A_1016 = arith.addi %get3A_996, %add3A_1015 : vector<16xi32>
      tpu.vector_store_idx %arg15[%add3A_1016], %mul3A_981 {add = true} : memref<81920xf32, #tpu.memory_space<vmem>>[vector<16xi32>], vector<16xf32>,
      %swap3A_1017 = arith.constant 2 : i32
      %swap3A_1018 = arith.index_cast %swap3A_1017 : i32 to index
      %swap3A_1019 = arith.constant 0 : index
      %swap3A_1020 = tpu.vector_load %arg13[%swap3A_1018, %swap3A_1019] {strides = array<i32>} : memref<8x80xf32, #tpu.memory_space<vmem>>, vector<16xf32>,
      tpu.vector_store %arg13[%swap3A_1018, %swap3A_1019], %mul3A_982 {strides = array<i32>} : memref<8x80xf32, #tpu.memory_space<vmem>>, vector<16xf32>,
      %add3A_1021 = arith.constant 20480 : i32
      %add3A_1022 = vector.broadcast %add3A_1021 : i32 to vector<16xi32>
      %add3A_1023 = arith.addi %get3A_990, %add3A_1022 : vector<16xi32>
      tpu.vector_store_idx %arg15[%add3A_1023], %mul3A_982 {add = true} : memref<81920xf32, #tpu.memory_space<vmem>>[vector<16xi32>], vector<16xf32>,
      %add3A_1024 = arith.constant 20480 : i32
      %add3A_1025 = vector.broadcast %add3A_1024 : i32 to vector<16xi32>
      %add3A_1026 = arith.addi %get3A_996, %add3A_1025 : vector<16xi32>
      tpu.vector_store_idx %arg15[%add3A_1026], %mul3A_982 {add = true} : memref<81920xf32, #tpu.memory_space<vmem>>[vector<16xi32>], vector<16xf32>,
      %swap3A_1027 = arith.constant 3 : i32
      %swap3A_1028 = arith.index_cast %swap3A_1027 : i32 to index
      %swap3A_1029 = arith.constant 0 : index
      %swap3A_1030 = tpu.vector_load %arg13[%swap3A_1028, %swap3A_1029] {strides = array<i32>} : memref<8x80xf32, #tpu.memory_space<vmem>>, vector<16xf32>,
      tpu.vector_store %arg13[%swap3A_1028, %swap3A_1029], %mul3A_983 {strides = array<i32>} : memref<8x80xf32, #tpu.memory_space<vmem>>, vector<16xf32>,
      %add3A_1031 = arith.constant 30720 : i32
      %add3A_1032 = vector.broadcast %add3A_1031 : i32 to vector<16xi32>
      %add3A_1033 = arith.addi %get3A_990, %add3A_1032 : vector<16xi32>
      tpu.vector_store_idx %arg15[%add3A_1033], %mul3A_983 {add = true} : memref<81920xf32, #tpu.memory_space<vmem>>[vector<16xi32>], vector<16xf32>,
      %add3A_1034 = arith.constant 30720 : i32
      %add3A_1035 = vector.broadcast %add3A_1034 : i32 to vector<16xi32>
      %add3A_1036 = arith.addi %get3A_996, %add3A_1035 : vector<16xi32>
      tpu.vector_store_idx %arg15[%add3A_1036], %mul3A_983 {add = true} : memref<81920xf32, #tpu.memory_space<vmem>>[vector<16xi32>], vector<16xf32>,
      %swap3A_1037 = arith.constant 4 : i32
      %swap3A_1038 = arith.index_cast %swap3A_1037 : i32 to index
      %swap3A_1039 = arith.constant 0 : index
      %swap3A_1040 = tpu.vector_load %arg13[%swap3A_1038, %swap3A_1039] {strides = array<i32>} : memref<8x80xf32, #tpu.memory_space<vmem>>, vector<16xf32>,
      tpu.vector_store %arg13[%swap3A_1038, %swap3A_1039], %mul3A_984 {strides = array<i32>} : memref<8x80xf32, #tpu.memory_space<vmem>>, vector<16xf32>,
      %add3A_1041 = arith.constant 40960 : i32
      %add3A_1042 = vector.broadcast %add3A_1041 : i32 to vector<16xi32>
      %add3A_1043 = arith.addi %get3A_990, %add3A_1042 : vector<16xi32>
      tpu.vector_store_idx %arg15[%add3A_1043], %mul3A_984 {add = true} : memref<81920xf32, #tpu.memory_space<vmem>>[vector<16xi32>], vector<16xf32>,
      %add3A_1044 = arith.constant 40960 : i32
      %add3A_1045 = vector.broadcast %add3A_1044 : i32 to vector<16xi32>
      %add3A_1046 = arith.addi %get3A_996, %add3A_1045 : vector<16xi32>
      tpu.vector_store_idx %arg15[%add3A_1046], %mul3A_984 {add = true} : memref<81920xf32, #tpu.memory_space<vmem>>[vector<16xi32>], vector<16xf32>,
      %add3A_1047 = arith.constant 16 : i32
      %add3A_1048 = vector.broadcast %add3A_1047 : i32 to vector<16xi32>
      %add3A_1049 = arith.addi %iota3A, %add3A_1048 : vector<16xi32>
      %broadcast_in_dim3A_1050 = arith.constant 0 : i32
      %broadcast_in_dim3A_1051 = vector.broadcast %broadcast_in_dim3A_1050 : i32 to vector<16xi32>
      %gather3A_1052 = tpu.vector_load_idx %arg9[%add3A_1049, %broadcast_in_dim3A_1051] : memref<80x16xf32, #tpu.memory_space<vmem>>[vector<16xi32>, vector<16xi32>], vector<16xf32>,
      %broadcast_in_dim3A_1053 = arith.constant 1 : i32
      %broadcast_in_dim3A_1054 = vector.broadcast %broadcast_in_dim3A_1053 : i32 to vector<16xi32>
      %gather3A_1055 = tpu.vector_load_idx %arg9[%add3A_1049, %broadcast_in_dim3A_1054] : memref<80x16xf32, #tpu.memory_space<vmem>>[vector<16xi32>, vector<16xi32>], vector<16xf32>,
      %broadcast_in_dim3A_1056 = arith.constant 2 : i32
      %broadcast_in_dim3A_1057 = vector.broadcast %broadcast_in_dim3A_1056 : i32 to vector<16xi32>
      %gather3A_1058 = tpu.vector_load_idx %arg9[%add3A_1049, %broadcast_in_dim3A_1057] : memref<80x16xf32, #tpu.memory_space<vmem>>[vector<16xi32>, vector<16xi32>], vector<16xf32>,
      %broadcast_in_dim3A_1059 = arith.constant 3 : i32
      %broadcast_in_dim3A_1060 = vector.broadcast %broadcast_in_dim3A_1059 : i32 to vector<16xi32>
      %gather3A_1061 = tpu.vector_load_idx %arg9[%add3A_1049, %broadcast_in_dim3A_1060] : memref<80x16xf32, #tpu.memory_space<vmem>>[vector<16xi32>, vector<16xi32>], vector<16xf32>,
      %broadcast_in_dim3A_1062 = arith.constant 4 : i32
      %broadcast_in_dim3A_1063 = vector.broadcast %broadcast_in_dim3A_1062 : i32 to vector<16xi32>
      %gather3A_1064 = tpu.vector_load_idx %arg9[%add3A_1049, %broadcast_in_dim3A_1063] : memref<80x16xf32, #tpu.memory_space<vmem>>[vector<16xi32>, vector<16xi32>], vector<16xf32>,
      %broadcast_in_dim3A_1065 = arith.constant 5 : i32
      %broadcast_in_dim3A_1066 = vector.broadcast %broadcast_in_dim3A_1065 : i32 to vector<16xi32>
      %gather3A_1067 = tpu.vector_load_idx %arg11[%add3A_1049, %broadcast_in_dim3A_1066] : memref<80x16xf32, #tpu.memory_space<vmem>>[vector<16xi32>, vector<16xi32>], vector<16xf32>,
      %broadcast_in_dim3A_1068 = arith.constant 6 : i32
      %broadcast_in_dim3A_1069 = vector.broadcast %broadcast_in_dim3A_1068 : i32 to vector<16xi32>
      %gather3A_1070 = tpu.vector_load_idx %arg11[%add3A_1049, %broadcast_in_dim3A_1069] : memref<80x16xf32, #tpu.memory_space<vmem>>[vector<16xi32>, vector<16xi32>], vector<16xf32>,
      %broadcast_in_dim3A_1071 = arith.constant 7 : i32
      %broadcast_in_dim3A_1072 = vector.broadcast %broadcast_in_dim3A_1071 : i32 to vector<16xi32>
      %gather3A_1073 = tpu.vector_load_idx %arg11[%add3A_1049, %broadcast_in_dim3A_1072] : memref<80x16xf32, #tpu.memory_space<vmem>>[vector<16xi32>, vector<16xi32>], vector<16xf32>,
      %broadcast_in_dim3A_1074 = arith.constant 8 : i32
      %broadcast_in_dim3A_1075 = vector.broadcast %broadcast_in_dim3A_1074 : i32 to vector<16xi32>
      %gather3A_1076 = tpu.vector_load_idx %arg11[%add3A_1049, %broadcast_in_dim3A_1075] : memref<80x16xf32, #tpu.memory_space<vmem>>[vector<16xi32>, vector<16xi32>], vector<16xf32>,
      %broadcast_in_dim3A_1077 = arith.constant 9 : i32
      %broadcast_in_dim3A_1078 = vector.broadcast %broadcast_in_dim3A_1077 : i32 to vector<16xi32>
      %gather3A_1079 = tpu.vector_load_idx %arg11[%add3A_1049, %broadcast_in_dim3A_1078] : memref<80x16xf32, #tpu.memory_space<vmem>>[vector<16xi32>, vector<16xi32>], vector<16xf32>,
      %add3A_1080 = arith.addf %gather3A_1052, %gather3A_1067 : vector<16xf32>
      %add3A_1081 = arith.addf %gather3A_1055, %gather3A_1070 : vector<16xf32>
      %add3A_1082 = arith.addf %gather3A_1058, %gather3A_1073 : vector<16xf32>
      %add3A_1083 = arith.addf %gather3A_1061, %gather3A_1076 : vector<16xf32>
      %add3A_1084 = arith.addf %gather3A_1064, %gather3A_1079 : vector<16xf32>
      %mul3A_1085 = arith.constant 0.00999999977 : f32
      %mul3A_1086 = vector.broadcast %mul3A_1085 : f32 to vector<16xf32>
      %mul3A_1087 = arith.mulf %add3A_1080, %mul3A_1086 : vector<16xf32>
      %max3A_1088 = arith.maximumf %add3A_1080, %mul3A_1087 : vector<16xf32>
      %mul3A_1089 = arith.constant 0.00999999977 : f32
      %mul3A_1090 = vector.broadcast %mul3A_1089 : f32 to vector<16xf32>
      %mul3A_1091 = arith.mulf %add3A_1081, %mul3A_1090 : vector<16xf32>
      %max3A_1092 = arith.maximumf %add3A_1081, %mul3A_1091 : vector<16xf32>
      %mul3A_1093 = arith.constant 0.00999999977 : f32
      %mul3A_1094 = vector.broadcast %mul3A_1093 : f32 to vector<16xf32>
      %mul3A_1095 = arith.mulf %add3A_1082, %mul3A_1094 : vector<16xf32>
      %max3A_1096 = arith.maximumf %add3A_1082, %mul3A_1095 : vector<16xf32>
      %mul3A_1097 = arith.constant 0.00999999977 : f32
      %mul3A_1098 = vector.broadcast %mul3A_1097 : f32 to vector<16xf32>
      %mul3A_1099 = arith.mulf %add3A_1083, %mul3A_1098 : vector<16xf32>
      %max3A_1100 = arith.maximumf %add3A_1083, %mul3A_1099 : vector<16xf32>
      %mul3A_1101 = arith.constant 0.00999999977 : f32
      %mul3A_1102 = vector.broadcast %mul3A_1101 : f32 to vector<16xf32>
      %mul3A_1103 = arith.mulf %add3A_1084, %mul3A_1102 : vector<16xf32>
      %max3A_1104 = arith.maximumf %add3A_1084, %mul3A_1103 : vector<16xf32>
      %max3A_1105 = arith.maximumf %max3A_1088, %max3A_1092 : vector<16xf32>
      %max3A_1106 = arith.maximumf %max3A_1096, %max3A_1100 : vector<16xf32>
      %max3A_1107 = arith.maximumf %max3A_1105, %max3A_1106 : vector<16xf32>
      %max3A_1108 = arith.maximumf %max3A_1107, %max3A_1104 : vector<16xf32>
      %sub3A_1109 = arith.subf %max3A_1088, %max3A_1108 : vector<16xf32>
      %exp3A_1110 = math.exp %sub3A_1109 : vector<16xf32>
      %sub3A_1111 = arith.subf %max3A_1092, %max3A_1108 : vector<16xf32>
      %exp3A_1112 = math.exp %sub3A_1111 : vector<16xf32>
      %sub3A_1113 = arith.subf %max3A_1096, %max3A_1108 : vector<16xf32>
      %exp3A_1114 = math.exp %sub3A_1113 : vector<16xf32>
      %sub3A_1115 = arith.subf %max3A_1100, %max3A_1108 : vector<16xf32>
      %exp3A_1116 = math.exp %sub3A_1115 : vector<16xf32>
      %sub3A_1117 = arith.subf %max3A_1104, %max3A_1108 : vector<16xf32>
      %exp3A_1118 = math.exp %sub3A_1117 : vector<16xf32>
      %add3A_1119 = arith.addf %exp3A_1110, %exp3A_1112 : vector<16xf32>
      %add3A_1120 = arith.addf %exp3A_1114, %exp3A_1116 : vector<16xf32>
      %add3A_1121 = arith.addf %add3A_1119, %add3A_1120 : vector<16xf32>
      %add3A_1122 = arith.addf %add3A_1121, %exp3A_1118 : vector<16xf32>
      %div3A_1123 = arith.constant 1.000000e+00 : f32
      %div3A_1124 = vector.broadcast %div3A_1123 : f32 to vector<16xf32>
      %div3A_1125 = arith.divf %div3A_1124, %add3A_1122 : vector<16xf32>
      %mul3A_1126 = arith.mulf %exp3A_1110, %div3A_1125 : vector<16xf32>
      %mul3A_1127 = arith.mulf %exp3A_1112, %div3A_1125 : vector<16xf32>
      %mul3A_1128 = arith.mulf %exp3A_1114, %div3A_1125 : vector<16xf32>
      %mul3A_1129 = arith.mulf %exp3A_1116, %div3A_1125 : vector<16xf32>
      %mul3A_1130 = arith.mulf %exp3A_1118, %div3A_1125 : vector<16xf32>
      %mul3A_1131 = arith.constant 80 : i32
      %mul3A_1132 = arith.muli %mul3A_872, %mul3A_1131 : i32
      %add3A_1133 = arith.constant 16 : i32
      %add3A_1134 = arith.addi %mul3A_1132, %add3A_1133 : i32
      %get3A_1135 = arith.index_cast %add3A_1134 : i32 to index
      %get3A_1136 = tpu.vector_load %arg7[%get3A_1135] {strides = array<i32>} : memref<10000xi32, #tpu.memory_space<vmem>>, vector<16xi32>,
      %mul3A_1137 = arith.constant 80 : i32
      %mul3A_1138 = arith.muli %mul3A_872, %mul3A_1137 : i32
      %add3A_1139 = arith.constant 16 : i32
      %add3A_1140 = arith.addi %mul3A_1138, %add3A_1139 : i32
      %get3A_1141 = arith.index_cast %add3A_1140 : i32 to index
      %get3A_1142 = tpu.vector_load %arg8[%get3A_1141] {strides = array<i32>} : memref<10000xi32, #tpu.memory_space<vmem>>, vector<16xi32>,
      %swap3A_1143 = arith.constant 0 : i32
      %swap3A_1144 = arith.index_cast %swap3A_1143 : i32 to index
      %swap3A_1145 = arith.constant 16 : index
      %swap3A_1146 = tpu.vector_load %arg13[%swap3A_1144, %swap3A_1145] {strides = array<i32>} : memref<8x80xf32, #tpu.memory_space<vmem>>, vector<16xf32>,
      tpu.vector_store %arg13[%swap3A_1144, %swap3A_1145], %mul3A_1126 {strides = array<i32>} : memref<8x80xf32, #tpu.memory_space<vmem>>, vector<16xf32>,
      %add3A_1147 = arith.constant 0 : i32
      %add3A_1148 = vector.broadcast %add3A_1147 : i32 to vector<16xi32>
      %add3A_1149 = arith.addi %get3A_1136, %add3A_1148 : vector<16xi32>
      tpu.vector_store_idx %arg15[%add3A_1149], %mul3A_1126 {add = true} : memref<81920xf32, #tpu.memory_space<vmem>>[vector<16xi32>], vector<16xf32>,
      %add3A_1150 = arith.constant 0 : i32
      %add3A_1151 = vector.broadcast %add3A_1150 : i32 to vector<16xi32>
      %add3A_1152 = arith.addi %get3A_1142, %add3A_1151 : vector<16xi32>
      tpu.vector_store_idx %arg15[%add3A_1152], %mul3A_1126 {add = true} : memref<81920xf32, #tpu.memory_space<vmem>>[vector<16xi32>], vector<16xf32>,
      %swap3A_1153 = arith.constant 1 : i32
      %swap3A_1154 = arith.index_cast %swap3A_1153 : i32 to index
      %swap3A_1155 = arith.constant 16 : index
      %swap3A_1156 = tpu.vector_load %arg13[%swap3A_1154, %swap3A_1155] {strides = array<i32>} : memref<8x80xf32, #tpu.memory_space<vmem>>, vector<16xf32>,
      tpu.vector_store %arg13[%swap3A_1154, %swap3A_1155], %mul3A_1127 {strides = array<i32>} : memref<8x80xf32, #tpu.memory_space<vmem>>, vector<16xf32>,
      %add3A_1157 = arith.constant 10240 : i32
      %add3A_1158 = vector.broadcast %add3A_1157 : i32 to vector<16xi32>
      %add3A_1159 = arith.addi %get3A_1136, %add3A_1158 : vector<16xi32>
      tpu.vector_store_idx %arg15[%add3A_1159], %mul3A_1127 {add = true} : memref<81920xf32, #tpu.memory_space<vmem>>[vector<16xi32>], vector<16xf32>,
      %add3A_1160 = arith.constant 10240 : i32
      %add3A_1161 = vector.broadcast %add3A_1160 : i32 to vector<16xi32>
      %add3A_1162 = arith.addi %get3A_1142, %add3A_1161 : vector<16xi32>
      tpu.vector_store_idx %arg15[%add3A_1162], %mul3A_1127 {add = true} : memref<81920xf32, #tpu.memory_space<vmem>>[vector<16xi32>], vector<16xf32>,
      %swap3A_1163 = arith.constant 2 : i32
      %swap3A_1164 = arith.index_cast %swap3A_1163 : i32 to index
      %swap3A_1165 = arith.constant 16 : index
      %swap3A_1166 = tpu.vector_load %arg13[%swap3A_1164, %swap3A_1165] {strides = array<i32>} : memref<8x80xf32, #tpu.memory_space<vmem>>, vector<16xf32>,
      tpu.vector_store %arg13[%swap3A_1164, %swap3A_1165], %mul3A_1128 {strides = array<i32>} : memref<8x80xf32, #tpu.memory_space<vmem>>, vector<16xf32>,
      %add3A_1167 = arith.constant 20480 : i32
      %add3A_1168 = vector.broadcast %add3A_1167 : i32 to vector<16xi32>
      %add3A_1169 = arith.addi %get3A_1136, %add3A_1168 : vector<16xi32>
      tpu.vector_store_idx %arg15[%add3A_1169], %mul3A_1128 {add = true} : memref<81920xf32, #tpu.memory_space<vmem>>[vector<16xi32>], vector<16xf32>,
      %add3A_1170 = arith.constant 20480 : i32
      %add3A_1171 = vector.broadcast %add3A_1170 : i32 to vector<16xi32>
      %add3A_1172 = arith.addi %get3A_1142, %add3A_1171 : vector<16xi32>
      tpu.vector_store_idx %arg15[%add3A_1172], %mul3A_1128 {add = true} : memref<81920xf32, #tpu.memory_space<vmem>>[vector<16xi32>], vector<16xf32>,
      %swap3A_1173 = arith.constant 3 : i32
      %swap3A_1174 = arith.index_cast %swap3A_1173 : i32 to index
      %swap3A_1175 = arith.constant 16 : index
      %swap3A_1176 = tpu.vector_load %arg13[%swap3A_1174, %swap3A_1175] {strides = array<i32>} : memref<8x80xf32, #tpu.memory_space<vmem>>, vector<16xf32>,
      tpu.vector_store %arg13[%swap3A_1174, %swap3A_1175], %mul3A_1129 {strides = array<i32>} : memref<8x80xf32, #tpu.memory_space<vmem>>, vector<16xf32>,
      %add3A_1177 = arith.constant 30720 : i32
      %add3A_1178 = vector.broadcast %add3A_1177 : i32 to vector<16xi32>
      %add3A_1179 = arith.addi %get3A_1136, %add3A_1178 : vector<16xi32>
      tpu.vector_store_idx %arg15[%add3A_1179], %mul3A_1129 {add = true} : memref<81920xf32, #tpu.memory_space<vmem>>[vector<16xi32>], vector<16xf32>,
      %add3A_1180 = arith.constant 30720 : i32
      %add3A_1181 = vector.broadcast %add3A_1180 : i32 to vector<16xi32>
      %add3A_1182 = arith.addi %get3A_1142, %add3A_1181 : vector<16xi32>
      tpu.vector_store_idx %arg15[%add3A_1182], %mul3A_1129 {add = true} : memref<81920xf32, #tpu.memory_space<vmem>>[vector<16xi32>], vector<16xf32>,
      %swap3A_1183 = arith.constant 4 : i32
      %swap3A_1184 = arith.index_cast %swap3A_1183 : i32 to index
      %swap3A_1185 = arith.constant 16 : index
      %swap3A_1186 = tpu.vector_load %arg13[%swap3A_1184, %swap3A_1185] {strides = array<i32>} : memref<8x80xf32, #tpu.memory_space<vmem>>, vector<16xf32>,
      tpu.vector_store %arg13[%swap3A_1184, %swap3A_1185], %mul3A_1130 {strides = array<i32>} : memref<8x80xf32, #tpu.memory_space<vmem>>, vector<16xf32>,
      %add3A_1187 = arith.constant 40960 : i32
      %add3A_1188 = vector.broadcast %add3A_1187 : i32 to vector<16xi32>
      %add3A_1189 = arith.addi %get3A_1136, %add3A_1188 : vector<16xi32>
      tpu.vector_store_idx %arg15[%add3A_1189], %mul3A_1130 {add = true} : memref<81920xf32, #tpu.memory_space<vmem>>[vector<16xi32>], vector<16xf32>,
      %add3A_1190 = arith.constant 40960 : i32
      %add3A_1191 = vector.broadcast %add3A_1190 : i32 to vector<16xi32>
      %add3A_1192 = arith.addi %get3A_1142, %add3A_1191 : vector<16xi32>
      tpu.vector_store_idx %arg15[%add3A_1192], %mul3A_1130 {add = true} : memref<81920xf32, #tpu.memory_space<vmem>>[vector<16xi32>], vector<16xf32>,
      %add3A_1193 = arith.constant 32 : i32
      %add3A_1194 = vector.broadcast %add3A_1193 : i32 to vector<16xi32>
      %add3A_1195 = arith.addi %iota3A, %add3A_1194 : vector<16xi32>
      %broadcast_in_dim3A_1196 = arith.constant 0 : i32
      %broadcast_in_dim3A_1197 = vector.broadcast %broadcast_in_dim3A_1196 : i32 to vector<16xi32>
      %gather3A_1198 = tpu.vector_load_idx %arg9[%add3A_1195, %broadcast_in_dim3A_1197] : memref<80x16xf32, #tpu.memory_space<vmem>>[vector<16xi32>, vector<16xi32>], vector<16xf32>,
      %broadcast_in_dim3A_1199 = arith.constant 1 : i32
      %broadcast_in_dim3A_1200 = vector.broadcast %broadcast_in_dim3A_1199 : i32 to vector<16xi32>
      %gather3A_1201 = tpu.vector_load_idx %arg9[%add3A_1195, %broadcast_in_dim3A_1200] : memref<80x16xf32, #tpu.memory_space<vmem>>[vector<16xi32>, vector<16xi32>], vector<16xf32>,
      %broadcast_in_dim3A_1202 = arith.constant 2 : i32
      %broadcast_in_dim3A_1203 = vector.broadcast %broadcast_in_dim3A_1202 : i32 to vector<16xi32>
      %gather3A_1204 = tpu.vector_load_idx %arg9[%add3A_1195, %broadcast_in_dim3A_1203] : memref<80x16xf32, #tpu.memory_space<vmem>>[vector<16xi32>, vector<16xi32>], vector<16xf32>,
      %broadcast_in_dim3A_1205 = arith.constant 3 : i32
      %broadcast_in_dim3A_1206 = vector.broadcast %broadcast_in_dim3A_1205 : i32 to vector<16xi32>
      %gather3A_1207 = tpu.vector_load_idx %arg9[%add3A_1195, %broadcast_in_dim3A_1206] : memref<80x16xf32, #tpu.memory_space<vmem>>[vector<16xi32>, vector<16xi32>], vector<16xf32>,
      %broadcast_in_dim3A_1208 = arith.constant 4 : i32
      %broadcast_in_dim3A_1209 = vector.broadcast %broadcast_in_dim3A_1208 : i32 to vector<16xi32>
      %gather3A_1210 = tpu.vector_load_idx %arg9[%add3A_1195, %broadcast_in_dim3A_1209] : memref<80x16xf32, #tpu.memory_space<vmem>>[vector<16xi32>, vector<16xi32>], vector<16xf32>,
      %broadcast_in_dim3A_1211 = arith.constant 5 : i32
      %broadcast_in_dim3A_1212 = vector.broadcast %broadcast_in_dim3A_1211 : i32 to vector<16xi32>
      %gather3A_1213 = tpu.vector_load_idx %arg11[%add3A_1195, %broadcast_in_dim3A_1212] : memref<80x16xf32, #tpu.memory_space<vmem>>[vector<16xi32>, vector<16xi32>], vector<16xf32>,
      %broadcast_in_dim3A_1214 = arith.constant 6 : i32
      %broadcast_in_dim3A_1215 = vector.broadcast %broadcast_in_dim3A_1214 : i32 to vector<16xi32>
      %gather3A_1216 = tpu.vector_load_idx %arg11[%add3A_1195, %broadcast_in_dim3A_1215] : memref<80x16xf32, #tpu.memory_space<vmem>>[vector<16xi32>, vector<16xi32>], vector<16xf32>,
      %broadcast_in_dim3A_1217 = arith.constant 7 : i32
      %broadcast_in_dim3A_1218 = vector.broadcast %broadcast_in_dim3A_1217 : i32 to vector<16xi32>
      %gather3A_1219 = tpu.vector_load_idx %arg11[%add3A_1195, %broadcast_in_dim3A_1218] : memref<80x16xf32, #tpu.memory_space<vmem>>[vector<16xi32>, vector<16xi32>], vector<16xf32>,
      %broadcast_in_dim3A_1220 = arith.constant 8 : i32
      %broadcast_in_dim3A_1221 = vector.broadcast %broadcast_in_dim3A_1220 : i32 to vector<16xi32>
      %gather3A_1222 = tpu.vector_load_idx %arg11[%add3A_1195, %broadcast_in_dim3A_1221] : memref<80x16xf32, #tpu.memory_space<vmem>>[vector<16xi32>, vector<16xi32>], vector<16xf32>,
      %broadcast_in_dim3A_1223 = arith.constant 9 : i32
      %broadcast_in_dim3A_1224 = vector.broadcast %broadcast_in_dim3A_1223 : i32 to vector<16xi32>
      %gather3A_1225 = tpu.vector_load_idx %arg11[%add3A_1195, %broadcast_in_dim3A_1224] : memref<80x16xf32, #tpu.memory_space<vmem>>[vector<16xi32>, vector<16xi32>], vector<16xf32>,
      %add3A_1226 = arith.addf %gather3A_1198, %gather3A_1213 : vector<16xf32>
      %add3A_1227 = arith.addf %gather3A_1201, %gather3A_1216 : vector<16xf32>
      %add3A_1228 = arith.addf %gather3A_1204, %gather3A_1219 : vector<16xf32>
      %add3A_1229 = arith.addf %gather3A_1207, %gather3A_1222 : vector<16xf32>
      %add3A_1230 = arith.addf %gather3A_1210, %gather3A_1225 : vector<16xf32>
      %mul3A_1231 = arith.constant 0.00999999977 : f32
      %mul3A_1232 = vector.broadcast %mul3A_1231 : f32 to vector<16xf32>
      %mul3A_1233 = arith.mulf %add3A_1226, %mul3A_1232 : vector<16xf32>
      %max3A_1234 = arith.maximumf %add3A_1226, %mul3A_1233 : vector<16xf32>
      %mul3A_1235 = arith.constant 0.00999999977 : f32
      %mul3A_1236 = vector.broadcast %mul3A_1235 : f32 to vector<16xf32>
      %mul3A_1237 = arith.mulf %add3A_1227, %mul3A_1236 : vector<16xf32>
      %max3A_1238 = arith.maximumf %add3A_1227, %mul3A_1237 : vector<16xf32>
      %mul3A_1239 = arith.constant 0.00999999977 : f32
      %mul3A_1240 = vector.broadcast %mul3A_1239 : f32 to vector<16xf32>
      %mul3A_1241 = arith.mulf %add3A_1228, %mul3A_1240 : vector<16xf32>
      %max3A_1242 = arith.maximumf %add3A_1228, %mul3A_1241 : vector<16xf32>
      %mul3A_1243 = arith.constant 0.00999999977 : f32
      %mul3A_1244 = vector.broadcast %mul3A_1243 : f32 to vector<16xf32>
      %mul3A_1245 = arith.mulf %add3A_1229, %mul3A_1244 : vector<16xf32>
      %max3A_1246 = arith.maximumf %add3A_1229, %mul3A_1245 : vector<16xf32>
      %mul3A_1247 = arith.constant 0.00999999977 : f32
      %mul3A_1248 = vector.broadcast %mul3A_1247 : f32 to vector<16xf32>
      %mul3A_1249 = arith.mulf %add3A_1230, %mul3A_1248 : vector<16xf32>
      %max3A_1250 = arith.maximumf %add3A_1230, %mul3A_1249 : vector<16xf32>
      %max3A_1251 = arith.maximumf %max3A_1234, %max3A_1238 : vector<16xf32>
      %max3A_1252 = arith.maximumf %max3A_1242, %max3A_1246 : vector<16xf32>
      %max3A_1253 = arith.maximumf %max3A_1251, %max3A_1252 : vector<16xf32>
      %max3A_1254 = arith.maximumf %max3A_1253, %max3A_1250 : vector<16xf32>
      %sub3A_1255 = arith.subf %max3A_1234, %max3A_1254 : vector<16xf32>
      %exp3A_1256 = math.exp %sub3A_1255 : vector<16xf32>
      %sub3A_1257 = arith.subf %max3A_1238, %max3A_1254 : vector<16xf32>
      %exp3A_1258 = math.exp %sub3A_1257 : vector<16xf32>
      %sub3A_1259 = arith.subf %max3A_1242, %max3A_1254 : vector<16xf32>
      %exp3A_1260 = math.exp %sub3A_1259 : vector<16xf32>
      %sub3A_1261 = arith.subf %max3A_1246, %max3A_1254 : vector<16xf32>
      %exp3A_1262 = math.exp %sub3A_1261 : vector<16xf32>
      %sub3A_1263 = arith.subf %max3A_1250, %max3A_1254 : vector<16xf32>
      %exp3A_1264 = math.exp %sub3A_1263 : vector<16xf32>
      %add3A_1265 = arith.addf %exp3A_1256, %exp3A_1258 : vector<16xf32>
      %add3A_1266 = arith.addf %exp3A_1260, %exp3A_1262 : vector<16xf32>
      %add3A_1267 = arith.addf %add3A_1265, %add3A_1266 : vector<16xf32>
      %add3A_1268 = arith.addf %add3A_1267, %exp3A_1264 : vector<16xf32>
      %div3A_1269 = arith.constant 1.000000e+00 : f32
      %div3A_1270 = vector.broadcast %div3A_1269 : f32 to vector<16xf32>
      %div3A_1271 = arith.divf %div3A_1270, %add3A_1268 : vector<16xf32>
      %mul3A_1272 = arith.mulf %exp3A_1256, %div3A_1271 : vector<16xf32>
      %mul3A_1273 = arith.mulf %exp3A_1258, %div3A_1271 : vector<16xf32>
      %mul3A_1274 = arith.mulf %exp3A_1260, %div3A_1271 : vector<16xf32>
      %mul3A_1275 = arith.mulf %exp3A_1262, %div3A_1271 : vector<16xf32>
      %mul3A_1276 = arith.mulf %exp3A_1264, %div3A_1271 : vector<16xf32>
      %mul3A_1277 = arith.constant 80 : i32
      %mul3A_1278 = arith.muli %mul3A_872, %mul3A_1277 : i32
      %add3A_1279 = arith.constant 32 : i32
      %add3A_1280 = arith.addi %mul3A_1278, %add3A_1279 : i32
      %get3A_1281 = arith.index_cast %add3A_1280 : i32 to index
      %get3A_1282 = tpu.vector_load %arg7[%get3A_1281] {strides = array<i32>} : memref<10000xi32, #tpu.memory_space<vmem>>, vector<16xi32>,
      %mul3A_1283 = arith.constant 80 : i32
      %mul3A_1284 = arith.muli %mul3A_872, %mul3A_1283 : i32
      %add3A_1285 = arith.constant 32 : i32
      %add3A_1286 = arith.addi %mul3A_1284, %add3A_1285 : i32
      %get3A_1287 = arith.index_cast %add3A_1286 : i32 to index
      %get3A_1288 = tpu.vector_load %arg8[%get3A_1287] {strides = array<i32>} : memref<10000xi32, #tpu.memory_space<vmem>>, vector<16xi32>,
      %swap3A_1289 = arith.constant 0 : i32
      %swap3A_1290 = arith.index_cast %swap3A_1289 : i32 to index
      %swap3A_1291 = arith.constant 32 : index
      %swap3A_1292 = tpu.vector_load %arg13[%swap3A_1290, %swap3A_1291] {strides = array<i32>} : memref<8x80xf32, #tpu.memory_space<vmem>>, vector<16xf32>,
      tpu.vector_store %arg13[%swap3A_1290, %swap3A_1291], %mul3A_1272 {strides = array<i32>} : memref<8x80xf32, #tpu.memory_space<vmem>>, vector<16xf32>,
      %add3A_1293 = arith.constant 0 : i32
      %add3A_1294 = vector.broadcast %add3A_1293 : i32 to vector<16xi32>
      %add3A_1295 = arith.addi %get3A_1282, %add3A_1294 : vector<16xi32>
      tpu.vector_store_idx %arg15[%add3A_1295], %mul3A_1272 {add = true} : memref<81920xf32, #tpu.memory_space<vmem>>[vector<16xi32>], vector<16xf32>,
      %add3A_1296 = arith.constant 0 : i32
      %add3A_1297 = vector.broadcast %add3A_1296 : i32 to vector<16xi32>
      %add3A_1298 = arith.addi %get3A_1288, %add3A_1297 : vector<16xi32>
      tpu.vector_store_idx %arg15[%add3A_1298], %mul3A_1272 {add = true} : memref<81920xf32, #tpu.memory_space<vmem>>[vector<16xi32>], vector<16xf32>,
      %swap3A_1299 = arith.constant 1 : i32
      %swap3A_1300 = arith.index_cast %swap3A_1299 : i32 to index
      %swap3A_1301 = arith.constant 32 : index
      %swap3A_1302 = tpu.vector_load %arg13[%swap3A_1300, %swap3A_1301] {strides = array<i32>} : memref<8x80xf32, #tpu.memory_space<vmem>>, vector<16xf32>,
      tpu.vector_store %arg13[%swap3A_1300, %swap3A_1301], %mul3A_1273 {strides = array<i32>} : memref<8x80xf32, #tpu.memory_space<vmem>>, vector<16xf32>,
      %add3A_1303 = arith.constant 10240 : i32
      %add3A_1304 = vector.broadcast %add3A_1303 : i32 to vector<16xi32>
      %add3A_1305 = arith.addi %get3A_1282, %add3A_1304 : vector<16xi32>
      tpu.vector_store_idx %arg15[%add3A_1305], %mul3A_1273 {add = true} : memref<81920xf32, #tpu.memory_space<vmem>>[vector<16xi32>], vector<16xf32>,
      %add3A_1306 = arith.constant 10240 : i32
      %add3A_1307 = vector.broadcast %add3A_1306 : i32 to vector<16xi32>
      %add3A_1308 = arith.addi %get3A_1288, %add3A_1307 : vector<16xi32>
      tpu.vector_store_idx %arg15[%add3A_1308], %mul3A_1273 {add = true} : memref<81920xf32, #tpu.memory_space<vmem>>[vector<16xi32>], vector<16xf32>,
      %swap3A_1309 = arith.constant 2 : i32
      %swap3A_1310 = arith.index_cast %swap3A_1309 : i32 to index
      %swap3A_1311 = arith.constant 32 : index
      %swap3A_1312 = tpu.vector_load %arg13[%swap3A_1310, %swap3A_1311] {strides = array<i32>} : memref<8x80xf32, #tpu.memory_space<vmem>>, vector<16xf32>,
      tpu.vector_store %arg13[%swap3A_1310, %swap3A_1311], %mul3A_1274 {strides = array<i32>} : memref<8x80xf32, #tpu.memory_space<vmem>>, vector<16xf32>,
      %add3A_1313 = arith.constant 20480 : i32
      %add3A_1314 = vector.broadcast %add3A_1313 : i32 to vector<16xi32>
      %add3A_1315 = arith.addi %get3A_1282, %add3A_1314 : vector<16xi32>
      tpu.vector_store_idx %arg15[%add3A_1315], %mul3A_1274 {add = true} : memref<81920xf32, #tpu.memory_space<vmem>>[vector<16xi32>], vector<16xf32>,
      %add3A_1316 = arith.constant 20480 : i32
      %add3A_1317 = vector.broadcast %add3A_1316 : i32 to vector<16xi32>
      %add3A_1318 = arith.addi %get3A_1288, %add3A_1317 : vector<16xi32>
      tpu.vector_store_idx %arg15[%add3A_1318], %mul3A_1274 {add = true} : memref<81920xf32, #tpu.memory_space<vmem>>[vector<16xi32>], vector<16xf32>,
      %swap3A_1319 = arith.constant 3 : i32
      %swap3A_1320 = arith.index_cast %swap3A_1319 : i32 to index
      %swap3A_1321 = arith.constant 32 : index
      %swap3A_1322 = tpu.vector_load %arg13[%swap3A_1320, %swap3A_1321] {strides = array<i32>} : memref<8x80xf32, #tpu.memory_space<vmem>>, vector<16xf32>,
      tpu.vector_store %arg13[%swap3A_1320, %swap3A_1321], %mul3A_1275 {strides = array<i32>} : memref<8x80xf32, #tpu.memory_space<vmem>>, vector<16xf32>,
      %add3A_1323 = arith.constant 30720 : i32
      %add3A_1324 = vector.broadcast %add3A_1323 : i32 to vector<16xi32>
      %add3A_1325 = arith.addi %get3A_1282, %add3A_1324 : vector<16xi32>
      tpu.vector_store_idx %arg15[%add3A_1325], %mul3A_1275 {add = true} : memref<81920xf32, #tpu.memory_space<vmem>>[vector<16xi32>], vector<16xf32>,
      %add3A_1326 = arith.constant 30720 : i32
      %add3A_1327 = vector.broadcast %add3A_1326 : i32 to vector<16xi32>
      %add3A_1328 = arith.addi %get3A_1288, %add3A_1327 : vector<16xi32>
      tpu.vector_store_idx %arg15[%add3A_1328], %mul3A_1275 {add = true} : memref<81920xf32, #tpu.memory_space<vmem>>[vector<16xi32>], vector<16xf32>,
      %swap3A_1329 = arith.constant 4 : i32
      %swap3A_1330 = arith.index_cast %swap3A_1329 : i32 to index
      %swap3A_1331 = arith.constant 32 : index
      %swap3A_1332 = tpu.vector_load %arg13[%swap3A_1330, %swap3A_1331] {strides = array<i32>} : memref<8x80xf32, #tpu.memory_space<vmem>>, vector<16xf32>,
      tpu.vector_store %arg13[%swap3A_1330, %swap3A_1331], %mul3A_1276 {strides = array<i32>} : memref<8x80xf32, #tpu.memory_space<vmem>>, vector<16xf32>,
      %add3A_1333 = arith.constant 40960 : i32
      %add3A_1334 = vector.broadcast %add3A_1333 : i32 to vector<16xi32>
      %add3A_1335 = arith.addi %get3A_1282, %add3A_1334 : vector<16xi32>
      tpu.vector_store_idx %arg15[%add3A_1335], %mul3A_1276 {add = true} : memref<81920xf32, #tpu.memory_space<vmem>>[vector<16xi32>], vector<16xf32>,
      %add3A_1336 = arith.constant 40960 : i32
      %add3A_1337 = vector.broadcast %add3A_1336 : i32 to vector<16xi32>
      %add3A_1338 = arith.addi %get3A_1288, %add3A_1337 : vector<16xi32>
      tpu.vector_store_idx %arg15[%add3A_1338], %mul3A_1276 {add = true} : memref<81920xf32, #tpu.memory_space<vmem>>[vector<16xi32>], vector<16xf32>,
      %add3A_1339 = arith.constant 48 : i32
      %add3A_1340 = vector.broadcast %add3A_1339 : i32 to vector<16xi32>
      %add3A_1341 = arith.addi %iota3A, %add3A_1340 : vector<16xi32>
      %broadcast_in_dim3A_1342 = arith.constant 0 : i32
      %broadcast_in_dim3A_1343 = vector.broadcast %broadcast_in_dim3A_1342 : i32 to vector<16xi32>
      %gather3A_1344 = tpu.vector_load_idx %arg9[%add3A_1341, %broadcast_in_dim3A_1343] : memref<80x16xf32, #tpu.memory_space<vmem>>[vector<16xi32>, vector<16xi32>], vector<16xf32>,
      %broadcast_in_dim3A_1345 = arith.constant 1 : i32
      %broadcast_in_dim3A_1346 = vector.broadcast %broadcast_in_dim3A_1345 : i32 to vector<16xi32>
      %gather3A_1347 = tpu.vector_load_idx %arg9[%add3A_1341, %broadcast_in_dim3A_1346] : memref<80x16xf32, #tpu.memory_space<vmem>>[vector<16xi32>, vector<16xi32>], vector<16xf32>,
      %broadcast_in_dim3A_1348 = arith.constant 2 : i32
      %broadcast_in_dim3A_1349 = vector.broadcast %broadcast_in_dim3A_1348 : i32 to vector<16xi32>
      %gather3A_1350 = tpu.vector_load_idx %arg9[%add3A_1341, %broadcast_in_dim3A_1349] : memref<80x16xf32, #tpu.memory_space<vmem>>[vector<16xi32>, vector<16xi32>], vector<16xf32>,
      %broadcast_in_dim3A_1351 = arith.constant 3 : i32
      %broadcast_in_dim3A_1352 = vector.broadcast %broadcast_in_dim3A_1351 : i32 to vector<16xi32>
      %gather3A_1353 = tpu.vector_load_idx %arg9[%add3A_1341, %broadcast_in_dim3A_1352] : memref<80x16xf32, #tpu.memory_space<vmem>>[vector<16xi32>, vector<16xi32>], vector<16xf32>,
      %broadcast_in_dim3A_1354 = arith.constant 4 : i32
      %broadcast_in_dim3A_1355 = vector.broadcast %broadcast_in_dim3A_1354 : i32 to vector<16xi32>
      %gather3A_1356 = tpu.vector_load_idx %arg9[%add3A_1341, %broadcast_in_dim3A_1355] : memref<80x16xf32, #tpu.memory_space<vmem>>[vector<16xi32>, vector<16xi32>], vector<16xf32>,
      %broadcast_in_dim3A_1357 = arith.constant 5 : i32
      %broadcast_in_dim3A_1358 = vector.broadcast %broadcast_in_dim3A_1357 : i32 to vector<16xi32>
      %gather3A_1359 = tpu.vector_load_idx %arg11[%add3A_1341, %broadcast_in_dim3A_1358] : memref<80x16xf32, #tpu.memory_space<vmem>>[vector<16xi32>, vector<16xi32>], vector<16xf32>,
      %broadcast_in_dim3A_1360 = arith.constant 6 : i32
      %broadcast_in_dim3A_1361 = vector.broadcast %broadcast_in_dim3A_1360 : i32 to vector<16xi32>
      %gather3A_1362 = tpu.vector_load_idx %arg11[%add3A_1341, %broadcast_in_dim3A_1361] : memref<80x16xf32, #tpu.memory_space<vmem>>[vector<16xi32>, vector<16xi32>], vector<16xf32>,
      %broadcast_in_dim3A_1363 = arith.constant 7 : i32
      %broadcast_in_dim3A_1364 = vector.broadcast %broadcast_in_dim3A_1363 : i32 to vector<16xi32>
      %gather3A_1365 = tpu.vector_load_idx %arg11[%add3A_1341, %broadcast_in_dim3A_1364] : memref<80x16xf32, #tpu.memory_space<vmem>>[vector<16xi32>, vector<16xi32>], vector<16xf32>,
      %broadcast_in_dim3A_1366 = arith.constant 8 : i32
      %broadcast_in_dim3A_1367 = vector.broadcast %broadcast_in_dim3A_1366 : i32 to vector<16xi32>
      %gather3A_1368 = tpu.vector_load_idx %arg11[%add3A_1341, %broadcast_in_dim3A_1367] : memref<80x16xf32, #tpu.memory_space<vmem>>[vector<16xi32>, vector<16xi32>], vector<16xf32>,
      %broadcast_in_dim3A_1369 = arith.constant 9 : i32
      %broadcast_in_dim3A_1370 = vector.broadcast %broadcast_in_dim3A_1369 : i32 to vector<16xi32>
      %gather3A_1371 = tpu.vector_load_idx %arg11[%add3A_1341, %broadcast_in_dim3A_1370] : memref<80x16xf32, #tpu.memory_space<vmem>>[vector<16xi32>, vector<16xi32>], vector<16xf32>,
      %add3A_1372 = arith.addf %gather3A_1344, %gather3A_1359 : vector<16xf32>
      %add3A_1373 = arith.addf %gather3A_1347, %gather3A_1362 : vector<16xf32>
      %add3A_1374 = arith.addf %gather3A_1350, %gather3A_1365 : vector<16xf32>
      %add3A_1375 = arith.addf %gather3A_1353, %gather3A_1368 : vector<16xf32>
      %add3A_1376 = arith.addf %gather3A_1356, %gather3A_1371 : vector<16xf32>
      %mul3A_1377 = arith.constant 0.00999999977 : f32
      %mul3A_1378 = vector.broadcast %mul3A_1377 : f32 to vector<16xf32>
      %mul3A_1379 = arith.mulf %add3A_1372, %mul3A_1378 : vector<16xf32>
      %max3A_1380 = arith.maximumf %add3A_1372, %mul3A_1379 : vector<16xf32>
      %mul3A_1381 = arith.constant 0.00999999977 : f32
      %mul3A_1382 = vector.broadcast %mul3A_1381 : f32 to vector<16xf32>
      %mul3A_1383 = arith.mulf %add3A_1373, %mul3A_1382 : vector<16xf32>
      %max3A_1384 = arith.maximumf %add3A_1373, %mul3A_1383 : vector<16xf32>
      %mul3A_1385 = arith.constant 0.00999999977 : f32
      %mul3A_1386 = vector.broadcast %mul3A_1385 : f32 to vector<16xf32>
      %mul3A_1387 = arith.mulf %add3A_1374, %mul3A_1386 : vector<16xf32>
      %max3A_1388 = arith.maximumf %add3A_1374, %mul3A_1387 : vector<16xf32>
      %mul3A_1389 = arith.constant 0.00999999977 : f32
      %mul3A_1390 = vector.broadcast %mul3A_1389 : f32 to vector<16xf32>
      %mul3A_1391 = arith.mulf %add3A_1375, %mul3A_1390 : vector<16xf32>
      %max3A_1392 = arith.maximumf %add3A_1375, %mul3A_1391 : vector<16xf32>
      %mul3A_1393 = arith.constant 0.00999999977 : f32
      %mul3A_1394 = vector.broadcast %mul3A_1393 : f32 to vector<16xf32>
      %mul3A_1395 = arith.mulf %add3A_1376, %mul3A_1394 : vector<16xf32>
      %max3A_1396 = arith.maximumf %add3A_1376, %mul3A_1395 : vector<16xf32>
      %max3A_1397 = arith.maximumf %max3A_1380, %max3A_1384 : vector<16xf32>
      %max3A_1398 = arith.maximumf %max3A_1388, %max3A_1392 : vector<16xf32>
      %max3A_1399 = arith.maximumf %max3A_1397, %max3A_1398 : vector<16xf32>
      %max3A_1400 = arith.maximumf %max3A_1399, %max3A_1396 : vector<16xf32>
      %sub3A_1401 = arith.subf %max3A_1380, %max3A_1400 : vector<16xf32>
      %exp3A_1402 = math.exp %sub3A_1401 : vector<16xf32>
      %sub3A_1403 = arith.subf %max3A_1384, %max3A_1400 : vector<16xf32>
      %exp3A_1404 = math.exp %sub3A_1403 : vector<16xf32>
      %sub3A_1405 = arith.subf %max3A_1388, %max3A_1400 : vector<16xf32>
      %exp3A_1406 = math.exp %sub3A_1405 : vector<16xf32>
      %sub3A_1407 = arith.subf %max3A_1392, %max3A_1400 : vector<16xf32>
      %exp3A_1408 = math.exp %sub3A_1407 : vector<16xf32>
      %sub3A_1409 = arith.subf %max3A_1396, %max3A_1400 : vector<16xf32>
      %exp3A_1410 = math.exp %sub3A_1409 : vector<16xf32>
      %add3A_1411 = arith.addf %exp3A_1402, %exp3A_1404 : vector<16xf32>
      %add3A_1412 = arith.addf %exp3A_1406, %exp3A_1408 : vector<16xf32>
      %add3A_1413 = arith.addf %add3A_1411, %add3A_1412 : vector<16xf32>
      %add3A_1414 = arith.addf %add3A_1413, %exp3A_1410 : vector<16xf32>
      %div3A_1415 = arith.constant 1.000000e+00 : f32
      %div3A_1416 = vector.broadcast %div3A_1415 : f32 to vector<16xf32>
      %div3A_1417 = arith.divf %div3A_1416, %add3A_1414 : vector<16xf32>
      %mul3A_1418 = arith.mulf %exp3A_1402, %div3A_1417 : vector<16xf32>
      %mul3A_1419 = arith.mulf %exp3A_1404, %div3A_1417 : vector<16xf32>
      %mul3A_1420 = arith.mulf %exp3A_1406, %div3A_1417 : vector<16xf32>
      %mul3A_1421 = arith.mulf %exp3A_1408, %div3A_1417 : vector<16xf32>
      %mul3A_1422 = arith.mulf %exp3A_1410, %div3A_1417 : vector<16xf32>
      %mul3A_1423 = arith.constant 80 : i32
      %mul3A_1424 = arith.muli %mul3A_872, %mul3A_1423 : i32
      %add3A_1425 = arith.constant 48 : i32
      %add3A_1426 = arith.addi %mul3A_1424, %add3A_1425 : i32
      %get3A_1427 = arith.index_cast %add3A_1426 : i32 to index
      %get3A_1428 = tpu.vector_load %arg7[%get3A_1427] {strides = array<i32>} : memref<10000xi32, #tpu.memory_space<vmem>>, vector<16xi32>,
      %mul3A_1429 = arith.constant 80 : i32
      %mul3A_1430 = arith.muli %mul3A_872, %mul3A_1429 : i32
      %add3A_1431 = arith.constant 48 : i32
      %add3A_1432 = arith.addi %mul3A_1430, %add3A_1431 : i32
      %get3A_1433 = arith.index_cast %add3A_1432 : i32 to index
      %get3A_1434 = tpu.vector_load %arg8[%get3A_1433] {strides = array<i32>} : memref<10000xi32, #tpu.memory_space<vmem>>, vector<16xi32>,
      %swap3A_1435 = arith.constant 0 : i32
      %swap3A_1436 = arith.index_cast %swap3A_1435 : i32 to index
      %swap3A_1437 = arith.constant 48 : index
      %swap3A_1438 = tpu.vector_load %arg13[%swap3A_1436, %swap3A_1437] {strides = array<i32>} : memref<8x80xf32, #tpu.memory_space<vmem>>, vector<16xf32>,
      tpu.vector_store %arg13[%swap3A_1436, %swap3A_1437], %mul3A_1418 {strides = array<i32>} : memref<8x80xf32, #tpu.memory_space<vmem>>, vector<16xf32>,
      %add3A_1439 = arith.constant 0 : i32
      %add3A_1440 = vector.broadcast %add3A_1439 : i32 to vector<16xi32>
      %add3A_1441 = arith.addi %get3A_1428, %add3A_1440 : vector<16xi32>
      tpu.vector_store_idx %arg15[%add3A_1441], %mul3A_1418 {add = true} : memref<81920xf32, #tpu.memory_space<vmem>>[vector<16xi32>], vector<16xf32>,
      %add3A_1442 = arith.constant 0 : i32
      %add3A_1443 = vector.broadcast %add3A_1442 : i32 to vector<16xi32>
      %add3A_1444 = arith.addi %get3A_1434, %add3A_1443 : vector<16xi32>
      tpu.vector_store_idx %arg15[%add3A_1444], %mul3A_1418 {add = true} : memref<81920xf32, #tpu.memory_space<vmem>>[vector<16xi32>], vector<16xf32>,
      %swap3A_1445 = arith.constant 1 : i32
      %swap3A_1446 = arith.index_cast %swap3A_1445 : i32 to index
      %swap3A_1447 = arith.constant 48 : index
      %swap3A_1448 = tpu.vector_load %arg13[%swap3A_1446, %swap3A_1447] {strides = array<i32>} : memref<8x80xf32, #tpu.memory_space<vmem>>, vector<16xf32>,
      tpu.vector_store %arg13[%swap3A_1446, %swap3A_1447], %mul3A_1419 {strides = array<i32>} : memref<8x80xf32, #tpu.memory_space<vmem>>, vector<16xf32>,
      %add3A_1449 = arith.constant 10240 : i32
      %add3A_1450 = vector.broadcast %add3A_1449 : i32 to vector<16xi32>
      %add3A_1451 = arith.addi %get3A_1428, %add3A_1450 : vector<16xi32>
      tpu.vector_store_idx %arg15[%add3A_1451], %mul3A_1419 {add = true} : memref<81920xf32, #tpu.memory_space<vmem>>[vector<16xi32>], vector<16xf32>,
      %add3A_1452 = arith.constant 10240 : i32
      %add3A_1453 = vector.broadcast %add3A_1452 : i32 to vector<16xi32>
      %add3A_1454 = arith.addi %get3A_1434, %add3A_1453 : vector<16xi32>
      tpu.vector_store_idx %arg15[%add3A_1454], %mul3A_1419 {add = true} : memref<81920xf32, #tpu.memory_space<vmem>>[vector<16xi32>], vector<16xf32>,
      %swap3A_1455 = arith.constant 2 : i32
      %swap3A_1456 = arith.index_cast %swap3A_1455 : i32 to index
      %swap3A_1457 = arith.constant 48 : index
      %swap3A_1458 = tpu.vector_load %arg13[%swap3A_1456, %swap3A_1457] {strides = array<i32>} : memref<8x80xf32, #tpu.memory_space<vmem>>, vector<16xf32>,
      tpu.vector_store %arg13[%swap3A_1456, %swap3A_1457], %mul3A_1420 {strides = array<i32>} : memref<8x80xf32, #tpu.memory_space<vmem>>, vector<16xf32>,
      %add3A_1459 = arith.constant 20480 : i32
      %add3A_1460 = vector.broadcast %add3A_1459 : i32 to vector<16xi32>
      %add3A_1461 = arith.addi %get3A_1428, %add3A_1460 : vector<16xi32>
      tpu.vector_store_idx %arg15[%add3A_1461], %mul3A_1420 {add = true} : memref<81920xf32, #tpu.memory_space<vmem>>[vector<16xi32>], vector<16xf32>,
      %add3A_1462 = arith.constant 20480 : i32
      %add3A_1463 = vector.broadcast %add3A_1462 : i32 to vector<16xi32>
      %add3A_1464 = arith.addi %get3A_1434, %add3A_1463 : vector<16xi32>
      tpu.vector_store_idx %arg15[%add3A_1464], %mul3A_1420 {add = true} : memref<81920xf32, #tpu.memory_space<vmem>>[vector<16xi32>], vector<16xf32>,
      %swap3A_1465 = arith.constant 3 : i32
      %swap3A_1466 = arith.index_cast %swap3A_1465 : i32 to index
      %swap3A_1467 = arith.constant 48 : index
      %swap3A_1468 = tpu.vector_load %arg13[%swap3A_1466, %swap3A_1467] {strides = array<i32>} : memref<8x80xf32, #tpu.memory_space<vmem>>, vector<16xf32>,
      tpu.vector_store %arg13[%swap3A_1466, %swap3A_1467], %mul3A_1421 {strides = array<i32>} : memref<8x80xf32, #tpu.memory_space<vmem>>, vector<16xf32>,
      %add3A_1469 = arith.constant 30720 : i32
      %add3A_1470 = vector.broadcast %add3A_1469 : i32 to vector<16xi32>
      %add3A_1471 = arith.addi %get3A_1428, %add3A_1470 : vector<16xi32>
      tpu.vector_store_idx %arg15[%add3A_1471], %mul3A_1421 {add = true} : memref<81920xf32, #tpu.memory_space<vmem>>[vector<16xi32>], vector<16xf32>,
      %add3A_1472 = arith.constant 30720 : i32
      %add3A_1473 = vector.broadcast %add3A_1472 : i32 to vector<16xi32>
      %add3A_1474 = arith.addi %get3A_1434, %add3A_1473 : vector<16xi32>
      tpu.vector_store_idx %arg15[%add3A_1474], %mul3A_1421 {add = true} : memref<81920xf32, #tpu.memory_space<vmem>>[vector<16xi32>], vector<16xf32>,
      %swap3A_1475 = arith.constant 4 : i32
      %swap3A_1476 = arith.index_cast %swap3A_1475 : i32 to index
      %swap3A_1477 = arith.constant 48 : index
      %swap3A_1478 = tpu.vector_load %arg13[%swap3A_1476, %swap3A_1477] {strides = array<i32>} : memref<8x80xf32, #tpu.memory_space<vmem>>, vector<16xf32>,
      tpu.vector_store %arg13[%swap3A_1476, %swap3A_1477], %mul3A_1422 {strides = array<i32>} : memref<8x80xf32, #tpu.memory_space<vmem>>, vector<16xf32>,
      %add3A_1479 = arith.constant 40960 : i32
      %add3A_1480 = vector.broadcast %add3A_1479 : i32 to vector<16xi32>
      %add3A_1481 = arith.addi %get3A_1428, %add3A_1480 : vector<16xi32>
      tpu.vector_store_idx %arg15[%add3A_1481], %mul3A_1422 {add = true} : memref<81920xf32, #tpu.memory_space<vmem>>[vector<16xi32>], vector<16xf32>,
      %add3A_1482 = arith.constant 40960 : i32
      %add3A_1483 = vector.broadcast %add3A_1482 : i32 to vector<16xi32>
      %add3A_1484 = arith.addi %get3A_1434, %add3A_1483 : vector<16xi32>
      tpu.vector_store_idx %arg15[%add3A_1484], %mul3A_1422 {add = true} : memref<81920xf32, #tpu.memory_space<vmem>>[vector<16xi32>], vector<16xf32>,
      %add3A_1485 = arith.constant 64 : i32
      %add3A_1486 = vector.broadcast %add3A_1485 : i32 to vector<16xi32>
      %add3A_1487 = arith.addi %iota3A, %add3A_1486 : vector<16xi32>
      %broadcast_in_dim3A_1488 = arith.constant 0 : i32
      %broadcast_in_dim3A_1489 = vector.broadcast %broadcast_in_dim3A_1488 : i32 to vector<16xi32>
      %gather3A_1490 = tpu.vector_load_idx %arg9[%add3A_1487, %broadcast_in_dim3A_1489] : memref<80x16xf32, #tpu.memory_space<vmem>>[vector<16xi32>, vector<16xi32>], vector<16xf32>,
      %broadcast_in_dim3A_1491 = arith.constant 1 : i32
      %broadcast_in_dim3A_1492 = vector.broadcast %broadcast_in_dim3A_1491 : i32 to vector<16xi32>
      %gather3A_1493 = tpu.vector_load_idx %arg9[%add3A_1487, %broadcast_in_dim3A_1492] : memref<80x16xf32, #tpu.memory_space<vmem>>[vector<16xi32>, vector<16xi32>], vector<16xf32>,
      %broadcast_in_dim3A_1494 = arith.constant 2 : i32
      %broadcast_in_dim3A_1495 = vector.broadcast %broadcast_in_dim3A_1494 : i32 to vector<16xi32>
      %gather3A_1496 = tpu.vector_load_idx %arg9[%add3A_1487, %broadcast_in_dim3A_1495] : memref<80x16xf32, #tpu.memory_space<vmem>>[vector<16xi32>, vector<16xi32>], vector<16xf32>,
      %broadcast_in_dim3A_1497 = arith.constant 3 : i32
      %broadcast_in_dim3A_1498 = vector.broadcast %broadcast_in_dim3A_1497 : i32 to vector<16xi32>
      %gather3A_1499 = tpu.vector_load_idx %arg9[%add3A_1487, %broadcast_in_dim3A_1498] : memref<80x16xf32, #tpu.memory_space<vmem>>[vector<16xi32>, vector<16xi32>], vector<16xf32>,
      %broadcast_in_dim3A_1500 = arith.constant 4 : i32
      %broadcast_in_dim3A_1501 = vector.broadcast %broadcast_in_dim3A_1500 : i32 to vector<16xi32>
      %gather3A_1502 = tpu.vector_load_idx %arg9[%add3A_1487, %broadcast_in_dim3A_1501] : memref<80x16xf32, #tpu.memory_space<vmem>>[vector<16xi32>, vector<16xi32>], vector<16xf32>,
      %broadcast_in_dim3A_1503 = arith.constant 5 : i32
      %broadcast_in_dim3A_1504 = vector.broadcast %broadcast_in_dim3A_1503 : i32 to vector<16xi32>
      %gather3A_1505 = tpu.vector_load_idx %arg11[%add3A_1487, %broadcast_in_dim3A_1504] : memref<80x16xf32, #tpu.memory_space<vmem>>[vector<16xi32>, vector<16xi32>], vector<16xf32>,
      %broadcast_in_dim3A_1506 = arith.constant 6 : i32
      %broadcast_in_dim3A_1507 = vector.broadcast %broadcast_in_dim3A_1506 : i32 to vector<16xi32>
      %gather3A_1508 = tpu.vector_load_idx %arg11[%add3A_1487, %broadcast_in_dim3A_1507] : memref<80x16xf32, #tpu.memory_space<vmem>>[vector<16xi32>, vector<16xi32>], vector<16xf32>,
      %broadcast_in_dim3A_1509 = arith.constant 7 : i32
      %broadcast_in_dim3A_1510 = vector.broadcast %broadcast_in_dim3A_1509 : i32 to vector<16xi32>
      %gather3A_1511 = tpu.vector_load_idx %arg11[%add3A_1487, %broadcast_in_dim3A_1510] : memref<80x16xf32, #tpu.memory_space<vmem>>[vector<16xi32>, vector<16xi32>], vector<16xf32>,
      %broadcast_in_dim3A_1512 = arith.constant 8 : i32
      %broadcast_in_dim3A_1513 = vector.broadcast %broadcast_in_dim3A_1512 : i32 to vector<16xi32>
      %gather3A_1514 = tpu.vector_load_idx %arg11[%add3A_1487, %broadcast_in_dim3A_1513] : memref<80x16xf32, #tpu.memory_space<vmem>>[vector<16xi32>, vector<16xi32>], vector<16xf32>,
      %broadcast_in_dim3A_1515 = arith.constant 9 : i32
      %broadcast_in_dim3A_1516 = vector.broadcast %broadcast_in_dim3A_1515 : i32 to vector<16xi32>
      %gather3A_1517 = tpu.vector_load_idx %arg11[%add3A_1487, %broadcast_in_dim3A_1516] : memref<80x16xf32, #tpu.memory_space<vmem>>[vector<16xi32>, vector<16xi32>], vector<16xf32>,
      %add3A_1518 = arith.addf %gather3A_1490, %gather3A_1505 : vector<16xf32>
      %add3A_1519 = arith.addf %gather3A_1493, %gather3A_1508 : vector<16xf32>
      %add3A_1520 = arith.addf %gather3A_1496, %gather3A_1511 : vector<16xf32>
      %add3A_1521 = arith.addf %gather3A_1499, %gather3A_1514 : vector<16xf32>
      %add3A_1522 = arith.addf %gather3A_1502, %gather3A_1517 : vector<16xf32>
      %mul3A_1523 = arith.constant 0.00999999977 : f32
      %mul3A_1524 = vector.broadcast %mul3A_1523 : f32 to vector<16xf32>
      %mul3A_1525 = arith.mulf %add3A_1518, %mul3A_1524 : vector<16xf32>
      %max3A_1526 = arith.maximumf %add3A_1518, %mul3A_1525 : vector<16xf32>
      %mul3A_1527 = arith.constant 0.00999999977 : f32
      %mul3A_1528 = vector.broadcast %mul3A_1527 : f32 to vector<16xf32>
      %mul3A_1529 = arith.mulf %add3A_1519, %mul3A_1528 : vector<16xf32>
      %max3A_1530 = arith.maximumf %add3A_1519, %mul3A_1529 : vector<16xf32>
      %mul3A_1531 = arith.constant 0.00999999977 : f32
      %mul3A_1532 = vector.broadcast %mul3A_1531 : f32 to vector<16xf32>
      %mul3A_1533 = arith.mulf %add3A_1520, %mul3A_1532 : vector<16xf32>
      %max3A_1534 = arith.maximumf %add3A_1520, %mul3A_1533 : vector<16xf32>
      %mul3A_1535 = arith.constant 0.00999999977 : f32
      %mul3A_1536 = vector.broadcast %mul3A_1535 : f32 to vector<16xf32>
      %mul3A_1537 = arith.mulf %add3A_1521, %mul3A_1536 : vector<16xf32>
      %max3A_1538 = arith.maximumf %add3A_1521, %mul3A_1537 : vector<16xf32>
      %mul3A_1539 = arith.constant 0.00999999977 : f32
      %mul3A_1540 = vector.broadcast %mul3A_1539 : f32 to vector<16xf32>
      %mul3A_1541 = arith.mulf %add3A_1522, %mul3A_1540 : vector<16xf32>
      %max3A_1542 = arith.maximumf %add3A_1522, %mul3A_1541 : vector<16xf32>
      %max3A_1543 = arith.maximumf %max3A_1526, %max3A_1530 : vector<16xf32>
      %max3A_1544 = arith.maximumf %max3A_1534, %max3A_1538 : vector<16xf32>
      %max3A_1545 = arith.maximumf %max3A_1543, %max3A_1544 : vector<16xf32>
      %max3A_1546 = arith.maximumf %max3A_1545, %max3A_1542 : vector<16xf32>
      %sub3A_1547 = arith.subf %max3A_1526, %max3A_1546 : vector<16xf32>
      %exp3A_1548 = math.exp %sub3A_1547 : vector<16xf32>
      %sub3A_1549 = arith.subf %max3A_1530, %max3A_1546 : vector<16xf32>
      %exp3A_1550 = math.exp %sub3A_1549 : vector<16xf32>
      %sub3A_1551 = arith.subf %max3A_1534, %max3A_1546 : vector<16xf32>
      %exp3A_1552 = math.exp %sub3A_1551 : vector<16xf32>
      %sub3A_1553 = arith.subf %max3A_1538, %max3A_1546 : vector<16xf32>
      %exp3A_1554 = math.exp %sub3A_1553 : vector<16xf32>
      %sub3A_1555 = arith.subf %max3A_1542, %max3A_1546 : vector<16xf32>
      %exp3A_1556 = math.exp %sub3A_1555 : vector<16xf32>
      %add3A_1557 = arith.addf %exp3A_1548, %exp3A_1550 : vector<16xf32>
      %add3A_1558 = arith.addf %exp3A_1552, %exp3A_1554 : vector<16xf32>
      %add3A_1559 = arith.addf %add3A_1557, %add3A_1558 : vector<16xf32>
      %add3A_1560 = arith.addf %add3A_1559, %exp3A_1556 : vector<16xf32>
      %div3A_1561 = arith.constant 1.000000e+00 : f32
      %div3A_1562 = vector.broadcast %div3A_1561 : f32 to vector<16xf32>
      %div3A_1563 = arith.divf %div3A_1562, %add3A_1560 : vector<16xf32>
      %mul3A_1564 = arith.mulf %exp3A_1548, %div3A_1563 : vector<16xf32>
      %mul3A_1565 = arith.mulf %exp3A_1550, %div3A_1563 : vector<16xf32>
      %mul3A_1566 = arith.mulf %exp3A_1552, %div3A_1563 : vector<16xf32>
      %mul3A_1567 = arith.mulf %exp3A_1554, %div3A_1563 : vector<16xf32>
      %mul3A_1568 = arith.mulf %exp3A_1556, %div3A_1563 : vector<16xf32>
      %mul3A_1569 = arith.constant 80 : i32
      %mul3A_1570 = arith.muli %mul3A_872, %mul3A_1569 : i32
      %add3A_1571 = arith.constant 64 : i32
      %add3A_1572 = arith.addi %mul3A_1570, %add3A_1571 : i32
      %get3A_1573 = arith.index_cast %add3A_1572 : i32 to index
      %get3A_1574 = tpu.vector_load %arg7[%get3A_1573] {strides = array<i32>} : memref<10000xi32, #tpu.memory_space<vmem>>, vector<16xi32>,
      %mul3A_1575 = arith.constant 80 : i32
      %mul3A_1576 = arith.muli %mul3A_872, %mul3A_1575 : i32
      %add3A_1577 = arith.constant 64 : i32
      %add3A_1578 = arith.addi %mul3A_1576, %add3A_1577 : i32
      %get3A_1579 = arith.index_cast %add3A_1578 : i32 to index
      %get3A_1580 = tpu.vector_load %arg8[%get3A_1579] {strides = array<i32>} : memref<10000xi32, #tpu.memory_space<vmem>>, vector<16xi32>,
      %swap3A_1581 = arith.constant 0 : i32
      %swap3A_1582 = arith.index_cast %swap3A_1581 : i32 to index
      %swap3A_1583 = arith.constant 64 : index
      %swap3A_1584 = tpu.vector_load %arg13[%swap3A_1582, %swap3A_1583] {strides = array<i32>} : memref<8x80xf32, #tpu.memory_space<vmem>>, vector<16xf32>,
      tpu.vector_store %arg13[%swap3A_1582, %swap3A_1583], %mul3A_1564 {strides = array<i32>} : memref<8x80xf32, #tpu.memory_space<vmem>>, vector<16xf32>,
      %add3A_1585 = arith.constant 0 : i32
      %add3A_1586 = vector.broadcast %add3A_1585 : i32 to vector<16xi32>
      %add3A_1587 = arith.addi %get3A_1574, %add3A_1586 : vector<16xi32>
      tpu.vector_store_idx %arg15[%add3A_1587], %mul3A_1564 {add = true} : memref<81920xf32, #tpu.memory_space<vmem>>[vector<16xi32>], vector<16xf32>,
      %add3A_1588 = arith.constant 0 : i32
      %add3A_1589 = vector.broadcast %add3A_1588 : i32 to vector<16xi32>
      %add3A_1590 = arith.addi %get3A_1580, %add3A_1589 : vector<16xi32>
      tpu.vector_store_idx %arg15[%add3A_1590], %mul3A_1564 {add = true} : memref<81920xf32, #tpu.memory_space<vmem>>[vector<16xi32>], vector<16xf32>,
      %swap3A_1591 = arith.constant 1 : i32
      %swap3A_1592 = arith.index_cast %swap3A_1591 : i32 to index
      %swap3A_1593 = arith.constant 64 : index
      %swap3A_1594 = tpu.vector_load %arg13[%swap3A_1592, %swap3A_1593] {strides = array<i32>} : memref<8x80xf32, #tpu.memory_space<vmem>>, vector<16xf32>,
      tpu.vector_store %arg13[%swap3A_1592, %swap3A_1593], %mul3A_1565 {strides = array<i32>} : memref<8x80xf32, #tpu.memory_space<vmem>>, vector<16xf32>,
      %add3A_1595 = arith.constant 10240 : i32
      %add3A_1596 = vector.broadcast %add3A_1595 : i32 to vector<16xi32>
      %add3A_1597 = arith.addi %get3A_1574, %add3A_1596 : vector<16xi32>
      tpu.vector_store_idx %arg15[%add3A_1597], %mul3A_1565 {add = true} : memref<81920xf32, #tpu.memory_space<vmem>>[vector<16xi32>], vector<16xf32>,
      %add3A_1598 = arith.constant 10240 : i32
      %add3A_1599 = vector.broadcast %add3A_1598 : i32 to vector<16xi32>
      %add3A_1600 = arith.addi %get3A_1580, %add3A_1599 : vector<16xi32>
      tpu.vector_store_idx %arg15[%add3A_1600], %mul3A_1565 {add = true} : memref<81920xf32, #tpu.memory_space<vmem>>[vector<16xi32>], vector<16xf32>,
      %swap3A_1601 = arith.constant 2 : i32
      %swap3A_1602 = arith.index_cast %swap3A_1601 : i32 to index
      %swap3A_1603 = arith.constant 64 : index
      %swap3A_1604 = tpu.vector_load %arg13[%swap3A_1602, %swap3A_1603] {strides = array<i32>} : memref<8x80xf32, #tpu.memory_space<vmem>>, vector<16xf32>,
      tpu.vector_store %arg13[%swap3A_1602, %swap3A_1603], %mul3A_1566 {strides = array<i32>} : memref<8x80xf32, #tpu.memory_space<vmem>>, vector<16xf32>,
      %add3A_1605 = arith.constant 20480 : i32
      %add3A_1606 = vector.broadcast %add3A_1605 : i32 to vector<16xi32>
      %add3A_1607 = arith.addi %get3A_1574, %add3A_1606 : vector<16xi32>
      tpu.vector_store_idx %arg15[%add3A_1607], %mul3A_1566 {add = true} : memref<81920xf32, #tpu.memory_space<vmem>>[vector<16xi32>], vector<16xf32>,
      %add3A_1608 = arith.constant 20480 : i32
      %add3A_1609 = vector.broadcast %add3A_1608 : i32 to vector<16xi32>
      %add3A_1610 = arith.addi %get3A_1580, %add3A_1609 : vector<16xi32>
      tpu.vector_store_idx %arg15[%add3A_1610], %mul3A_1566 {add = true} : memref<81920xf32, #tpu.memory_space<vmem>>[vector<16xi32>], vector<16xf32>,
      %swap3A_1611 = arith.constant 3 : i32
      %swap3A_1612 = arith.index_cast %swap3A_1611 : i32 to index
      %swap3A_1613 = arith.constant 64 : index
      %swap3A_1614 = tpu.vector_load %arg13[%swap3A_1612, %swap3A_1613] {strides = array<i32>} : memref<8x80xf32, #tpu.memory_space<vmem>>, vector<16xf32>,
      tpu.vector_store %arg13[%swap3A_1612, %swap3A_1613], %mul3A_1567 {strides = array<i32>} : memref<8x80xf32, #tpu.memory_space<vmem>>, vector<16xf32>,
      %add3A_1615 = arith.constant 30720 : i32
      %add3A_1616 = vector.broadcast %add3A_1615 : i32 to vector<16xi32>
      %add3A_1617 = arith.addi %get3A_1574, %add3A_1616 : vector<16xi32>
      tpu.vector_store_idx %arg15[%add3A_1617], %mul3A_1567 {add = true} : memref<81920xf32, #tpu.memory_space<vmem>>[vector<16xi32>], vector<16xf32>,
      %add3A_1618 = arith.constant 30720 : i32
      %add3A_1619 = vector.broadcast %add3A_1618 : i32 to vector<16xi32>
      %add3A_1620 = arith.addi %get3A_1580, %add3A_1619 : vector<16xi32>
      tpu.vector_store_idx %arg15[%add3A_1620], %mul3A_1567 {add = true} : memref<81920xf32, #tpu.memory_space<vmem>>[vector<16xi32>], vector<16xf32>,
      %swap3A_1621 = arith.constant 4 : i32
      %swap3A_1622 = arith.index_cast %swap3A_1621 : i32 to index
      %swap3A_1623 = arith.constant 64 : index
      %swap3A_1624 = tpu.vector_load %arg13[%swap3A_1622, %swap3A_1623] {strides = array<i32>} : memref<8x80xf32, #tpu.memory_space<vmem>>, vector<16xf32>,
      tpu.vector_store %arg13[%swap3A_1622, %swap3A_1623], %mul3A_1568 {strides = array<i32>} : memref<8x80xf32, #tpu.memory_space<vmem>>, vector<16xf32>,
      %add3A_1625 = arith.constant 40960 : i32
      %add3A_1626 = vector.broadcast %add3A_1625 : i32 to vector<16xi32>
      %add3A_1627 = arith.addi %get3A_1574, %add3A_1626 : vector<16xi32>
      tpu.vector_store_idx %arg15[%add3A_1627], %mul3A_1568 {add = true} : memref<81920xf32, #tpu.memory_space<vmem>>[vector<16xi32>], vector<16xf32>,
      %add3A_1628 = arith.constant 40960 : i32
      %add3A_1629 = vector.broadcast %add3A_1628 : i32 to vector<16xi32>
      %add3A_1630 = arith.addi %get3A_1580, %add3A_1629 : vector<16xi32>
      tpu.vector_store_idx %arg15[%add3A_1630], %mul3A_1568 {add = true} : memref<81920xf32, #tpu.memory_space<vmem>>[vector<16xi32>], vector<16xf32>,
      %mul3A_1631 = arith.constant 80 : i32
      %mul3A_1632 = arith.muli %mul3A_872, %mul3A_1631 : i32
      %dma_start3A_1633 = arith.constant 0 : i32
      %dma_start3A_1634 = tpu.memref_slice %arg5[%add3A, %dma_start3A_1633, %mul3A_1632] : memref<32x8x10000xf32, #tpu.memory_space<hbm>> -> memref<1x8x80xf32, #tpu.memory_space<hbm>>
      %dma_start3A_1635 = tpu.memref_squeeze %dma_start3A_1634 : memref<1x8x80xf32, #tpu.memory_space<hbm>> -> memref<8x80xf32, #tpu.memory_space<hbm>>
      %dma_start3A_1636 = arith.constant 0 : i32
      %dma_start3A_1637 = tpu.memref_slice %arg5[%add3A, %dma_start3A_1636, %mul3A_1632] : memref<32x8x10000xf32, #tpu.memory_space<hbm>> -> memref<1x8x80xf32, #tpu.memory_space<hbm>>
      %dma_start3A_1638 = tpu.memref_squeeze %dma_start3A_1637 : memref<1x8x80xf32, #tpu.memory_space<hbm>> -> memref<8x80xf32, #tpu.memory_space<hbm>>
      tpu.enqueue_dma source(%arg13 : memref<8x80xf32, #tpu.memory_space<vmem>>) target(%dma_start3A_1638 : memref<8x80xf32, #tpu.memory_space<hbm>>) target_semaphore(%arg20 : memref<!tpu.dma_semaphore, #tpu.memory_space<semaphore_mem>>)
      %add3A_1639 = arith.constant 2 : i32
      %add3A_1640 = arith.addi %mul3A_872, %add3A_1639 : i32
      %mul3A_1641 = arith.constant 80 : i32
      %mul3A_1642 = arith.muli %add3A_1640, %mul3A_1641 : i32
      %dma_start3A_1643 = tpu.memref_slice %arg7[%mul3A_1642] : memref<10000xi32, #tpu.memory_space<vmem>> -> memref<80xi32, #tpu.memory_space<vmem>>
      %dma_start3A_1644 = arith.constant 0 : i32
      %dma_start3A_1645 = arith.constant 0 : i32
      %dma_start3A_1646 = tpu.memref_slice %arg2[%dma_start3A_1644, %dma_start3A_1645] : memref<10000x16xf32, #tpu.memory_space<hbm>> -> memref<10000x16xf32, #tpu.memory_space<hbm>>
      tpu.enqueue_indirect_dma source(%dma_start3A_1646 : memref<10000x16xf32, #tpu.memory_space<hbm>>) target(%arg9 : memref<80x16xf32, #tpu.memory_space<vmem>>) offsets(%dma_start3A_1643 : memref<80xi32, #tpu.memory_space<vmem>>) semaphore(%arg16 : memref<!tpu.dma_semaphore, #tpu.memory_space<semaphore_mem>>)
      %mul3A_1647 = arith.constant 80 : i32
      %mul3A_1648 = arith.muli %add3A_1640, %mul3A_1647 : i32
      %dma_start3A_1649 = tpu.memref_slice %arg8[%mul3A_1648] : memref<10000xi32, #tpu.memory_space<vmem>> -> memref<80xi32, #tpu.memory_space<vmem>>
      %dma_start3A_1650 = arith.constant 0 : i32
      %dma_start3A_1651 = arith.constant 0 : i32
      %dma_start3A_1652 = tpu.memref_slice %arg2[%dma_start3A_1650, %dma_start3A_1651] : memref<10000x16xf32, #tpu.memory_space<hbm>> -> memref<10000x16xf32, #tpu.memory_space<hbm>>
      tpu.enqueue_indirect_dma source(%dma_start3A_1652 : memref<10000x16xf32, #tpu.memory_space<hbm>>) target(%arg11 : memref<80x16xf32, #tpu.memory_space<vmem>>) offsets(%dma_start3A_1649 : memref<80xi32, #tpu.memory_space<vmem>>) semaphore(%arg18 : memref<!tpu.dma_semaphore, #tpu.memory_space<semaphore_mem>>)
      %add3A_1653 = arith.constant 1 : i32
      %add3A_1654 = arith.addi %mul3A_872, %add3A_1653 : i32
      %mul3A_1655 = arith.constant 80 : i32
      %mul3A_1656 = arith.muli %add3A_1654, %mul3A_1655 : i32
      %dma_wait3A_1657 = tpu.memref_slice %arg7[%mul3A_1656] : memref<10000xi32, #tpu.memory_space<vmem>> -> memref<80xi32, #tpu.memory_space<vmem>>
      %dma_wait3A_1658 = arith.constant 0 : i32
      %dma_wait3A_1659 = arith.constant 0 : i32
      %dma_wait3A_1660 = tpu.memref_slice %arg2[%dma_wait3A_1658, %dma_wait3A_1659] : memref<10000x16xf32, #tpu.memory_space<hbm>> -> memref<10000x16xf32, #tpu.memory_space<hbm>>
      tpu.wait_indirect_dma semaphore(%arg17 : memref<!tpu.dma_semaphore, #tpu.memory_space<semaphore_mem>>) src(%dma_wait3A_1660 : memref<10000x16xf32, #tpu.memory_space<hbm>>) dst(%arg10 : memref<80x16xf32, #tpu.memory_space<vmem>>)
      %mul3A_1661 = arith.constant 80 : i32
      %mul3A_1662 = arith.muli %add3A_1654, %mul3A_1661 : i32
      %dma_wait3A_1663 = tpu.memref_slice %arg8[%mul3A_1662] : memref<10000xi32, #tpu.memory_space<vmem>> -> memref<80xi32, #tpu.memory_space<vmem>>
      %dma_wait3A_1664 = arith.constant 0 : i32
      %dma_wait3A_1665 = arith.constant 0 : i32
      %dma_wait3A_1666 = tpu.memref_slice %arg2[%dma_wait3A_1664, %dma_wait3A_1665] : memref<10000x16xf32, #tpu.memory_space<hbm>> -> memref<10000x16xf32, #tpu.memory_space<hbm>>
      tpu.wait_indirect_dma semaphore(%arg19 : memref<!tpu.dma_semaphore, #tpu.memory_space<semaphore_mem>>) src(%dma_wait3A_1666 : memref<10000x16xf32, #tpu.memory_space<hbm>>) dst(%arg12 : memref<80x16xf32, #tpu.memory_space<vmem>>)
      %gt3A_1667 = arith.constant 0 : i32
      %gt3A_1668 = arith.cmpi sgt, %scan3A_870, %gt3A_1667 : i32
      %convert_element_type3A_1669 = arith.extui %gt3A_1668 : i1 to i32
      %cond3A_1670 = arith.constant 0 : i32
      %cond3A_1671 = arith.cmpi ne, %convert_element_type3A_1669, %cond3A_1670 : i32
      scf.if %cond3A_1671 {
        %sub3A_2412 = arith.constant 1 : i32
        %sub3A_2413 = arith.subi %mul3A_872, %sub3A_2412 : i32
        %mul3A_2414 = arith.constant 80 : i32
        %mul3A_2415 = arith.muli %sub3A_2413, %mul3A_2414 : i32
        %dma_wait3A_2416 = arith.constant 0 : i32
        %dma_wait3A_2417 = tpu.memref_slice %arg5[%add3A, %dma_wait3A_2416, %mul3A_2415] : memref<32x8x10000xf32, #tpu.memory_space<hbm>> -> memref<1x8x80xf32, #tpu.memory_space<hbm>>
        %dma_wait3A_2418 = tpu.memref_squeeze %dma_wait3A_2417 : memref<1x8x80xf32, #tpu.memory_space<hbm>> -> memref<8x80xf32, #tpu.memory_space<hbm>>
        %dma_wait3A_2419 = arith.constant 0 : i32
        %dma_wait3A_2420 = tpu.memref_slice %arg5[%add3A, %dma_wait3A_2419, %mul3A_2415] : memref<32x8x10000xf32, #tpu.memory_space<hbm>> -> memref<1x8x80xf32, #tpu.memory_space<hbm>>
        %dma_wait3A_2421 = tpu.memref_squeeze %dma_wait3A_2420 : memref<1x8x80xf32, #tpu.memory_space<hbm>> -> memref<8x80xf32, #tpu.memory_space<hbm>>
        tpu.wait_dma2 semaphore(%arg21 : memref<!tpu.dma_semaphore, #tpu.memory_space<semaphore_mem>>) src(%arg14 : memref<8x80xf32, #tpu.memory_space<vmem>>) dst(%dma_wait3A_2421 : memref<8x80xf32, #tpu.memory_space<hbm>>)
      } else {
      }
      %add3A_1672 = arith.constant 1 : i32
      %add3A_1673 = arith.addi %mul3A_872, %add3A_1672 : i32
      %add3A_1674 = arith.constant 0 : i32
      %add3A_1675 = vector.broadcast %add3A_1674 : i32 to vector<16xi32>
      %add3A_1676 = arith.addi %iota3A, %add3A_1675 : vector<16xi32>
      %broadcast_in_dim3A_1677 = arith.constant 0 : i32
      %broadcast_in_dim3A_1678 = vector.broadcast %broadcast_in_dim3A_1677 : i32 to vector<16xi32>
      %gather3A_1679 = tpu.vector_load_idx %arg10[%add3A_1676, %broadcast_in_dim3A_1678] : memref<80x16xf32, #tpu.memory_space<vmem>>[vector<16xi32>, vector<16xi32>], vector<16xf32>,
      %broadcast_in_dim3A_1680 = arith.constant 1 : i32
      %broadcast_in_dim3A_1681 = vector.broadcast %broadcast_in_dim3A_1680 : i32 to vector<16xi32>
      %gather3A_1682 = tpu.vector_load_idx %arg10[%add3A_1676, %broadcast_in_dim3A_1681] : memref<80x16xf32, #tpu.memory_space<vmem>>[vector<16xi32>, vector<16xi32>], vector<16xf32>,
      %broadcast_in_dim3A_1683 = arith.constant 2 : i32
      %broadcast_in_dim3A_1684 = vector.broadcast %broadcast_in_dim3A_1683 : i32 to vector<16xi32>
      %gather3A_1685 = tpu.vector_load_idx %arg10[%add3A_1676, %broadcast_in_dim3A_1684] : memref<80x16xf32, #tpu.memory_space<vmem>>[vector<16xi32>, vector<16xi32>], vector<16xf32>,
      %broadcast_in_dim3A_1686 = arith.constant 3 : i32
      %broadcast_in_dim3A_1687 = vector.broadcast %broadcast_in_dim3A_1686 : i32 to vector<16xi32>
      %gather3A_1688 = tpu.vector_load_idx %arg10[%add3A_1676, %broadcast_in_dim3A_1687] : memref<80x16xf32, #tpu.memory_space<vmem>>[vector<16xi32>, vector<16xi32>], vector<16xf32>,
      %broadcast_in_dim3A_1689 = arith.constant 4 : i32
      %broadcast_in_dim3A_1690 = vector.broadcast %broadcast_in_dim3A_1689 : i32 to vector<16xi32>
      %gather3A_1691 = tpu.vector_load_idx %arg10[%add3A_1676, %broadcast_in_dim3A_1690] : memref<80x16xf32, #tpu.memory_space<vmem>>[vector<16xi32>, vector<16xi32>], vector<16xf32>,
      %broadcast_in_dim3A_1692 = arith.constant 5 : i32
      %broadcast_in_dim3A_1693 = vector.broadcast %broadcast_in_dim3A_1692 : i32 to vector<16xi32>
      %gather3A_1694 = tpu.vector_load_idx %arg12[%add3A_1676, %broadcast_in_dim3A_1693] : memref<80x16xf32, #tpu.memory_space<vmem>>[vector<16xi32>, vector<16xi32>], vector<16xf32>,
      %broadcast_in_dim3A_1695 = arith.constant 6 : i32
      %broadcast_in_dim3A_1696 = vector.broadcast %broadcast_in_dim3A_1695 : i32 to vector<16xi32>
      %gather3A_1697 = tpu.vector_load_idx %arg12[%add3A_1676, %broadcast_in_dim3A_1696] : memref<80x16xf32, #tpu.memory_space<vmem>>[vector<16xi32>, vector<16xi32>], vector<16xf32>,
      %broadcast_in_dim3A_1698 = arith.constant 7 : i32
      %broadcast_in_dim3A_1699 = vector.broadcast %broadcast_in_dim3A_1698 : i32 to vector<16xi32>
      %gather3A_1700 = tpu.vector_load_idx %arg12[%add3A_1676, %broadcast_in_dim3A_1699] : memref<80x16xf32, #tpu.memory_space<vmem>>[vector<16xi32>, vector<16xi32>], vector<16xf32>,
      %broadcast_in_dim3A_1701 = arith.constant 8 : i32
      %broadcast_in_dim3A_1702 = vector.broadcast %broadcast_in_dim3A_1701 : i32 to vector<16xi32>
      %gather3A_1703 = tpu.vector_load_idx %arg12[%add3A_1676, %broadcast_in_dim3A_1702] : memref<80x16xf32, #tpu.memory_space<vmem>>[vector<16xi32>, vector<16xi32>], vector<16xf32>,
      %broadcast_in_dim3A_1704 = arith.constant 9 : i32
      %broadcast_in_dim3A_1705 = vector.broadcast %broadcast_in_dim3A_1704 : i32 to vector<16xi32>
      %gather3A_1706 = tpu.vector_load_idx %arg12[%add3A_1676, %broadcast_in_dim3A_1705] : memref<80x16xf32, #tpu.memory_space<vmem>>[vector<16xi32>, vector<16xi32>], vector<16xf32>,
      %add3A_1707 = arith.addf %gather3A_1679, %gather3A_1694 : vector<16xf32>
      %add3A_1708 = arith.addf %gather3A_1682, %gather3A_1697 : vector<16xf32>
      %add3A_1709 = arith.addf %gather3A_1685, %gather3A_1700 : vector<16xf32>
      %add3A_1710 = arith.addf %gather3A_1688, %gather3A_1703 : vector<16xf32>
      %add3A_1711 = arith.addf %gather3A_1691, %gather3A_1706 : vector<16xf32>
      %mul3A_1712 = arith.constant 0.00999999977 : f32
      %mul3A_1713 = vector.broadcast %mul3A_1712 : f32 to vector<16xf32>
      %mul3A_1714 = arith.mulf %add3A_1707, %mul3A_1713 : vector<16xf32>
      %max3A_1715 = arith.maximumf %add3A_1707, %mul3A_1714 : vector<16xf32>
      %mul3A_1716 = arith.constant 0.00999999977 : f32
      %mul3A_1717 = vector.broadcast %mul3A_1716 : f32 to vector<16xf32>
      %mul3A_1718 = arith.mulf %add3A_1708, %mul3A_1717 : vector<16xf32>
      %max3A_1719 = arith.maximumf %add3A_1708, %mul3A_1718 : vector<16xf32>
      %mul3A_1720 = arith.constant 0.00999999977 : f32
      %mul3A_1721 = vector.broadcast %mul3A_1720 : f32 to vector<16xf32>
      %mul3A_1722 = arith.mulf %add3A_1709, %mul3A_1721 : vector<16xf32>
      %max3A_1723 = arith.maximumf %add3A_1709, %mul3A_1722 : vector<16xf32>
      %mul3A_1724 = arith.constant 0.00999999977 : f32
      %mul3A_1725 = vector.broadcast %mul3A_1724 : f32 to vector<16xf32>
      %mul3A_1726 = arith.mulf %add3A_1710, %mul3A_1725 : vector<16xf32>
      %max3A_1727 = arith.maximumf %add3A_1710, %mul3A_1726 : vector<16xf32>
      %mul3A_1728 = arith.constant 0.00999999977 : f32
      %mul3A_1729 = vector.broadcast %mul3A_1728 : f32 to vector<16xf32>
      %mul3A_1730 = arith.mulf %add3A_1711, %mul3A_1729 : vector<16xf32>
      %max3A_1731 = arith.maximumf %add3A_1711, %mul3A_1730 : vector<16xf32>
      %max3A_1732 = arith.maximumf %max3A_1715, %max3A_1719 : vector<16xf32>
      %max3A_1733 = arith.maximumf %max3A_1723, %max3A_1727 : vector<16xf32>
      %max3A_1734 = arith.maximumf %max3A_1732, %max3A_1733 : vector<16xf32>
      %max3A_1735 = arith.maximumf %max3A_1734, %max3A_1731 : vector<16xf32>
      %sub3A_1736 = arith.subf %max3A_1715, %max3A_1735 : vector<16xf32>
      %exp3A_1737 = math.exp %sub3A_1736 : vector<16xf32>
      %sub3A_1738 = arith.subf %max3A_1719, %max3A_1735 : vector<16xf32>
      %exp3A_1739 = math.exp %sub3A_1738 : vector<16xf32>
      %sub3A_1740 = arith.subf %max3A_1723, %max3A_1735 : vector<16xf32>
      %exp3A_1741 = math.exp %sub3A_1740 : vector<16xf32>
      %sub3A_1742 = arith.subf %max3A_1727, %max3A_1735 : vector<16xf32>
      %exp3A_1743 = math.exp %sub3A_1742 : vector<16xf32>
      %sub3A_1744 = arith.subf %max3A_1731, %max3A_1735 : vector<16xf32>
      %exp3A_1745 = math.exp %sub3A_1744 : vector<16xf32>
      %add3A_1746 = arith.addf %exp3A_1737, %exp3A_1739 : vector<16xf32>
      %add3A_1747 = arith.addf %exp3A_1741, %exp3A_1743 : vector<16xf32>
      %add3A_1748 = arith.addf %add3A_1746, %add3A_1747 : vector<16xf32>
      %add3A_1749 = arith.addf %add3A_1748, %exp3A_1745 : vector<16xf32>
      %div3A_1750 = arith.constant 1.000000e+00 : f32
      %div3A_1751 = vector.broadcast %div3A_1750 : f32 to vector<16xf32>
      %div3A_1752 = arith.divf %div3A_1751, %add3A_1749 : vector<16xf32>
      %mul3A_1753 = arith.mulf %exp3A_1737, %div3A_1752 : vector<16xf32>
      %mul3A_1754 = arith.mulf %exp3A_1739, %div3A_1752 : vector<16xf32>
      %mul3A_1755 = arith.mulf %exp3A_1741, %div3A_1752 : vector<16xf32>
      %mul3A_1756 = arith.mulf %exp3A_1743, %div3A_1752 : vector<16xf32>
      %mul3A_1757 = arith.mulf %exp3A_1745, %div3A_1752 : vector<16xf32>
      %mul3A_1758 = arith.constant 80 : i32
      %mul3A_1759 = arith.muli %add3A_1673, %mul3A_1758 : i32
      %add3A_1760 = arith.constant 0 : i32
      %add3A_1761 = arith.addi %mul3A_1759, %add3A_1760 : i32
      %get3A_1762 = arith.index_cast %add3A_1761 : i32 to index
      %get3A_1763 = tpu.vector_load %arg7[%get3A_1762] {strides = array<i32>} : memref<10000xi32, #tpu.memory_space<vmem>>, vector<16xi32>,
      %mul3A_1764 = arith.constant 80 : i32
      %mul3A_1765 = arith.muli %add3A_1673, %mul3A_1764 : i32
      %add3A_1766 = arith.constant 0 : i32
      %add3A_1767 = arith.addi %mul3A_1765, %add3A_1766 : i32
      %get3A_1768 = arith.index_cast %add3A_1767 : i32 to index
      %get3A_1769 = tpu.vector_load %arg8[%get3A_1768] {strides = array<i32>} : memref<10000xi32, #tpu.memory_space<vmem>>, vector<16xi32>,
      %swap3A_1770 = arith.constant 0 : i32
      %swap3A_1771 = arith.index_cast %swap3A_1770 : i32 to index
      %swap3A_1772 = arith.constant 0 : index
      %swap3A_1773 = tpu.vector_load %arg14[%swap3A_1771, %swap3A_1772] {strides = array<i32>} : memref<8x80xf32, #tpu.memory_space<vmem>>, vector<16xf32>,
      tpu.vector_store %arg14[%swap3A_1771, %swap3A_1772], %mul3A_1753 {strides = array<i32>} : memref<8x80xf32, #tpu.memory_space<vmem>>, vector<16xf32>,
      %add3A_1774 = arith.constant 0 : i32
      %add3A_1775 = vector.broadcast %add3A_1774 : i32 to vector<16xi32>
      %add3A_1776 = arith.addi %get3A_1763, %add3A_1775 : vector<16xi32>
      tpu.vector_store_idx %arg15[%add3A_1776], %mul3A_1753 {add = true} : memref<81920xf32, #tpu.memory_space<vmem>>[vector<16xi32>], vector<16xf32>,
      %add3A_1777 = arith.constant 0 : i32
      %add3A_1778 = vector.broadcast %add3A_1777 : i32 to vector<16xi32>
      %add3A_1779 = arith.addi %get3A_1769, %add3A_1778 : vector<16xi32>
      tpu.vector_store_idx %arg15[%add3A_1779], %mul3A_1753 {add = true} : memref<81920xf32, #tpu.memory_space<vmem>>[vector<16xi32>], vector<16xf32>,
      %swap3A_1780 = arith.constant 1 : i32
      %swap3A_1781 = arith.index_cast %swap3A_1780 : i32 to index
      %swap3A_1782 = arith.constant 0 : index
      %swap3A_1783 = tpu.vector_load %arg14[%swap3A_1781, %swap3A_1782] {strides = array<i32>} : memref<8x80xf32, #tpu.memory_space<vmem>>, vector<16xf32>,
      tpu.vector_store %arg14[%swap3A_1781, %swap3A_1782], %mul3A_1754 {strides = array<i32>} : memref<8x80xf32, #tpu.memory_space<vmem>>, vector<16xf32>,
      %add3A_1784 = arith.constant 10240 : i32
      %add3A_1785 = vector.broadcast %add3A_1784 : i32 to vector<16xi32>
      %add3A_1786 = arith.addi %get3A_1763, %add3A_1785 : vector<16xi32>
      tpu.vector_store_idx %arg15[%add3A_1786], %mul3A_1754 {add = true} : memref<81920xf32, #tpu.memory_space<vmem>>[vector<16xi32>], vector<16xf32>,
      %add3A_1787 = arith.constant 10240 : i32
      %add3A_1788 = vector.broadcast %add3A_1787 : i32 to vector<16xi32>
      %add3A_1789 = arith.addi %get3A_1769, %add3A_1788 : vector<16xi32>
      tpu.vector_store_idx %arg15[%add3A_1789], %mul3A_1754 {add = true} : memref<81920xf32, #tpu.memory_space<vmem>>[vector<16xi32>], vector<16xf32>,
      %swap3A_1790 = arith.constant 2 : i32
      %swap3A_1791 = arith.index_cast %swap3A_1790 : i32 to index
      %swap3A_1792 = arith.constant 0 : index
      %swap3A_1793 = tpu.vector_load %arg14[%swap3A_1791, %swap3A_1792] {strides = array<i32>} : memref<8x80xf32, #tpu.memory_space<vmem>>, vector<16xf32>,
      tpu.vector_store %arg14[%swap3A_1791, %swap3A_1792], %mul3A_1755 {strides = array<i32>} : memref<8x80xf32, #tpu.memory_space<vmem>>, vector<16xf32>,
      %add3A_1794 = arith.constant 20480 : i32
      %add3A_1795 = vector.broadcast %add3A_1794 : i32 to vector<16xi32>
      %add3A_1796 = arith.addi %get3A_1763, %add3A_1795 : vector<16xi32>
      tpu.vector_store_idx %arg15[%add3A_1796], %mul3A_1755 {add = true} : memref<81920xf32, #tpu.memory_space<vmem>>[vector<16xi32>], vector<16xf32>,
      %add3A_1797 = arith.constant 20480 : i32
      %add3A_1798 = vector.broadcast %add3A_1797 : i32 to vector<16xi32>
      %add3A_1799 = arith.addi %get3A_1769, %add3A_1798 : vector<16xi32>
      tpu.vector_store_idx %arg15[%add3A_1799], %mul3A_1755 {add = true} : memref<81920xf32, #tpu.memory_space<vmem>>[vector<16xi32>], vector<16xf32>,
      %swap3A_1800 = arith.constant 3 : i32
      %swap3A_1801 = arith.index_cast %swap3A_1800 : i32 to index
      %swap3A_1802 = arith.constant 0 : index
      %swap3A_1803 = tpu.vector_load %arg14[%swap3A_1801, %swap3A_1802] {strides = array<i32>} : memref<8x80xf32, #tpu.memory_space<vmem>>, vector<16xf32>,
      tpu.vector_store %arg14[%swap3A_1801, %swap3A_1802], %mul3A_1756 {strides = array<i32>} : memref<8x80xf32, #tpu.memory_space<vmem>>, vector<16xf32>,
      %add3A_1804 = arith.constant 30720 : i32
      %add3A_1805 = vector.broadcast %add3A_1804 : i32 to vector<16xi32>
      %add3A_1806 = arith.addi %get3A_1763, %add3A_1805 : vector<16xi32>
      tpu.vector_store_idx %arg15[%add3A_1806], %mul3A_1756 {add = true} : memref<81920xf32, #tpu.memory_space<vmem>>[vector<16xi32>], vector<16xf32>,
      %add3A_1807 = arith.constant 30720 : i32
      %add3A_1808 = vector.broadcast %add3A_1807 : i32 to vector<16xi32>
      %add3A_1809 = arith.addi %get3A_1769, %add3A_1808 : vector<16xi32>
      tpu.vector_store_idx %arg15[%add3A_1809], %mul3A_1756 {add = true} : memref<81920xf32, #tpu.memory_space<vmem>>[vector<16xi32>], vector<16xf32>,
      %swap3A_1810 = arith.constant 4 : i32
      %swap3A_1811 = arith.index_cast %swap3A_1810 : i32 to index
      %swap3A_1812 = arith.constant 0 : index
      %swap3A_1813 = tpu.vector_load %arg14[%swap3A_1811, %swap3A_1812] {strides = array<i32>} : memref<8x80xf32, #tpu.memory_space<vmem>>, vector<16xf32>,
      tpu.vector_store %arg14[%swap3A_1811, %swap3A_1812], %mul3A_1757 {strides = array<i32>} : memref<8x80xf32, #tpu.memory_space<vmem>>, vector<16xf32>,
      %add3A_1814 = arith.constant 40960 : i32
      %add3A_1815 = vector.broadcast %add3A_1814 : i32 to vector<16xi32>
      %add3A_1816 = arith.addi %get3A_1763, %add3A_1815 : vector<16xi32>
      tpu.vector_store_idx %arg15[%add3A_1816], %mul3A_1757 {add = true} : memref<81920xf32, #tpu.memory_space<vmem>>[vector<16xi32>], vector<16xf32>,
      %add3A_1817 = arith.constant 40960 : i32
      %add3A_1818 = vector.broadcast %add3A_1817 : i32 to vector<16xi32>
      %add3A_1819 = arith.addi %get3A_1769, %add3A_1818 : vector<16xi32>
      tpu.vector_store_idx %arg15[%add3A_1819], %mul3A_1757 {add = true} : memref<81920xf32, #tpu.memory_space<vmem>>[vector<16xi32>], vector<16xf32>,
      %add3A_1820 = arith.constant 16 : i32
      %add3A_1821 = vector.broadcast %add3A_1820 : i32 to vector<16xi32>
      %add3A_1822 = arith.addi %iota3A, %add3A_1821 : vector<16xi32>
      %broadcast_in_dim3A_1823 = arith.constant 0 : i32
      %broadcast_in_dim3A_1824 = vector.broadcast %broadcast_in_dim3A_1823 : i32 to vector<16xi32>
      %gather3A_1825 = tpu.vector_load_idx %arg10[%add3A_1822, %broadcast_in_dim3A_1824] : memref<80x16xf32, #tpu.memory_space<vmem>>[vector<16xi32>, vector<16xi32>], vector<16xf32>,
      %broadcast_in_dim3A_1826 = arith.constant 1 : i32
      %broadcast_in_dim3A_1827 = vector.broadcast %broadcast_in_dim3A_1826 : i32 to vector<16xi32>
      %gather3A_1828 = tpu.vector_load_idx %arg10[%add3A_1822, %broadcast_in_dim3A_1827] : memref<80x16xf32, #tpu.memory_space<vmem>>[vector<16xi32>, vector<16xi32>], vector<16xf32>,
      %broadcast_in_dim3A_1829 = arith.constant 2 : i32
      %broadcast_in_dim3A_1830 = vector.broadcast %broadcast_in_dim3A_1829 : i32 to vector<16xi32>
      %gather3A_1831 = tpu.vector_load_idx %arg10[%add3A_1822, %broadcast_in_dim3A_1830] : memref<80x16xf32, #tpu.memory_space<vmem>>[vector<16xi32>, vector<16xi32>], vector<16xf32>,
      %broadcast_in_dim3A_1832 = arith.constant 3 : i32
      %broadcast_in_dim3A_1833 = vector.broadcast %broadcast_in_dim3A_1832 : i32 to vector<16xi32>
      %gather3A_1834 = tpu.vector_load_idx %arg10[%add3A_1822, %broadcast_in_dim3A_1833] : memref<80x16xf32, #tpu.memory_space<vmem>>[vector<16xi32>, vector<16xi32>], vector<16xf32>,
      %broadcast_in_dim3A_1835 = arith.constant 4 : i32
      %broadcast_in_dim3A_1836 = vector.broadcast %broadcast_in_dim3A_1835 : i32 to vector<16xi32>
      %gather3A_1837 = tpu.vector_load_idx %arg10[%add3A_1822, %broadcast_in_dim3A_1836] : memref<80x16xf32, #tpu.memory_space<vmem>>[vector<16xi32>, vector<16xi32>], vector<16xf32>,
      %broadcast_in_dim3A_1838 = arith.constant 5 : i32
      %broadcast_in_dim3A_1839 = vector.broadcast %broadcast_in_dim3A_1838 : i32 to vector<16xi32>
      %gather3A_1840 = tpu.vector_load_idx %arg12[%add3A_1822, %broadcast_in_dim3A_1839] : memref<80x16xf32, #tpu.memory_space<vmem>>[vector<16xi32>, vector<16xi32>], vector<16xf32>,
      %broadcast_in_dim3A_1841 = arith.constant 6 : i32
      %broadcast_in_dim3A_1842 = vector.broadcast %broadcast_in_dim3A_1841 : i32 to vector<16xi32>
      %gather3A_1843 = tpu.vector_load_idx %arg12[%add3A_1822, %broadcast_in_dim3A_1842] : memref<80x16xf32, #tpu.memory_space<vmem>>[vector<16xi32>, vector<16xi32>], vector<16xf32>,
      %broadcast_in_dim3A_1844 = arith.constant 7 : i32
      %broadcast_in_dim3A_1845 = vector.broadcast %broadcast_in_dim3A_1844 : i32 to vector<16xi32>
      %gather3A_1846 = tpu.vector_load_idx %arg12[%add3A_1822, %broadcast_in_dim3A_1845] : memref<80x16xf32, #tpu.memory_space<vmem>>[vector<16xi32>, vector<16xi32>], vector<16xf32>,
      %broadcast_in_dim3A_1847 = arith.constant 8 : i32
      %broadcast_in_dim3A_1848 = vector.broadcast %broadcast_in_dim3A_1847 : i32 to vector<16xi32>
      %gather3A_1849 = tpu.vector_load_idx %arg12[%add3A_1822, %broadcast_in_dim3A_1848] : memref<80x16xf32, #tpu.memory_space<vmem>>[vector<16xi32>, vector<16xi32>], vector<16xf32>,
      %broadcast_in_dim3A_1850 = arith.constant 9 : i32
      %broadcast_in_dim3A_1851 = vector.broadcast %broadcast_in_dim3A_1850 : i32 to vector<16xi32>
      %gather3A_1852 = tpu.vector_load_idx %arg12[%add3A_1822, %broadcast_in_dim3A_1851] : memref<80x16xf32, #tpu.memory_space<vmem>>[vector<16xi32>, vector<16xi32>], vector<16xf32>,
      %add3A_1853 = arith.addf %gather3A_1825, %gather3A_1840 : vector<16xf32>
      %add3A_1854 = arith.addf %gather3A_1828, %gather3A_1843 : vector<16xf32>
      %add3A_1855 = arith.addf %gather3A_1831, %gather3A_1846 : vector<16xf32>
      %add3A_1856 = arith.addf %gather3A_1834, %gather3A_1849 : vector<16xf32>
      %add3A_1857 = arith.addf %gather3A_1837, %gather3A_1852 : vector<16xf32>
      %mul3A_1858 = arith.constant 0.00999999977 : f32
      %mul3A_1859 = vector.broadcast %mul3A_1858 : f32 to vector<16xf32>
      %mul3A_1860 = arith.mulf %add3A_1853, %mul3A_1859 : vector<16xf32>
      %max3A_1861 = arith.maximumf %add3A_1853, %mul3A_1860 : vector<16xf32>
      %mul3A_1862 = arith.constant 0.00999999977 : f32
      %mul3A_1863 = vector.broadcast %mul3A_1862 : f32 to vector<16xf32>
      %mul3A_1864 = arith.mulf %add3A_1854, %mul3A_1863 : vector<16xf32>
      %max3A_1865 = arith.maximumf %add3A_1854, %mul3A_1864 : vector<16xf32>
      %mul3A_1866 = arith.constant 0.00999999977 : f32
      %mul3A_1867 = vector.broadcast %mul3A_1866 : f32 to vector<16xf32>
      %mul3A_1868 = arith.mulf %add3A_1855, %mul3A_1867 : vector<16xf32>
      %max3A_1869 = arith.maximumf %add3A_1855, %mul3A_1868 : vector<16xf32>
      %mul3A_1870 = arith.constant 0.00999999977 : f32
      %mul3A_1871 = vector.broadcast %mul3A_1870 : f32 to vector<16xf32>
      %mul3A_1872 = arith.mulf %add3A_1856, %mul3A_1871 : vector<16xf32>
      %max3A_1873 = arith.maximumf %add3A_1856, %mul3A_1872 : vector<16xf32>
      %mul3A_1874 = arith.constant 0.00999999977 : f32
      %mul3A_1875 = vector.broadcast %mul3A_1874 : f32 to vector<16xf32>
      %mul3A_1876 = arith.mulf %add3A_1857, %mul3A_1875 : vector<16xf32>
      %max3A_1877 = arith.maximumf %add3A_1857, %mul3A_1876 : vector<16xf32>
      %max3A_1878 = arith.maximumf %max3A_1861, %max3A_1865 : vector<16xf32>
      %max3A_1879 = arith.maximumf %max3A_1869, %max3A_1873 : vector<16xf32>
      %max3A_1880 = arith.maximumf %max3A_1878, %max3A_1879 : vector<16xf32>
      %max3A_1881 = arith.maximumf %max3A_1880, %max3A_1877 : vector<16xf32>
      %sub3A_1882 = arith.subf %max3A_1861, %max3A_1881 : vector<16xf32>
      %exp3A_1883 = math.exp %sub3A_1882 : vector<16xf32>
      %sub3A_1884 = arith.subf %max3A_1865, %max3A_1881 : vector<16xf32>
      %exp3A_1885 = math.exp %sub3A_1884 : vector<16xf32>
      %sub3A_1886 = arith.subf %max3A_1869, %max3A_1881 : vector<16xf32>
      %exp3A_1887 = math.exp %sub3A_1886 : vector<16xf32>
      %sub3A_1888 = arith.subf %max3A_1873, %max3A_1881 : vector<16xf32>
      %exp3A_1889 = math.exp %sub3A_1888 : vector<16xf32>
      %sub3A_1890 = arith.subf %max3A_1877, %max3A_1881 : vector<16xf32>
      %exp3A_1891 = math.exp %sub3A_1890 : vector<16xf32>
      %add3A_1892 = arith.addf %exp3A_1883, %exp3A_1885 : vector<16xf32>
      %add3A_1893 = arith.addf %exp3A_1887, %exp3A_1889 : vector<16xf32>
      %add3A_1894 = arith.addf %add3A_1892, %add3A_1893 : vector<16xf32>
      %add3A_1895 = arith.addf %add3A_1894, %exp3A_1891 : vector<16xf32>
      %div3A_1896 = arith.constant 1.000000e+00 : f32
      %div3A_1897 = vector.broadcast %div3A_1896 : f32 to vector<16xf32>
      %div3A_1898 = arith.divf %div3A_1897, %add3A_1895 : vector<16xf32>
      %mul3A_1899 = arith.mulf %exp3A_1883, %div3A_1898 : vector<16xf32>
      %mul3A_1900 = arith.mulf %exp3A_1885, %div3A_1898 : vector<16xf32>
      %mul3A_1901 = arith.mulf %exp3A_1887, %div3A_1898 : vector<16xf32>
      %mul3A_1902 = arith.mulf %exp3A_1889, %div3A_1898 : vector<16xf32>
      %mul3A_1903 = arith.mulf %exp3A_1891, %div3A_1898 : vector<16xf32>
      %mul3A_1904 = arith.constant 80 : i32
      %mul3A_1905 = arith.muli %add3A_1673, %mul3A_1904 : i32
      %add3A_1906 = arith.constant 16 : i32
      %add3A_1907 = arith.addi %mul3A_1905, %add3A_1906 : i32
      %get3A_1908 = arith.index_cast %add3A_1907 : i32 to index
      %get3A_1909 = tpu.vector_load %arg7[%get3A_1908] {strides = array<i32>} : memref<10000xi32, #tpu.memory_space<vmem>>, vector<16xi32>,
      %mul3A_1910 = arith.constant 80 : i32
      %mul3A_1911 = arith.muli %add3A_1673, %mul3A_1910 : i32
      %add3A_1912 = arith.constant 16 : i32
      %add3A_1913 = arith.addi %mul3A_1911, %add3A_1912 : i32
      %get3A_1914 = arith.index_cast %add3A_1913 : i32 to index
      %get3A_1915 = tpu.vector_load %arg8[%get3A_1914] {strides = array<i32>} : memref<10000xi32, #tpu.memory_space<vmem>>, vector<16xi32>,
      %swap3A_1916 = arith.constant 0 : i32
      %swap3A_1917 = arith.index_cast %swap3A_1916 : i32 to index
      %swap3A_1918 = arith.constant 16 : index
      %swap3A_1919 = tpu.vector_load %arg14[%swap3A_1917, %swap3A_1918] {strides = array<i32>} : memref<8x80xf32, #tpu.memory_space<vmem>>, vector<16xf32>,
      tpu.vector_store %arg14[%swap3A_1917, %swap3A_1918], %mul3A_1899 {strides = array<i32>} : memref<8x80xf32, #tpu.memory_space<vmem>>, vector<16xf32>,
      %add3A_1920 = arith.constant 0 : i32
      %add3A_1921 = vector.broadcast %add3A_1920 : i32 to vector<16xi32>
      %add3A_1922 = arith.addi %get3A_1909, %add3A_1921 : vector<16xi32>
      tpu.vector_store_idx %arg15[%add3A_1922], %mul3A_1899 {add = true} : memref<81920xf32, #tpu.memory_space<vmem>>[vector<16xi32>], vector<16xf32>,
      %add3A_1923 = arith.constant 0 : i32
      %add3A_1924 = vector.broadcast %add3A_1923 : i32 to vector<16xi32>
      %add3A_1925 = arith.addi %get3A_1915, %add3A_1924 : vector<16xi32>
      tpu.vector_store_idx %arg15[%add3A_1925], %mul3A_1899 {add = true} : memref<81920xf32, #tpu.memory_space<vmem>>[vector<16xi32>], vector<16xf32>,
      %swap3A_1926 = arith.constant 1 : i32
      %swap3A_1927 = arith.index_cast %swap3A_1926 : i32 to index
      %swap3A_1928 = arith.constant 16 : index
      %swap3A_1929 = tpu.vector_load %arg14[%swap3A_1927, %swap3A_1928] {strides = array<i32>} : memref<8x80xf32, #tpu.memory_space<vmem>>, vector<16xf32>,
      tpu.vector_store %arg14[%swap3A_1927, %swap3A_1928], %mul3A_1900 {strides = array<i32>} : memref<8x80xf32, #tpu.memory_space<vmem>>, vector<16xf32>,
      %add3A_1930 = arith.constant 10240 : i32
      %add3A_1931 = vector.broadcast %add3A_1930 : i32 to vector<16xi32>
      %add3A_1932 = arith.addi %get3A_1909, %add3A_1931 : vector<16xi32>
      tpu.vector_store_idx %arg15[%add3A_1932], %mul3A_1900 {add = true} : memref<81920xf32, #tpu.memory_space<vmem>>[vector<16xi32>], vector<16xf32>,
      %add3A_1933 = arith.constant 10240 : i32
      %add3A_1934 = vector.broadcast %add3A_1933 : i32 to vector<16xi32>
      %add3A_1935 = arith.addi %get3A_1915, %add3A_1934 : vector<16xi32>
      tpu.vector_store_idx %arg15[%add3A_1935], %mul3A_1900 {add = true} : memref<81920xf32, #tpu.memory_space<vmem>>[vector<16xi32>], vector<16xf32>,
      %swap3A_1936 = arith.constant 2 : i32
      %swap3A_1937 = arith.index_cast %swap3A_1936 : i32 to index
      %swap3A_1938 = arith.constant 16 : index
      %swap3A_1939 = tpu.vector_load %arg14[%swap3A_1937, %swap3A_1938] {strides = array<i32>} : memref<8x80xf32, #tpu.memory_space<vmem>>, vector<16xf32>,
      tpu.vector_store %arg14[%swap3A_1937, %swap3A_1938], %mul3A_1901 {strides = array<i32>} : memref<8x80xf32, #tpu.memory_space<vmem>>, vector<16xf32>,
      %add3A_1940 = arith.constant 20480 : i32
      %add3A_1941 = vector.broadcast %add3A_1940 : i32 to vector<16xi32>
      %add3A_1942 = arith.addi %get3A_1909, %add3A_1941 : vector<16xi32>
      tpu.vector_store_idx %arg15[%add3A_1942], %mul3A_1901 {add = true} : memref<81920xf32, #tpu.memory_space<vmem>>[vector<16xi32>], vector<16xf32>,
      %add3A_1943 = arith.constant 20480 : i32
      %add3A_1944 = vector.broadcast %add3A_1943 : i32 to vector<16xi32>
      %add3A_1945 = arith.addi %get3A_1915, %add3A_1944 : vector<16xi32>
      tpu.vector_store_idx %arg15[%add3A_1945], %mul3A_1901 {add = true} : memref<81920xf32, #tpu.memory_space<vmem>>[vector<16xi32>], vector<16xf32>,
      %swap3A_1946 = arith.constant 3 : i32
      %swap3A_1947 = arith.index_cast %swap3A_1946 : i32 to index
      %swap3A_1948 = arith.constant 16 : index
      %swap3A_1949 = tpu.vector_load %arg14[%swap3A_1947, %swap3A_1948] {strides = array<i32>} : memref<8x80xf32, #tpu.memory_space<vmem>>, vector<16xf32>,
      tpu.vector_store %arg14[%swap3A_1947, %swap3A_1948], %mul3A_1902 {strides = array<i32>} : memref<8x80xf32, #tpu.memory_space<vmem>>, vector<16xf32>,
      %add3A_1950 = arith.constant 30720 : i32
      %add3A_1951 = vector.broadcast %add3A_1950 : i32 to vector<16xi32>
      %add3A_1952 = arith.addi %get3A_1909, %add3A_1951 : vector<16xi32>
      tpu.vector_store_idx %arg15[%add3A_1952], %mul3A_1902 {add = true} : memref<81920xf32, #tpu.memory_space<vmem>>[vector<16xi32>], vector<16xf32>,
      %add3A_1953 = arith.constant 30720 : i32
      %add3A_1954 = vector.broadcast %add3A_1953 : i32 to vector<16xi32>
      %add3A_1955 = arith.addi %get3A_1915, %add3A_1954 : vector<16xi32>
      tpu.vector_store_idx %arg15[%add3A_1955], %mul3A_1902 {add = true} : memref<81920xf32, #tpu.memory_space<vmem>>[vector<16xi32>], vector<16xf32>,
      %swap3A_1956 = arith.constant 4 : i32
      %swap3A_1957 = arith.index_cast %swap3A_1956 : i32 to index
      %swap3A_1958 = arith.constant 16 : index
      %swap3A_1959 = tpu.vector_load %arg14[%swap3A_1957, %swap3A_1958] {strides = array<i32>} : memref<8x80xf32, #tpu.memory_space<vmem>>, vector<16xf32>,
      tpu.vector_store %arg14[%swap3A_1957, %swap3A_1958], %mul3A_1903 {strides = array<i32>} : memref<8x80xf32, #tpu.memory_space<vmem>>, vector<16xf32>,
      %add3A_1960 = arith.constant 40960 : i32
      %add3A_1961 = vector.broadcast %add3A_1960 : i32 to vector<16xi32>
      %add3A_1962 = arith.addi %get3A_1909, %add3A_1961 : vector<16xi32>
      tpu.vector_store_idx %arg15[%add3A_1962], %mul3A_1903 {add = true} : memref<81920xf32, #tpu.memory_space<vmem>>[vector<16xi32>], vector<16xf32>,
      %add3A_1963 = arith.constant 40960 : i32
      %add3A_1964 = vector.broadcast %add3A_1963 : i32 to vector<16xi32>
      %add3A_1965 = arith.addi %get3A_1915, %add3A_1964 : vector<16xi32>
      tpu.vector_store_idx %arg15[%add3A_1965], %mul3A_1903 {add = true} : memref<81920xf32, #tpu.memory_space<vmem>>[vector<16xi32>], vector<16xf32>,
      %add3A_1966 = arith.constant 32 : i32
      %add3A_1967 = vector.broadcast %add3A_1966 : i32 to vector<16xi32>
      %add3A_1968 = arith.addi %iota3A, %add3A_1967 : vector<16xi32>
      %broadcast_in_dim3A_1969 = arith.constant 0 : i32
      %broadcast_in_dim3A_1970 = vector.broadcast %broadcast_in_dim3A_1969 : i32 to vector<16xi32>
      %gather3A_1971 = tpu.vector_load_idx %arg10[%add3A_1968, %broadcast_in_dim3A_1970] : memref<80x16xf32, #tpu.memory_space<vmem>>[vector<16xi32>, vector<16xi32>], vector<16xf32>,
      %broadcast_in_dim3A_1972 = arith.constant 1 : i32
      %broadcast_in_dim3A_1973 = vector.broadcast %broadcast_in_dim3A_1972 : i32 to vector<16xi32>
      %gather3A_1974 = tpu.vector_load_idx %arg10[%add3A_1968, %broadcast_in_dim3A_1973] : memref<80x16xf32, #tpu.memory_space<vmem>>[vector<16xi32>, vector<16xi32>], vector<16xf32>,
      %broadcast_in_dim3A_1975 = arith.constant 2 : i32
      %broadcast_in_dim3A_1976 = vector.broadcast %broadcast_in_dim3A_1975 : i32 to vector<16xi32>
      %gather3A_1977 = tpu.vector_load_idx %arg10[%add3A_1968, %broadcast_in_dim3A_1976] : memref<80x16xf32, #tpu.memory_space<vmem>>[vector<16xi32>, vector<16xi32>], vector<16xf32>,
      %broadcast_in_dim3A_1978 = arith.constant 3 : i32
      %broadcast_in_dim3A_1979 = vector.broadcast %broadcast_in_dim3A_1978 : i32 to vector<16xi32>
      %gather3A_1980 = tpu.vector_load_idx %arg10[%add3A_1968, %broadcast_in_dim3A_1979] : memref<80x16xf32, #tpu.memory_space<vmem>>[vector<16xi32>, vector<16xi32>], vector<16xf32>,
      %broadcast_in_dim3A_1981 = arith.constant 4 : i32
      %broadcast_in_dim3A_1982 = vector.broadcast %broadcast_in_dim3A_1981 : i32 to vector<16xi32>
      %gather3A_1983 = tpu.vector_load_idx %arg10[%add3A_1968, %broadcast_in_dim3A_1982] : memref<80x16xf32, #tpu.memory_space<vmem>>[vector<16xi32>, vector<16xi32>], vector<16xf32>,
      %broadcast_in_dim3A_1984 = arith.constant 5 : i32
      %broadcast_in_dim3A_1985 = vector.broadcast %broadcast_in_dim3A_1984 : i32 to vector<16xi32>
      %gather3A_1986 = tpu.vector_load_idx %arg12[%add3A_1968, %broadcast_in_dim3A_1985] : memref<80x16xf32, #tpu.memory_space<vmem>>[vector<16xi32>, vector<16xi32>], vector<16xf32>,
      %broadcast_in_dim3A_1987 = arith.constant 6 : i32
      %broadcast_in_dim3A_1988 = vector.broadcast %broadcast_in_dim3A_1987 : i32 to vector<16xi32>
      %gather3A_1989 = tpu.vector_load_idx %arg12[%add3A_1968, %broadcast_in_dim3A_1988] : memref<80x16xf32, #tpu.memory_space<vmem>>[vector<16xi32>, vector<16xi32>], vector<16xf32>,
      %broadcast_in_dim3A_1990 = arith.constant 7 : i32
      %broadcast_in_dim3A_1991 = vector.broadcast %broadcast_in_dim3A_1990 : i32 to vector<16xi32>
      %gather3A_1992 = tpu.vector_load_idx %arg12[%add3A_1968, %broadcast_in_dim3A_1991] : memref<80x16xf32, #tpu.memory_space<vmem>>[vector<16xi32>, vector<16xi32>], vector<16xf32>,
      %broadcast_in_dim3A_1993 = arith.constant 8 : i32
      %broadcast_in_dim3A_1994 = vector.broadcast %broadcast_in_dim3A_1993 : i32 to vector<16xi32>
      %gather3A_1995 = tpu.vector_load_idx %arg12[%add3A_1968, %broadcast_in_dim3A_1994] : memref<80x16xf32, #tpu.memory_space<vmem>>[vector<16xi32>, vector<16xi32>], vector<16xf32>,
      %broadcast_in_dim3A_1996 = arith.constant 9 : i32
      %broadcast_in_dim3A_1997 = vector.broadcast %broadcast_in_dim3A_1996 : i32 to vector<16xi32>
      %gather3A_1998 = tpu.vector_load_idx %arg12[%add3A_1968, %broadcast_in_dim3A_1997] : memref<80x16xf32, #tpu.memory_space<vmem>>[vector<16xi32>, vector<16xi32>], vector<16xf32>,
      %add3A_1999 = arith.addf %gather3A_1971, %gather3A_1986 : vector<16xf32>
      %add3A_2000 = arith.addf %gather3A_1974, %gather3A_1989 : vector<16xf32>
      %add3A_2001 = arith.addf %gather3A_1977, %gather3A_1992 : vector<16xf32>
      %add3A_2002 = arith.addf %gather3A_1980, %gather3A_1995 : vector<16xf32>
      %add3A_2003 = arith.addf %gather3A_1983, %gather3A_1998 : vector<16xf32>
      %mul3A_2004 = arith.constant 0.00999999977 : f32
      %mul3A_2005 = vector.broadcast %mul3A_2004 : f32 to vector<16xf32>
      %mul3A_2006 = arith.mulf %add3A_1999, %mul3A_2005 : vector<16xf32>
      %max3A_2007 = arith.maximumf %add3A_1999, %mul3A_2006 : vector<16xf32>
      %mul3A_2008 = arith.constant 0.00999999977 : f32
      %mul3A_2009 = vector.broadcast %mul3A_2008 : f32 to vector<16xf32>
      %mul3A_2010 = arith.mulf %add3A_2000, %mul3A_2009 : vector<16xf32>
      %max3A_2011 = arith.maximumf %add3A_2000, %mul3A_2010 : vector<16xf32>
      %mul3A_2012 = arith.constant 0.00999999977 : f32
      %mul3A_2013 = vector.broadcast %mul3A_2012 : f32 to vector<16xf32>
      %mul3A_2014 = arith.mulf %add3A_2001, %mul3A_2013 : vector<16xf32>
      %max3A_2015 = arith.maximumf %add3A_2001, %mul3A_2014 : vector<16xf32>
      %mul3A_2016 = arith.constant 0.00999999977 : f32
      %mul3A_2017 = vector.broadcast %mul3A_2016 : f32 to vector<16xf32>
      %mul3A_2018 = arith.mulf %add3A_2002, %mul3A_2017 : vector<16xf32>
      %max3A_2019 = arith.maximumf %add3A_2002, %mul3A_2018 : vector<16xf32>
      %mul3A_2020 = arith.constant 0.00999999977 : f32
      %mul3A_2021 = vector.broadcast %mul3A_2020 : f32 to vector<16xf32>
      %mul3A_2022 = arith.mulf %add3A_2003, %mul3A_2021 : vector<16xf32>
      %max3A_2023 = arith.maximumf %add3A_2003, %mul3A_2022 : vector<16xf32>
      %max3A_2024 = arith.maximumf %max3A_2007, %max3A_2011 : vector<16xf32>
      %max3A_2025 = arith.maximumf %max3A_2015, %max3A_2019 : vector<16xf32>
      %max3A_2026 = arith.maximumf %max3A_2024, %max3A_2025 : vector<16xf32>
      %max3A_2027 = arith.maximumf %max3A_2026, %max3A_2023 : vector<16xf32>
      %sub3A_2028 = arith.subf %max3A_2007, %max3A_2027 : vector<16xf32>
      %exp3A_2029 = math.exp %sub3A_2028 : vector<16xf32>
      %sub3A_2030 = arith.subf %max3A_2011, %max3A_2027 : vector<16xf32>
      %exp3A_2031 = math.exp %sub3A_2030 : vector<16xf32>
      %sub3A_2032 = arith.subf %max3A_2015, %max3A_2027 : vector<16xf32>
      %exp3A_2033 = math.exp %sub3A_2032 : vector<16xf32>
      %sub3A_2034 = arith.subf %max3A_2019, %max3A_2027 : vector<16xf32>
      %exp3A_2035 = math.exp %sub3A_2034 : vector<16xf32>
      %sub3A_2036 = arith.subf %max3A_2023, %max3A_2027 : vector<16xf32>
      %exp3A_2037 = math.exp %sub3A_2036 : vector<16xf32>
      %add3A_2038 = arith.addf %exp3A_2029, %exp3A_2031 : vector<16xf32>
      %add3A_2039 = arith.addf %exp3A_2033, %exp3A_2035 : vector<16xf32>
      %add3A_2040 = arith.addf %add3A_2038, %add3A_2039 : vector<16xf32>
      %add3A_2041 = arith.addf %add3A_2040, %exp3A_2037 : vector<16xf32>
      %div3A_2042 = arith.constant 1.000000e+00 : f32
      %div3A_2043 = vector.broadcast %div3A_2042 : f32 to vector<16xf32>
      %div3A_2044 = arith.divf %div3A_2043, %add3A_2041 : vector<16xf32>
      %mul3A_2045 = arith.mulf %exp3A_2029, %div3A_2044 : vector<16xf32>
      %mul3A_2046 = arith.mulf %exp3A_2031, %div3A_2044 : vector<16xf32>
      %mul3A_2047 = arith.mulf %exp3A_2033, %div3A_2044 : vector<16xf32>
      %mul3A_2048 = arith.mulf %exp3A_2035, %div3A_2044 : vector<16xf32>
      %mul3A_2049 = arith.mulf %exp3A_2037, %div3A_2044 : vector<16xf32>
      %mul3A_2050 = arith.constant 80 : i32
      %mul3A_2051 = arith.muli %add3A_1673, %mul3A_2050 : i32
      %add3A_2052 = arith.constant 32 : i32
      %add3A_2053 = arith.addi %mul3A_2051, %add3A_2052 : i32
      %get3A_2054 = arith.index_cast %add3A_2053 : i32 to index
      %get3A_2055 = tpu.vector_load %arg7[%get3A_2054] {strides = array<i32>} : memref<10000xi32, #tpu.memory_space<vmem>>, vector<16xi32>,
      %mul3A_2056 = arith.constant 80 : i32
      %mul3A_2057 = arith.muli %add3A_1673, %mul3A_2056 : i32
      %add3A_2058 = arith.constant 32 : i32
      %add3A_2059 = arith.addi %mul3A_2057, %add3A_2058 : i32
      %get3A_2060 = arith.index_cast %add3A_2059 : i32 to index
      %get3A_2061 = tpu.vector_load %arg8[%get3A_2060] {strides = array<i32>} : memref<10000xi32, #tpu.memory_space<vmem>>, vector<16xi32>,
      %swap3A_2062 = arith.constant 0 : i32
      %swap3A_2063 = arith.index_cast %swap3A_2062 : i32 to index
      %swap3A_2064 = arith.constant 32 : index
      %swap3A_2065 = tpu.vector_load %arg14[%swap3A_2063, %swap3A_2064] {strides = array<i32>} : memref<8x80xf32, #tpu.memory_space<vmem>>, vector<16xf32>,
      tpu.vector_store %arg14[%swap3A_2063, %swap3A_2064], %mul3A_2045 {strides = array<i32>} : memref<8x80xf32, #tpu.memory_space<vmem>>, vector<16xf32>,
      %add3A_2066 = arith.constant 0 : i32
      %add3A_2067 = vector.broadcast %add3A_2066 : i32 to vector<16xi32>
      %add3A_2068 = arith.addi %get3A_2055, %add3A_2067 : vector<16xi32>
      tpu.vector_store_idx %arg15[%add3A_2068], %mul3A_2045 {add = true} : memref<81920xf32, #tpu.memory_space<vmem>>[vector<16xi32>], vector<16xf32>,
      %add3A_2069 = arith.constant 0 : i32
      %add3A_2070 = vector.broadcast %add3A_2069 : i32 to vector<16xi32>
      %add3A_2071 = arith.addi %get3A_2061, %add3A_2070 : vector<16xi32>
      tpu.vector_store_idx %arg15[%add3A_2071], %mul3A_2045 {add = true} : memref<81920xf32, #tpu.memory_space<vmem>>[vector<16xi32>], vector<16xf32>,
      %swap3A_2072 = arith.constant 1 : i32
      %swap3A_2073 = arith.index_cast %swap3A_2072 : i32 to index
      %swap3A_2074 = arith.constant 32 : index
      %swap3A_2075 = tpu.vector_load %arg14[%swap3A_2073, %swap3A_2074] {strides = array<i32>} : memref<8x80xf32, #tpu.memory_space<vmem>>, vector<16xf32>,
      tpu.vector_store %arg14[%swap3A_2073, %swap3A_2074], %mul3A_2046 {strides = array<i32>} : memref<8x80xf32, #tpu.memory_space<vmem>>, vector<16xf32>,
      %add3A_2076 = arith.constant 10240 : i32
      %add3A_2077 = vector.broadcast %add3A_2076 : i32 to vector<16xi32>
      %add3A_2078 = arith.addi %get3A_2055, %add3A_2077 : vector<16xi32>
      tpu.vector_store_idx %arg15[%add3A_2078], %mul3A_2046 {add = true} : memref<81920xf32, #tpu.memory_space<vmem>>[vector<16xi32>], vector<16xf32>,
      %add3A_2079 = arith.constant 10240 : i32
      %add3A_2080 = vector.broadcast %add3A_2079 : i32 to vector<16xi32>
      %add3A_2081 = arith.addi %get3A_2061, %add3A_2080 : vector<16xi32>
      tpu.vector_store_idx %arg15[%add3A_2081], %mul3A_2046 {add = true} : memref<81920xf32, #tpu.memory_space<vmem>>[vector<16xi32>], vector<16xf32>,
      %swap3A_2082 = arith.constant 2 : i32
      %swap3A_2083 = arith.index_cast %swap3A_2082 : i32 to index
      %swap3A_2084 = arith.constant 32 : index
      %swap3A_2085 = tpu.vector_load %arg14[%swap3A_2083, %swap3A_2084] {strides = array<i32>} : memref<8x80xf32, #tpu.memory_space<vmem>>, vector<16xf32>,
      tpu.vector_store %arg14[%swap3A_2083, %swap3A_2084], %mul3A_2047 {strides = array<i32>} : memref<8x80xf32, #tpu.memory_space<vmem>>, vector<16xf32>,
      %add3A_2086 = arith.constant 20480 : i32
      %add3A_2087 = vector.broadcast %add3A_2086 : i32 to vector<16xi32>
      %add3A_2088 = arith.addi %get3A_2055, %add3A_2087 : vector<16xi32>
      tpu.vector_store_idx %arg15[%add3A_2088], %mul3A_2047 {add = true} : memref<81920xf32, #tpu.memory_space<vmem>>[vector<16xi32>], vector<16xf32>,
      %add3A_2089 = arith.constant 20480 : i32
      %add3A_2090 = vector.broadcast %add3A_2089 : i32 to vector<16xi32>
      %add3A_2091 = arith.addi %get3A_2061, %add3A_2090 : vector<16xi32>
      tpu.vector_store_idx %arg15[%add3A_2091], %mul3A_2047 {add = true} : memref<81920xf32, #tpu.memory_space<vmem>>[vector<16xi32>], vector<16xf32>,
      %swap3A_2092 = arith.constant 3 : i32
      %swap3A_2093 = arith.index_cast %swap3A_2092 : i32 to index
      %swap3A_2094 = arith.constant 32 : index
      %swap3A_2095 = tpu.vector_load %arg14[%swap3A_2093, %swap3A_2094] {strides = array<i32>} : memref<8x80xf32, #tpu.memory_space<vmem>>, vector<16xf32>,
      tpu.vector_store %arg14[%swap3A_2093, %swap3A_2094], %mul3A_2048 {strides = array<i32>} : memref<8x80xf32, #tpu.memory_space<vmem>>, vector<16xf32>,
      %add3A_2096 = arith.constant 30720 : i32
      %add3A_2097 = vector.broadcast %add3A_2096 : i32 to vector<16xi32>
      %add3A_2098 = arith.addi %get3A_2055, %add3A_2097 : vector<16xi32>
      tpu.vector_store_idx %arg15[%add3A_2098], %mul3A_2048 {add = true} : memref<81920xf32, #tpu.memory_space<vmem>>[vector<16xi32>], vector<16xf32>,
      %add3A_2099 = arith.constant 30720 : i32
      %add3A_2100 = vector.broadcast %add3A_2099 : i32 to vector<16xi32>
      %add3A_2101 = arith.addi %get3A_2061, %add3A_2100 : vector<16xi32>
      tpu.vector_store_idx %arg15[%add3A_2101], %mul3A_2048 {add = true} : memref<81920xf32, #tpu.memory_space<vmem>>[vector<16xi32>], vector<16xf32>,
      %swap3A_2102 = arith.constant 4 : i32
      %swap3A_2103 = arith.index_cast %swap3A_2102 : i32 to index
      %swap3A_2104 = arith.constant 32 : index
      %swap3A_2105 = tpu.vector_load %arg14[%swap3A_2103, %swap3A_2104] {strides = array<i32>} : memref<8x80xf32, #tpu.memory_space<vmem>>, vector<16xf32>,
      tpu.vector_store %arg14[%swap3A_2103, %swap3A_2104], %mul3A_2049 {strides = array<i32>} : memref<8x80xf32, #tpu.memory_space<vmem>>, vector<16xf32>,
      %add3A_2106 = arith.constant 40960 : i32
      %add3A_2107 = vector.broadcast %add3A_2106 : i32 to vector<16xi32>
      %add3A_2108 = arith.addi %get3A_2055, %add3A_2107 : vector<16xi32>
      tpu.vector_store_idx %arg15[%add3A_2108], %mul3A_2049 {add = true} : memref<81920xf32, #tpu.memory_space<vmem>>[vector<16xi32>], vector<16xf32>,
      %add3A_2109 = arith.constant 40960 : i32
      %add3A_2110 = vector.broadcast %add3A_2109 : i32 to vector<16xi32>
      %add3A_2111 = arith.addi %get3A_2061, %add3A_2110 : vector<16xi32>
      tpu.vector_store_idx %arg15[%add3A_2111], %mul3A_2049 {add = true} : memref<81920xf32, #tpu.memory_space<vmem>>[vector<16xi32>], vector<16xf32>,
      %add3A_2112 = arith.constant 48 : i32
      %add3A_2113 = vector.broadcast %add3A_2112 : i32 to vector<16xi32>
      %add3A_2114 = arith.addi %iota3A, %add3A_2113 : vector<16xi32>
      %broadcast_in_dim3A_2115 = arith.constant 0 : i32
      %broadcast_in_dim3A_2116 = vector.broadcast %broadcast_in_dim3A_2115 : i32 to vector<16xi32>
      %gather3A_2117 = tpu.vector_load_idx %arg10[%add3A_2114, %broadcast_in_dim3A_2116] : memref<80x16xf32, #tpu.memory_space<vmem>>[vector<16xi32>, vector<16xi32>], vector<16xf32>,
      %broadcast_in_dim3A_2118 = arith.constant 1 : i32
      %broadcast_in_dim3A_2119 = vector.broadcast %broadcast_in_dim3A_2118 : i32 to vector<16xi32>
      %gather3A_2120 = tpu.vector_load_idx %arg10[%add3A_2114, %broadcast_in_dim3A_2119] : memref<80x16xf32, #tpu.memory_space<vmem>>[vector<16xi32>, vector<16xi32>], vector<16xf32>,
      %broadcast_in_dim3A_2121 = arith.constant 2 : i32
      %broadcast_in_dim3A_2122 = vector.broadcast %broadcast_in_dim3A_2121 : i32 to vector<16xi32>
      %gather3A_2123 = tpu.vector_load_idx %arg10[%add3A_2114, %broadcast_in_dim3A_2122] : memref<80x16xf32, #tpu.memory_space<vmem>>[vector<16xi32>, vector<16xi32>], vector<16xf32>,
      %broadcast_in_dim3A_2124 = arith.constant 3 : i32
      %broadcast_in_dim3A_2125 = vector.broadcast %broadcast_in_dim3A_2124 : i32 to vector<16xi32>
      %gather3A_2126 = tpu.vector_load_idx %arg10[%add3A_2114, %broadcast_in_dim3A_2125] : memref<80x16xf32, #tpu.memory_space<vmem>>[vector<16xi32>, vector<16xi32>], vector<16xf32>,
      %broadcast_in_dim3A_2127 = arith.constant 4 : i32
      %broadcast_in_dim3A_2128 = vector.broadcast %broadcast_in_dim3A_2127 : i32 to vector<16xi32>
      %gather3A_2129 = tpu.vector_load_idx %arg10[%add3A_2114, %broadcast_in_dim3A_2128] : memref<80x16xf32, #tpu.memory_space<vmem>>[vector<16xi32>, vector<16xi32>], vector<16xf32>,
      %broadcast_in_dim3A_2130 = arith.constant 5 : i32
      %broadcast_in_dim3A_2131 = vector.broadcast %broadcast_in_dim3A_2130 : i32 to vector<16xi32>
      %gather3A_2132 = tpu.vector_load_idx %arg12[%add3A_2114, %broadcast_in_dim3A_2131] : memref<80x16xf32, #tpu.memory_space<vmem>>[vector<16xi32>, vector<16xi32>], vector<16xf32>,
      %broadcast_in_dim3A_2133 = arith.constant 6 : i32
      %broadcast_in_dim3A_2134 = vector.broadcast %broadcast_in_dim3A_2133 : i32 to vector<16xi32>
      %gather3A_2135 = tpu.vector_load_idx %arg12[%add3A_2114, %broadcast_in_dim3A_2134] : memref<80x16xf32, #tpu.memory_space<vmem>>[vector<16xi32>, vector<16xi32>], vector<16xf32>,
      %broadcast_in_dim3A_2136 = arith.constant 7 : i32
      %broadcast_in_dim3A_2137 = vector.broadcast %broadcast_in_dim3A_2136 : i32 to vector<16xi32>
      %gather3A_2138 = tpu.vector_load_idx %arg12[%add3A_2114, %broadcast_in_dim3A_2137] : memref<80x16xf32, #tpu.memory_space<vmem>>[vector<16xi32>, vector<16xi32>], vector<16xf32>,
      %broadcast_in_dim3A_2139 = arith.constant 8 : i32
      %broadcast_in_dim3A_2140 = vector.broadcast %broadcast_in_dim3A_2139 : i32 to vector<16xi32>
      %gather3A_2141 = tpu.vector_load_idx %arg12[%add3A_2114, %broadcast_in_dim3A_2140] : memref<80x16xf32, #tpu.memory_space<vmem>>[vector<16xi32>, vector<16xi32>], vector<16xf32>,
      %broadcast_in_dim3A_2142 = arith.constant 9 : i32
      %broadcast_in_dim3A_2143 = vector.broadcast %broadcast_in_dim3A_2142 : i32 to vector<16xi32>
      %gather3A_2144 = tpu.vector_load_idx %arg12[%add3A_2114, %broadcast_in_dim3A_2143] : memref<80x16xf32, #tpu.memory_space<vmem>>[vector<16xi32>, vector<16xi32>], vector<16xf32>,
      %add3A_2145 = arith.addf %gather3A_2117, %gather3A_2132 : vector<16xf32>
      %add3A_2146 = arith.addf %gather3A_2120, %gather3A_2135 : vector<16xf32>
      %add3A_2147 = arith.addf %gather3A_2123, %gather3A_2138 : vector<16xf32>
      %add3A_2148 = arith.addf %gather3A_2126, %gather3A_2141 : vector<16xf32>
      %add3A_2149 = arith.addf %gather3A_2129, %gather3A_2144 : vector<16xf32>
      %mul3A_2150 = arith.constant 0.00999999977 : f32
      %mul3A_2151 = vector.broadcast %mul3A_2150 : f32 to vector<16xf32>
      %mul3A_2152 = arith.mulf %add3A_2145, %mul3A_2151 : vector<16xf32>
      %max3A_2153 = arith.maximumf %add3A_2145, %mul3A_2152 : vector<16xf32>
      %mul3A_2154 = arith.constant 0.00999999977 : f32
      %mul3A_2155 = vector.broadcast %mul3A_2154 : f32 to vector<16xf32>
      %mul3A_2156 = arith.mulf %add3A_2146, %mul3A_2155 : vector<16xf32>
      %max3A_2157 = arith.maximumf %add3A_2146, %mul3A_2156 : vector<16xf32>
      %mul3A_2158 = arith.constant 0.00999999977 : f32
      %mul3A_2159 = vector.broadcast %mul3A_2158 : f32 to vector<16xf32>
      %mul3A_2160 = arith.mulf %add3A_2147, %mul3A_2159 : vector<16xf32>
      %max3A_2161 = arith.maximumf %add3A_2147, %mul3A_2160 : vector<16xf32>
      %mul3A_2162 = arith.constant 0.00999999977 : f32
      %mul3A_2163 = vector.broadcast %mul3A_2162 : f32 to vector<16xf32>
      %mul3A_2164 = arith.mulf %add3A_2148, %mul3A_2163 : vector<16xf32>
      %max3A_2165 = arith.maximumf %add3A_2148, %mul3A_2164 : vector<16xf32>
      %mul3A_2166 = arith.constant 0.00999999977 : f32
      %mul3A_2167 = vector.broadcast %mul3A_2166 : f32 to vector<16xf32>
      %mul3A_2168 = arith.mulf %add3A_2149, %mul3A_2167 : vector<16xf32>
      %max3A_2169 = arith.maximumf %add3A_2149, %mul3A_2168 : vector<16xf32>
      %max3A_2170 = arith.maximumf %max3A_2153, %max3A_2157 : vector<16xf32>
      %max3A_2171 = arith.maximumf %max3A_2161, %max3A_2165 : vector<16xf32>
      %max3A_2172 = arith.maximumf %max3A_2170, %max3A_2171 : vector<16xf32>
      %max3A_2173 = arith.maximumf %max3A_2172, %max3A_2169 : vector<16xf32>
      %sub3A_2174 = arith.subf %max3A_2153, %max3A_2173 : vector<16xf32>
      %exp3A_2175 = math.exp %sub3A_2174 : vector<16xf32>
      %sub3A_2176 = arith.subf %max3A_2157, %max3A_2173 : vector<16xf32>
      %exp3A_2177 = math.exp %sub3A_2176 : vector<16xf32>
      %sub3A_2178 = arith.subf %max3A_2161, %max3A_2173 : vector<16xf32>
      %exp3A_2179 = math.exp %sub3A_2178 : vector<16xf32>
      %sub3A_2180 = arith.subf %max3A_2165, %max3A_2173 : vector<16xf32>
      %exp3A_2181 = math.exp %sub3A_2180 : vector<16xf32>
      %sub3A_2182 = arith.subf %max3A_2169, %max3A_2173 : vector<16xf32>
      %exp3A_2183 = math.exp %sub3A_2182 : vector<16xf32>
      %add3A_2184 = arith.addf %exp3A_2175, %exp3A_2177 : vector<16xf32>
      %add3A_2185 = arith.addf %exp3A_2179, %exp3A_2181 : vector<16xf32>
      %add3A_2186 = arith.addf %add3A_2184, %add3A_2185 : vector<16xf32>
      %add3A_2187 = arith.addf %add3A_2186, %exp3A_2183 : vector<16xf32>
      %div3A_2188 = arith.constant 1.000000e+00 : f32
      %div3A_2189 = vector.broadcast %div3A_2188 : f32 to vector<16xf32>
      %div3A_2190 = arith.divf %div3A_2189, %add3A_2187 : vector<16xf32>
      %mul3A_2191 = arith.mulf %exp3A_2175, %div3A_2190 : vector<16xf32>
      %mul3A_2192 = arith.mulf %exp3A_2177, %div3A_2190 : vector<16xf32>
      %mul3A_2193 = arith.mulf %exp3A_2179, %div3A_2190 : vector<16xf32>
      %mul3A_2194 = arith.mulf %exp3A_2181, %div3A_2190 : vector<16xf32>
      %mul3A_2195 = arith.mulf %exp3A_2183, %div3A_2190 : vector<16xf32>
      %mul3A_2196 = arith.constant 80 : i32
      %mul3A_2197 = arith.muli %add3A_1673, %mul3A_2196 : i32
      %add3A_2198 = arith.constant 48 : i32
      %add3A_2199 = arith.addi %mul3A_2197, %add3A_2198 : i32
      %get3A_2200 = arith.index_cast %add3A_2199 : i32 to index
      %get3A_2201 = tpu.vector_load %arg7[%get3A_2200] {strides = array<i32>} : memref<10000xi32, #tpu.memory_space<vmem>>, vector<16xi32>,
      %mul3A_2202 = arith.constant 80 : i32
      %mul3A_2203 = arith.muli %add3A_1673, %mul3A_2202 : i32
      %add3A_2204 = arith.constant 48 : i32
      %add3A_2205 = arith.addi %mul3A_2203, %add3A_2204 : i32
      %get3A_2206 = arith.index_cast %add3A_2205 : i32 to index
      %get3A_2207 = tpu.vector_load %arg8[%get3A_2206] {strides = array<i32>} : memref<10000xi32, #tpu.memory_space<vmem>>, vector<16xi32>,
      %swap3A_2208 = arith.constant 0 : i32
      %swap3A_2209 = arith.index_cast %swap3A_2208 : i32 to index
      %swap3A_2210 = arith.constant 48 : index
      %swap3A_2211 = tpu.vector_load %arg14[%swap3A_2209, %swap3A_2210] {strides = array<i32>} : memref<8x80xf32, #tpu.memory_space<vmem>>, vector<16xf32>,
      tpu.vector_store %arg14[%swap3A_2209, %swap3A_2210], %mul3A_2191 {strides = array<i32>} : memref<8x80xf32, #tpu.memory_space<vmem>>, vector<16xf32>,
      %add3A_2212 = arith.constant 0 : i32
      %add3A_2213 = vector.broadcast %add3A_2212 : i32 to vector<16xi32>
      %add3A_2214 = arith.addi %get3A_2201, %add3A_2213 : vector<16xi32>
      tpu.vector_store_idx %arg15[%add3A_2214], %mul3A_2191 {add = true} : memref<81920xf32, #tpu.memory_space<vmem>>[vector<16xi32>], vector<16xf32>,
      %add3A_2215 = arith.constant 0 : i32
      %add3A_2216 = vector.broadcast %add3A_2215 : i32 to vector<16xi32>
      %add3A_2217 = arith.addi %get3A_2207, %add3A_2216 : vector<16xi32>
      tpu.vector_store_idx %arg15[%add3A_2217], %mul3A_2191 {add = true} : memref<81920xf32, #tpu.memory_space<vmem>>[vector<16xi32>], vector<16xf32>,
      %swap3A_2218 = arith.constant 1 : i32
      %swap3A_2219 = arith.index_cast %swap3A_2218 : i32 to index
      %swap3A_2220 = arith.constant 48 : index
      %swap3A_2221 = tpu.vector_load %arg14[%swap3A_2219, %swap3A_2220] {strides = array<i32>} : memref<8x80xf32, #tpu.memory_space<vmem>>, vector<16xf32>,
      tpu.vector_store %arg14[%swap3A_2219, %swap3A_2220], %mul3A_2192 {strides = array<i32>} : memref<8x80xf32, #tpu.memory_space<vmem>>, vector<16xf32>,
      %add3A_2222 = arith.constant 10240 : i32
      %add3A_2223 = vector.broadcast %add3A_2222 : i32 to vector<16xi32>
      %add3A_2224 = arith.addi %get3A_2201, %add3A_2223 : vector<16xi32>
      tpu.vector_store_idx %arg15[%add3A_2224], %mul3A_2192 {add = true} : memref<81920xf32, #tpu.memory_space<vmem>>[vector<16xi32>], vector<16xf32>,
      %add3A_2225 = arith.constant 10240 : i32
      %add3A_2226 = vector.broadcast %add3A_2225 : i32 to vector<16xi32>
      %add3A_2227 = arith.addi %get3A_2207, %add3A_2226 : vector<16xi32>
      tpu.vector_store_idx %arg15[%add3A_2227], %mul3A_2192 {add = true} : memref<81920xf32, #tpu.memory_space<vmem>>[vector<16xi32>], vector<16xf32>,
      %swap3A_2228 = arith.constant 2 : i32
      %swap3A_2229 = arith.index_cast %swap3A_2228 : i32 to index
      %swap3A_2230 = arith.constant 48 : index
      %swap3A_2231 = tpu.vector_load %arg14[%swap3A_2229, %swap3A_2230] {strides = array<i32>} : memref<8x80xf32, #tpu.memory_space<vmem>>, vector<16xf32>,
      tpu.vector_store %arg14[%swap3A_2229, %swap3A_2230], %mul3A_2193 {strides = array<i32>} : memref<8x80xf32, #tpu.memory_space<vmem>>, vector<16xf32>,
      %add3A_2232 = arith.constant 20480 : i32
      %add3A_2233 = vector.broadcast %add3A_2232 : i32 to vector<16xi32>
      %add3A_2234 = arith.addi %get3A_2201, %add3A_2233 : vector<16xi32>
      tpu.vector_store_idx %arg15[%add3A_2234], %mul3A_2193 {add = true} : memref<81920xf32, #tpu.memory_space<vmem>>[vector<16xi32>], vector<16xf32>,
      %add3A_2235 = arith.constant 20480 : i32
      %add3A_2236 = vector.broadcast %add3A_2235 : i32 to vector<16xi32>
      %add3A_2237 = arith.addi %get3A_2207, %add3A_2236 : vector<16xi32>
      tpu.vector_store_idx %arg15[%add3A_2237], %mul3A_2193 {add = true} : memref<81920xf32, #tpu.memory_space<vmem>>[vector<16xi32>], vector<16xf32>,
      %swap3A_2238 = arith.constant 3 : i32
      %swap3A_2239 = arith.index_cast %swap3A_2238 : i32 to index
      %swap3A_2240 = arith.constant 48 : index
      %swap3A_2241 = tpu.vector_load %arg14[%swap3A_2239, %swap3A_2240] {strides = array<i32>} : memref<8x80xf32, #tpu.memory_space<vmem>>, vector<16xf32>,
      tpu.vector_store %arg14[%swap3A_2239, %swap3A_2240], %mul3A_2194 {strides = array<i32>} : memref<8x80xf32, #tpu.memory_space<vmem>>, vector<16xf32>,
      %add3A_2242 = arith.constant 30720 : i32
      %add3A_2243 = vector.broadcast %add3A_2242 : i32 to vector<16xi32>
      %add3A_2244 = arith.addi %get3A_2201, %add3A_2243 : vector<16xi32>
      tpu.vector_store_idx %arg15[%add3A_2244], %mul3A_2194 {add = true} : memref<81920xf32, #tpu.memory_space<vmem>>[vector<16xi32>], vector<16xf32>,
      %add3A_2245 = arith.constant 30720 : i32
      %add3A_2246 = vector.broadcast %add3A_2245 : i32 to vector<16xi32>
      %add3A_2247 = arith.addi %get3A_2207, %add3A_2246 : vector<16xi32>
      tpu.vector_store_idx %arg15[%add3A_2247], %mul3A_2194 {add = true} : memref<81920xf32, #tpu.memory_space<vmem>>[vector<16xi32>], vector<16xf32>,
      %swap3A_2248 = arith.constant 4 : i32
      %swap3A_2249 = arith.index_cast %swap3A_2248 : i32 to index
      %swap3A_2250 = arith.constant 48 : index
      %swap3A_2251 = tpu.vector_load %arg14[%swap3A_2249, %swap3A_2250] {strides = array<i32>} : memref<8x80xf32, #tpu.memory_space<vmem>>, vector<16xf32>,
      tpu.vector_store %arg14[%swap3A_2249, %swap3A_2250], %mul3A_2195 {strides = array<i32>} : memref<8x80xf32, #tpu.memory_space<vmem>>, vector<16xf32>,
      %add3A_2252 = arith.constant 40960 : i32
      %add3A_2253 = vector.broadcast %add3A_2252 : i32 to vector<16xi32>
      %add3A_2254 = arith.addi %get3A_2201, %add3A_2253 : vector<16xi32>
      tpu.vector_store_idx %arg15[%add3A_2254], %mul3A_2195 {add = true} : memref<81920xf32, #tpu.memory_space<vmem>>[vector<16xi32>], vector<16xf32>,
      %add3A_2255 = arith.constant 40960 : i32
      %add3A_2256 = vector.broadcast %add3A_2255 : i32 to vector<16xi32>
      %add3A_2257 = arith.addi %get3A_2207, %add3A_2256 : vector<16xi32>
      tpu.vector_store_idx %arg15[%add3A_2257], %mul3A_2195 {add = true} : memref<81920xf32, #tpu.memory_space<vmem>>[vector<16xi32>], vector<16xf32>,
      %add3A_2258 = arith.constant 64 : i32
      %add3A_2259 = vector.broadcast %add3A_2258 : i32 to vector<16xi32>
      %add3A_2260 = arith.addi %iota3A, %add3A_2259 : vector<16xi32>
      %broadcast_in_dim3A_2261 = arith.constant 0 : i32
      %broadcast_in_dim3A_2262 = vector.broadcast %broadcast_in_dim3A_2261 : i32 to vector<16xi32>
      %gather3A_2263 = tpu.vector_load_idx %arg10[%add3A_2260, %broadcast_in_dim3A_2262] : memref<80x16xf32, #tpu.memory_space<vmem>>[vector<16xi32>, vector<16xi32>], vector<16xf32>,
      %broadcast_in_dim3A_2264 = arith.constant 1 : i32
      %broadcast_in_dim3A_2265 = vector.broadcast %broadcast_in_dim3A_2264 : i32 to vector<16xi32>
      %gather3A_2266 = tpu.vector_load_idx %arg10[%add3A_2260, %broadcast_in_dim3A_2265] : memref<80x16xf32, #tpu.memory_space<vmem>>[vector<16xi32>, vector<16xi32>], vector<16xf32>,
      %broadcast_in_dim3A_2267 = arith.constant 2 : i32
      %broadcast_in_dim3A_2268 = vector.broadcast %broadcast_in_dim3A_2267 : i32 to vector<16xi32>
      %gather3A_2269 = tpu.vector_load_idx %arg10[%add3A_2260, %broadcast_in_dim3A_2268] : memref<80x16xf32, #tpu.memory_space<vmem>>[vector<16xi32>, vector<16xi32>], vector<16xf32>,
      %broadcast_in_dim3A_2270 = arith.constant 3 : i32
      %broadcast_in_dim3A_2271 = vector.broadcast %broadcast_in_dim3A_2270 : i32 to vector<16xi32>
      %gather3A_2272 = tpu.vector_load_idx %arg10[%add3A_2260, %broadcast_in_dim3A_2271] : memref<80x16xf32, #tpu.memory_space<vmem>>[vector<16xi32>, vector<16xi32>], vector<16xf32>,
      %broadcast_in_dim3A_2273 = arith.constant 4 : i32
      %broadcast_in_dim3A_2274 = vector.broadcast %broadcast_in_dim3A_2273 : i32 to vector<16xi32>
      %gather3A_2275 = tpu.vector_load_idx %arg10[%add3A_2260, %broadcast_in_dim3A_2274] : memref<80x16xf32, #tpu.memory_space<vmem>>[vector<16xi32>, vector<16xi32>], vector<16xf32>,
      %broadcast_in_dim3A_2276 = arith.constant 5 : i32
      %broadcast_in_dim3A_2277 = vector.broadcast %broadcast_in_dim3A_2276 : i32 to vector<16xi32>
      %gather3A_2278 = tpu.vector_load_idx %arg12[%add3A_2260, %broadcast_in_dim3A_2277] : memref<80x16xf32, #tpu.memory_space<vmem>>[vector<16xi32>, vector<16xi32>], vector<16xf32>,
      %broadcast_in_dim3A_2279 = arith.constant 6 : i32
      %broadcast_in_dim3A_2280 = vector.broadcast %broadcast_in_dim3A_2279 : i32 to vector<16xi32>
      %gather3A_2281 = tpu.vector_load_idx %arg12[%add3A_2260, %broadcast_in_dim3A_2280] : memref<80x16xf32, #tpu.memory_space<vmem>>[vector<16xi32>, vector<16xi32>], vector<16xf32>,
      %broadcast_in_dim3A_2282 = arith.constant 7 : i32
      %broadcast_in_dim3A_2283 = vector.broadcast %broadcast_in_dim3A_2282 : i32 to vector<16xi32>
      %gather3A_2284 = tpu.vector_load_idx %arg12[%add3A_2260, %broadcast_in_dim3A_2283] : memref<80x16xf32, #tpu.memory_space<vmem>>[vector<16xi32>, vector<16xi32>], vector<16xf32>,
      %broadcast_in_dim3A_2285 = arith.constant 8 : i32
      %broadcast_in_dim3A_2286 = vector.broadcast %broadcast_in_dim3A_2285 : i32 to vector<16xi32>
      %gather3A_2287 = tpu.vector_load_idx %arg12[%add3A_2260, %broadcast_in_dim3A_2286] : memref<80x16xf32, #tpu.memory_space<vmem>>[vector<16xi32>, vector<16xi32>], vector<16xf32>,
      %broadcast_in_dim3A_2288 = arith.constant 9 : i32
      %broadcast_in_dim3A_2289 = vector.broadcast %broadcast_in_dim3A_2288 : i32 to vector<16xi32>
      %gather3A_2290 = tpu.vector_load_idx %arg12[%add3A_2260, %broadcast_in_dim3A_2289] : memref<80x16xf32, #tpu.memory_space<vmem>>[vector<16xi32>, vector<16xi32>], vector<16xf32>,
      %add3A_2291 = arith.addf %gather3A_2263, %gather3A_2278 : vector<16xf32>
      %add3A_2292 = arith.addf %gather3A_2266, %gather3A_2281 : vector<16xf32>
      %add3A_2293 = arith.addf %gather3A_2269, %gather3A_2284 : vector<16xf32>
      %add3A_2294 = arith.addf %gather3A_2272, %gather3A_2287 : vector<16xf32>
      %add3A_2295 = arith.addf %gather3A_2275, %gather3A_2290 : vector<16xf32>
      %mul3A_2296 = arith.constant 0.00999999977 : f32
      %mul3A_2297 = vector.broadcast %mul3A_2296 : f32 to vector<16xf32>
      %mul3A_2298 = arith.mulf %add3A_2291, %mul3A_2297 : vector<16xf32>
      %max3A_2299 = arith.maximumf %add3A_2291, %mul3A_2298 : vector<16xf32>
      %mul3A_2300 = arith.constant 0.00999999977 : f32
      %mul3A_2301 = vector.broadcast %mul3A_2300 : f32 to vector<16xf32>
      %mul3A_2302 = arith.mulf %add3A_2292, %mul3A_2301 : vector<16xf32>
      %max3A_2303 = arith.maximumf %add3A_2292, %mul3A_2302 : vector<16xf32>
      %mul3A_2304 = arith.constant 0.00999999977 : f32
      %mul3A_2305 = vector.broadcast %mul3A_2304 : f32 to vector<16xf32>
      %mul3A_2306 = arith.mulf %add3A_2293, %mul3A_2305 : vector<16xf32>
      %max3A_2307 = arith.maximumf %add3A_2293, %mul3A_2306 : vector<16xf32>
      %mul3A_2308 = arith.constant 0.00999999977 : f32
      %mul3A_2309 = vector.broadcast %mul3A_2308 : f32 to vector<16xf32>
      %mul3A_2310 = arith.mulf %add3A_2294, %mul3A_2309 : vector<16xf32>
      %max3A_2311 = arith.maximumf %add3A_2294, %mul3A_2310 : vector<16xf32>
      %mul3A_2312 = arith.constant 0.00999999977 : f32
      %mul3A_2313 = vector.broadcast %mul3A_2312 : f32 to vector<16xf32>
      %mul3A_2314 = arith.mulf %add3A_2295, %mul3A_2313 : vector<16xf32>
      %max3A_2315 = arith.maximumf %add3A_2295, %mul3A_2314 : vector<16xf32>
      %max3A_2316 = arith.maximumf %max3A_2299, %max3A_2303 : vector<16xf32>
      %max3A_2317 = arith.maximumf %max3A_2307, %max3A_2311 : vector<16xf32>
      %max3A_2318 = arith.maximumf %max3A_2316, %max3A_2317 : vector<16xf32>
      %max3A_2319 = arith.maximumf %max3A_2318, %max3A_2315 : vector<16xf32>
      %sub3A_2320 = arith.subf %max3A_2299, %max3A_2319 : vector<16xf32>
      %exp3A_2321 = math.exp %sub3A_2320 : vector<16xf32>
      %sub3A_2322 = arith.subf %max3A_2303, %max3A_2319 : vector<16xf32>
      %exp3A_2323 = math.exp %sub3A_2322 : vector<16xf32>
      %sub3A_2324 = arith.subf %max3A_2307, %max3A_2319 : vector<16xf32>
      %exp3A_2325 = math.exp %sub3A_2324 : vector<16xf32>
      %sub3A_2326 = arith.subf %max3A_2311, %max3A_2319 : vector<16xf32>
      %exp3A_2327 = math.exp %sub3A_2326 : vector<16xf32>
      %sub3A_2328 = arith.subf %max3A_2315, %max3A_2319 : vector<16xf32>
      %exp3A_2329 = math.exp %sub3A_2328 : vector<16xf32>
      %add3A_2330 = arith.addf %exp3A_2321, %exp3A_2323 : vector<16xf32>
      %add3A_2331 = arith.addf %exp3A_2325, %exp3A_2327 : vector<16xf32>
      %add3A_2332 = arith.addf %add3A_2330, %add3A_2331 : vector<16xf32>
      %add3A_2333 = arith.addf %add3A_2332, %exp3A_2329 : vector<16xf32>
      %div3A_2334 = arith.constant 1.000000e+00 : f32
      %div3A_2335 = vector.broadcast %div3A_2334 : f32 to vector<16xf32>
      %div3A_2336 = arith.divf %div3A_2335, %add3A_2333 : vector<16xf32>
      %mul3A_2337 = arith.mulf %exp3A_2321, %div3A_2336 : vector<16xf32>
      %mul3A_2338 = arith.mulf %exp3A_2323, %div3A_2336 : vector<16xf32>
      %mul3A_2339 = arith.mulf %exp3A_2325, %div3A_2336 : vector<16xf32>
      %mul3A_2340 = arith.mulf %exp3A_2327, %div3A_2336 : vector<16xf32>
      %mul3A_2341 = arith.mulf %exp3A_2329, %div3A_2336 : vector<16xf32>
      %mul3A_2342 = arith.constant 80 : i32
      %mul3A_2343 = arith.muli %add3A_1673, %mul3A_2342 : i32
      %add3A_2344 = arith.constant 64 : i32
      %add3A_2345 = arith.addi %mul3A_2343, %add3A_2344 : i32
      %get3A_2346 = arith.index_cast %add3A_2345 : i32 to index
      %get3A_2347 = tpu.vector_load %arg7[%get3A_2346] {strides = array<i32>} : memref<10000xi32, #tpu.memory_space<vmem>>, vector<16xi32>,
      %mul3A_2348 = arith.constant 80 : i32
      %mul3A_2349 = arith.muli %add3A_1673, %mul3A_2348 : i32
      %add3A_2350 = arith.constant 64 : i32
      %add3A_2351 = arith.addi %mul3A_2349, %add3A_2350 : i32
      %get3A_2352 = arith.index_cast %add3A_2351 : i32 to index
      %get3A_2353 = tpu.vector_load %arg8[%get3A_2352] {strides = array<i32>} : memref<10000xi32, #tpu.memory_space<vmem>>, vector<16xi32>,
      %swap3A_2354 = arith.constant 0 : i32
      %swap3A_2355 = arith.index_cast %swap3A_2354 : i32 to index
      %swap3A_2356 = arith.constant 64 : index
      %swap3A_2357 = tpu.vector_load %arg14[%swap3A_2355, %swap3A_2356] {strides = array<i32>} : memref<8x80xf32, #tpu.memory_space<vmem>>, vector<16xf32>,
      tpu.vector_store %arg14[%swap3A_2355, %swap3A_2356], %mul3A_2337 {strides = array<i32>} : memref<8x80xf32, #tpu.memory_space<vmem>>, vector<16xf32>,
      %add3A_2358 = arith.constant 0 : i32
      %add3A_2359 = vector.broadcast %add3A_2358 : i32 to vector<16xi32>
      %add3A_2360 = arith.addi %get3A_2347, %add3A_2359 : vector<16xi32>
      tpu.vector_store_idx %arg15[%add3A_2360], %mul3A_2337 {add = true} : memref<81920xf32, #tpu.memory_space<vmem>>[vector<16xi32>], vector<16xf32>,
      %add3A_2361 = arith.constant 0 : i32
      %add3A_2362 = vector.broadcast %add3A_2361 : i32 to vector<16xi32>
      %add3A_2363 = arith.addi %get3A_2353, %add3A_2362 : vector<16xi32>
      tpu.vector_store_idx %arg15[%add3A_2363], %mul3A_2337 {add = true} : memref<81920xf32, #tpu.memory_space<vmem>>[vector<16xi32>], vector<16xf32>,
      %swap3A_2364 = arith.constant 1 : i32
      %swap3A_2365 = arith.index_cast %swap3A_2364 : i32 to index
      %swap3A_2366 = arith.constant 64 : index
      %swap3A_2367 = tpu.vector_load %arg14[%swap3A_2365, %swap3A_2366] {strides = array<i32>} : memref<8x80xf32, #tpu.memory_space<vmem>>, vector<16xf32>,
      tpu.vector_store %arg14[%swap3A_2365, %swap3A_2366], %mul3A_2338 {strides = array<i32>} : memref<8x80xf32, #tpu.memory_space<vmem>>, vector<16xf32>,
      %add3A_2368 = arith.constant 10240 : i32
      %add3A_2369 = vector.broadcast %add3A_2368 : i32 to vector<16xi32>
      %add3A_2370 = arith.addi %get3A_2347, %add3A_2369 : vector<16xi32>
      tpu.vector_store_idx %arg15[%add3A_2370], %mul3A_2338 {add = true} : memref<81920xf32, #tpu.memory_space<vmem>>[vector<16xi32>], vector<16xf32>,
      %add3A_2371 = arith.constant 10240 : i32
      %add3A_2372 = vector.broadcast %add3A_2371 : i32 to vector<16xi32>
      %add3A_2373 = arith.addi %get3A_2353, %add3A_2372 : vector<16xi32>
      tpu.vector_store_idx %arg15[%add3A_2373], %mul3A_2338 {add = true} : memref<81920xf32, #tpu.memory_space<vmem>>[vector<16xi32>], vector<16xf32>,
      %swap3A_2374 = arith.constant 2 : i32
      %swap3A_2375 = arith.index_cast %swap3A_2374 : i32 to index
      %swap3A_2376 = arith.constant 64 : index
      %swap3A_2377 = tpu.vector_load %arg14[%swap3A_2375, %swap3A_2376] {strides = array<i32>} : memref<8x80xf32, #tpu.memory_space<vmem>>, vector<16xf32>,
      tpu.vector_store %arg14[%swap3A_2375, %swap3A_2376], %mul3A_2339 {strides = array<i32>} : memref<8x80xf32, #tpu.memory_space<vmem>>, vector<16xf32>,
      %add3A_2378 = arith.constant 20480 : i32
      %add3A_2379 = vector.broadcast %add3A_2378 : i32 to vector<16xi32>
      %add3A_2380 = arith.addi %get3A_2347, %add3A_2379 : vector<16xi32>
      tpu.vector_store_idx %arg15[%add3A_2380], %mul3A_2339 {add = true} : memref<81920xf32, #tpu.memory_space<vmem>>[vector<16xi32>], vector<16xf32>,
      %add3A_2381 = arith.constant 20480 : i32
      %add3A_2382 = vector.broadcast %add3A_2381 : i32 to vector<16xi32>
      %add3A_2383 = arith.addi %get3A_2353, %add3A_2382 : vector<16xi32>
      tpu.vector_store_idx %arg15[%add3A_2383], %mul3A_2339 {add = true} : memref<81920xf32, #tpu.memory_space<vmem>>[vector<16xi32>], vector<16xf32>,
      %swap3A_2384 = arith.constant 3 : i32
      %swap3A_2385 = arith.index_cast %swap3A_2384 : i32 to index
      %swap3A_2386 = arith.constant 64 : index
      %swap3A_2387 = tpu.vector_load %arg14[%swap3A_2385, %swap3A_2386] {strides = array<i32>} : memref<8x80xf32, #tpu.memory_space<vmem>>, vector<16xf32>,
      tpu.vector_store %arg14[%swap3A_2385, %swap3A_2386], %mul3A_2340 {strides = array<i32>} : memref<8x80xf32, #tpu.memory_space<vmem>>, vector<16xf32>,
      %add3A_2388 = arith.constant 30720 : i32
      %add3A_2389 = vector.broadcast %add3A_2388 : i32 to vector<16xi32>
      %add3A_2390 = arith.addi %get3A_2347, %add3A_2389 : vector<16xi32>
      tpu.vector_store_idx %arg15[%add3A_2390], %mul3A_2340 {add = true} : memref<81920xf32, #tpu.memory_space<vmem>>[vector<16xi32>], vector<16xf32>,
      %add3A_2391 = arith.constant 30720 : i32
      %add3A_2392 = vector.broadcast %add3A_2391 : i32 to vector<16xi32>
      %add3A_2393 = arith.addi %get3A_2353, %add3A_2392 : vector<16xi32>
      tpu.vector_store_idx %arg15[%add3A_2393], %mul3A_2340 {add = true} : memref<81920xf32, #tpu.memory_space<vmem>>[vector<16xi32>], vector<16xf32>,
      %swap3A_2394 = arith.constant 4 : i32
      %swap3A_2395 = arith.index_cast %swap3A_2394 : i32 to index
      %swap3A_2396 = arith.constant 64 : index
      %swap3A_2397 = tpu.vector_load %arg14[%swap3A_2395, %swap3A_2396] {strides = array<i32>} : memref<8x80xf32, #tpu.memory_space<vmem>>, vector<16xf32>,
      tpu.vector_store %arg14[%swap3A_2395, %swap3A_2396], %mul3A_2341 {strides = array<i32>} : memref<8x80xf32, #tpu.memory_space<vmem>>, vector<16xf32>,
      %add3A_2398 = arith.constant 40960 : i32
      %add3A_2399 = vector.broadcast %add3A_2398 : i32 to vector<16xi32>
      %add3A_2400 = arith.addi %get3A_2347, %add3A_2399 : vector<16xi32>
      tpu.vector_store_idx %arg15[%add3A_2400], %mul3A_2341 {add = true} : memref<81920xf32, #tpu.memory_space<vmem>>[vector<16xi32>], vector<16xf32>,
      %add3A_2401 = arith.constant 40960 : i32
      %add3A_2402 = vector.broadcast %add3A_2401 : i32 to vector<16xi32>
      %add3A_2403 = arith.addi %get3A_2353, %add3A_2402 : vector<16xi32>
      tpu.vector_store_idx %arg15[%add3A_2403], %mul3A_2341 {add = true} : memref<81920xf32, #tpu.memory_space<vmem>>[vector<16xi32>], vector<16xf32>,
      %mul3A_2404 = arith.constant 80 : i32
      %mul3A_2405 = arith.muli %add3A_1673, %mul3A_2404 : i32
      %dma_start3A_2406 = arith.constant 0 : i32
      %dma_start3A_2407 = tpu.memref_slice %arg5[%add3A, %dma_start3A_2406, %mul3A_2405] : memref<32x8x10000xf32, #tpu.memory_space<hbm>> -> memref<1x8x80xf32, #tpu.memory_space<hbm>>
      %dma_start3A_2408 = tpu.memref_squeeze %dma_start3A_2407 : memref<1x8x80xf32, #tpu.memory_space<hbm>> -> memref<8x80xf32, #tpu.memory_space<hbm>>
      %dma_start3A_2409 = arith.constant 0 : i32
      %dma_start3A_2410 = tpu.memref_slice %arg5[%add3A, %dma_start3A_2409, %mul3A_2405] : memref<32x8x10000xf32, #tpu.memory_space<hbm>> -> memref<1x8x80xf32, #tpu.memory_space<hbm>>
      %dma_start3A_2411 = tpu.memref_squeeze %dma_start3A_2410 : memref<1x8x80xf32, #tpu.memory_space<hbm>> -> memref<8x80xf32, #tpu.memory_space<hbm>>
      tpu.enqueue_dma source(%arg14 : memref<8x80xf32, #tpu.memory_space<vmem>>) target(%dma_start3A_2411 : memref<8x80xf32, #tpu.memory_space<hbm>>) target_semaphore(%arg21 : memref<!tpu.dma_semaphore, #tpu.memory_space<semaphore_mem>>)
    }
    %scan3A_144 = arith.constant 62 : i32
    %dma_wait3A = arith.constant 9920 : i32
    %dma_wait3A_145 = tpu.memref_slice %arg7[%dma_wait3A] : memref<10000xi32, #tpu.memory_space<vmem>> -> memref<80xi32, #tpu.memory_space<vmem>>
    %dma_wait3A_146 = arith.constant 0 : i32
    %dma_wait3A_147 = arith.constant 0 : i32
    %dma_wait3A_148 = tpu.memref_slice %arg2[%dma_wait3A_146, %dma_wait3A_147] : memref<10000x16xf32, #tpu.memory_space<hbm>> -> memref<10000x16xf32, #tpu.memory_space<hbm>>
    tpu.wait_indirect_dma semaphore(%arg16 : memref<!tpu.dma_semaphore, #tpu.memory_space<semaphore_mem>>) src(%dma_wait3A_148 : memref<10000x16xf32, #tpu.memory_space<hbm>>) dst(%arg9 : memref<80x16xf32, #tpu.memory_space<vmem>>)
    %dma_wait3A_149 = arith.constant 9920 : i32
    %dma_wait3A_150 = tpu.memref_slice %arg8[%dma_wait3A_149] : memref<10000xi32, #tpu.memory_space<vmem>> -> memref<80xi32, #tpu.memory_space<vmem>>
    %dma_wait3A_151 = arith.constant 0 : i32
    %dma_wait3A_152 = arith.constant 0 : i32
    %dma_wait3A_153 = tpu.memref_slice %arg2[%dma_wait3A_151, %dma_wait3A_152] : memref<10000x16xf32, #tpu.memory_space<hbm>> -> memref<10000x16xf32, #tpu.memory_space<hbm>>
    tpu.wait_indirect_dma semaphore(%arg18 : memref<!tpu.dma_semaphore, #tpu.memory_space<semaphore_mem>>) src(%dma_wait3A_153 : memref<10000x16xf32, #tpu.memory_space<hbm>>) dst(%arg11 : memref<80x16xf32, #tpu.memory_space<vmem>>)
    %dma_wait3A_154 = arith.constant 0 : i32
    %dma_wait3A_155 = arith.constant 9760 : i32
    %dma_wait3A_156 = tpu.memref_slice %arg5[%add3A, %dma_wait3A_154, %dma_wait3A_155] : memref<32x8x10000xf32, #tpu.memory_space<hbm>> -> memref<1x8x80xf32, #tpu.memory_space<hbm>>
    %dma_wait3A_157 = tpu.memref_squeeze %dma_wait3A_156 : memref<1x8x80xf32, #tpu.memory_space<hbm>> -> memref<8x80xf32, #tpu.memory_space<hbm>>
    %dma_wait3A_158 = arith.constant 0 : i32
    %dma_wait3A_159 = arith.constant 9760 : i32
    %dma_wait3A_160 = tpu.memref_slice %arg5[%add3A, %dma_wait3A_158, %dma_wait3A_159] : memref<32x8x10000xf32, #tpu.memory_space<hbm>> -> memref<1x8x80xf32, #tpu.memory_space<hbm>>
    %dma_wait3A_161 = tpu.memref_squeeze %dma_wait3A_160 : memref<1x8x80xf32, #tpu.memory_space<hbm>> -> memref<8x80xf32, #tpu.memory_space<hbm>>
    tpu.wait_dma2 semaphore(%arg20 : memref<!tpu.dma_semaphore, #tpu.memory_space<semaphore_mem>>) src(%arg13 : memref<8x80xf32, #tpu.memory_space<vmem>>) dst(%dma_wait3A_161 : memref<8x80xf32, #tpu.memory_space<hbm>>)
    %add3A_162 = arith.constant 0 : i32
    %add3A_163 = vector.broadcast %add3A_162 : i32 to vector<16xi32>
    %add3A_164 = arith.addi %iota3A, %add3A_163 : vector<16xi32>
    %broadcast_in_dim3A_165 = arith.constant 0 : i32
    %broadcast_in_dim3A_166 = vector.broadcast %broadcast_in_dim3A_165 : i32 to vector<16xi32>
    %gather3A = tpu.vector_load_idx %arg9[%add3A_164, %broadcast_in_dim3A_166] : memref<80x16xf32, #tpu.memory_space<vmem>>[vector<16xi32>, vector<16xi32>], vector<16xf32>,
    %broadcast_in_dim3A_167 = arith.constant 1 : i32
    %broadcast_in_dim3A_168 = vector.broadcast %broadcast_in_dim3A_167 : i32 to vector<16xi32>
    %gather3A_169 = tpu.vector_load_idx %arg9[%add3A_164, %broadcast_in_dim3A_168] : memref<80x16xf32, #tpu.memory_space<vmem>>[vector<16xi32>, vector<16xi32>], vector<16xf32>,
    %broadcast_in_dim3A_170 = arith.constant 2 : i32
    %broadcast_in_dim3A_171 = vector.broadcast %broadcast_in_dim3A_170 : i32 to vector<16xi32>
    %gather3A_172 = tpu.vector_load_idx %arg9[%add3A_164, %broadcast_in_dim3A_171] : memref<80x16xf32, #tpu.memory_space<vmem>>[vector<16xi32>, vector<16xi32>], vector<16xf32>,
    %broadcast_in_dim3A_173 = arith.constant 3 : i32
    %broadcast_in_dim3A_174 = vector.broadcast %broadcast_in_dim3A_173 : i32 to vector<16xi32>
    %gather3A_175 = tpu.vector_load_idx %arg9[%add3A_164, %broadcast_in_dim3A_174] : memref<80x16xf32, #tpu.memory_space<vmem>>[vector<16xi32>, vector<16xi32>], vector<16xf32>,
    %broadcast_in_dim3A_176 = arith.constant 4 : i32
    %broadcast_in_dim3A_177 = vector.broadcast %broadcast_in_dim3A_176 : i32 to vector<16xi32>
    %gather3A_178 = tpu.vector_load_idx %arg9[%add3A_164, %broadcast_in_dim3A_177] : memref<80x16xf32, #tpu.memory_space<vmem>>[vector<16xi32>, vector<16xi32>], vector<16xf32>,
    %broadcast_in_dim3A_179 = arith.constant 5 : i32
    %broadcast_in_dim3A_180 = vector.broadcast %broadcast_in_dim3A_179 : i32 to vector<16xi32>
    %gather3A_181 = tpu.vector_load_idx %arg11[%add3A_164, %broadcast_in_dim3A_180] : memref<80x16xf32, #tpu.memory_space<vmem>>[vector<16xi32>, vector<16xi32>], vector<16xf32>,
    %broadcast_in_dim3A_182 = arith.constant 6 : i32
    %broadcast_in_dim3A_183 = vector.broadcast %broadcast_in_dim3A_182 : i32 to vector<16xi32>
    %gather3A_184 = tpu.vector_load_idx %arg11[%add3A_164, %broadcast_in_dim3A_183] : memref<80x16xf32, #tpu.memory_space<vmem>>[vector<16xi32>, vector<16xi32>], vector<16xf32>,
    %broadcast_in_dim3A_185 = arith.constant 7 : i32
    %broadcast_in_dim3A_186 = vector.broadcast %broadcast_in_dim3A_185 : i32 to vector<16xi32>
    %gather3A_187 = tpu.vector_load_idx %arg11[%add3A_164, %broadcast_in_dim3A_186] : memref<80x16xf32, #tpu.memory_space<vmem>>[vector<16xi32>, vector<16xi32>], vector<16xf32>,
    %broadcast_in_dim3A_188 = arith.constant 8 : i32
    %broadcast_in_dim3A_189 = vector.broadcast %broadcast_in_dim3A_188 : i32 to vector<16xi32>
    %gather3A_190 = tpu.vector_load_idx %arg11[%add3A_164, %broadcast_in_dim3A_189] : memref<80x16xf32, #tpu.memory_space<vmem>>[vector<16xi32>, vector<16xi32>], vector<16xf32>,
    %broadcast_in_dim3A_191 = arith.constant 9 : i32
    %broadcast_in_dim3A_192 = vector.broadcast %broadcast_in_dim3A_191 : i32 to vector<16xi32>
    %gather3A_193 = tpu.vector_load_idx %arg11[%add3A_164, %broadcast_in_dim3A_192] : memref<80x16xf32, #tpu.memory_space<vmem>>[vector<16xi32>, vector<16xi32>], vector<16xf32>,
    %add3A_194 = arith.addf %gather3A, %gather3A_181 : vector<16xf32>
    %add3A_195 = arith.addf %gather3A_169, %gather3A_184 : vector<16xf32>
    %add3A_196 = arith.addf %gather3A_172, %gather3A_187 : vector<16xf32>
    %add3A_197 = arith.addf %gather3A_175, %gather3A_190 : vector<16xf32>
    %add3A_198 = arith.addf %gather3A_178, %gather3A_193 : vector<16xf32>
    %mul3A_199 = arith.constant 0.00999999977 : f32
    %mul3A_200 = vector.broadcast %mul3A_199 : f32 to vector<16xf32>
    %mul3A_201 = arith.mulf %add3A_194, %mul3A_200 : vector<16xf32>
    %max3A = arith.maximumf %add3A_194, %mul3A_201 : vector<16xf32>
    %mul3A_202 = arith.constant 0.00999999977 : f32
    %mul3A_203 = vector.broadcast %mul3A_202 : f32 to vector<16xf32>
    %mul3A_204 = arith.mulf %add3A_195, %mul3A_203 : vector<16xf32>
    %max3A_205 = arith.maximumf %add3A_195, %mul3A_204 : vector<16xf32>
    %mul3A_206 = arith.constant 0.00999999977 : f32
    %mul3A_207 = vector.broadcast %mul3A_206 : f32 to vector<16xf32>
    %mul3A_208 = arith.mulf %add3A_196, %mul3A_207 : vector<16xf32>
    %max3A_209 = arith.maximumf %add3A_196, %mul3A_208 : vector<16xf32>
    %mul3A_210 = arith.constant 0.00999999977 : f32
    %mul3A_211 = vector.broadcast %mul3A_210 : f32 to vector<16xf32>
    %mul3A_212 = arith.mulf %add3A_197, %mul3A_211 : vector<16xf32>
    %max3A_213 = arith.maximumf %add3A_197, %mul3A_212 : vector<16xf32>
    %mul3A_214 = arith.constant 0.00999999977 : f32
    %mul3A_215 = vector.broadcast %mul3A_214 : f32 to vector<16xf32>
    %mul3A_216 = arith.mulf %add3A_198, %mul3A_215 : vector<16xf32>
    %max3A_217 = arith.maximumf %add3A_198, %mul3A_216 : vector<16xf32>
    %max3A_218 = arith.maximumf %max3A, %max3A_205 : vector<16xf32>
    %max3A_219 = arith.maximumf %max3A_209, %max3A_213 : vector<16xf32>
    %max3A_220 = arith.maximumf %max3A_218, %max3A_219 : vector<16xf32>
    %max3A_221 = arith.maximumf %max3A_220, %max3A_217 : vector<16xf32>
    %sub3A = arith.subf %max3A, %max3A_221 : vector<16xf32>
    %exp3A = math.exp %sub3A : vector<16xf32>
    %sub3A_222 = arith.subf %max3A_205, %max3A_221 : vector<16xf32>
    %exp3A_223 = math.exp %sub3A_222 : vector<16xf32>
    %sub3A_224 = arith.subf %max3A_209, %max3A_221 : vector<16xf32>
    %exp3A_225 = math.exp %sub3A_224 : vector<16xf32>
    %sub3A_226 = arith.subf %max3A_213, %max3A_221 : vector<16xf32>
    %exp3A_227 = math.exp %sub3A_226 : vector<16xf32>
    %sub3A_228 = arith.subf %max3A_217, %max3A_221 : vector<16xf32>
    %exp3A_229 = math.exp %sub3A_228 : vector<16xf32>
    %add3A_230 = arith.addf %exp3A, %exp3A_223 : vector<16xf32>
    %add3A_231 = arith.addf %exp3A_225, %exp3A_227 : vector<16xf32>
    %add3A_232 = arith.addf %add3A_230, %add3A_231 : vector<16xf32>
    %add3A_233 = arith.addf %add3A_232, %exp3A_229 : vector<16xf32>
    %div3A = arith.constant 1.000000e+00 : f32
    %div3A_234 = vector.broadcast %div3A : f32 to vector<16xf32>
    %div3A_235 = arith.divf %div3A_234, %add3A_233 : vector<16xf32>
    %mul3A_236 = arith.mulf %exp3A, %div3A_235 : vector<16xf32>
    %mul3A_237 = arith.mulf %exp3A_223, %div3A_235 : vector<16xf32>
    %mul3A_238 = arith.mulf %exp3A_225, %div3A_235 : vector<16xf32>
    %mul3A_239 = arith.mulf %exp3A_227, %div3A_235 : vector<16xf32>
    %mul3A_240 = arith.mulf %exp3A_229, %div3A_235 : vector<16xf32>
    %get3A = arith.constant 9920 : index
    %get3A_241 = tpu.vector_load %arg7[%get3A] {strides = array<i32>} : memref<10000xi32, #tpu.memory_space<vmem>>, vector<16xi32>,
    %get3A_242 = arith.constant 9920 : index
    %get3A_243 = tpu.vector_load %arg8[%get3A_242] {strides = array<i32>} : memref<10000xi32, #tpu.memory_space<vmem>>, vector<16xi32>,
    %swap3A_244 = arith.constant 0 : i32
    %swap3A_245 = arith.index_cast %swap3A_244 : i32 to index
    %swap3A_246 = arith.constant 0 : index
    %swap3A_247 = tpu.vector_load %arg13[%swap3A_245, %swap3A_246] {strides = array<i32>} : memref<8x80xf32, #tpu.memory_space<vmem>>, vector<16xf32>,
    tpu.vector_store %arg13[%swap3A_245, %swap3A_246], %mul3A_236 {strides = array<i32>} : memref<8x80xf32, #tpu.memory_space<vmem>>, vector<16xf32>,
    %add3A_248 = arith.constant 0 : i32
    %add3A_249 = vector.broadcast %add3A_248 : i32 to vector<16xi32>
    %add3A_250 = arith.addi %get3A_241, %add3A_249 : vector<16xi32>
    tpu.vector_store_idx %arg15[%add3A_250], %mul3A_236 {add = true} : memref<81920xf32, #tpu.memory_space<vmem>>[vector<16xi32>], vector<16xf32>,
    %add3A_251 = arith.constant 0 : i32
    %add3A_252 = vector.broadcast %add3A_251 : i32 to vector<16xi32>
    %add3A_253 = arith.addi %get3A_243, %add3A_252 : vector<16xi32>
    tpu.vector_store_idx %arg15[%add3A_253], %mul3A_236 {add = true} : memref<81920xf32, #tpu.memory_space<vmem>>[vector<16xi32>], vector<16xf32>,
    %swap3A_254 = arith.constant 1 : i32
    %swap3A_255 = arith.index_cast %swap3A_254 : i32 to index
    %swap3A_256 = arith.constant 0 : index
    %swap3A_257 = tpu.vector_load %arg13[%swap3A_255, %swap3A_256] {strides = array<i32>} : memref<8x80xf32, #tpu.memory_space<vmem>>, vector<16xf32>,
    tpu.vector_store %arg13[%swap3A_255, %swap3A_256], %mul3A_237 {strides = array<i32>} : memref<8x80xf32, #tpu.memory_space<vmem>>, vector<16xf32>,
    %add3A_258 = arith.constant 10240 : i32
    %add3A_259 = vector.broadcast %add3A_258 : i32 to vector<16xi32>
    %add3A_260 = arith.addi %get3A_241, %add3A_259 : vector<16xi32>
    tpu.vector_store_idx %arg15[%add3A_260], %mul3A_237 {add = true} : memref<81920xf32, #tpu.memory_space<vmem>>[vector<16xi32>], vector<16xf32>,
    %add3A_261 = arith.constant 10240 : i32
    %add3A_262 = vector.broadcast %add3A_261 : i32 to vector<16xi32>
    %add3A_263 = arith.addi %get3A_243, %add3A_262 : vector<16xi32>
    tpu.vector_store_idx %arg15[%add3A_263], %mul3A_237 {add = true} : memref<81920xf32, #tpu.memory_space<vmem>>[vector<16xi32>], vector<16xf32>,
    %swap3A_264 = arith.constant 2 : i32
    %swap3A_265 = arith.index_cast %swap3A_264 : i32 to index
    %swap3A_266 = arith.constant 0 : index
    %swap3A_267 = tpu.vector_load %arg13[%swap3A_265, %swap3A_266] {strides = array<i32>} : memref<8x80xf32, #tpu.memory_space<vmem>>, vector<16xf32>,
    tpu.vector_store %arg13[%swap3A_265, %swap3A_266], %mul3A_238 {strides = array<i32>} : memref<8x80xf32, #tpu.memory_space<vmem>>, vector<16xf32>,
    %add3A_268 = arith.constant 20480 : i32
    %add3A_269 = vector.broadcast %add3A_268 : i32 to vector<16xi32>
    %add3A_270 = arith.addi %get3A_241, %add3A_269 : vector<16xi32>
    tpu.vector_store_idx %arg15[%add3A_270], %mul3A_238 {add = true} : memref<81920xf32, #tpu.memory_space<vmem>>[vector<16xi32>], vector<16xf32>,
    %add3A_271 = arith.constant 20480 : i32
    %add3A_272 = vector.broadcast %add3A_271 : i32 to vector<16xi32>
    %add3A_273 = arith.addi %get3A_243, %add3A_272 : vector<16xi32>
    tpu.vector_store_idx %arg15[%add3A_273], %mul3A_238 {add = true} : memref<81920xf32, #tpu.memory_space<vmem>>[vector<16xi32>], vector<16xf32>,
    %swap3A_274 = arith.constant 3 : i32
    %swap3A_275 = arith.index_cast %swap3A_274 : i32 to index
    %swap3A_276 = arith.constant 0 : index
    %swap3A_277 = tpu.vector_load %arg13[%swap3A_275, %swap3A_276] {strides = array<i32>} : memref<8x80xf32, #tpu.memory_space<vmem>>, vector<16xf32>,
    tpu.vector_store %arg13[%swap3A_275, %swap3A_276], %mul3A_239 {strides = array<i32>} : memref<8x80xf32, #tpu.memory_space<vmem>>, vector<16xf32>,
    %add3A_278 = arith.constant 30720 : i32
    %add3A_279 = vector.broadcast %add3A_278 : i32 to vector<16xi32>
    %add3A_280 = arith.addi %get3A_241, %add3A_279 : vector<16xi32>
    tpu.vector_store_idx %arg15[%add3A_280], %mul3A_239 {add = true} : memref<81920xf32, #tpu.memory_space<vmem>>[vector<16xi32>], vector<16xf32>,
    %add3A_281 = arith.constant 30720 : i32
    %add3A_282 = vector.broadcast %add3A_281 : i32 to vector<16xi32>
    %add3A_283 = arith.addi %get3A_243, %add3A_282 : vector<16xi32>
    tpu.vector_store_idx %arg15[%add3A_283], %mul3A_239 {add = true} : memref<81920xf32, #tpu.memory_space<vmem>>[vector<16xi32>], vector<16xf32>,
    %swap3A_284 = arith.constant 4 : i32
    %swap3A_285 = arith.index_cast %swap3A_284 : i32 to index
    %swap3A_286 = arith.constant 0 : index
    %swap3A_287 = tpu.vector_load %arg13[%swap3A_285, %swap3A_286] {strides = array<i32>} : memref<8x80xf32, #tpu.memory_space<vmem>>, vector<16xf32>,
    tpu.vector_store %arg13[%swap3A_285, %swap3A_286], %mul3A_240 {strides = array<i32>} : memref<8x80xf32, #tpu.memory_space<vmem>>, vector<16xf32>,
    %add3A_288 = arith.constant 40960 : i32
    %add3A_289 = vector.broadcast %add3A_288 : i32 to vector<16xi32>
    %add3A_290 = arith.addi %get3A_241, %add3A_289 : vector<16xi32>
    tpu.vector_store_idx %arg15[%add3A_290], %mul3A_240 {add = true} : memref<81920xf32, #tpu.memory_space<vmem>>[vector<16xi32>], vector<16xf32>,
    %add3A_291 = arith.constant 40960 : i32
    %add3A_292 = vector.broadcast %add3A_291 : i32 to vector<16xi32>
    %add3A_293 = arith.addi %get3A_243, %add3A_292 : vector<16xi32>
    tpu.vector_store_idx %arg15[%add3A_293], %mul3A_240 {add = true} : memref<81920xf32, #tpu.memory_space<vmem>>[vector<16xi32>], vector<16xf32>,
    %add3A_294 = arith.constant 16 : i32
    %add3A_295 = vector.broadcast %add3A_294 : i32 to vector<16xi32>
    %add3A_296 = arith.addi %iota3A, %add3A_295 : vector<16xi32>
    %broadcast_in_dim3A_297 = arith.constant 0 : i32
    %broadcast_in_dim3A_298 = vector.broadcast %broadcast_in_dim3A_297 : i32 to vector<16xi32>
    %gather3A_299 = tpu.vector_load_idx %arg9[%add3A_296, %broadcast_in_dim3A_298] : memref<80x16xf32, #tpu.memory_space<vmem>>[vector<16xi32>, vector<16xi32>], vector<16xf32>,
    %broadcast_in_dim3A_300 = arith.constant 1 : i32
    %broadcast_in_dim3A_301 = vector.broadcast %broadcast_in_dim3A_300 : i32 to vector<16xi32>
    %gather3A_302 = tpu.vector_load_idx %arg9[%add3A_296, %broadcast_in_dim3A_301] : memref<80x16xf32, #tpu.memory_space<vmem>>[vector<16xi32>, vector<16xi32>], vector<16xf32>,
    %broadcast_in_dim3A_303 = arith.constant 2 : i32
    %broadcast_in_dim3A_304 = vector.broadcast %broadcast_in_dim3A_303 : i32 to vector<16xi32>
    %gather3A_305 = tpu.vector_load_idx %arg9[%add3A_296, %broadcast_in_dim3A_304] : memref<80x16xf32, #tpu.memory_space<vmem>>[vector<16xi32>, vector<16xi32>], vector<16xf32>,
    %broadcast_in_dim3A_306 = arith.constant 3 : i32
    %broadcast_in_dim3A_307 = vector.broadcast %broadcast_in_dim3A_306 : i32 to vector<16xi32>
    %gather3A_308 = tpu.vector_load_idx %arg9[%add3A_296, %broadcast_in_dim3A_307] : memref<80x16xf32, #tpu.memory_space<vmem>>[vector<16xi32>, vector<16xi32>], vector<16xf32>,
    %broadcast_in_dim3A_309 = arith.constant 4 : i32
    %broadcast_in_dim3A_310 = vector.broadcast %broadcast_in_dim3A_309 : i32 to vector<16xi32>
    %gather3A_311 = tpu.vector_load_idx %arg9[%add3A_296, %broadcast_in_dim3A_310] : memref<80x16xf32, #tpu.memory_space<vmem>>[vector<16xi32>, vector<16xi32>], vector<16xf32>,
    %broadcast_in_dim3A_312 = arith.constant 5 : i32
    %broadcast_in_dim3A_313 = vector.broadcast %broadcast_in_dim3A_312 : i32 to vector<16xi32>
    %gather3A_314 = tpu.vector_load_idx %arg11[%add3A_296, %broadcast_in_dim3A_313] : memref<80x16xf32, #tpu.memory_space<vmem>>[vector<16xi32>, vector<16xi32>], vector<16xf32>,
    %broadcast_in_dim3A_315 = arith.constant 6 : i32
    %broadcast_in_dim3A_316 = vector.broadcast %broadcast_in_dim3A_315 : i32 to vector<16xi32>
    %gather3A_317 = tpu.vector_load_idx %arg11[%add3A_296, %broadcast_in_dim3A_316] : memref<80x16xf32, #tpu.memory_space<vmem>>[vector<16xi32>, vector<16xi32>], vector<16xf32>,
    %broadcast_in_dim3A_318 = arith.constant 7 : i32
    %broadcast_in_dim3A_319 = vector.broadcast %broadcast_in_dim3A_318 : i32 to vector<16xi32>
    %gather3A_320 = tpu.vector_load_idx %arg11[%add3A_296, %broadcast_in_dim3A_319] : memref<80x16xf32, #tpu.memory_space<vmem>>[vector<16xi32>, vector<16xi32>], vector<16xf32>,
    %broadcast_in_dim3A_321 = arith.constant 8 : i32
    %broadcast_in_dim3A_322 = vector.broadcast %broadcast_in_dim3A_321 : i32 to vector<16xi32>
    %gather3A_323 = tpu.vector_load_idx %arg11[%add3A_296, %broadcast_in_dim3A_322] : memref<80x16xf32, #tpu.memory_space<vmem>>[vector<16xi32>, vector<16xi32>], vector<16xf32>,
    %broadcast_in_dim3A_324 = arith.constant 9 : i32
    %broadcast_in_dim3A_325 = vector.broadcast %broadcast_in_dim3A_324 : i32 to vector<16xi32>
    %gather3A_326 = tpu.vector_load_idx %arg11[%add3A_296, %broadcast_in_dim3A_325] : memref<80x16xf32, #tpu.memory_space<vmem>>[vector<16xi32>, vector<16xi32>], vector<16xf32>,
    %add3A_327 = arith.addf %gather3A_299, %gather3A_314 : vector<16xf32>
    %add3A_328 = arith.addf %gather3A_302, %gather3A_317 : vector<16xf32>
    %add3A_329 = arith.addf %gather3A_305, %gather3A_320 : vector<16xf32>
    %add3A_330 = arith.addf %gather3A_308, %gather3A_323 : vector<16xf32>
    %add3A_331 = arith.addf %gather3A_311, %gather3A_326 : vector<16xf32>
    %mul3A_332 = arith.constant 0.00999999977 : f32
    %mul3A_333 = vector.broadcast %mul3A_332 : f32 to vector<16xf32>
    %mul3A_334 = arith.mulf %add3A_327, %mul3A_333 : vector<16xf32>
    %max3A_335 = arith.maximumf %add3A_327, %mul3A_334 : vector<16xf32>
    %mul3A_336 = arith.constant 0.00999999977 : f32
    %mul3A_337 = vector.broadcast %mul3A_336 : f32 to vector<16xf32>
    %mul3A_338 = arith.mulf %add3A_328, %mul3A_337 : vector<16xf32>
    %max3A_339 = arith.maximumf %add3A_328, %mul3A_338 : vector<16xf32>
    %mul3A_340 = arith.constant 0.00999999977 : f32
    %mul3A_341 = vector.broadcast %mul3A_340 : f32 to vector<16xf32>
    %mul3A_342 = arith.mulf %add3A_329, %mul3A_341 : vector<16xf32>
    %max3A_343 = arith.maximumf %add3A_329, %mul3A_342 : vector<16xf32>
    %mul3A_344 = arith.constant 0.00999999977 : f32
    %mul3A_345 = vector.broadcast %mul3A_344 : f32 to vector<16xf32>
    %mul3A_346 = arith.mulf %add3A_330, %mul3A_345 : vector<16xf32>
    %max3A_347 = arith.maximumf %add3A_330, %mul3A_346 : vector<16xf32>
    %mul3A_348 = arith.constant 0.00999999977 : f32
    %mul3A_349 = vector.broadcast %mul3A_348 : f32 to vector<16xf32>
    %mul3A_350 = arith.mulf %add3A_331, %mul3A_349 : vector<16xf32>
    %max3A_351 = arith.maximumf %add3A_331, %mul3A_350 : vector<16xf32>
    %max3A_352 = arith.maximumf %max3A_335, %max3A_339 : vector<16xf32>
    %max3A_353 = arith.maximumf %max3A_343, %max3A_347 : vector<16xf32>
    %max3A_354 = arith.maximumf %max3A_352, %max3A_353 : vector<16xf32>
    %max3A_355 = arith.maximumf %max3A_354, %max3A_351 : vector<16xf32>
    %sub3A_356 = arith.subf %max3A_335, %max3A_355 : vector<16xf32>
    %exp3A_357 = math.exp %sub3A_356 : vector<16xf32>
    %sub3A_358 = arith.subf %max3A_339, %max3A_355 : vector<16xf32>
    %exp3A_359 = math.exp %sub3A_358 : vector<16xf32>
    %sub3A_360 = arith.subf %max3A_343, %max3A_355 : vector<16xf32>
    %exp3A_361 = math.exp %sub3A_360 : vector<16xf32>
    %sub3A_362 = arith.subf %max3A_347, %max3A_355 : vector<16xf32>
    %exp3A_363 = math.exp %sub3A_362 : vector<16xf32>
    %sub3A_364 = arith.subf %max3A_351, %max3A_355 : vector<16xf32>
    %exp3A_365 = math.exp %sub3A_364 : vector<16xf32>
    %add3A_366 = arith.addf %exp3A_357, %exp3A_359 : vector<16xf32>
    %add3A_367 = arith.addf %exp3A_361, %exp3A_363 : vector<16xf32>
    %add3A_368 = arith.addf %add3A_366, %add3A_367 : vector<16xf32>
    %add3A_369 = arith.addf %add3A_368, %exp3A_365 : vector<16xf32>
    %div3A_370 = arith.constant 1.000000e+00 : f32
    %div3A_371 = vector.broadcast %div3A_370 : f32 to vector<16xf32>
    %div3A_372 = arith.divf %div3A_371, %add3A_369 : vector<16xf32>
    %mul3A_373 = arith.mulf %exp3A_357, %div3A_372 : vector<16xf32>
    %mul3A_374 = arith.mulf %exp3A_359, %div3A_372 : vector<16xf32>
    %mul3A_375 = arith.mulf %exp3A_361, %div3A_372 : vector<16xf32>
    %mul3A_376 = arith.mulf %exp3A_363, %div3A_372 : vector<16xf32>
    %mul3A_377 = arith.mulf %exp3A_365, %div3A_372 : vector<16xf32>
    %get3A_378 = arith.constant 9936 : index
    %get3A_379 = tpu.vector_load %arg7[%get3A_378] {strides = array<i32>} : memref<10000xi32, #tpu.memory_space<vmem>>, vector<16xi32>,
    %get3A_380 = arith.constant 9936 : index
    %get3A_381 = tpu.vector_load %arg8[%get3A_380] {strides = array<i32>} : memref<10000xi32, #tpu.memory_space<vmem>>, vector<16xi32>,
    %swap3A_382 = arith.constant 0 : i32
    %swap3A_383 = arith.index_cast %swap3A_382 : i32 to index
    %swap3A_384 = arith.constant 16 : index
    %swap3A_385 = tpu.vector_load %arg13[%swap3A_383, %swap3A_384] {strides = array<i32>} : memref<8x80xf32, #tpu.memory_space<vmem>>, vector<16xf32>,
    tpu.vector_store %arg13[%swap3A_383, %swap3A_384], %mul3A_373 {strides = array<i32>} : memref<8x80xf32, #tpu.memory_space<vmem>>, vector<16xf32>,
    %add3A_386 = arith.constant 0 : i32
    %add3A_387 = vector.broadcast %add3A_386 : i32 to vector<16xi32>
    %add3A_388 = arith.addi %get3A_379, %add3A_387 : vector<16xi32>
    tpu.vector_store_idx %arg15[%add3A_388], %mul3A_373 {add = true} : memref<81920xf32, #tpu.memory_space<vmem>>[vector<16xi32>], vector<16xf32>,
    %add3A_389 = arith.constant 0 : i32
    %add3A_390 = vector.broadcast %add3A_389 : i32 to vector<16xi32>
    %add3A_391 = arith.addi %get3A_381, %add3A_390 : vector<16xi32>
    tpu.vector_store_idx %arg15[%add3A_391], %mul3A_373 {add = true} : memref<81920xf32, #tpu.memory_space<vmem>>[vector<16xi32>], vector<16xf32>,
    %swap3A_392 = arith.constant 1 : i32
    %swap3A_393 = arith.index_cast %swap3A_392 : i32 to index
    %swap3A_394 = arith.constant 16 : index
    %swap3A_395 = tpu.vector_load %arg13[%swap3A_393, %swap3A_394] {strides = array<i32>} : memref<8x80xf32, #tpu.memory_space<vmem>>, vector<16xf32>,
    tpu.vector_store %arg13[%swap3A_393, %swap3A_394], %mul3A_374 {strides = array<i32>} : memref<8x80xf32, #tpu.memory_space<vmem>>, vector<16xf32>,
    %add3A_396 = arith.constant 10240 : i32
    %add3A_397 = vector.broadcast %add3A_396 : i32 to vector<16xi32>
    %add3A_398 = arith.addi %get3A_379, %add3A_397 : vector<16xi32>
    tpu.vector_store_idx %arg15[%add3A_398], %mul3A_374 {add = true} : memref<81920xf32, #tpu.memory_space<vmem>>[vector<16xi32>], vector<16xf32>,
    %add3A_399 = arith.constant 10240 : i32
    %add3A_400 = vector.broadcast %add3A_399 : i32 to vector<16xi32>
    %add3A_401 = arith.addi %get3A_381, %add3A_400 : vector<16xi32>
    tpu.vector_store_idx %arg15[%add3A_401], %mul3A_374 {add = true} : memref<81920xf32, #tpu.memory_space<vmem>>[vector<16xi32>], vector<16xf32>,
    %swap3A_402 = arith.constant 2 : i32
    %swap3A_403 = arith.index_cast %swap3A_402 : i32 to index
    %swap3A_404 = arith.constant 16 : index
    %swap3A_405 = tpu.vector_load %arg13[%swap3A_403, %swap3A_404] {strides = array<i32>} : memref<8x80xf32, #tpu.memory_space<vmem>>, vector<16xf32>,
    tpu.vector_store %arg13[%swap3A_403, %swap3A_404], %mul3A_375 {strides = array<i32>} : memref<8x80xf32, #tpu.memory_space<vmem>>, vector<16xf32>,
    %add3A_406 = arith.constant 20480 : i32
    %add3A_407 = vector.broadcast %add3A_406 : i32 to vector<16xi32>
    %add3A_408 = arith.addi %get3A_379, %add3A_407 : vector<16xi32>
    tpu.vector_store_idx %arg15[%add3A_408], %mul3A_375 {add = true} : memref<81920xf32, #tpu.memory_space<vmem>>[vector<16xi32>], vector<16xf32>,
    %add3A_409 = arith.constant 20480 : i32
    %add3A_410 = vector.broadcast %add3A_409 : i32 to vector<16xi32>
    %add3A_411 = arith.addi %get3A_381, %add3A_410 : vector<16xi32>
    tpu.vector_store_idx %arg15[%add3A_411], %mul3A_375 {add = true} : memref<81920xf32, #tpu.memory_space<vmem>>[vector<16xi32>], vector<16xf32>,
    %swap3A_412 = arith.constant 3 : i32
    %swap3A_413 = arith.index_cast %swap3A_412 : i32 to index
    %swap3A_414 = arith.constant 16 : index
    %swap3A_415 = tpu.vector_load %arg13[%swap3A_413, %swap3A_414] {strides = array<i32>} : memref<8x80xf32, #tpu.memory_space<vmem>>, vector<16xf32>,
    tpu.vector_store %arg13[%swap3A_413, %swap3A_414], %mul3A_376 {strides = array<i32>} : memref<8x80xf32, #tpu.memory_space<vmem>>, vector<16xf32>,
    %add3A_416 = arith.constant 30720 : i32
    %add3A_417 = vector.broadcast %add3A_416 : i32 to vector<16xi32>
    %add3A_418 = arith.addi %get3A_379, %add3A_417 : vector<16xi32>
    tpu.vector_store_idx %arg15[%add3A_418], %mul3A_376 {add = true} : memref<81920xf32, #tpu.memory_space<vmem>>[vector<16xi32>], vector<16xf32>,
    %add3A_419 = arith.constant 30720 : i32
    %add3A_420 = vector.broadcast %add3A_419 : i32 to vector<16xi32>
    %add3A_421 = arith.addi %get3A_381, %add3A_420 : vector<16xi32>
    tpu.vector_store_idx %arg15[%add3A_421], %mul3A_376 {add = true} : memref<81920xf32, #tpu.memory_space<vmem>>[vector<16xi32>], vector<16xf32>,
    %swap3A_422 = arith.constant 4 : i32
    %swap3A_423 = arith.index_cast %swap3A_422 : i32 to index
    %swap3A_424 = arith.constant 16 : index
    %swap3A_425 = tpu.vector_load %arg13[%swap3A_423, %swap3A_424] {strides = array<i32>} : memref<8x80xf32, #tpu.memory_space<vmem>>, vector<16xf32>,
    tpu.vector_store %arg13[%swap3A_423, %swap3A_424], %mul3A_377 {strides = array<i32>} : memref<8x80xf32, #tpu.memory_space<vmem>>, vector<16xf32>,
    %add3A_426 = arith.constant 40960 : i32
    %add3A_427 = vector.broadcast %add3A_426 : i32 to vector<16xi32>
    %add3A_428 = arith.addi %get3A_379, %add3A_427 : vector<16xi32>
    tpu.vector_store_idx %arg15[%add3A_428], %mul3A_377 {add = true} : memref<81920xf32, #tpu.memory_space<vmem>>[vector<16xi32>], vector<16xf32>,
    %add3A_429 = arith.constant 40960 : i32
    %add3A_430 = vector.broadcast %add3A_429 : i32 to vector<16xi32>
    %add3A_431 = arith.addi %get3A_381, %add3A_430 : vector<16xi32>
    tpu.vector_store_idx %arg15[%add3A_431], %mul3A_377 {add = true} : memref<81920xf32, #tpu.memory_space<vmem>>[vector<16xi32>], vector<16xf32>,
    %add3A_432 = arith.constant 32 : i32
    %add3A_433 = vector.broadcast %add3A_432 : i32 to vector<16xi32>
    %add3A_434 = arith.addi %iota3A, %add3A_433 : vector<16xi32>
    %broadcast_in_dim3A_435 = arith.constant 0 : i32
    %broadcast_in_dim3A_436 = vector.broadcast %broadcast_in_dim3A_435 : i32 to vector<16xi32>
    %gather3A_437 = tpu.vector_load_idx %arg9[%add3A_434, %broadcast_in_dim3A_436] : memref<80x16xf32, #tpu.memory_space<vmem>>[vector<16xi32>, vector<16xi32>], vector<16xf32>,
    %broadcast_in_dim3A_438 = arith.constant 1 : i32
    %broadcast_in_dim3A_439 = vector.broadcast %broadcast_in_dim3A_438 : i32 to vector<16xi32>
    %gather3A_440 = tpu.vector_load_idx %arg9[%add3A_434, %broadcast_in_dim3A_439] : memref<80x16xf32, #tpu.memory_space<vmem>>[vector<16xi32>, vector<16xi32>], vector<16xf32>,
    %broadcast_in_dim3A_441 = arith.constant 2 : i32
    %broadcast_in_dim3A_442 = vector.broadcast %broadcast_in_dim3A_441 : i32 to vector<16xi32>
    %gather3A_443 = tpu.vector_load_idx %arg9[%add3A_434, %broadcast_in_dim3A_442] : memref<80x16xf32, #tpu.memory_space<vmem>>[vector<16xi32>, vector<16xi32>], vector<16xf32>,
    %broadcast_in_dim3A_444 = arith.constant 3 : i32
    %broadcast_in_dim3A_445 = vector.broadcast %broadcast_in_dim3A_444 : i32 to vector<16xi32>
    %gather3A_446 = tpu.vector_load_idx %arg9[%add3A_434, %broadcast_in_dim3A_445] : memref<80x16xf32, #tpu.memory_space<vmem>>[vector<16xi32>, vector<16xi32>], vector<16xf32>,
    %broadcast_in_dim3A_447 = arith.constant 4 : i32
    %broadcast_in_dim3A_448 = vector.broadcast %broadcast_in_dim3A_447 : i32 to vector<16xi32>
    %gather3A_449 = tpu.vector_load_idx %arg9[%add3A_434, %broadcast_in_dim3A_448] : memref<80x16xf32, #tpu.memory_space<vmem>>[vector<16xi32>, vector<16xi32>], vector<16xf32>,
    %broadcast_in_dim3A_450 = arith.constant 5 : i32
    %broadcast_in_dim3A_451 = vector.broadcast %broadcast_in_dim3A_450 : i32 to vector<16xi32>
    %gather3A_452 = tpu.vector_load_idx %arg11[%add3A_434, %broadcast_in_dim3A_451] : memref<80x16xf32, #tpu.memory_space<vmem>>[vector<16xi32>, vector<16xi32>], vector<16xf32>,
    %broadcast_in_dim3A_453 = arith.constant 6 : i32
    %broadcast_in_dim3A_454 = vector.broadcast %broadcast_in_dim3A_453 : i32 to vector<16xi32>
    %gather3A_455 = tpu.vector_load_idx %arg11[%add3A_434, %broadcast_in_dim3A_454] : memref<80x16xf32, #tpu.memory_space<vmem>>[vector<16xi32>, vector<16xi32>], vector<16xf32>,
    %broadcast_in_dim3A_456 = arith.constant 7 : i32
    %broadcast_in_dim3A_457 = vector.broadcast %broadcast_in_dim3A_456 : i32 to vector<16xi32>
    %gather3A_458 = tpu.vector_load_idx %arg11[%add3A_434, %broadcast_in_dim3A_457] : memref<80x16xf32, #tpu.memory_space<vmem>>[vector<16xi32>, vector<16xi32>], vector<16xf32>,
    %broadcast_in_dim3A_459 = arith.constant 8 : i32
    %broadcast_in_dim3A_460 = vector.broadcast %broadcast_in_dim3A_459 : i32 to vector<16xi32>
    %gather3A_461 = tpu.vector_load_idx %arg11[%add3A_434, %broadcast_in_dim3A_460] : memref<80x16xf32, #tpu.memory_space<vmem>>[vector<16xi32>, vector<16xi32>], vector<16xf32>,
    %broadcast_in_dim3A_462 = arith.constant 9 : i32
    %broadcast_in_dim3A_463 = vector.broadcast %broadcast_in_dim3A_462 : i32 to vector<16xi32>
    %gather3A_464 = tpu.vector_load_idx %arg11[%add3A_434, %broadcast_in_dim3A_463] : memref<80x16xf32, #tpu.memory_space<vmem>>[vector<16xi32>, vector<16xi32>], vector<16xf32>,
    %add3A_465 = arith.addf %gather3A_437, %gather3A_452 : vector<16xf32>
    %add3A_466 = arith.addf %gather3A_440, %gather3A_455 : vector<16xf32>
    %add3A_467 = arith.addf %gather3A_443, %gather3A_458 : vector<16xf32>
    %add3A_468 = arith.addf %gather3A_446, %gather3A_461 : vector<16xf32>
    %add3A_469 = arith.addf %gather3A_449, %gather3A_464 : vector<16xf32>
    %mul3A_470 = arith.constant 0.00999999977 : f32
    %mul3A_471 = vector.broadcast %mul3A_470 : f32 to vector<16xf32>
    %mul3A_472 = arith.mulf %add3A_465, %mul3A_471 : vector<16xf32>
    %max3A_473 = arith.maximumf %add3A_465, %mul3A_472 : vector<16xf32>
    %mul3A_474 = arith.constant 0.00999999977 : f32
    %mul3A_475 = vector.broadcast %mul3A_474 : f32 to vector<16xf32>
    %mul3A_476 = arith.mulf %add3A_466, %mul3A_475 : vector<16xf32>
    %max3A_477 = arith.maximumf %add3A_466, %mul3A_476 : vector<16xf32>
    %mul3A_478 = arith.constant 0.00999999977 : f32
    %mul3A_479 = vector.broadcast %mul3A_478 : f32 to vector<16xf32>
    %mul3A_480 = arith.mulf %add3A_467, %mul3A_479 : vector<16xf32>
    %max3A_481 = arith.maximumf %add3A_467, %mul3A_480 : vector<16xf32>
    %mul3A_482 = arith.constant 0.00999999977 : f32
    %mul3A_483 = vector.broadcast %mul3A_482 : f32 to vector<16xf32>
    %mul3A_484 = arith.mulf %add3A_468, %mul3A_483 : vector<16xf32>
    %max3A_485 = arith.maximumf %add3A_468, %mul3A_484 : vector<16xf32>
    %mul3A_486 = arith.constant 0.00999999977 : f32
    %mul3A_487 = vector.broadcast %mul3A_486 : f32 to vector<16xf32>
    %mul3A_488 = arith.mulf %add3A_469, %mul3A_487 : vector<16xf32>
    %max3A_489 = arith.maximumf %add3A_469, %mul3A_488 : vector<16xf32>
    %max3A_490 = arith.maximumf %max3A_473, %max3A_477 : vector<16xf32>
    %max3A_491 = arith.maximumf %max3A_481, %max3A_485 : vector<16xf32>
    %max3A_492 = arith.maximumf %max3A_490, %max3A_491 : vector<16xf32>
    %max3A_493 = arith.maximumf %max3A_492, %max3A_489 : vector<16xf32>
    %sub3A_494 = arith.subf %max3A_473, %max3A_493 : vector<16xf32>
    %exp3A_495 = math.exp %sub3A_494 : vector<16xf32>
    %sub3A_496 = arith.subf %max3A_477, %max3A_493 : vector<16xf32>
    %exp3A_497 = math.exp %sub3A_496 : vector<16xf32>
    %sub3A_498 = arith.subf %max3A_481, %max3A_493 : vector<16xf32>
    %exp3A_499 = math.exp %sub3A_498 : vector<16xf32>
    %sub3A_500 = arith.subf %max3A_485, %max3A_493 : vector<16xf32>
    %exp3A_501 = math.exp %sub3A_500 : vector<16xf32>
    %sub3A_502 = arith.subf %max3A_489, %max3A_493 : vector<16xf32>
    %exp3A_503 = math.exp %sub3A_502 : vector<16xf32>
    %add3A_504 = arith.addf %exp3A_495, %exp3A_497 : vector<16xf32>
    %add3A_505 = arith.addf %exp3A_499, %exp3A_501 : vector<16xf32>
    %add3A_506 = arith.addf %add3A_504, %add3A_505 : vector<16xf32>
    %add3A_507 = arith.addf %add3A_506, %exp3A_503 : vector<16xf32>
    %div3A_508 = arith.constant 1.000000e+00 : f32
    %div3A_509 = vector.broadcast %div3A_508 : f32 to vector<16xf32>
    %div3A_510 = arith.divf %div3A_509, %add3A_507 : vector<16xf32>
    %mul3A_511 = arith.mulf %exp3A_495, %div3A_510 : vector<16xf32>
    %mul3A_512 = arith.mulf %exp3A_497, %div3A_510 : vector<16xf32>
    %mul3A_513 = arith.mulf %exp3A_499, %div3A_510 : vector<16xf32>
    %mul3A_514 = arith.mulf %exp3A_501, %div3A_510 : vector<16xf32>
    %mul3A_515 = arith.mulf %exp3A_503, %div3A_510 : vector<16xf32>
    %get3A_516 = arith.constant 9952 : index
    %get3A_517 = tpu.vector_load %arg7[%get3A_516] {strides = array<i32>} : memref<10000xi32, #tpu.memory_space<vmem>>, vector<16xi32>,
    %get3A_518 = arith.constant 9952 : index
    %get3A_519 = tpu.vector_load %arg8[%get3A_518] {strides = array<i32>} : memref<10000xi32, #tpu.memory_space<vmem>>, vector<16xi32>,
    %swap3A_520 = arith.constant 0 : i32
    %swap3A_521 = arith.index_cast %swap3A_520 : i32 to index
    %swap3A_522 = arith.constant 32 : index
    %swap3A_523 = tpu.vector_load %arg13[%swap3A_521, %swap3A_522] {strides = array<i32>} : memref<8x80xf32, #tpu.memory_space<vmem>>, vector<16xf32>,
    tpu.vector_store %arg13[%swap3A_521, %swap3A_522], %mul3A_511 {strides = array<i32>} : memref<8x80xf32, #tpu.memory_space<vmem>>, vector<16xf32>,
    %add3A_524 = arith.constant 0 : i32
    %add3A_525 = vector.broadcast %add3A_524 : i32 to vector<16xi32>
    %add3A_526 = arith.addi %get3A_517, %add3A_525 : vector<16xi32>
    tpu.vector_store_idx %arg15[%add3A_526], %mul3A_511 {add = true} : memref<81920xf32, #tpu.memory_space<vmem>>[vector<16xi32>], vector<16xf32>,
    %add3A_527 = arith.constant 0 : i32
    %add3A_528 = vector.broadcast %add3A_527 : i32 to vector<16xi32>
    %add3A_529 = arith.addi %get3A_519, %add3A_528 : vector<16xi32>
    tpu.vector_store_idx %arg15[%add3A_529], %mul3A_511 {add = true} : memref<81920xf32, #tpu.memory_space<vmem>>[vector<16xi32>], vector<16xf32>,
    %swap3A_530 = arith.constant 1 : i32
    %swap3A_531 = arith.index_cast %swap3A_530 : i32 to index
    %swap3A_532 = arith.constant 32 : index
    %swap3A_533 = tpu.vector_load %arg13[%swap3A_531, %swap3A_532] {strides = array<i32>} : memref<8x80xf32, #tpu.memory_space<vmem>>, vector<16xf32>,
    tpu.vector_store %arg13[%swap3A_531, %swap3A_532], %mul3A_512 {strides = array<i32>} : memref<8x80xf32, #tpu.memory_space<vmem>>, vector<16xf32>,
    %add3A_534 = arith.constant 10240 : i32
    %add3A_535 = vector.broadcast %add3A_534 : i32 to vector<16xi32>
    %add3A_536 = arith.addi %get3A_517, %add3A_535 : vector<16xi32>
    tpu.vector_store_idx %arg15[%add3A_536], %mul3A_512 {add = true} : memref<81920xf32, #tpu.memory_space<vmem>>[vector<16xi32>], vector<16xf32>,
    %add3A_537 = arith.constant 10240 : i32
    %add3A_538 = vector.broadcast %add3A_537 : i32 to vector<16xi32>
    %add3A_539 = arith.addi %get3A_519, %add3A_538 : vector<16xi32>
    tpu.vector_store_idx %arg15[%add3A_539], %mul3A_512 {add = true} : memref<81920xf32, #tpu.memory_space<vmem>>[vector<16xi32>], vector<16xf32>,
    %swap3A_540 = arith.constant 2 : i32
    %swap3A_541 = arith.index_cast %swap3A_540 : i32 to index
    %swap3A_542 = arith.constant 32 : index
    %swap3A_543 = tpu.vector_load %arg13[%swap3A_541, %swap3A_542] {strides = array<i32>} : memref<8x80xf32, #tpu.memory_space<vmem>>, vector<16xf32>,
    tpu.vector_store %arg13[%swap3A_541, %swap3A_542], %mul3A_513 {strides = array<i32>} : memref<8x80xf32, #tpu.memory_space<vmem>>, vector<16xf32>,
    %add3A_544 = arith.constant 20480 : i32
    %add3A_545 = vector.broadcast %add3A_544 : i32 to vector<16xi32>
    %add3A_546 = arith.addi %get3A_517, %add3A_545 : vector<16xi32>
    tpu.vector_store_idx %arg15[%add3A_546], %mul3A_513 {add = true} : memref<81920xf32, #tpu.memory_space<vmem>>[vector<16xi32>], vector<16xf32>,
    %add3A_547 = arith.constant 20480 : i32
    %add3A_548 = vector.broadcast %add3A_547 : i32 to vector<16xi32>
    %add3A_549 = arith.addi %get3A_519, %add3A_548 : vector<16xi32>
    tpu.vector_store_idx %arg15[%add3A_549], %mul3A_513 {add = true} : memref<81920xf32, #tpu.memory_space<vmem>>[vector<16xi32>], vector<16xf32>,
    %swap3A_550 = arith.constant 3 : i32
    %swap3A_551 = arith.index_cast %swap3A_550 : i32 to index
    %swap3A_552 = arith.constant 32 : index
    %swap3A_553 = tpu.vector_load %arg13[%swap3A_551, %swap3A_552] {strides = array<i32>} : memref<8x80xf32, #tpu.memory_space<vmem>>, vector<16xf32>,
    tpu.vector_store %arg13[%swap3A_551, %swap3A_552], %mul3A_514 {strides = array<i32>} : memref<8x80xf32, #tpu.memory_space<vmem>>, vector<16xf32>,
    %add3A_554 = arith.constant 30720 : i32
    %add3A_555 = vector.broadcast %add3A_554 : i32 to vector<16xi32>
    %add3A_556 = arith.addi %get3A_517, %add3A_555 : vector<16xi32>
    tpu.vector_store_idx %arg15[%add3A_556], %mul3A_514 {add = true} : memref<81920xf32, #tpu.memory_space<vmem>>[vector<16xi32>], vector<16xf32>,
    %add3A_557 = arith.constant 30720 : i32
    %add3A_558 = vector.broadcast %add3A_557 : i32 to vector<16xi32>
    %add3A_559 = arith.addi %get3A_519, %add3A_558 : vector<16xi32>
    tpu.vector_store_idx %arg15[%add3A_559], %mul3A_514 {add = true} : memref<81920xf32, #tpu.memory_space<vmem>>[vector<16xi32>], vector<16xf32>,
    %swap3A_560 = arith.constant 4 : i32
    %swap3A_561 = arith.index_cast %swap3A_560 : i32 to index
    %swap3A_562 = arith.constant 32 : index
    %swap3A_563 = tpu.vector_load %arg13[%swap3A_561, %swap3A_562] {strides = array<i32>} : memref<8x80xf32, #tpu.memory_space<vmem>>, vector<16xf32>,
    tpu.vector_store %arg13[%swap3A_561, %swap3A_562], %mul3A_515 {strides = array<i32>} : memref<8x80xf32, #tpu.memory_space<vmem>>, vector<16xf32>,
    %add3A_564 = arith.constant 40960 : i32
    %add3A_565 = vector.broadcast %add3A_564 : i32 to vector<16xi32>
    %add3A_566 = arith.addi %get3A_517, %add3A_565 : vector<16xi32>
    tpu.vector_store_idx %arg15[%add3A_566], %mul3A_515 {add = true} : memref<81920xf32, #tpu.memory_space<vmem>>[vector<16xi32>], vector<16xf32>,
    %add3A_567 = arith.constant 40960 : i32
    %add3A_568 = vector.broadcast %add3A_567 : i32 to vector<16xi32>
    %add3A_569 = arith.addi %get3A_519, %add3A_568 : vector<16xi32>
    tpu.vector_store_idx %arg15[%add3A_569], %mul3A_515 {add = true} : memref<81920xf32, #tpu.memory_space<vmem>>[vector<16xi32>], vector<16xf32>,
    %add3A_570 = arith.constant 48 : i32
    %add3A_571 = vector.broadcast %add3A_570 : i32 to vector<16xi32>
    %add3A_572 = arith.addi %iota3A, %add3A_571 : vector<16xi32>
    %broadcast_in_dim3A_573 = arith.constant 0 : i32
    %broadcast_in_dim3A_574 = vector.broadcast %broadcast_in_dim3A_573 : i32 to vector<16xi32>
    %gather3A_575 = tpu.vector_load_idx %arg9[%add3A_572, %broadcast_in_dim3A_574] : memref<80x16xf32, #tpu.memory_space<vmem>>[vector<16xi32>, vector<16xi32>], vector<16xf32>,
    %broadcast_in_dim3A_576 = arith.constant 1 : i32
    %broadcast_in_dim3A_577 = vector.broadcast %broadcast_in_dim3A_576 : i32 to vector<16xi32>
    %gather3A_578 = tpu.vector_load_idx %arg9[%add3A_572, %broadcast_in_dim3A_577] : memref<80x16xf32, #tpu.memory_space<vmem>>[vector<16xi32>, vector<16xi32>], vector<16xf32>,
    %broadcast_in_dim3A_579 = arith.constant 2 : i32
    %broadcast_in_dim3A_580 = vector.broadcast %broadcast_in_dim3A_579 : i32 to vector<16xi32>
    %gather3A_581 = tpu.vector_load_idx %arg9[%add3A_572, %broadcast_in_dim3A_580] : memref<80x16xf32, #tpu.memory_space<vmem>>[vector<16xi32>, vector<16xi32>], vector<16xf32>,
    %broadcast_in_dim3A_582 = arith.constant 3 : i32
    %broadcast_in_dim3A_583 = vector.broadcast %broadcast_in_dim3A_582 : i32 to vector<16xi32>
    %gather3A_584 = tpu.vector_load_idx %arg9[%add3A_572, %broadcast_in_dim3A_583] : memref<80x16xf32, #tpu.memory_space<vmem>>[vector<16xi32>, vector<16xi32>], vector<16xf32>,
    %broadcast_in_dim3A_585 = arith.constant 4 : i32
    %broadcast_in_dim3A_586 = vector.broadcast %broadcast_in_dim3A_585 : i32 to vector<16xi32>
    %gather3A_587 = tpu.vector_load_idx %arg9[%add3A_572, %broadcast_in_dim3A_586] : memref<80x16xf32, #tpu.memory_space<vmem>>[vector<16xi32>, vector<16xi32>], vector<16xf32>,
    %broadcast_in_dim3A_588 = arith.constant 5 : i32
    %broadcast_in_dim3A_589 = vector.broadcast %broadcast_in_dim3A_588 : i32 to vector<16xi32>
    %gather3A_590 = tpu.vector_load_idx %arg11[%add3A_572, %broadcast_in_dim3A_589] : memref<80x16xf32, #tpu.memory_space<vmem>>[vector<16xi32>, vector<16xi32>], vector<16xf32>,
    %broadcast_in_dim3A_591 = arith.constant 6 : i32
    %broadcast_in_dim3A_592 = vector.broadcast %broadcast_in_dim3A_591 : i32 to vector<16xi32>
    %gather3A_593 = tpu.vector_load_idx %arg11[%add3A_572, %broadcast_in_dim3A_592] : memref<80x16xf32, #tpu.memory_space<vmem>>[vector<16xi32>, vector<16xi32>], vector<16xf32>,
    %broadcast_in_dim3A_594 = arith.constant 7 : i32
    %broadcast_in_dim3A_595 = vector.broadcast %broadcast_in_dim3A_594 : i32 to vector<16xi32>
    %gather3A_596 = tpu.vector_load_idx %arg11[%add3A_572, %broadcast_in_dim3A_595] : memref<80x16xf32, #tpu.memory_space<vmem>>[vector<16xi32>, vector<16xi32>], vector<16xf32>,
    %broadcast_in_dim3A_597 = arith.constant 8 : i32
    %broadcast_in_dim3A_598 = vector.broadcast %broadcast_in_dim3A_597 : i32 to vector<16xi32>
    %gather3A_599 = tpu.vector_load_idx %arg11[%add3A_572, %broadcast_in_dim3A_598] : memref<80x16xf32, #tpu.memory_space<vmem>>[vector<16xi32>, vector<16xi32>], vector<16xf32>,
    %broadcast_in_dim3A_600 = arith.constant 9 : i32
    %broadcast_in_dim3A_601 = vector.broadcast %broadcast_in_dim3A_600 : i32 to vector<16xi32>
    %gather3A_602 = tpu.vector_load_idx %arg11[%add3A_572, %broadcast_in_dim3A_601] : memref<80x16xf32, #tpu.memory_space<vmem>>[vector<16xi32>, vector<16xi32>], vector<16xf32>,
    %add3A_603 = arith.addf %gather3A_575, %gather3A_590 : vector<16xf32>
    %add3A_604 = arith.addf %gather3A_578, %gather3A_593 : vector<16xf32>
    %add3A_605 = arith.addf %gather3A_581, %gather3A_596 : vector<16xf32>
    %add3A_606 = arith.addf %gather3A_584, %gather3A_599 : vector<16xf32>
    %add3A_607 = arith.addf %gather3A_587, %gather3A_602 : vector<16xf32>
    %mul3A_608 = arith.constant 0.00999999977 : f32
    %mul3A_609 = vector.broadcast %mul3A_608 : f32 to vector<16xf32>
    %mul3A_610 = arith.mulf %add3A_603, %mul3A_609 : vector<16xf32>
    %max3A_611 = arith.maximumf %add3A_603, %mul3A_610 : vector<16xf32>
    %mul3A_612 = arith.constant 0.00999999977 : f32
    %mul3A_613 = vector.broadcast %mul3A_612 : f32 to vector<16xf32>
    %mul3A_614 = arith.mulf %add3A_604, %mul3A_613 : vector<16xf32>
    %max3A_615 = arith.maximumf %add3A_604, %mul3A_614 : vector<16xf32>
    %mul3A_616 = arith.constant 0.00999999977 : f32
    %mul3A_617 = vector.broadcast %mul3A_616 : f32 to vector<16xf32>
    %mul3A_618 = arith.mulf %add3A_605, %mul3A_617 : vector<16xf32>
    %max3A_619 = arith.maximumf %add3A_605, %mul3A_618 : vector<16xf32>
    %mul3A_620 = arith.constant 0.00999999977 : f32
    %mul3A_621 = vector.broadcast %mul3A_620 : f32 to vector<16xf32>
    %mul3A_622 = arith.mulf %add3A_606, %mul3A_621 : vector<16xf32>
    %max3A_623 = arith.maximumf %add3A_606, %mul3A_622 : vector<16xf32>
    %mul3A_624 = arith.constant 0.00999999977 : f32
    %mul3A_625 = vector.broadcast %mul3A_624 : f32 to vector<16xf32>
    %mul3A_626 = arith.mulf %add3A_607, %mul3A_625 : vector<16xf32>
    %max3A_627 = arith.maximumf %add3A_607, %mul3A_626 : vector<16xf32>
    %max3A_628 = arith.maximumf %max3A_611, %max3A_615 : vector<16xf32>
    %max3A_629 = arith.maximumf %max3A_619, %max3A_623 : vector<16xf32>
    %max3A_630 = arith.maximumf %max3A_628, %max3A_629 : vector<16xf32>
    %max3A_631 = arith.maximumf %max3A_630, %max3A_627 : vector<16xf32>
    %sub3A_632 = arith.subf %max3A_611, %max3A_631 : vector<16xf32>
    %exp3A_633 = math.exp %sub3A_632 : vector<16xf32>
    %sub3A_634 = arith.subf %max3A_615, %max3A_631 : vector<16xf32>
    %exp3A_635 = math.exp %sub3A_634 : vector<16xf32>
    %sub3A_636 = arith.subf %max3A_619, %max3A_631 : vector<16xf32>
    %exp3A_637 = math.exp %sub3A_636 : vector<16xf32>
    %sub3A_638 = arith.subf %max3A_623, %max3A_631 : vector<16xf32>
    %exp3A_639 = math.exp %sub3A_638 : vector<16xf32>
    %sub3A_640 = arith.subf %max3A_627, %max3A_631 : vector<16xf32>
    %exp3A_641 = math.exp %sub3A_640 : vector<16xf32>
    %add3A_642 = arith.addf %exp3A_633, %exp3A_635 : vector<16xf32>
    %add3A_643 = arith.addf %exp3A_637, %exp3A_639 : vector<16xf32>
    %add3A_644 = arith.addf %add3A_642, %add3A_643 : vector<16xf32>
    %add3A_645 = arith.addf %add3A_644, %exp3A_641 : vector<16xf32>
    %div3A_646 = arith.constant 1.000000e+00 : f32
    %div3A_647 = vector.broadcast %div3A_646 : f32 to vector<16xf32>
    %div3A_648 = arith.divf %div3A_647, %add3A_645 : vector<16xf32>
    %mul3A_649 = arith.mulf %exp3A_633, %div3A_648 : vector<16xf32>
    %mul3A_650 = arith.mulf %exp3A_635, %div3A_648 : vector<16xf32>
    %mul3A_651 = arith.mulf %exp3A_637, %div3A_648 : vector<16xf32>
    %mul3A_652 = arith.mulf %exp3A_639, %div3A_648 : vector<16xf32>
    %mul3A_653 = arith.mulf %exp3A_641, %div3A_648 : vector<16xf32>
    %get3A_654 = arith.constant 9968 : index
    %get3A_655 = tpu.vector_load %arg7[%get3A_654] {strides = array<i32>} : memref<10000xi32, #tpu.memory_space<vmem>>, vector<16xi32>,
    %get3A_656 = arith.constant 9968 : index
    %get3A_657 = tpu.vector_load %arg8[%get3A_656] {strides = array<i32>} : memref<10000xi32, #tpu.memory_space<vmem>>, vector<16xi32>,
    %swap3A_658 = arith.constant 0 : i32
    %swap3A_659 = arith.index_cast %swap3A_658 : i32 to index
    %swap3A_660 = arith.constant 48 : index
    %swap3A_661 = tpu.vector_load %arg13[%swap3A_659, %swap3A_660] {strides = array<i32>} : memref<8x80xf32, #tpu.memory_space<vmem>>, vector<16xf32>,
    tpu.vector_store %arg13[%swap3A_659, %swap3A_660], %mul3A_649 {strides = array<i32>} : memref<8x80xf32, #tpu.memory_space<vmem>>, vector<16xf32>,
    %add3A_662 = arith.constant 0 : i32
    %add3A_663 = vector.broadcast %add3A_662 : i32 to vector<16xi32>
    %add3A_664 = arith.addi %get3A_655, %add3A_663 : vector<16xi32>
    tpu.vector_store_idx %arg15[%add3A_664], %mul3A_649 {add = true} : memref<81920xf32, #tpu.memory_space<vmem>>[vector<16xi32>], vector<16xf32>,
    %add3A_665 = arith.constant 0 : i32
    %add3A_666 = vector.broadcast %add3A_665 : i32 to vector<16xi32>
    %add3A_667 = arith.addi %get3A_657, %add3A_666 : vector<16xi32>
    tpu.vector_store_idx %arg15[%add3A_667], %mul3A_649 {add = true} : memref<81920xf32, #tpu.memory_space<vmem>>[vector<16xi32>], vector<16xf32>,
    %swap3A_668 = arith.constant 1 : i32
    %swap3A_669 = arith.index_cast %swap3A_668 : i32 to index
    %swap3A_670 = arith.constant 48 : index
    %swap3A_671 = tpu.vector_load %arg13[%swap3A_669, %swap3A_670] {strides = array<i32>} : memref<8x80xf32, #tpu.memory_space<vmem>>, vector<16xf32>,
    tpu.vector_store %arg13[%swap3A_669, %swap3A_670], %mul3A_650 {strides = array<i32>} : memref<8x80xf32, #tpu.memory_space<vmem>>, vector<16xf32>,
    %add3A_672 = arith.constant 10240 : i32
    %add3A_673 = vector.broadcast %add3A_672 : i32 to vector<16xi32>
    %add3A_674 = arith.addi %get3A_655, %add3A_673 : vector<16xi32>
    tpu.vector_store_idx %arg15[%add3A_674], %mul3A_650 {add = true} : memref<81920xf32, #tpu.memory_space<vmem>>[vector<16xi32>], vector<16xf32>,
    %add3A_675 = arith.constant 10240 : i32
    %add3A_676 = vector.broadcast %add3A_675 : i32 to vector<16xi32>
    %add3A_677 = arith.addi %get3A_657, %add3A_676 : vector<16xi32>
    tpu.vector_store_idx %arg15[%add3A_677], %mul3A_650 {add = true} : memref<81920xf32, #tpu.memory_space<vmem>>[vector<16xi32>], vector<16xf32>,
    %swap3A_678 = arith.constant 2 : i32
    %swap3A_679 = arith.index_cast %swap3A_678 : i32 to index
    %swap3A_680 = arith.constant 48 : index
    %swap3A_681 = tpu.vector_load %arg13[%swap3A_679, %swap3A_680] {strides = array<i32>} : memref<8x80xf32, #tpu.memory_space<vmem>>, vector<16xf32>,
    tpu.vector_store %arg13[%swap3A_679, %swap3A_680], %mul3A_651 {strides = array<i32>} : memref<8x80xf32, #tpu.memory_space<vmem>>, vector<16xf32>,
    %add3A_682 = arith.constant 20480 : i32
    %add3A_683 = vector.broadcast %add3A_682 : i32 to vector<16xi32>
    %add3A_684 = arith.addi %get3A_655, %add3A_683 : vector<16xi32>
    tpu.vector_store_idx %arg15[%add3A_684], %mul3A_651 {add = true} : memref<81920xf32, #tpu.memory_space<vmem>>[vector<16xi32>], vector<16xf32>,
    %add3A_685 = arith.constant 20480 : i32
    %add3A_686 = vector.broadcast %add3A_685 : i32 to vector<16xi32>
    %add3A_687 = arith.addi %get3A_657, %add3A_686 : vector<16xi32>
    tpu.vector_store_idx %arg15[%add3A_687], %mul3A_651 {add = true} : memref<81920xf32, #tpu.memory_space<vmem>>[vector<16xi32>], vector<16xf32>,
    %swap3A_688 = arith.constant 3 : i32
    %swap3A_689 = arith.index_cast %swap3A_688 : i32 to index
    %swap3A_690 = arith.constant 48 : index
    %swap3A_691 = tpu.vector_load %arg13[%swap3A_689, %swap3A_690] {strides = array<i32>} : memref<8x80xf32, #tpu.memory_space<vmem>>, vector<16xf32>,
    tpu.vector_store %arg13[%swap3A_689, %swap3A_690], %mul3A_652 {strides = array<i32>} : memref<8x80xf32, #tpu.memory_space<vmem>>, vector<16xf32>,
    %add3A_692 = arith.constant 30720 : i32
    %add3A_693 = vector.broadcast %add3A_692 : i32 to vector<16xi32>
    %add3A_694 = arith.addi %get3A_655, %add3A_693 : vector<16xi32>
    tpu.vector_store_idx %arg15[%add3A_694], %mul3A_652 {add = true} : memref<81920xf32, #tpu.memory_space<vmem>>[vector<16xi32>], vector<16xf32>,
    %add3A_695 = arith.constant 30720 : i32
    %add3A_696 = vector.broadcast %add3A_695 : i32 to vector<16xi32>
    %add3A_697 = arith.addi %get3A_657, %add3A_696 : vector<16xi32>
    tpu.vector_store_idx %arg15[%add3A_697], %mul3A_652 {add = true} : memref<81920xf32, #tpu.memory_space<vmem>>[vector<16xi32>], vector<16xf32>,
    %swap3A_698 = arith.constant 4 : i32
    %swap3A_699 = arith.index_cast %swap3A_698 : i32 to index
    %swap3A_700 = arith.constant 48 : index
    %swap3A_701 = tpu.vector_load %arg13[%swap3A_699, %swap3A_700] {strides = array<i32>} : memref<8x80xf32, #tpu.memory_space<vmem>>, vector<16xf32>,
    tpu.vector_store %arg13[%swap3A_699, %swap3A_700], %mul3A_653 {strides = array<i32>} : memref<8x80xf32, #tpu.memory_space<vmem>>, vector<16xf32>,
    %add3A_702 = arith.constant 40960 : i32
    %add3A_703 = vector.broadcast %add3A_702 : i32 to vector<16xi32>
    %add3A_704 = arith.addi %get3A_655, %add3A_703 : vector<16xi32>
    tpu.vector_store_idx %arg15[%add3A_704], %mul3A_653 {add = true} : memref<81920xf32, #tpu.memory_space<vmem>>[vector<16xi32>], vector<16xf32>,
    %add3A_705 = arith.constant 40960 : i32
    %add3A_706 = vector.broadcast %add3A_705 : i32 to vector<16xi32>
    %add3A_707 = arith.addi %get3A_657, %add3A_706 : vector<16xi32>
    tpu.vector_store_idx %arg15[%add3A_707], %mul3A_653 {add = true} : memref<81920xf32, #tpu.memory_space<vmem>>[vector<16xi32>], vector<16xf32>,
    %add3A_708 = arith.constant 64 : i32
    %add3A_709 = vector.broadcast %add3A_708 : i32 to vector<16xi32>
    %add3A_710 = arith.addi %iota3A, %add3A_709 : vector<16xi32>
    %broadcast_in_dim3A_711 = arith.constant 0 : i32
    %broadcast_in_dim3A_712 = vector.broadcast %broadcast_in_dim3A_711 : i32 to vector<16xi32>
    %gather3A_713 = tpu.vector_load_idx %arg9[%add3A_710, %broadcast_in_dim3A_712] : memref<80x16xf32, #tpu.memory_space<vmem>>[vector<16xi32>, vector<16xi32>], vector<16xf32>,
    %broadcast_in_dim3A_714 = arith.constant 1 : i32
    %broadcast_in_dim3A_715 = vector.broadcast %broadcast_in_dim3A_714 : i32 to vector<16xi32>
    %gather3A_716 = tpu.vector_load_idx %arg9[%add3A_710, %broadcast_in_dim3A_715] : memref<80x16xf32, #tpu.memory_space<vmem>>[vector<16xi32>, vector<16xi32>], vector<16xf32>,
    %broadcast_in_dim3A_717 = arith.constant 2 : i32
    %broadcast_in_dim3A_718 = vector.broadcast %broadcast_in_dim3A_717 : i32 to vector<16xi32>
    %gather3A_719 = tpu.vector_load_idx %arg9[%add3A_710, %broadcast_in_dim3A_718] : memref<80x16xf32, #tpu.memory_space<vmem>>[vector<16xi32>, vector<16xi32>], vector<16xf32>,
    %broadcast_in_dim3A_720 = arith.constant 3 : i32
    %broadcast_in_dim3A_721 = vector.broadcast %broadcast_in_dim3A_720 : i32 to vector<16xi32>
    %gather3A_722 = tpu.vector_load_idx %arg9[%add3A_710, %broadcast_in_dim3A_721] : memref<80x16xf32, #tpu.memory_space<vmem>>[vector<16xi32>, vector<16xi32>], vector<16xf32>,
    %broadcast_in_dim3A_723 = arith.constant 4 : i32
    %broadcast_in_dim3A_724 = vector.broadcast %broadcast_in_dim3A_723 : i32 to vector<16xi32>
    %gather3A_725 = tpu.vector_load_idx %arg9[%add3A_710, %broadcast_in_dim3A_724] : memref<80x16xf32, #tpu.memory_space<vmem>>[vector<16xi32>, vector<16xi32>], vector<16xf32>,
    %broadcast_in_dim3A_726 = arith.constant 5 : i32
    %broadcast_in_dim3A_727 = vector.broadcast %broadcast_in_dim3A_726 : i32 to vector<16xi32>
    %gather3A_728 = tpu.vector_load_idx %arg11[%add3A_710, %broadcast_in_dim3A_727] : memref<80x16xf32, #tpu.memory_space<vmem>>[vector<16xi32>, vector<16xi32>], vector<16xf32>,
    %broadcast_in_dim3A_729 = arith.constant 6 : i32
    %broadcast_in_dim3A_730 = vector.broadcast %broadcast_in_dim3A_729 : i32 to vector<16xi32>
    %gather3A_731 = tpu.vector_load_idx %arg11[%add3A_710, %broadcast_in_dim3A_730] : memref<80x16xf32, #tpu.memory_space<vmem>>[vector<16xi32>, vector<16xi32>], vector<16xf32>,
    %broadcast_in_dim3A_732 = arith.constant 7 : i32
    %broadcast_in_dim3A_733 = vector.broadcast %broadcast_in_dim3A_732 : i32 to vector<16xi32>
    %gather3A_734 = tpu.vector_load_idx %arg11[%add3A_710, %broadcast_in_dim3A_733] : memref<80x16xf32, #tpu.memory_space<vmem>>[vector<16xi32>, vector<16xi32>], vector<16xf32>,
    %broadcast_in_dim3A_735 = arith.constant 8 : i32
    %broadcast_in_dim3A_736 = vector.broadcast %broadcast_in_dim3A_735 : i32 to vector<16xi32>
    %gather3A_737 = tpu.vector_load_idx %arg11[%add3A_710, %broadcast_in_dim3A_736] : memref<80x16xf32, #tpu.memory_space<vmem>>[vector<16xi32>, vector<16xi32>], vector<16xf32>,
    %broadcast_in_dim3A_738 = arith.constant 9 : i32
    %broadcast_in_dim3A_739 = vector.broadcast %broadcast_in_dim3A_738 : i32 to vector<16xi32>
    %gather3A_740 = tpu.vector_load_idx %arg11[%add3A_710, %broadcast_in_dim3A_739] : memref<80x16xf32, #tpu.memory_space<vmem>>[vector<16xi32>, vector<16xi32>], vector<16xf32>,
    %add3A_741 = arith.addf %gather3A_713, %gather3A_728 : vector<16xf32>
    %add3A_742 = arith.addf %gather3A_716, %gather3A_731 : vector<16xf32>
    %add3A_743 = arith.addf %gather3A_719, %gather3A_734 : vector<16xf32>
    %add3A_744 = arith.addf %gather3A_722, %gather3A_737 : vector<16xf32>
    %add3A_745 = arith.addf %gather3A_725, %gather3A_740 : vector<16xf32>
    %mul3A_746 = arith.constant 0.00999999977 : f32
    %mul3A_747 = vector.broadcast %mul3A_746 : f32 to vector<16xf32>
    %mul3A_748 = arith.mulf %add3A_741, %mul3A_747 : vector<16xf32>
    %max3A_749 = arith.maximumf %add3A_741, %mul3A_748 : vector<16xf32>
    %mul3A_750 = arith.constant 0.00999999977 : f32
    %mul3A_751 = vector.broadcast %mul3A_750 : f32 to vector<16xf32>
    %mul3A_752 = arith.mulf %add3A_742, %mul3A_751 : vector<16xf32>
    %max3A_753 = arith.maximumf %add3A_742, %mul3A_752 : vector<16xf32>
    %mul3A_754 = arith.constant 0.00999999977 : f32
    %mul3A_755 = vector.broadcast %mul3A_754 : f32 to vector<16xf32>
    %mul3A_756 = arith.mulf %add3A_743, %mul3A_755 : vector<16xf32>
    %max3A_757 = arith.maximumf %add3A_743, %mul3A_756 : vector<16xf32>
    %mul3A_758 = arith.constant 0.00999999977 : f32
    %mul3A_759 = vector.broadcast %mul3A_758 : f32 to vector<16xf32>
    %mul3A_760 = arith.mulf %add3A_744, %mul3A_759 : vector<16xf32>
    %max3A_761 = arith.maximumf %add3A_744, %mul3A_760 : vector<16xf32>
    %mul3A_762 = arith.constant 0.00999999977 : f32
    %mul3A_763 = vector.broadcast %mul3A_762 : f32 to vector<16xf32>
    %mul3A_764 = arith.mulf %add3A_745, %mul3A_763 : vector<16xf32>
    %max3A_765 = arith.maximumf %add3A_745, %mul3A_764 : vector<16xf32>
    %max3A_766 = arith.maximumf %max3A_749, %max3A_753 : vector<16xf32>
    %max3A_767 = arith.maximumf %max3A_757, %max3A_761 : vector<16xf32>
    %max3A_768 = arith.maximumf %max3A_766, %max3A_767 : vector<16xf32>
    %max3A_769 = arith.maximumf %max3A_768, %max3A_765 : vector<16xf32>
    %sub3A_770 = arith.subf %max3A_749, %max3A_769 : vector<16xf32>
    %exp3A_771 = math.exp %sub3A_770 : vector<16xf32>
    %sub3A_772 = arith.subf %max3A_753, %max3A_769 : vector<16xf32>
    %exp3A_773 = math.exp %sub3A_772 : vector<16xf32>
    %sub3A_774 = arith.subf %max3A_757, %max3A_769 : vector<16xf32>
    %exp3A_775 = math.exp %sub3A_774 : vector<16xf32>
    %sub3A_776 = arith.subf %max3A_761, %max3A_769 : vector<16xf32>
    %exp3A_777 = math.exp %sub3A_776 : vector<16xf32>
    %sub3A_778 = arith.subf %max3A_765, %max3A_769 : vector<16xf32>
    %exp3A_779 = math.exp %sub3A_778 : vector<16xf32>
    %add3A_780 = arith.addf %exp3A_771, %exp3A_773 : vector<16xf32>
    %add3A_781 = arith.addf %exp3A_775, %exp3A_777 : vector<16xf32>
    %add3A_782 = arith.addf %add3A_780, %add3A_781 : vector<16xf32>
    %add3A_783 = arith.addf %add3A_782, %exp3A_779 : vector<16xf32>
    %div3A_784 = arith.constant 1.000000e+00 : f32
    %div3A_785 = vector.broadcast %div3A_784 : f32 to vector<16xf32>
    %div3A_786 = arith.divf %div3A_785, %add3A_783 : vector<16xf32>
    %mul3A_787 = arith.mulf %exp3A_771, %div3A_786 : vector<16xf32>
    %mul3A_788 = arith.mulf %exp3A_773, %div3A_786 : vector<16xf32>
    %mul3A_789 = arith.mulf %exp3A_775, %div3A_786 : vector<16xf32>
    %mul3A_790 = arith.mulf %exp3A_777, %div3A_786 : vector<16xf32>
    %mul3A_791 = arith.mulf %exp3A_779, %div3A_786 : vector<16xf32>
    %get3A_792 = arith.constant 9984 : index
    %get3A_793 = tpu.vector_load %arg7[%get3A_792] {strides = array<i32>} : memref<10000xi32, #tpu.memory_space<vmem>>, vector<16xi32>,
    %get3A_794 = arith.constant 9984 : index
    %get3A_795 = tpu.vector_load %arg8[%get3A_794] {strides = array<i32>} : memref<10000xi32, #tpu.memory_space<vmem>>, vector<16xi32>,
    %swap3A_796 = arith.constant 0 : i32
    %swap3A_797 = arith.index_cast %swap3A_796 : i32 to index
    %swap3A_798 = arith.constant 64 : index
    %swap3A_799 = tpu.vector_load %arg13[%swap3A_797, %swap3A_798] {strides = array<i32>} : memref<8x80xf32, #tpu.memory_space<vmem>>, vector<16xf32>,
    tpu.vector_store %arg13[%swap3A_797, %swap3A_798], %mul3A_787 {strides = array<i32>} : memref<8x80xf32, #tpu.memory_space<vmem>>, vector<16xf32>,
    %add3A_800 = arith.constant 0 : i32
    %add3A_801 = vector.broadcast %add3A_800 : i32 to vector<16xi32>
    %add3A_802 = arith.addi %get3A_793, %add3A_801 : vector<16xi32>
    tpu.vector_store_idx %arg15[%add3A_802], %mul3A_787 {add = true} : memref<81920xf32, #tpu.memory_space<vmem>>[vector<16xi32>], vector<16xf32>,
    %add3A_803 = arith.constant 0 : i32
    %add3A_804 = vector.broadcast %add3A_803 : i32 to vector<16xi32>
    %add3A_805 = arith.addi %get3A_795, %add3A_804 : vector<16xi32>
    tpu.vector_store_idx %arg15[%add3A_805], %mul3A_787 {add = true} : memref<81920xf32, #tpu.memory_space<vmem>>[vector<16xi32>], vector<16xf32>,
    %swap3A_806 = arith.constant 1 : i32
    %swap3A_807 = arith.index_cast %swap3A_806 : i32 to index
    %swap3A_808 = arith.constant 64 : index
    %swap3A_809 = tpu.vector_load %arg13[%swap3A_807, %swap3A_808] {strides = array<i32>} : memref<8x80xf32, #tpu.memory_space<vmem>>, vector<16xf32>,
    tpu.vector_store %arg13[%swap3A_807, %swap3A_808], %mul3A_788 {strides = array<i32>} : memref<8x80xf32, #tpu.memory_space<vmem>>, vector<16xf32>,
    %add3A_810 = arith.constant 10240 : i32
    %add3A_811 = vector.broadcast %add3A_810 : i32 to vector<16xi32>
    %add3A_812 = arith.addi %get3A_793, %add3A_811 : vector<16xi32>
    tpu.vector_store_idx %arg15[%add3A_812], %mul3A_788 {add = true} : memref<81920xf32, #tpu.memory_space<vmem>>[vector<16xi32>], vector<16xf32>,
    %add3A_813 = arith.constant 10240 : i32
    %add3A_814 = vector.broadcast %add3A_813 : i32 to vector<16xi32>
    %add3A_815 = arith.addi %get3A_795, %add3A_814 : vector<16xi32>
    tpu.vector_store_idx %arg15[%add3A_815], %mul3A_788 {add = true} : memref<81920xf32, #tpu.memory_space<vmem>>[vector<16xi32>], vector<16xf32>,
    %swap3A_816 = arith.constant 2 : i32
    %swap3A_817 = arith.index_cast %swap3A_816 : i32 to index
    %swap3A_818 = arith.constant 64 : index
    %swap3A_819 = tpu.vector_load %arg13[%swap3A_817, %swap3A_818] {strides = array<i32>} : memref<8x80xf32, #tpu.memory_space<vmem>>, vector<16xf32>,
    tpu.vector_store %arg13[%swap3A_817, %swap3A_818], %mul3A_789 {strides = array<i32>} : memref<8x80xf32, #tpu.memory_space<vmem>>, vector<16xf32>,
    %add3A_820 = arith.constant 20480 : i32
    %add3A_821 = vector.broadcast %add3A_820 : i32 to vector<16xi32>
    %add3A_822 = arith.addi %get3A_793, %add3A_821 : vector<16xi32>
    tpu.vector_store_idx %arg15[%add3A_822], %mul3A_789 {add = true} : memref<81920xf32, #tpu.memory_space<vmem>>[vector<16xi32>], vector<16xf32>,
    %add3A_823 = arith.constant 20480 : i32
    %add3A_824 = vector.broadcast %add3A_823 : i32 to vector<16xi32>
    %add3A_825 = arith.addi %get3A_795, %add3A_824 : vector<16xi32>
    tpu.vector_store_idx %arg15[%add3A_825], %mul3A_789 {add = true} : memref<81920xf32, #tpu.memory_space<vmem>>[vector<16xi32>], vector<16xf32>,
    %swap3A_826 = arith.constant 3 : i32
    %swap3A_827 = arith.index_cast %swap3A_826 : i32 to index
    %swap3A_828 = arith.constant 64 : index
    %swap3A_829 = tpu.vector_load %arg13[%swap3A_827, %swap3A_828] {strides = array<i32>} : memref<8x80xf32, #tpu.memory_space<vmem>>, vector<16xf32>,
    tpu.vector_store %arg13[%swap3A_827, %swap3A_828], %mul3A_790 {strides = array<i32>} : memref<8x80xf32, #tpu.memory_space<vmem>>, vector<16xf32>,
    %add3A_830 = arith.constant 30720 : i32
    %add3A_831 = vector.broadcast %add3A_830 : i32 to vector<16xi32>
    %add3A_832 = arith.addi %get3A_793, %add3A_831 : vector<16xi32>
    tpu.vector_store_idx %arg15[%add3A_832], %mul3A_790 {add = true} : memref<81920xf32, #tpu.memory_space<vmem>>[vector<16xi32>], vector<16xf32>,
    %add3A_833 = arith.constant 30720 : i32
    %add3A_834 = vector.broadcast %add3A_833 : i32 to vector<16xi32>
    %add3A_835 = arith.addi %get3A_795, %add3A_834 : vector<16xi32>
    tpu.vector_store_idx %arg15[%add3A_835], %mul3A_790 {add = true} : memref<81920xf32, #tpu.memory_space<vmem>>[vector<16xi32>], vector<16xf32>,
    %swap3A_836 = arith.constant 4 : i32
    %swap3A_837 = arith.index_cast %swap3A_836 : i32 to index
    %swap3A_838 = arith.constant 64 : index
    %swap3A_839 = tpu.vector_load %arg13[%swap3A_837, %swap3A_838] {strides = array<i32>} : memref<8x80xf32, #tpu.memory_space<vmem>>, vector<16xf32>,
    tpu.vector_store %arg13[%swap3A_837, %swap3A_838], %mul3A_791 {strides = array<i32>} : memref<8x80xf32, #tpu.memory_space<vmem>>, vector<16xf32>,
    %add3A_840 = arith.constant 40960 : i32
    %add3A_841 = vector.broadcast %add3A_840 : i32 to vector<16xi32>
    %add3A_842 = arith.addi %get3A_793, %add3A_841 : vector<16xi32>
    tpu.vector_store_idx %arg15[%add3A_842], %mul3A_791 {add = true} : memref<81920xf32, #tpu.memory_space<vmem>>[vector<16xi32>], vector<16xf32>,
    %add3A_843 = arith.constant 40960 : i32
    %add3A_844 = vector.broadcast %add3A_843 : i32 to vector<16xi32>
    %add3A_845 = arith.addi %get3A_795, %add3A_844 : vector<16xi32>
    tpu.vector_store_idx %arg15[%add3A_845], %mul3A_791 {add = true} : memref<81920xf32, #tpu.memory_space<vmem>>[vector<16xi32>], vector<16xf32>,
    %dma_start3A_846 = arith.constant 0 : i32
    %dma_start3A_847 = arith.constant 9920 : i32
    %dma_start3A_848 = tpu.memref_slice %arg5[%add3A, %dma_start3A_846, %dma_start3A_847] : memref<32x8x10000xf32, #tpu.memory_space<hbm>> -> memref<1x8x80xf32, #tpu.memory_space<hbm>>
    %dma_start3A_849 = tpu.memref_squeeze %dma_start3A_848 : memref<1x8x80xf32, #tpu.memory_space<hbm>> -> memref<8x80xf32, #tpu.memory_space<hbm>>
    %dma_start3A_850 = arith.constant 0 : i32
    %dma_start3A_851 = arith.constant 9920 : i32
    %dma_start3A_852 = tpu.memref_slice %arg5[%add3A, %dma_start3A_850, %dma_start3A_851] : memref<32x8x10000xf32, #tpu.memory_space<hbm>> -> memref<1x8x80xf32, #tpu.memory_space<hbm>>
    %dma_start3A_853 = tpu.memref_squeeze %dma_start3A_852 : memref<1x8x80xf32, #tpu.memory_space<hbm>> -> memref<8x80xf32, #tpu.memory_space<hbm>>
    tpu.enqueue_dma source(%arg13 : memref<8x80xf32, #tpu.memory_space<vmem>>) target(%dma_start3A_853 : memref<8x80xf32, #tpu.memory_space<hbm>>) target_semaphore(%arg20 : memref<!tpu.dma_semaphore, #tpu.memory_space<semaphore_mem>>)
    %dma_wait3A_854 = arith.constant 0 : i32
    %dma_wait3A_855 = arith.constant 9840 : i32
    %dma_wait3A_856 = tpu.memref_slice %arg5[%add3A, %dma_wait3A_854, %dma_wait3A_855] : memref<32x8x10000xf32, #tpu.memory_space<hbm>> -> memref<1x8x80xf32, #tpu.memory_space<hbm>>
    %dma_wait3A_857 = tpu.memref_squeeze %dma_wait3A_856 : memref<1x8x80xf32, #tpu.memory_space<hbm>> -> memref<8x80xf32, #tpu.memory_space<hbm>>
    %dma_wait3A_858 = arith.constant 0 : i32
    %dma_wait3A_859 = arith.constant 9840 : i32
    %dma_wait3A_860 = tpu.memref_slice %arg5[%add3A, %dma_wait3A_858, %dma_wait3A_859] : memref<32x8x10000xf32, #tpu.memory_space<hbm>> -> memref<1x8x80xf32, #tpu.memory_space<hbm>>
    %dma_wait3A_861 = tpu.memref_squeeze %dma_wait3A_860 : memref<1x8x80xf32, #tpu.memory_space<hbm>> -> memref<8x80xf32, #tpu.memory_space<hbm>>
    tpu.wait_dma2 semaphore(%arg21 : memref<!tpu.dma_semaphore, #tpu.memory_space<semaphore_mem>>) src(%arg14 : memref<8x80xf32, #tpu.memory_space<vmem>>) dst(%dma_wait3A_861 : memref<8x80xf32, #tpu.memory_space<hbm>>)
    %dma_wait3A_862 = arith.constant 0 : i32
    %dma_wait3A_863 = arith.constant 9920 : i32
    %dma_wait3A_864 = tpu.memref_slice %arg5[%add3A, %dma_wait3A_862, %dma_wait3A_863] : memref<32x8x10000xf32, #tpu.memory_space<hbm>> -> memref<1x8x80xf32, #tpu.memory_space<hbm>>
    %dma_wait3A_865 = tpu.memref_squeeze %dma_wait3A_864 : memref<1x8x80xf32, #tpu.memory_space<hbm>> -> memref<8x80xf32, #tpu.memory_space<hbm>>
    %dma_wait3A_866 = arith.constant 0 : i32
    %dma_wait3A_867 = arith.constant 9920 : i32
    %dma_wait3A_868 = tpu.memref_slice %arg5[%add3A, %dma_wait3A_866, %dma_wait3A_867] : memref<32x8x10000xf32, #tpu.memory_space<hbm>> -> memref<1x8x80xf32, #tpu.memory_space<hbm>>
    %dma_wait3A_869 = tpu.memref_squeeze %dma_wait3A_868 : memref<1x8x80xf32, #tpu.memory_space<hbm>> -> memref<8x80xf32, #tpu.memory_space<hbm>>
    tpu.wait_dma2 semaphore(%arg20 : memref<!tpu.dma_semaphore, #tpu.memory_space<semaphore_mem>>) src(%arg13 : memref<8x80xf32, #tpu.memory_space<vmem>>) dst(%dma_wait3A_869 : memref<8x80xf32, #tpu.memory_space<hbm>>)
    "tpu.region"() ({
      %run_scoped3A = tpu.sem_alloc : memref<!tpu.dma_semaphore, #tpu.memory_space<semaphore_mem>>
      %dma_start3A_870 = arith.constant 0 : i32
      %dma_start3A_871 = tpu.memref_slice %arg6[%add3A, %dma_start3A_870] : memref<32x81920xf32, #tpu.memory_space<hbm>> -> memref<1x81920xf32, #tpu.memory_space<hbm>>
      %dma_start3A_872 = tpu.memref_squeeze %dma_start3A_871 : memref<1x81920xf32, #tpu.memory_space<hbm>> -> memref<81920xf32, #tpu.memory_space<hbm>>
      %dma_start3A_873 = arith.constant 0 : i32
      %dma_start3A_874 = tpu.memref_slice %arg6[%add3A, %dma_start3A_873] : memref<32x81920xf32, #tpu.memory_space<hbm>> -> memref<1x81920xf32, #tpu.memory_space<hbm>>
      %dma_start3A_875 = tpu.memref_squeeze %dma_start3A_874 : memref<1x81920xf32, #tpu.memory_space<hbm>> -> memref<81920xf32, #tpu.memory_space<hbm>>
      tpu.enqueue_dma source(%arg15 : memref<81920xf32, #tpu.memory_space<vmem>>) target(%dma_start3A_875 : memref<81920xf32, #tpu.memory_space<hbm>>) target_semaphore(%run_scoped3A : memref<!tpu.dma_semaphore, #tpu.memory_space<semaphore_mem>>)
      %dma_wait3A_876 = arith.constant 0 : i32
      %dma_wait3A_877 = tpu.memref_slice %arg6[%add3A, %dma_wait3A_876] : memref<32x81920xf32, #tpu.memory_space<hbm>> -> memref<1x81920xf32, #tpu.memory_space<hbm>>
      %dma_wait3A_878 = tpu.memref_squeeze %dma_wait3A_877 : memref<1x81920xf32, #tpu.memory_space<hbm>> -> memref<81920xf32, #tpu.memory_space<hbm>>
      %dma_wait3A_879 = arith.constant 0 : i32
      %dma_wait3A_880 = tpu.memref_slice %arg6[%add3A, %dma_wait3A_879] : memref<32x81920xf32, #tpu.memory_space<hbm>> -> memref<1x81920xf32, #tpu.memory_space<hbm>>
      %dma_wait3A_881 = tpu.memref_squeeze %dma_wait3A_880 : memref<1x81920xf32, #tpu.memory_space<hbm>> -> memref<81920xf32, #tpu.memory_space<hbm>>
      tpu.wait_dma2 semaphore(%run_scoped3A : memref<!tpu.dma_semaphore, #tpu.memory_space<semaphore_mem>>) src(%arg15 : memref<81920xf32, #tpu.memory_space<vmem>>) dst(%dma_wait3A_881 : memref<81920xf32, #tpu.memory_space<hbm>>)
      tpu.yield
    }) : () -> ()
    return
  }
}

module attributes {stable_mosaic.version = 14 : i64} {
  func.func @_tab_body(%arg0: i32, %arg1: memref<2000x128xf32, #tpu.memory_space<vmem>>, %arg2: memref<128x16xf32, #tpu.memory_space<vmem>>, %arg3: memref<1x16xf32, #tpu.memory_space<vmem>>, %arg4: memref<2000x16xf32, #tpu.memory_space<vmem>>) attributes {dimension_semantics = [#tpu.dimension_semantics<arbitrary>], iteration_bounds = array<i64: 5>, scalar_prefetch = 0 : i64, scratch_operands = 0 : i64, tpu.core_type = #tpu.core_type<tc>, window_params = [{transform_indices = @transform_0, window_bounds = array<i64: 2000, 128>}, {pipeline_mode = #tpu.pipeline_mode<synchronous>, transform_indices = @transform_1, window_bounds = array<i64: 128, 16>}, {pipeline_mode = #tpu.pipeline_mode<synchronous>, transform_indices = @transform_2, window_bounds = array<i64: 1, 16>}, {transform_indices = @transform_3, window_bounds = array<i64: 2000, 16>}]} {
    %get3A = arith.constant 0 : index
    %get3A_0 = arith.constant 0 : index
    %get3A_1 = vector.load %arg1[%get3A, %get3A_0] : memref<2000x128xf32, #tpu.memory_space<vmem>>, vector<2000x128xf32>
    %get3A_2 = arith.constant 0 : index
    %get3A_3 = arith.constant 0 : index
    %get3A_4 = vector.load %arg2[%get3A_2, %get3A_3] : memref<128x16xf32, #tpu.memory_space<vmem>>, vector<128x16xf32>
    %dot_general3A = arith.constant dense<0.000000e+00> : vector<2000x16xf32>
    %dot_general3A_5 = tpu.matmul %get3A_1, %get3A_4, %dot_general3A {dimension_numbers = #tpu.dot_dimension_numbers<[1], [0], [0], [1], [0, 0, 1, 1], [], []>, transpose_lhs_hint = false} : vector<2000x128xf32>, vector<128x16xf32>, vector<2000x16xf32> -> vector<2000x16xf32>
    %get3A_6 = arith.constant 0 : index
    %get3A_7 = arith.constant 0 : index
    %get3A_8 = vector.load %arg3[%get3A_6, %get3A_7] : memref<1x16xf32, #tpu.memory_space<vmem>>, vector<1x16xf32>
    %add3A = vector.broadcast %get3A_8 : vector<1x16xf32> to vector<2000x16xf32>
    %add3A_9 = arith.addf %dot_general3A_5, %add3A : vector<2000x16xf32>
    %swap3A = arith.constant 0 : index
    %swap3A_10 = arith.constant 0 : index
    %swap3A_11 = vector.load %arg4[%swap3A, %swap3A_10] : memref<2000x16xf32, #tpu.memory_space<vmem>>, vector<2000x16xf32>
    tpu.vector_store %arg4[%swap3A, %swap3A_10], %add3A_9 {strides = array<i32>} : memref<2000x16xf32, #tpu.memory_space<vmem>>, vector<2000x16xf32>,
    return
  }
  func.func @transform_0(%arg0: i32) -> (i32, i32) {
    %c0_i32 = arith.constant 0 : i32
    %c0_i32_0 = arith.constant 0 : i32
    return %arg0, %c0_i32 : i32, i32
  }
  func.func @transform_1(%arg0: i32) -> (i32, i32) {
    %c0_i32 = arith.constant 0 : i32
    %c0_i32_0 = arith.constant 0 : i32
    %c0_i32_1 = arith.constant 0 : i32
    return %c0_i32, %c0_i32_0 : i32, i32
  }
  func.func @transform_2(%arg0: i32) -> (i32, i32) {
    %c0_i32 = arith.constant 0 : i32
    %c0_i32_0 = arith.constant 0 : i32
    %c0_i32_1 = arith.constant 0 : i32
    return %c0_i32, %c0_i32_0 : i32, i32
  }
  func.func @transform_3(%arg0: i32) -> (i32, i32) {
    %c0_i32 = arith.constant 0 : i32
    %c0_i32_0 = arith.constant 0 : i32
    return %arg0, %c0_i32 : i32, i32
  }
}

module attributes {stable_mosaic.version = 14 : i64} {
  func.func @_merged_body(%arg0: i32, %arg1: memref<2x8x10000xf32, #tpu.memory_space<vmem>>, %arg2: memref<8x128xf32, #tpu.memory_space<vmem>>, %arg3: memref<640x128xf32, #tpu.memory_space<vmem>>, %arg4: memref<32x8x640xf32, #tpu.memory_space<vmem>>, %arg5: memref<128x8xf32, #tpu.memory_space<vmem>>, %arg6: memref<1x8xf32, #tpu.memory_space<vmem>>, %arg7: memref<8x128xf32, #tpu.memory_space<vmem>>, %arg8: memref<128x128xf32, #tpu.memory_space<vmem>>, %arg9: memref<128x128xf32, #tpu.memory_space<vmem>>, %arg10: memref<1x128xf32, #tpu.memory_space<vmem>>, %arg11: memref<128x128xf32, #tpu.memory_space<vmem>>, %arg12: memref<1x128xf32, #tpu.memory_space<vmem>>, %arg13: memref<128x128xf32, #tpu.memory_space<vmem>>, %arg14: memref<1x128xf32, #tpu.memory_space<vmem>>, %arg15: memref<20000x128xf32, #tpu.memory_space<vmem>>, %arg16: memref<640x128xf32, #tpu.memory_space<vmem>>) attributes {dimension_semantics = [#tpu.dimension_semantics<arbitrary>], iteration_bounds = array<i64: 16>, scalar_prefetch = 0 : i64, scratch_operands = 0 : i64, tpu.core_type = #tpu.core_type<tc>, window_params = [{transform_indices = @transform_0, window_bounds = array<i64: 2, 8, 10000>}, {pipeline_mode = #tpu.pipeline_mode<synchronous>, transform_indices = @transform_1, window_bounds = array<i64: 8, 128>}, {transform_indices = @transform_2, window_bounds = array<i64: 640, 128>}, {transform_indices = @transform_3, window_bounds = array<i64: 32, 8, 640>}, {pipeline_mode = #tpu.pipeline_mode<synchronous>, transform_indices = @transform_4, window_bounds = array<i64: 128, 8>}, {pipeline_mode = #tpu.pipeline_mode<synchronous>, transform_indices = @transform_5, window_bounds = array<i64: 1, 8>}, {pipeline_mode = #tpu.pipeline_mode<synchronous>, transform_indices = @transform_6, window_bounds = array<i64: 8, 128>}, {pipeline_mode = #tpu.pipeline_mode<synchronous>, transform_indices = @transform_7, window_bounds = array<i64: 128, 128>}, {pipeline_mode = #tpu.pipeline_mode<synchronous>, transform_indices = @transform_8, window_bounds = array<i64: 128, 128>}, {pipeline_mode = #tpu.pipeline_mode<synchronous>, transform_indices = @transform_9, window_bounds = array<i64: 1, 128>}, {pipeline_mode = #tpu.pipeline_mode<synchronous>, transform_indices = @transform_10, window_bounds = array<i64: 128, 128>}, {pipeline_mode = #tpu.pipeline_mode<synchronous>, transform_indices = @transform_11, window_bounds = array<i64: 1, 128>}, {pipeline_mode = #tpu.pipeline_mode<synchronous>, transform_indices = @transform_12, window_bounds = array<i64: 128, 128>}, {pipeline_mode = #tpu.pipeline_mode<synchronous>, transform_indices = @transform_13, window_bounds = array<i64: 1, 128>}, {transform_indices = @transform_14, window_bounds = array<i64: 20000, 128>}, {transform_indices = @transform_15, window_bounds = array<i64: 640, 128>}]} {
    %get3A = arith.constant 0 : index
    %get3A_0 = arith.constant 0 : index
    %get3A_1 = arith.constant 0 : index
    %get3A_2 = vector.load %arg1[%get3A, %get3A_0, %get3A_1] : memref<2x8x10000xf32, #tpu.memory_space<vmem>>, vector<1x8x10000xf32>
    %get3A_3 = vector.shape_cast %get3A_2 : vector<1x8x10000xf32> to vector<8x10000xf32>
    %get3A_4 = arith.constant 0 : index
    %get3A_5 = arith.constant 0 : index
    %get3A_6 = vector.load %arg2[%get3A_4, %get3A_5] : memref<8x128xf32, #tpu.memory_space<vmem>>, vector<8x128xf32>
    %dot_general3A = arith.constant dense<0.000000e+00> : vector<10000x128xf32>
    %dot_general3A_7 = tpu.matmul %get3A_3, %get3A_6, %dot_general3A {dimension_numbers = #tpu.dot_dimension_numbers<[0], [0], [1], [1], [0, 1, 1, 1], [], []>, transpose_lhs_hint = false} : vector<8x10000xf32>, vector<8x128xf32>, vector<10000x128xf32> -> vector<10000x128xf32>
    %swap3A = arith.constant 0 : index
    %swap3A_8 = arith.constant 0 : index
    %swap3A_9 = vector.load %arg15[%swap3A, %swap3A_8] : memref<20000x128xf32, #tpu.memory_space<vmem>>, vector<10000x128xf32>
    tpu.vector_store %arg15[%swap3A, %swap3A_8], %dot_general3A_7 {strides = array<i32>} : memref<20000x128xf32, #tpu.memory_space<vmem>>, vector<10000x128xf32>,
    %get3A_10 = arith.constant 1 : index
    %get3A_11 = arith.constant 0 : index
    %get3A_12 = arith.constant 0 : index
    %get3A_13 = vector.load %arg1[%get3A_10, %get3A_11, %get3A_12] : memref<2x8x10000xf32, #tpu.memory_space<vmem>>, vector<1x8x10000xf32>
    %get3A_14 = vector.shape_cast %get3A_13 : vector<1x8x10000xf32> to vector<8x10000xf32>
    %get3A_15 = arith.constant 0 : index
    %get3A_16 = arith.constant 0 : index
    %get3A_17 = vector.load %arg2[%get3A_15, %get3A_16] : memref<8x128xf32, #tpu.memory_space<vmem>>, vector<8x128xf32>
    %dot_general3A_18 = arith.constant dense<0.000000e+00> : vector<10000x128xf32>
    %dot_general3A_19 = tpu.matmul %get3A_14, %get3A_17, %dot_general3A_18 {dimension_numbers = #tpu.dot_dimension_numbers<[0], [0], [1], [1], [0, 1, 1, 1], [], []>, transpose_lhs_hint = false} : vector<8x10000xf32>, vector<8x128xf32>, vector<10000x128xf32> -> vector<10000x128xf32>
    %swap3A_20 = arith.constant 10000 : index
    %swap3A_21 = arith.constant 0 : index
    %swap3A_22 = vector.load %arg15[%swap3A_20, %swap3A_21] : memref<20000x128xf32, #tpu.memory_space<vmem>>, vector<10000x128xf32>
    tpu.vector_store %arg15[%swap3A_20, %swap3A_21], %dot_general3A_19 {strides = array<i32>} : memref<20000x128xf32, #tpu.memory_space<vmem>>, vector<10000x128xf32>,
    %get3A_23 = arith.constant 0 : index
    %get3A_24 = arith.constant 0 : index
    %get3A_25 = vector.load %arg3[%get3A_23, %get3A_24] : memref<640x128xf32, #tpu.memory_space<vmem>>, vector<640x128xf32>
    %get3A_26 = arith.constant 0 : index
    %get3A_27 = arith.constant 0 : index
    %get3A_28 = vector.load %arg5[%get3A_26, %get3A_27] : memref<128x8xf32, #tpu.memory_space<vmem>>, vector<128x8xf32>
    %dot_general3A_29 = arith.constant dense<0.000000e+00> : vector<640x8xf32>
    %dot_general3A_30 = tpu.matmul %get3A_25, %get3A_28, %dot_general3A_29 {dimension_numbers = #tpu.dot_dimension_numbers<[1], [0], [0], [1], [0, 0, 1, 1], [], []>, transpose_lhs_hint = false} : vector<640x128xf32>, vector<128x8xf32>, vector<640x8xf32> -> vector<640x8xf32>
    %get3A_31 = arith.constant 0 : index
    %get3A_32 = arith.constant 0 : index
    %get3A_33 = vector.load %arg6[%get3A_31, %get3A_32] : memref<1x8xf32, #tpu.memory_space<vmem>>, vector<1x8xf32>
    %add3A = vector.broadcast %get3A_33 : vector<1x8xf32> to vector<640x8xf32>
    %add3A_34 = arith.addf %dot_general3A_30, %add3A : vector<640x8xf32>
    %reduce_max3A = arith.constant dense<0xFF800000> : vector<640xf32>
    %reduce_max3A_35 = vector.multi_reduction <maximumf>, %add3A_34, %reduce_max3A [1] : vector<640x8xf32> to vector<640xf32>
    %max3A = arith.constant 0xFF800000 : f32
    %max3A_36 = vector.broadcast %max3A : f32 to vector<640xf32>
    %max3A_37 = arith.maximumf %max3A_36, %reduce_max3A_35 : vector<640xf32>
    %broadcast_in_dim3A = vector.shape_cast %max3A_37 : vector<640xf32> to vector<640x1xf32>
    %sub3A = vector.broadcast %broadcast_in_dim3A : vector<640x1xf32> to vector<640x8xf32>
    %sub3A_38 = arith.subf %add3A_34, %sub3A : vector<640x8xf32>
    %exp3A = math.exp %sub3A_38 : vector<640x8xf32>
    %reduce_sum3A = arith.constant dense<0.000000e+00> : vector<640xf32>
    %reduce_sum3A_39 = vector.multi_reduction <add>, %exp3A, %reduce_sum3A [1] : vector<640x8xf32> to vector<640xf32>
    %broadcast_in_dim3A_40 = vector.shape_cast %reduce_sum3A_39 : vector<640xf32> to vector<640x1xf32>
    %div3A = vector.broadcast %broadcast_in_dim3A_40 : vector<640x1xf32> to vector<640x8xf32>
    %div3A_41 = arith.divf %exp3A, %div3A : vector<640x8xf32>
    %get3A_42 = arith.constant 0 : index
    %get3A_43 = arith.constant 0 : index
    %get3A_44 = vector.load %arg7[%get3A_42, %get3A_43] : memref<8x128xf32, #tpu.memory_space<vmem>>, vector<8x128xf32>
    %dot_general3A_45 = arith.constant dense<0.000000e+00> : vector<640x128xf32>
    %dot_general3A_46 = tpu.matmul %div3A_41, %get3A_44, %dot_general3A_45 {dimension_numbers = #tpu.dot_dimension_numbers<[1], [0], [0], [1], [0, 0, 1, 1], [], []>, transpose_lhs_hint = false} : vector<640x8xf32>, vector<8x128xf32>, vector<640x128xf32> -> vector<640x128xf32>
    %add3A_47 = arith.addf %get3A_25, %dot_general3A_46 : vector<640x128xf32>
    %get3A_48 = arith.constant 0 : index
    %get3A_49 = arith.constant 0 : index
    %get3A_50 = arith.constant 0 : index
    %get3A_51 = vector.load %arg4[%get3A_48, %get3A_49, %get3A_50] : memref<32x8x640xf32, #tpu.memory_space<vmem>>, vector<32x8x640xf32>
    %reduce_sum3A_52 = arith.constant dense<0.000000e+00> : vector<8x640xf32>
    %reduce_sum3A_53 = vector.multi_reduction <add>, %get3A_51, %reduce_sum3A_52 [0] : vector<32x8x640xf32> to vector<8x640xf32>
    %get3A_54 = arith.constant 0 : index
    %get3A_55 = arith.constant 0 : index
    %get3A_56 = vector.load %arg2[%get3A_54, %get3A_55] : memref<8x128xf32, #tpu.memory_space<vmem>>, vector<8x128xf32>
    %dot_general3A_57 = arith.constant dense<0.000000e+00> : vector<640x128xf32>
    %dot_general3A_58 = tpu.matmul %reduce_sum3A_53, %get3A_56, %dot_general3A_57 {dimension_numbers = #tpu.dot_dimension_numbers<[0], [0], [1], [1], [0, 1, 1, 1], [], []>, transpose_lhs_hint = false} : vector<8x640xf32>, vector<8x128xf32>, vector<640x128xf32> -> vector<640x128xf32>
    %get3A_59 = arith.constant 0 : index
    %get3A_60 = arith.constant 0 : index
    %get3A_61 = vector.load %arg8[%get3A_59, %get3A_60] : memref<128x128xf32, #tpu.memory_space<vmem>>, vector<128x128xf32>
    %dot_general3A_62 = arith.constant dense<0.000000e+00> : vector<640x128xf32>
    %dot_general3A_63 = tpu.matmul %add3A_47, %get3A_61, %dot_general3A_62 {dimension_numbers = #tpu.dot_dimension_numbers<[1], [0], [0], [1], [0, 0, 1, 1], [], []>, transpose_lhs_hint = false} : vector<640x128xf32>, vector<128x128xf32>, vector<640x128xf32> -> vector<640x128xf32>
    %get3A_64 = arith.constant 0 : index
    %get3A_65 = arith.constant 0 : index
    %get3A_66 = vector.load %arg9[%get3A_64, %get3A_65] : memref<128x128xf32, #tpu.memory_space<vmem>>, vector<128x128xf32>
    %dot_general3A_67 = arith.constant dense<0.000000e+00> : vector<640x128xf32>
    %dot_general3A_68 = tpu.matmul %dot_general3A_58, %get3A_66, %dot_general3A_67 {dimension_numbers = #tpu.dot_dimension_numbers<[1], [0], [0], [1], [0, 0, 1, 1], [], []>, transpose_lhs_hint = false} : vector<640x128xf32>, vector<128x128xf32>, vector<640x128xf32> -> vector<640x128xf32>
    %add3A_69 = arith.addf %dot_general3A_63, %dot_general3A_68 : vector<640x128xf32>
    %get3A_70 = arith.constant 0 : index
    %get3A_71 = arith.constant 0 : index
    %get3A_72 = vector.load %arg10[%get3A_70, %get3A_71] : memref<1x128xf32, #tpu.memory_space<vmem>>, vector<1x128xf32>
    %add3A_73 = vector.broadcast %get3A_72 : vector<1x128xf32> to vector<640x128xf32>
    %add3A_74 = arith.addf %add3A_69, %add3A_73 : vector<640x128xf32>
    %max3A_75 = arith.constant 0.000000e+00 : f32
    %max3A_76 = vector.broadcast %max3A_75 : f32 to vector<640x128xf32>
    %max3A_77 = arith.maximumf %add3A_74, %max3A_76 : vector<640x128xf32>
    %get3A_78 = arith.constant 0 : index
    %get3A_79 = arith.constant 0 : index
    %get3A_80 = vector.load %arg11[%get3A_78, %get3A_79] : memref<128x128xf32, #tpu.memory_space<vmem>>, vector<128x128xf32>
    %dot_general3A_81 = arith.constant dense<0.000000e+00> : vector<640x128xf32>
    %dot_general3A_82 = tpu.matmul %max3A_77, %get3A_80, %dot_general3A_81 {dimension_numbers = #tpu.dot_dimension_numbers<[1], [0], [0], [1], [0, 0, 1, 1], [], []>, transpose_lhs_hint = false} : vector<640x128xf32>, vector<128x128xf32>, vector<640x128xf32> -> vector<640x128xf32>
    %get3A_83 = arith.constant 0 : index
    %get3A_84 = arith.constant 0 : index
    %get3A_85 = vector.load %arg12[%get3A_83, %get3A_84] : memref<1x128xf32, #tpu.memory_space<vmem>>, vector<1x128xf32>
    %add3A_86 = vector.broadcast %get3A_85 : vector<1x128xf32> to vector<640x128xf32>
    %add3A_87 = arith.addf %dot_general3A_82, %add3A_86 : vector<640x128xf32>
    %logistic3A = arith.negf %add3A_87 : vector<640x128xf32>
    %logistic3A_88 = math.exp %logistic3A : vector<640x128xf32>
    %logistic3A_89 = arith.constant 1.000000e+00 : f32
    %logistic3A_90 = vector.broadcast %logistic3A_89 : f32 to vector<640x128xf32>
    %logistic3A_91 = arith.addf %logistic3A_90, %logistic3A_88 : vector<640x128xf32>
    %logistic3A_92 = arith.divf %logistic3A_90, %logistic3A_91 : vector<640x128xf32>
    %add3A_93 = arith.addf %add3A_47, %dot_general3A_58 : vector<640x128xf32>
    %get3A_94 = arith.constant 0 : index
    %get3A_95 = arith.constant 0 : index
    %get3A_96 = vector.load %arg13[%get3A_94, %get3A_95] : memref<128x128xf32, #tpu.memory_space<vmem>>, vector<128x128xf32>
    %dot_general3A_97 = arith.constant dense<0.000000e+00> : vector<640x128xf32>
    %dot_general3A_98 = tpu.matmul %add3A_93, %get3A_96, %dot_general3A_97 {dimension_numbers = #tpu.dot_dimension_numbers<[1], [0], [0], [1], [0, 0, 1, 1], [], []>, transpose_lhs_hint = false} : vector<640x128xf32>, vector<128x128xf32>, vector<640x128xf32> -> vector<640x128xf32>
    %get3A_99 = arith.constant 0 : index
    %get3A_100 = arith.constant 0 : index
    %get3A_101 = vector.load %arg14[%get3A_99, %get3A_100] : memref<1x128xf32, #tpu.memory_space<vmem>>, vector<1x128xf32>
    %add3A_102 = vector.broadcast %get3A_101 : vector<1x128xf32> to vector<640x128xf32>
    %add3A_103 = arith.addf %dot_general3A_98, %add3A_102 : vector<640x128xf32>
    %mul3A = arith.mulf %logistic3A_92, %add3A_103 : vector<640x128xf32>
    %add3A_104 = arith.addf %add3A_47, %mul3A : vector<640x128xf32>
    %swap3A_105 = arith.constant 0 : index
    %swap3A_106 = arith.constant 0 : index
    %swap3A_107 = vector.load %arg16[%swap3A_105, %swap3A_106] : memref<640x128xf32, #tpu.memory_space<vmem>>, vector<640x128xf32>
    tpu.vector_store %arg16[%swap3A_105, %swap3A_106], %add3A_104 {strides = array<i32>} : memref<640x128xf32, #tpu.memory_space<vmem>>, vector<640x128xf32>,
    return
  }
  func.func @transform_0(%arg0: i32) -> (i32, i32, i32) {
    %c0_i32 = arith.constant 0 : i32
    %c0_i32_0 = arith.constant 0 : i32
    %c0_i32_1 = arith.constant 0 : i32
    return %arg0, %c0_i32, %c0_i32_0 : i32, i32, i32
  }
  func.func @transform_1(%arg0: i32) -> (i32, i32) {
    %c0_i32 = arith.constant 0 : i32
    %c0_i32_0 = arith.constant 0 : i32
    %c0_i32_1 = arith.constant 0 : i32
    return %c0_i32, %c0_i32_0 : i32, i32
  }
  func.func @transform_2(%arg0: i32) -> (i32, i32) {
    %c0_i32 = arith.constant 0 : i32
    %c0_i32_0 = arith.constant 0 : i32
    return %arg0, %c0_i32 : i32, i32
  }
  func.func @transform_3(%arg0: i32) -> (i32, i32, i32) {
    %c0_i32 = arith.constant 0 : i32
    %c0_i32_0 = arith.constant 0 : i32
    %c0_i32_1 = arith.constant 0 : i32
    return %c0_i32, %c0_i32_0, %arg0 : i32, i32, i32
  }
  func.func @transform_4(%arg0: i32) -> (i32, i32) {
    %c0_i32 = arith.constant 0 : i32
    %c0_i32_0 = arith.constant 0 : i32
    %c0_i32_1 = arith.constant 0 : i32
    return %c0_i32, %c0_i32_0 : i32, i32
  }
  func.func @transform_5(%arg0: i32) -> (i32, i32) {
    %c0_i32 = arith.constant 0 : i32
    %c0_i32_0 = arith.constant 0 : i32
    %c0_i32_1 = arith.constant 0 : i32
    return %c0_i32, %c0_i32_0 : i32, i32
  }
  func.func @transform_6(%arg0: i32) -> (i32, i32) {
    %c0_i32 = arith.constant 0 : i32
    %c0_i32_0 = arith.constant 0 : i32
    %c0_i32_1 = arith.constant 0 : i32
    return %c0_i32, %c0_i32_0 : i32, i32
  }
  func.func @transform_7(%arg0: i32) -> (i32, i32) {
    %c0_i32 = arith.constant 0 : i32
    %c0_i32_0 = arith.constant 0 : i32
    %c0_i32_1 = arith.constant 0 : i32
    return %c0_i32, %c0_i32_0 : i32, i32
  }
  func.func @transform_8(%arg0: i32) -> (i32, i32) {
    %c0_i32 = arith.constant 0 : i32
    %c0_i32_0 = arith.constant 0 : i32
    %c0_i32_1 = arith.constant 0 : i32
    return %c0_i32, %c0_i32_0 : i32, i32
  }
  func.func @transform_9(%arg0: i32) -> (i32, i32) {
    %c0_i32 = arith.constant 0 : i32
    %c0_i32_0 = arith.constant 0 : i32
    %c0_i32_1 = arith.constant 0 : i32
    return %c0_i32, %c0_i32_0 : i32, i32
  }
  func.func @transform_10(%arg0: i32) -> (i32, i32) {
    %c0_i32 = arith.constant 0 : i32
    %c0_i32_0 = arith.constant 0 : i32
    %c0_i32_1 = arith.constant 0 : i32
    return %c0_i32, %c0_i32_0 : i32, i32
  }
  func.func @transform_11(%arg0: i32) -> (i32, i32) {
    %c0_i32 = arith.constant 0 : i32
    %c0_i32_0 = arith.constant 0 : i32
    %c0_i32_1 = arith.constant 0 : i32
    return %c0_i32, %c0_i32_0 : i32, i32
  }
  func.func @transform_12(%arg0: i32) -> (i32, i32) {
    %c0_i32 = arith.constant 0 : i32
    %c0_i32_0 = arith.constant 0 : i32
    %c0_i32_1 = arith.constant 0 : i32
    return %c0_i32, %c0_i32_0 : i32, i32
  }
  func.func @transform_13(%arg0: i32) -> (i32, i32) {
    %c0_i32 = arith.constant 0 : i32
    %c0_i32_0 = arith.constant 0 : i32
    %c0_i32_1 = arith.constant 0 : i32
    return %c0_i32, %c0_i32_0 : i32, i32
  }
  func.func @transform_14(%arg0: i32) -> (i32, i32) {
    %c0_i32 = arith.constant 0 : i32
    %c0_i32_0 = arith.constant 0 : i32
    return %arg0, %c0_i32 : i32, i32
  }
  func.func @transform_15(%arg0: i32) -> (i32, i32) {
    %c0_i32 = arith.constant 0 : i32
    %c0_i32_0 = arith.constant 0 : i32
    return %arg0, %c0_i32 : i32, i32
  }
}

</mosaic_0001>

<sc_bundles>
// kernel: kernel.5.cloned.1.call-start
scs
__scs_entry_jumppad:
0x0: {  	(pc) =	sbr.rel $0x88, $3  }
0x1: {  	(tag) =	ssettag $0x0;
	lr =	simm.s32 $0x1  }
0x2: {  	[smem:$0x3F93] =	sst lr;
	_ =	strace $0xD0000000  }
0x3: {  	_ = 	snop  }
0x4: {  	_ = 	snop  }
0x5: {  	_ = 	snop  }
0x6: {  	_ = 	snop  }
0x7: {  	_ = 	snop  }
__scs_overlays_trampoline_lowered:
0x8: {  	[smem:$0x3FA2] =	sst s0  }
0x9: {  	[smem:$0x3FA3] =	sst s1  }
0xa: {  	[smem:$0x3FA4] =	sst s2  }
0xb: {  	[smem:$0x3FA5] =	sst s3  }
0xc: {  	[smem:$0x3FA6] =	sst s4  }
0xd: {  	[smem:$0x3FA7] =	sst s5  }
0xe: {  	[smem:$0x3FA8] =	sst s6  }
0xf: {  	[smem:$0x3FA9] =	sst s7  }
0x10: {  	[smem:$0x3FAA] =	sst s8  }
0x11: {  	[smem:$0x3FAB] =	sst s9;
	s0 =	simm.s32 @!p0 $0x0  }
0x12: {  	s1 =	sld [smem:$0x3F91];
	s0 =	simm.s32 @p0 $0x1  }
0x13: {  	[smem:$0x3FAC] =	sst s0;
	s0 =	simm.s32 @!p1 $0x0  }
0x14: {  	s2 =	sld [smem:$0x3F90];
	s0 =	simm.s32 @p1 $0x1  }
0x15: {  	[smem:$0x3FAD] =	sst s0;
	s0 =	simm.s32 @!p2 $0x0  }
0x16: {  	s3 =	sld [smem:$0x3FDB];
	s0 =	simm.s32 @p2 $0x1  }
0x17: {  	s4 =	simm.s32 $0x1BF5;
	[smem:$0x3FAF] =	sst s0  }
0x18: {  	s0 =	sld [smem:$0x3F92];
	_ =	swait.ge [sflag:s4], $0x0  }
0x19: {  	s7 =	sld [smem:$0x3F93]  }
0x1a: {  	s8 =	sadd.s32 $0xFFFFE003, lr  }
0x1b: {  	s9 =	sadd.s32 $0xFFFFFEF7, lr;
	s5 =	simm.s32 $0xFFFFFFFF;
	p2 =	slt.u32 s8, $0xFFFFF086  }
0x1c: {  	p1 =	slt.u32 s9, $0xF7A;
	s5 =	simm.s32 @!p2 $0x0  }
0x1d: {  	s5 =	simm.s32 @p1 $0x1;
	p0 =	seq.s32 s7, s2  }
0x1e: {  	s7 =	smul.u32 @!p0 $0xF7A, s2;
	p2 =	seq.s32 @!p0 s5, $0x0  }
0x1f: {  	s9 =	smul.u32 $0xF7A, s1;
	s8 =	simm.s32 @!p0 $0x1BF5;
	p2 =	por !p2, p0  }
0x20: {  	[sflag:s8] =	ssyncset.s32 @!p0 $0xFFFFF086;
	s6 =	sadd.s32 @!p0 s3, s7;
	s7 =	simm.s32 @!p0 $0x108  }
0x21: {  	s3 =	sadd.s32 s3, s9;
	s6 =	sadd.s32 @!p0 $0x88, s6;
	s7 =	simm.s32 @p2 $0x1082  }
0x22: {  	[simem:s7], [sflag:s8] =	dma.local @!p0 [hbm:s6], $0xF7A  }
0x23: {  	s9 =	sor.u32 $0xD0000000, s2;
	s6 =	simm.s32 $0x108;
	_ =	swait.ge @!p0 [sflag:s8], $0x0  }
0x24: {  	s3 =	sadd.s32 $0x88, s3;
	s6 =	simm.s32 @!p1 $0x1082;
	[sflag:s4] =	ssyncset.s32 $0xFFFFF086  }
0x25: {  	[simem:s6], [sflag:s4] =	dma.local [hbm:s3], $0xF7A  }
0x26: {  	[smem:$0x3F93] =	sst s1;
	(tag) =	ssettag s2;
	_ =	strace s9  }
0x27: {  	s1 =	sld [smem:$0x3FA3]  }
0x28: {  	s2 =	sld [smem:$0x3FA4]  }
0x29: {  	s4 =	sld [smem:$0x3FA6]  }
0x2a: {  	p0 =	seq.s32 s5, $0x0;
	s5 =	sld [smem:$0x3FA7]  }
0x2b: {  	s6 =	sld [smem:$0x3FA8]  }
0x2c: {  	s7 =	sld [smem:$0x3FA9]  }
0x2d: {  	s3 =	simm.s32 $0x108;
	s8 =	sld [smem:$0x3FAA]  }
0x2e: {  	s3 =	simm.s32 @!p0 $0x1082;
	s9 =	sld [smem:$0x3FAB]  }
0x2f: {  	lr =	sadd.s32 s0, s3;
	s0 =	sld [smem:$0x3FA2]  }
0x30: {  	s3 =	sld [smem:$0x3FA5]  }
0x31: {  	[smem:$0x3FAE] =	sst s10  }
0x32: {  	s10 =	sld [smem:$0x3FAC];
	_ =	sdelay $0x3  }
0x33: {  	p0 =	seq.s32 s10, $0x1;
	s10 =	sld [smem:$0x3FAE];
	_ =	sdelay $0x3  }
0x34: {  	[smem:$0x3FAE] =	sst s10  }
0x35: {  	s10 =	sld [smem:$0x3FAD];
	_ =	sdelay $0x3  }
0x36: {  	p1 =	seq.s32 s10, $0x1;
	s10 =	sld [smem:$0x3FAE];
	_ =	sdelay $0x3  }
0x37: {  	[smem:$0x3FAE] =	sst s10  }
0x38: {  	s10 =	sld [smem:$0x3FAF]  }
0x39: {  	_ = 	snop;
	(pc) =	sbr.ind lr, $3  }
0x3a: {  	_ = 	snop  }
0x3b: {  	_ = 	snop  }
0x3c: {  	p2 =	seq.s32 s10, $0x1;
	s10 =	sld [smem:$0x3FAE]  }
0x3d: {  	_ =	shalt  }
0x3e: {  	_ =	shalt  }
0x3f: {  	_ =	shalt  }
0x40: {  	_ =	shalt  }
0x41: {  	_ =	shalt  }
0x42: {  	_ =	shalt  }
0x43: {  	_ =	shalt  }
0x44: {  	_ =	shalt  }
0x45: {  	_ =	shalt  }
0x46: {  	_ =	shalt  }
0x47: {  	_ =	shalt  }
0x48: {  	_ =	shalt  }
0x49: {  	_ =	shalt  }
0x4a: {  	_ =	shalt  }
0x4b: {  	_ =	shalt  }
0x4c: {  	_ =	shalt  }
0x4d: {  	_ =	shalt  }
0x4e: {  	_ =	shalt  }
0x4f: {  	_ =	shalt  }
0x50: {  	_ =	shalt  }
0x51: {  	_ =	shalt  }
0x52: {  	_ =	shalt  }
0x53: {  	_ =	shalt  }
0x54: {  	_ =	shalt  }
0x55: {  	_ =	shalt  }
0x56: {  	_ =	shalt  }
0x57: {  	_ =	shalt  }
0x58: {  	_ =	shalt  }
0x59: {  	_ =	shalt  }
0x5a: {  	_ =	shalt  }
0x5b: {  	_ =	shalt  }
0x5c: {  	_ =	shalt  }
0x5d: {  	_ =	shalt  }
0x5e: {  	_ =	shalt  }
0x5f: {  	_ =	shalt  }
0x60: {  	_ =	shalt  }
0x61: {  	_ =	shalt  }
0x62: {  	_ =	shalt  }
0x63: {  	_ =	shalt  }
0x64: {  	_ =	shalt  }
0x65: {  	_ =	shalt  }
0x66: {  	_ =	shalt  }
0x67: {  	_ =	shalt  }
0x68: {  	_ =	shalt  }
0x69: {  	_ =	shalt  }
0x6a: {  	_ =	shalt  }
0x6b: {  	_ =	shalt  }
0x6c: {  	_ =	shalt  }
0x6d: {  	_ =	shalt  }
0x6e: {  	_ =	shalt  }
0x6f: {  	_ =	shalt  }
0x70: {  	_ =	shalt  }
0x71: {  	_ =	shalt  }
0x72: {  	_ =	shalt  }
0x73: {  	_ =	shalt  }
0x74: {  	_ =	shalt  }
0x75: {  	_ =	shalt  }
0x76: {  	_ =	shalt  }
0x77: {  	_ =	shalt  }
0x78: {  	_ =	shalt  }
0x79: {  	_ =	shalt  }
0x7a: {  	_ =	shalt  }
0x7b: {  	_ =	shalt  }
0x7c: {  	_ =	shalt  }
0x7d: {  	_ =	shalt  }
0x7e: {  	_ =	shalt  }
0x7f: {  	_ =	shalt  }
0x80: {  	_ =	shalt  }
0x81: {  	_ =	shalt  }
0x82: {  	_ =	shalt  }
0x83: {  	_ =	shalt  }
0x84: {  	_ =	shalt  }
0x85: {  	_ =	shalt  }
0x86: {  	_ =	shalt  }
0x87: {  	_ =	shalt  }
.Lfunc_end0:
.L_simem_size_0:
called_computation_lowered:
.L_overlay_start_0:
0x88: {  	s2 =	sld [smem:$0x3FD9]  }
0x89: {  	s3 =	sld [smem:$0x3FFE];
	_ =	sdelay $0x1  }
0x8a: {  	s1 =	srdreg.scid  }
0x8b: {  	s0 =	sand.u32 $0x1, s1  }
0x8c: {  	s14 =	sshll.u32 s0, $0xA;
	s2 =	sadd.s32 s3, s2  }
0x8d: {  	s2 =	sadd.s32 s2, s14  }
0x8e: {  	[smem:$0x3FBA] =	sst s2  }
0x8f: {  	_ = 	snop  }
0x90: {  	s2 =	sld [smem:$0x3FD0];
	_ =	sdelay $0x2  }
0x91: {  	s15 =	simm.s32 $0xA;
	s4 =	simm.s32 $0x10  }
0x92: {  	[smem:s4], [sflag:s15] =	dma.local [hbm:s2], $0x1  }
0x93: {  	_ =	swait.eq [sflag:s15], $0x1  }
0x94: {  	[sflag:s15] =	ssyncset.done $0x0  }
0x95: {  	s16 =	sld [smem:$0x10];
	[sflag:s15] =	ssyncadd.s32 $0xFFFFFFFF  }
0x96: {  	s17 =	sld [smem:$0x11];
	(tm) =	ssettm $0x1  }
0x97: {  	s18 =	sld [smem:$0x3FFB];
	_ =	sdelay $0x3  }
0x98: {  	_ =	strace s18  }
0x99: {  	s4 =	sld [smem:$0x3FFC];
	_ =	sdelay $0x3  }
0x9a: {  	_ =	strace s4  }
0x9b: {  	s4 =	sld [smem:$0x3FFD];
	_ =	sdelay $0x3  }
0x9c: {  	_ =	strace s4  }
0x9d: {  	_ =	strace $0x8FFFFFFF  }
0x9e: {  	s19 =	sld [smem:$0x3FDB];
	_ =	sdelay $0x1  }
0x9f: {  	s5 =	simm.s32 $_scs_section_size  }
0xa0: {  	s6 =	simm.s32 $_size__tile_overlayer_lowered;
	s7 =	simm.s32 $_tile_overlayer_lowered  }
0xa1: {  	s22 =	simm.s32 $0x1BFF;
	s21 =	sshll.u32 s7, $0x1;
	s4 =	sadd.s32 s5, s19  }
0xa2: {  	s8 =	simm.s32 $0x0;
	s20 =	sshll.u32 s6, $0x1;
	s6 =	sadd.s32 s21, s4  }
0xa3: {  	[timem:s8], [sflag:s22] =	dma.local [hbm:s6], s20  }
0xa4: {  	_ =	swait.ge [sflag:s22], s20  }
0xa5: {  	s5 =	ssub.s32 $0x0, s20;
	[sflag:s22] =	ssyncset.done $0x0  }
0xa6: {  	[sflag:s22] =	ssyncadd.s32 s5;
	_ =	sdelay $0x1  }
0xa7: {  	s23 =	simm.s32 $0x1B8B  }
0xa8: {  	_ =	swait.ge [sflag:s23], $0x1  }
0xa9: {  	[sflag:s23] =	ssyncset.done $0x0  }
0xaa: {  	s25 =	simm.s32 $0x1B8E;
	s24 =	sld [smem:$0x3FFE];
	[sflag:s23] =	ssyncadd.s32 $0xFFFFFFFF  }
0xab: {  	s26 =	simm.s32 $execute0_lowered;
	[smem:$0x3FD2] =	sst s25  }
0xac: {  	s6 =	sshll.u32 s26, $0x1;
	_ =	strace $0x80000046;
	[dreg:$0x1] =	wrdreg $0xFFFFFFFF  }
0xad: {  	s28 =	simm.s32 $_size_execute0_lowered;
	s4 =	sadd.s32 s4, s6;
	[dreg:$0x0] =	wrdreg $0x0  }
0xae: {  	s6 =	sshll.u32 s28, $0x1;
	[dreg:$0x2] =	wrdreg s4  }
0xaf: {  	[dreg:$0x3] =	wrdreg s6  }
0xb0: {  	[dreg:$0x4] =	wrdreg $0xC0  }
0xb1: {  	_ =	task [dreg:s8], $0x5FFFF  }
0xb2: {  	[dreg:$0x1] =	wrdreg $0xFFFFFFFF  }
0xb3: {  	[dreg:$0x0] =	wrdreg $0x60  }
0xb4: {  	[dreg:$0x2] =	wrdreg s24  }
0xb5: {  	[dreg:$0x3] =	wrdreg s16  }
0xb6: {  	[dreg:$0x4] =	wrdreg s17  }
0xb7: {  	[dreg:$0x5] =	wrdreg $0x9  }
0xb8: {  	_ =	task.clear_ibuf [dreg:s8], $0x6FFFF;
	_ =	strace $0x90000046  }
0xb9: {  	s29 =	simm.s32 $0x9;
	_ =	strace $0x80000048  }
0xba: {  	_ =	swait.ge [sflag:s29], $0x1  }
0xbb: {  	[sflag:s29] =	ssyncadd.s32 $0xFFFFFFFF  }
0xbc: {  	_ =	strace $0x90000048  }
0xbd: {  	_ =	sfence  }
0xbe: {  	s30 =	sld [smem:$0x0];
	_ =	sdelay $0x2  }
0xbf: {  	s31 =	sshll.u32 s1, $0xD;
	s1 =	sshrl.u32 s1, $0x2  }
0xc0: {  	s3 =	sand.u32 $0x4000, s31;
	s1 =	sadd.s32 s1, s30  }
0xc1: {  	s0 =	sor.u32 s3, s0;
	s1 =	sshll.u32 s1, $0x11  }
0xc2: {  	s0 =	sor.u32 s1, s0  }
0xc3: {  	s0 =	sadd.s32 $0x8F2B, s0  }
0xc4: {  	[sflag:s0] =	ssyncadd.remote.s32 $0x1  }
0xc5: {  	_ =	sfence.sel $0xFFFF  }
0xc6: {  	[dreg:$0x0] =	wrdreg $0xFFFFFFFF;
	(pc) =	sbr.abs _section_cstart, $3  }
0xc7: {  	[dreg:$0x1] =	wrdreg $0xFFFFFFFF  }
0xc8: {  	_ =	task.clear_ibuf [dreg:s8], $0x2FFFF;
	_ =	strace $0x9FFFFFFF  }
0xc9: {  	(tm) =	ssettm $0x7FFFFFFF  }
tec
execute0_lowered:
.L_overlay_start_1:
0x0: {  	(tag) =	ssettag $0x1  }
0x1: {  	v0 =	vlaneseq.u32  }
0x2: {  	s1 =	rddreg [dreg:$0x0];
	v0 =	vmul.u32 $0x10, v0  }
0x3: {  	s5 =	rddreg [dreg:$0x1]  }
0x4: {  	s2 =	srdreg.scid;
	s0 =	stileid.u32;
	v1 =	vimm.f32 $0.0e+00;
	v2 =	vor.u32 $0x1, v0  }
0x5: {  	s7 =	rddreg [dreg:$0x2];
	s15 =	simm.s32 $0x5820;
	s16 =	simm.s32 $0x5320;
	v3 =	vor.u32 $0x2, v0;
	v4 =	vor.u32 $0x3, v0;
	v5 =	vor.u32 $0x4, v0  }
0x6: {  	s17 =	simm.s32 $0x5D20;
	s18 =	simm.s32 $0x1;
	s19 =	simm.s32 $0x3;
	v6 =	vor.u32 $0x5, v0;
	v7 =	vor.u32 $0x6, v0;
	v8 =	vor.u32 $0x7, v0  }
0x7: {  	s20 =	simm.s32 $0x6720;
	s21 =	simm.s32 $0x6220;
	s22 =	simm.s32 $0x2;
	v9 =	vor.u32 $0x8, v0;
	v10 =	vor.u32 $0x9, v0;
	v11 =	vor.u32 $0x100, v0  }
0x8: {  	s23 =	simm.s32 $0x4;
	s24 =	simm.s32 $0x64A0;
	s28 =	simm.s32 $0x0;
	v12 =	vor.u32 $0x101, v0;
	v13 =	vor.u32 $0x102, v0;
	v14 =	vor.u32 $0x103, v0  }
0x9: {  	s4 =	sand.u32 $0x1, s2;
	s3 =	sshll.u32 s0, $0x1;
	s11 =	smul.u32 $0x27100, s0;
	v15 =	vor.u32 $0x104, v0;
	v16 =	vor.u32 $0x105, v0;
	v17 =	vor.u32 $0x106, v0  }
0xa: {  	s2 =	simm.s32 $0x0;
	s6 =	sor.u32 s4, s3;
	s14 =	smul.u32 $0x13880, s4;
	v18 =	vor.u32 $0x107, v0;
	v19 =	vor.u32 $0x108, v0;
	v20 =	vor.u32 $0x109, v0  }
0xb: {  	[smem:$0x7FF] =	sst s2;
	s10 =	ssub.s32 $0x2, s4;
	s8 =	smul.u32 $0x4E2, s6;
	v21 =	vor.u32 $0x200, v0;
	v22 =	vor.u32 $0x201, v0;
	v23 =	vor.u32 $0x202, v0  }
0xc: {  	s3 =	sadd.s32 $0xBC00, s1;
	s9 =	smul.u32 $0x13880, s6;
	s13 =	sshrl.u32 s10, $0x1;
	v24 =	vor.u32 $0x203, v0;
	v25 =	vor.u32 $0x204, v0;
	v26 =	vor.u32 $0x205, v0  }
0xd: {  	_ =	strace $0x80000047;
	s25 =	smul.u32 $0x2800, s6;
	v27 =	vor.u32 $0x206, v0;
	v28 =	vor.u32 $0x207, v0;
	v29 =	vor.u32 $0x208, v0;
	s10 =	ssub.s32 s10, s13  }
0xe: {  	v30 =	vor.u32 $0x209, v0;
	v31 =	vor.u32 $0x300, v0;
	v32 =	vor.u32 $0x301, v0;
	s11 =	sadd.s32 s14, s11;
	s13 =	simm.s32 $0x50;
	s14 =	simm.s32 $0x4E20  }
0xf: {  	v33 =	vor.u32 $0x302, v0;
	v34 =	vor.u32 $0x303, v0;
	v35 =	vor.u32 $0x304, v0;
	s12 =	sadd.s32 s8, s1;
	s1 =	sadd.s32 $0x10C00, s1;
	s9 =	sshrl.u32 s9, $0x3  }
0x10: {  	v36 =	vor.u32 $0x305, v0;
	v37 =	vor.u32 $0x306, v0;
	v38 =	vor.u32 $0x307, v0;
	s5 =	sadd.s32 s5, s8;
	s29 =	sor.u32 $0x50, s11;
	s7 =	sadd.s32 s7, s25  }
0x11: {  	v39 =	vor.u32 $0x308, v0;
	v40 =	vor.u32 $0x309, v0;
	v41 =	vor.u32 $0x400, v0;
	s8 =	smax.u32 s10, $0x1;
	s31 =	sshrl.u32 s11, $0x3;
	s11 =	simm.s32 $0x7  }
0x12: {  	v42 =	vor.u32 $0x401, v0;
	v43 =	vor.u32 $0x402, v0;
	v44 =	vor.u32 $0x403, v0;
	s25 =	simm.s32 $0x5;
	s4 =	sadd.s32 $0x1E00, s12;
	s26 =	sadd.s32 s1, s9  }
0x13: {  	v45 =	vor.u32 $0x404, v0;
	v46 =	vor.u32 $0x405, v0;
	v47 =	vor.u32 $0x406, v0;
	s30 =	sshrl.u32 s29, $0x3;
	s10 =	sadd.s32 s31, s1;
	s12 =	simm.s32 $0x2710  }
0x14: {  	v48 =	vor.u32 $0x407, v0;
	v49 =	vor.u32 $0x408, v0;
	v50 =	vor.u32 $0x409, v0;
	s6 =	sadd.s32 $0x4D8, s26;
	s9 =	sadd.s32 s30, s1;
	s26 =	simm.s32 $0x6  }
.LBB2_1:
0x15: {  	[tilespmem:s2], [sflag:$0x7] =	stream.linear.gather [hbm4b:s4+s2], $0x2710, $0x38;
	[tilespmem:$0x1A720] =	vst v63  }
0x16: {  	_ =	swait.ge [sflag:s11], $0x2710  }
0x17: {  	[sflag:s11] =	ssyncset.done $0x0  }
0x18: {  	[sflag:s11] =	ssyncadd.s32 $0xFFFFD8F0  }
0x19: {  	[tilespmem:s12], [sflag:$0x7] =	stream.linear.gather [hbm4b:s5+s2], $0x2710, $0x38;
	[tilespmem:$0x1A720] =	vst v63  }
0x1a: {  	_ =	swait.ge [sflag:s11], $0x2710  }
0x1b: {  	[sflag:s11] =	ssyncset.done $0x0  }
0x1c: {  	[sflag:s11] =	ssyncadd.s32 $0xFFFFD8F0  }
0x1d: {  	[tilespmem:$0x63B0] =	vst v1  }
0x1e: {  	[tilespmem:$0x6630] =	vst v1  }
0x1f: {  	[tilespmem:$0x63C0] =	vst v1  }
0x20: {  	[tilespmem:$0x6640] =	vst v1  }
0x21: {  	[tilespmem:$0x63D0] =	vst v1  }
0x22: {  	[tilespmem:$0x6650] =	vst v1  }
0x23: {  	[tilespmem:$0x63E0] =	vst v1  }
0x24: {  	[tilespmem:$0x6660] =	vst v1  }
0x25: {  	[tilespmem:$0x63F0] =	vst v1  }
0x26: {  	[tilespmem:$0x6670] =	vst v1  }
0x27: {  	[tilespmem:$0x6400] =	vst v1  }
0x28: {  	[tilespmem:$0x6680] =	vst v1  }
0x29: {  	[tilespmem:$0x6410] =	vst v1  }
0x2a: {  	[tilespmem:$0x6690] =	vst v1  }
0x2b: {  	[tilespmem:$0x6420] =	vst v1  }
0x2c: {  	[tilespmem:$0x66A0] =	vst v1  }
0x2d: {  	[tilespmem:$0x6430] =	vst v1  }
0x2e: {  	[tilespmem:$0x66B0] =	vst v1  }
0x2f: {  	[tilespmem:$0x6440] =	vst v1  }
0x30: {  	[tilespmem:$0x66C0] =	vst v1  }
0x31: {  	[tilespmem:$0x6450] =	vst v1  }
0x32: {  	[tilespmem:$0x66D0] =	vst v1  }
0x33: {  	[tilespmem:$0x6460] =	vst v1  }
0x34: {  	[tilespmem:$0x66E0] =	vst v1  }
0x35: {  	[tilespmem:$0x6470] =	vst v1  }
0x36: {  	[tilespmem:$0x66F0] =	vst v1  }
0x37: {  	[tilespmem:$0x6480] =	vst v1  }
0x38: {  	[tilespmem:$0x6700] =	vst v1  }
0x39: {  	[tilespmem:$0x6490] =	vst v1  }
0x3a: {  	s1 =	simm.s32 $0x0;
	s29 =	simm.s32 $0x400;
	[tilespmem:$0x6710] =	vst v1  }
.LBB2_2:
0x3b: {  	p0 =	sne.s32 s29, $0x4FC00;
	[tilespmem:s1+$0x6810] =	vst v1  }
0x3c: {  	[tilespmem:s1+$0x6720] =	vst v1  }
0x3d: {  	[tilespmem:s1+$0x6730] =	vst v1  }
0x3e: {  	[tilespmem:s1+$0x6740] =	vst v1  }
0x3f: {  	[tilespmem:s1+$0x6750] =	vst v1  }
0x40: {  	[tilespmem:s1+$0x6760] =	vst v1  }
0x41: {  	[tilespmem:s1+$0x6770] =	vst v1  }
0x42: {  	[tilespmem:s1+$0x6780] =	vst v1  }
0x43: {  	[tilespmem:s1+$0x6790] =	vst v1  }
0x44: {  	[tilespmem:s1+$0x67A0] =	vst v1  }
0x45: {  	[tilespmem:s1+$0x67B0] =	vst v1  }
.Ltmp0:
0x46: {  	[tilespmem:s1+$0x67C0] =	vst v1;
	(pc) =	sbr.rel @p0 .LBB2_2-.Ltmp0, $4  }
0x47: {  	[tilespmem:s1+$0x67D0] =	vst v1  }
0x48: {  	[tilespmem:s1+$0x67E0] =	vst v1  }
0x49: {  	[tilespmem:s1+$0x67F0] =	vst v1  }
0x4a: {  	[tilespmem:s1+$0x6800] =	vst v1;
	s1 =	sshra.s32 s29, $0x2;
	s29 =	sadd.s32 $0x400, s29  }
0x4b: {  	[tilespmem:s1+$0x6810] =	vst v1  }
0x4c: {  	[tilespmem:s1+$0x6720] =	vst v1  }
0x4d: {  	[tilespmem:s1+$0x6730] =	vst v1  }
0x4e: {  	[tilespmem:s1+$0x6740] =	vst v1  }
0x4f: {  	[tilespmem:s1+$0x6750] =	vst v1  }
0x50: {  	[tilespmem:s1+$0x6760] =	vst v1  }
0x51: {  	[tilespmem:s1+$0x6770] =	vst v1  }
0x52: {  	[tilespmem:s1+$0x6780] =	vst v1  }
0x53: {  	[tilespmem:s1+$0x6790] =	vst v1  }
0x54: {  	[tilespmem:s1+$0x67A0] =	vst v1  }
0x55: {  	[tilespmem:s1+$0x67B0] =	vst v1  }
0x56: {  	[tilespmem:s1+$0x67C0] =	vst v1  }
0x57: {  	[tilespmem:s1+$0x67D0] =	vst v1  }
0x58: {  	[tilespmem:s1+$0x67E0] =	vst v1  }
0x59: {  	[tilespmem:s1+$0x67F0] =	vst v1  }
0x5a: {  	[tilespmem:s1+$0x6800] =	vst v1;
	s29 =	simm.s32 $0x0  }
0x5b: {  	[tilespmem:s14], [sflag:$0x1] =	stream.indirect.gather [hbm4b:s3+s13], $0x10, s29, s13, $0xb8;
	[tilespmem:$0x1A720] =	vst v63  }
0x5c: {  	s30 =	smov.u32 s10;
	s31 =	smov.u32 s9  }
0x5d: {  	[tilespmem:s15], [sflag:$0x3] =	stream.indirect.gather [hbm4b:s3+s13], $0x10, s12, s13, $0xb8;
	[tilespmem:$0x1A720] =	vst v63  }
.LBB2_4:
0x5e: {  	s1 =	sshra.s32 s29, $0x2  }
0x5f: {  	s0 =	sadd.s32 $0x50, s1  }
0x60: {  	[tilespmem:s16], [sflag:$0x2] =	stream.indirect.gather [hbm4b:s3+s13], $0x10, s0, s13, $0xb8;
	[tilespmem:$0x1A720] =	vst v63  }
0x61: {  	s0 =	sadd.s32 $0x2760, s1  }
0x62: {  	[tilespmem:s17], [sflag:$0x4] =	stream.indirect.gather [hbm4b:s3+s13], $0x10, s0, s13, $0xb8;
	[tilespmem:$0x1A720] =	vst v63  }
0x63: {  	_ =	swait.ge [sflag:s18], $0x500  }
0x64: {  	[sflag:s18] =	ssyncset.done $0x0  }
0x65: {  	[sflag:s18] =	ssyncadd.s32 $0xFFFFFB00  }
0x66: {  	_ =	swait.ge [sflag:s19], $0x500  }
0x67: {  	p0 =	seq.s32 s29, $0x0;
	[sflag:s19] =	ssyncset.done $0x0  }
0x68: {  	s0 =	simm.s32 @!p0 $0x5;
	[sflag:s19] =	ssyncadd.s32 $0xFFFFFB00  }
0x69: {  	_ =	swait.ge @!p0 [sflag:s0], $0x280  }
0x6a: {  	[sflag:s0] =	ssyncset.done @!p0 $0x0  }
0x6b: {  	[sflag:s0] =	ssyncadd.s32 @!p0 $0xFFFFFD80  }
0x6c: {  	v51 =	vld.idx.msk [tilespmem:v0+s14+$0x0], $0xffff  }
0x6d: {  	v52 =	vld.idx.msk [tilespmem:v2+s14+$0x0], $0xffff  }
0x6e: {  	v53 =	vld.idx.msk [tilespmem:v3+s14+$0x0], $0xffff  }
0x6f: {  	v54 =	vld.idx.msk [tilespmem:v4+s14+$0x0], $0xffff  }
0x70: {  	v55 =	vld.idx.msk [tilespmem:v6+s15+$0x0], $0xffff  }
0x71: {  	v56 =	vld.idx.msk [tilespmem:v7+s15+$0x0], $0xffff  }
0x72: {  	v57 =	vld.idx.msk [tilespmem:v8+s15+$0x0], $0xffff  }
0x73: {  	v58 =	vld.idx.msk [tilespmem:v9+s15+$0x0], $0xffff  }
0x74: {  	v59 =	vld.idx.msk [tilespmem:v5+s14+$0x0], $0xffff  }
0x75: {  	v60 =	vld.idx.msk [tilespmem:v10+s15+$0x0], $0xffff;
	_ =	sdelay $0x2  }
0x76: {  	v51 =	vadd.f32 v55, v51;
	v52 =	vadd.f32 v56, v52  }
0x77: {  	v53 =	vadd.f32 v57, v53;
	v54 =	vadd.f32 v58, v54  }
0x78: {  	v60 =	vadd.f32 v60, v59;
	v55 =	vmul.f32 $9.999999770e-03, v51;
	v56 =	vmul.f32 $9.999999770e-03, v52  }
0x79: {  	v61 =	vmul.f32 $9.999999770e-03, v53;
	v62 =	vmul.f32 $9.999999770e-03, v54  }
0x7a: {  	v63 =	vmul.f32 $9.999999770e-03, v60;
	v51 =	vmax.f32 v51, v55  }
0x7b: {  	v52 =	vmax.f32 v52, v56;
	v53 =	vmax.f32 v53, v61;
	v54 =	vmax.f32 v54, v62  }
0x7c: {  	v56 =	vmax.f32 v51, v52;
	v58 =	vmax.f32 v53, v54  }
0x7d: {  	v55 =	vmax.f32 v60, v63;
	v56 =	vmax.f32 v56, v58  }
0x7e: {  	v56 =	vmax.f32 v56, v55  }
0x7f: {  	v51 =	vsub.f32 v51, v56  }
0x80: {  	v52 =	vsub.f32 v52, v56  }
0x81: {  	v53 =	vsub.f32 v53, v56;
	v51 =	vmul.f32 $1.442695020e+00, v51  }
0x82: {  	v54 =	vsub.f32 v54, v56;
	v52 =	vmul.f32 $1.442695020e+00, v52  }
0x83: {  	v58 =	vmul.f32 $1.442695020e+00, v53;
	(erf) = vpow2.f32 v51  }
0x84: {  	v59 =	vmul.f32 $1.442695020e+00, v54;
	(erf) = vpow2.f32 v52  }
0x85: {  	(erf) = vpow2.f32 v58  }
0x86: {  	v60 =	vsub.f32 v55, v56;
	(erf) = vpow2.f32 v59;
	_ =	sdelay $0x1  }
0x87: {  	v51 =	vmul.f32 $1.442695020e+00, v60;
	_ =	sdelay $0x1  }
0x88: {  	(erf) = vpow2.f32 v51;
	_ =	sdelay $0x1  }
0x89: {  	v61 =	vpop (erf)  }
0x8a: {  	v52 =	vpop (erf)  }
0x8b: {  	v53 =	vpop (erf)  }
0x8c: {  	v54 =	vpop (erf)  }
0x8d: {  	v62 =	vadd.f32 v52, v61;
	v63 =	vadd.f32 v54, v53;
	_ =	sdelay $0x1  }
0x8e: {  	v55 =	vadd.f32 v63, v62  }
0x8f: {  	v56 =	vpop (erf)  }
0x90: {  	v55 =	vadd.f32 v55, v56;
	_ =	sdelay $0x1  }
0x91: {  	(erf) = vrcp.f32 v55;
	_ =	sdelay $0x4  }
0x92: {  	v55 =	vld [tilespmem:s1+$0x0]  }
0x93: {  	v57 =	vld [tilespmem:s1+$0x2710];
	_ =	sdelay $0x2  }
0x94: {  	v58 =	vpop (erf)  }
0x95: {  	v51 =	vmul.f32 v58, v61  }
0x96: {  	v59 =	vadd.s32 $0x2800, v55  }
0x97: {  	v60 =	vadd.s32 $0x2800, v57;
	[tilespmem:$0x6220] =	vst v51  }
0x98: {  	v52 =	vmul.f32 v58, v52;
	[tilespmem:v55+s20+$0x0] =	vst.idx.add.f32.msk $0xffff, v51  }
0x99: {  	[tilespmem:v57+s20+$0x0] =	vst.idx.add.f32.msk $0xffff, v51;
	v51 =	vadd.s32 $0x5000, v55  }
0x9a: {  	v61 =	vadd.s32 $0x5000, v57;
	[tilespmem:$0x6270] =	vst v52  }
0x9b: {  	v53 =	vmul.f32 v58, v53;
	[tilespmem:v59+s20+$0x0] =	vst.idx.add.f32.msk $0xffff, v52  }
0x9c: {  	[tilespmem:v60+s20+$0x0] =	vst.idx.add.f32.msk $0xffff, v52;
	v60 =	vadd.s32 $0x7800, v55  }
0x9d: {  	v62 =	vadd.s32 $0x7800, v57;
	[tilespmem:$0x62C0] =	vst v53  }
0x9e: {  	v54 =	vmul.f32 v58, v54;
	[tilespmem:v51+s20+$0x0] =	vst.idx.add.f32.msk $0xffff, v53  }
0x9f: {  	v63 =	vadd.s32 $0xA000, v55;
	[tilespmem:v61+s20+$0x0] =	vst.idx.add.f32.msk $0xffff, v53  }
0xa0: {  	v57 =	vadd.s32 $0xA000, v57;
	[tilespmem:$0x6310] =	vst v54  }
0xa1: {  	v58 =	vmul.f32 v58, v56;
	[tilespmem:v60+s20+$0x0] =	vst.idx.add.f32.msk $0xffff, v54  }
0xa2: {  	[tilespmem:v62+s20+$0x0] =	vst.idx.add.f32.msk $0xffff, v54  }
0xa3: {  	[tilespmem:$0x6360] =	vst v58  }
0xa4: {  	[tilespmem:v63+s20+$0x0] =	vst.idx.add.f32.msk $0xffff, v58  }
0xa5: {  	[tilespmem:v57+s20+$0x0] =	vst.idx.add.f32.msk $0xffff, v58  }
0xa6: {  	v51 =	vld.idx.msk [tilespmem:v11+s14+$0x0], $0xffff  }
0xa7: {  	v52 =	vld.idx.msk [tilespmem:v12+s14+$0x0], $0xffff  }
0xa8: {  	v53 =	vld.idx.msk [tilespmem:v13+s14+$0x0], $0xffff  }
0xa9: {  	v54 =	vld.idx.msk [tilespmem:v14+s14+$0x0], $0xffff  }
0xaa: {  	v55 =	vld.idx.msk [tilespmem:v16+s15+$0x0], $0xffff  }
0xab: {  	v56 =	vld.idx.msk [tilespmem:v17+s15+$0x0], $0xffff  }
0xac: {  	v57 =	vld.idx.msk [tilespmem:v18+s15+$0x0], $0xffff  }
0xad: {  	v58 =	vld.idx.msk [tilespmem:v19+s15+$0x0], $0xffff  }
0xae: {  	v59 =	vld.idx.msk [tilespmem:v15+s14+$0x0], $0xffff  }
0xaf: {  	v60 =	vld.idx.msk [tilespmem:v20+s15+$0x0], $0xffff;
	_ =	sdelay $0x2  }
0xb0: {  	v51 =	vadd.f32 v55, v51;
	v52 =	vadd.f32 v56, v52  }
0xb1: {  	v53 =	vadd.f32 v57, v53;
	v54 =	vadd.f32 v58, v54  }
0xb2: {  	v60 =	vadd.f32 v60, v59;
	v55 =	vmul.f32 $9.999999770e-03, v51;
	v56 =	vmul.f32 $9.999999770e-03, v52  }
0xb3: {  	v61 =	vmul.f32 $9.999999770e-03, v53;
	v62 =	vmul.f32 $9.999999770e-03, v54  }
0xb4: {  	v63 =	vmul.f32 $9.999999770e-03, v60;
	v51 =	vmax.f32 v51, v55  }
0xb5: {  	v52 =	vmax.f32 v52, v56;
	v53 =	vmax.f32 v53, v61;
	v54 =	vmax.f32 v54, v62  }
0xb6: {  	v56 =	vmax.f32 v51, v52;
	v58 =	vmax.f32 v53, v54  }
0xb7: {  	v55 =	vmax.f32 v60, v63;
	v56 =	vmax.f32 v56, v58  }
0xb8: {  	v56 =	vmax.f32 v56, v55  }
0xb9: {  	v51 =	vsub.f32 v51, v56  }
0xba: {  	v52 =	vsub.f32 v52, v56  }
0xbb: {  	v53 =	vsub.f32 v53, v56;
	v51 =	vmul.f32 $1.442695020e+00, v51  }
0xbc: {  	v54 =	vsub.f32 v54, v56;
	v52 =	vmul.f32 $1.442695020e+00, v52  }
0xbd: {  	v58 =	vmul.f32 $1.442695020e+00, v53;
	(erf) = vpow2.f32 v51  }
0xbe: {  	v59 =	vmul.f32 $1.442695020e+00, v54;
	(erf) = vpow2.f32 v52  }
0xbf: {  	(erf) = vpow2.f32 v58  }
0xc0: {  	v60 =	vsub.f32 v55, v56;
	(erf) = vpow2.f32 v59;
	_ =	sdelay $0x1  }
0xc1: {  	v51 =	vmul.f32 $1.442695020e+00, v60;
	_ =	sdelay $0x1  }
0xc2: {  	(erf) = vpow2.f32 v51;
	_ =	sdelay $0x1  }
0xc3: {  	v61 =	vpop (erf)  }
0xc4: {  	v52 =	vpop (erf)  }
0xc5: {  	v53 =	vpop (erf)  }
0xc6: {  	v54 =	vpop (erf)  }
0xc7: {  	v62 =	vadd.f32 v52, v61;
	v63 =	vadd.f32 v54, v53;
	_ =	sdelay $0x1  }
0xc8: {  	v55 =	vadd.f32 v63, v62  }
0xc9: {  	v56 =	vpop (erf)  }
0xca: {  	v55 =	vadd.f32 v55, v56;
	_ =	sdelay $0x1  }
0xcb: {  	(erf) = vrcp.f32 v55;
	_ =	sdelay $0x4  }
0xcc: {  	v55 =	vld [tilespmem:s1+$0x10]  }
0xcd: {  	v57 =	vld [tilespmem:s1+$0x2720];
	_ =	sdelay $0x2  }
0xce: {  	v58 =	vpop (erf)  }
0xcf: {  	v51 =	vmul.f32 v58, v61  }
0xd0: {  	v59 =	vadd.s32 $0x2800, v55  }
0xd1: {  	v60 =	vadd.s32 $0x2800, v57;
	[tilespmem:$0x6230] =	vst v51  }
0xd2: {  	v52 =	vmul.f32 v58, v52;
	[tilespmem:v55+s20+$0x0] =	vst.idx.add.f32.msk $0xffff, v51  }
0xd3: {  	[tilespmem:v57+s20+$0x0] =	vst.idx.add.f32.msk $0xffff, v51;
	v51 =	vadd.s32 $0x5000, v55  }
0xd4: {  	v61 =	vadd.s32 $0x5000, v57;
	[tilespmem:$0x6280] =	vst v52  }
0xd5: {  	v53 =	vmul.f32 v58, v53;
	[tilespmem:v59+s20+$0x0] =	vst.idx.add.f32.msk $0xffff, v52  }
0xd6: {  	[tilespmem:v60+s20+$0x0] =	vst.idx.add.f32.msk $0xffff, v52;
	v60 =	vadd.s32 $0x7800, v55  }
0xd7: {  	v62 =	vadd.s32 $0x7800, v57;
	[tilespmem:$0x62D0] =	vst v53  }
0xd8: {  	v54 =	vmul.f32 v58, v54;
	[tilespmem:v51+s20+$0x0] =	vst.idx.add.f32.msk $0xffff, v53  }
0xd9: {  	v63 =	vadd.s32 $0xA000, v55;
	[tilespmem:v61+s20+$0x0] =	vst.idx.add.f32.msk $0xffff, v53  }
0xda: {  	v57 =	vadd.s32 $0xA000, v57;
	[tilespmem:$0x6320] =	vst v54  }
0xdb: {  	v58 =	vmul.f32 v58, v56;
	[tilespmem:v60+s20+$0x0] =	vst.idx.add.f32.msk $0xffff, v54  }
0xdc: {  	[tilespmem:v62+s20+$0x0] =	vst.idx.add.f32.msk $0xffff, v54  }
0xdd: {  	[tilespmem:$0x6370] =	vst v58  }
0xde: {  	[tilespmem:v63+s20+$0x0] =	vst.idx.add.f32.msk $0xffff, v58  }
0xdf: {  	[tilespmem:v57+s20+$0x0] =	vst.idx.add.f32.msk $0xffff, v58  }
0xe0: {  	v51 =	vld.idx.msk [tilespmem:v21+s14+$0x0], $0xffff  }
0xe1: {  	v52 =	vld.idx.msk [tilespmem:v22+s14+$0x0], $0xffff  }
0xe2: {  	v53 =	vld.idx.msk [tilespmem:v23+s14+$0x0], $0xffff  }
0xe3: {  	v54 =	vld.idx.msk [tilespmem:v24+s14+$0x0], $0xffff  }
0xe4: {  	v55 =	vld.idx.msk [tilespmem:v26+s15+$0x0], $0xffff  }
0xe5: {  	v56 =	vld.idx.msk [tilespmem:v27+s15+$0x0], $0xffff  }
0xe6: {  	v57 =	vld.idx.msk [tilespmem:v28+s15+$0x0], $0xffff  }
0xe7: {  	v58 =	vld.idx.msk [tilespmem:v29+s15+$0x0], $0xffff  }
0xe8: {  	v59 =	vld.idx.msk [tilespmem:v25+s14+$0x0], $0xffff  }
0xe9: {  	v60 =	vld.idx.msk [tilespmem:v30+s15+$0x0], $0xffff;
	_ =	sdelay $0x2  }
0xea: {  	v51 =	vadd.f32 v55, v51;
	v52 =	vadd.f32 v56, v52  }
0xeb: {  	v53 =	vadd.f32 v57, v53;
	v54 =	vadd.f32 v58, v54  }
0xec: {  	v60 =	vadd.f32 v60, v59;
	v55 =	vmul.f32 $9.999999770e-03, v51;
	v56 =	vmul.f32 $9.999999770e-03, v52  }
0xed: {  	v61 =	vmul.f32 $9.999999770e-03, v53;
	v62 =	vmul.f32 $9.999999770e-03, v54  }
0xee: {  	v63 =	vmul.f32 $9.999999770e-03, v60;
	v51 =	vmax.f32 v51, v55  }
0xef: {  	v52 =	vmax.f32 v52, v56;
	v53 =	vmax.f32 v53, v61;
	v54 =	vmax.f32 v54, v62  }
0xf0: {  	v56 =	vmax.f32 v51, v52;
	v58 =	vmax.f32 v53, v54  }
0xf1: {  	v55 =	vmax.f32 v60, v63;
	v56 =	vmax.f32 v56, v58  }
0xf2: {  	v56 =	vmax.f32 v56, v55  }
0xf3: {  	v51 =	vsub.f32 v51, v56  }
0xf4: {  	v52 =	vsub.f32 v52, v56  }
0xf5: {  	v53 =	vsub.f32 v53, v56;
	v51 =	vmul.f32 $1.442695020e+00, v51  }
0xf6: {  	v54 =	vsub.f32 v54, v56;
	v52 =	vmul.f32 $1.442695020e+00, v52  }
0xf7: {  	v58 =	vmul.f32 $1.442695020e+00, v53;
	(erf) = vpow2.f32 v51  }
0xf8: {  	v59 =	vmul.f32 $1.442695020e+00, v54;
	(erf) = vpow2.f32 v52  }
0xf9: {  	(erf) = vpow2.f32 v58  }
0xfa: {  	v60 =	vsub.f32 v55, v56;
	(erf) = vpow2.f32 v59;
	_ =	sdelay $0x1  }
0xfb: {  	v51 =	vmul.f32 $1.442695020e+00, v60;
	_ =	sdelay $0x1  }
0xfc: {  	(erf) = vpow2.f32 v51;
	_ =	sdelay $0x1  }
0xfd: {  	v61 =	vpop (erf)  }
0xfe: {  	v52 =	vpop (erf)  }
0xff: {  	v53 =	vpop (erf)  }
0x100: {  	v54 =	vpop (erf)  }
0x101: {  	v62 =	vadd.f32 v52, v61;
	v63 =	vadd.f32 v54, v53;
	_ =	sdelay $0x1  }
0x102: {  	v55 =	vadd.f32 v63, v62  }
0x103: {  	v56 =	vpop (erf)  }
0x104: {  	v55 =	vadd.f32 v55, v56;
	_ =	sdelay $0x1  }
0x105: {  	(erf) = vrcp.f32 v55;
	_ =	sdelay $0x4  }
0x106: {  	v55 =	vld [tilespmem:s1+$0x20]  }
0x107: {  	v57 =	vld [tilespmem:s1+$0x2730];
	_ =	sdelay $0x2  }
0x108: {  	v58 =	vpop (erf)  }
0x109: {  	v51 =	vmul.f32 v58, v61  }
0x10a: {  	v59 =	vadd.s32 $0x2800, v55  }
0x10b: {  	v60 =	vadd.s32 $0x2800, v57;
	[tilespmem:$0x6240] =	vst v51  }
0x10c: {  	v52 =	vmul.f32 v58, v52;
	[tilespmem:v55+s20+$0x0] =	vst.idx.add.f32.msk $0xffff, v51  }
0x10d: {  	[tilespmem:v57+s20+$0x0] =	vst.idx.add.f32.msk $0xffff, v51;
	v51 =	vadd.s32 $0x5000, v55  }
0x10e: {  	v61 =	vadd.s32 $0x5000, v57;
	[tilespmem:$0x6290] =	vst v52  }
0x10f: {  	v53 =	vmul.f32 v58, v53;
	[tilespmem:v59+s20+$0x0] =	vst.idx.add.f32.msk $0xffff, v52  }
0x110: {  	[tilespmem:v60+s20+$0x0] =	vst.idx.add.f32.msk $0xffff, v52;
	v60 =	vadd.s32 $0x7800, v55  }
0x111: {  	v62 =	vadd.s32 $0x7800, v57;
	[tilespmem:$0x62E0] =	vst v53  }
0x112: {  	v54 =	vmul.f32 v58, v54;
	[tilespmem:v51+s20+$0x0] =	vst.idx.add.f32.msk $0xffff, v53  }
0x113: {  	v63 =	vadd.s32 $0xA000, v55;
	[tilespmem:v61+s20+$0x0] =	vst.idx.add.f32.msk $0xffff, v53  }
0x114: {  	v57 =	vadd.s32 $0xA000, v57;
	[tilespmem:$0x6330] =	vst v54  }
0x115: {  	v58 =	vmul.f32 v58, v56;
	[tilespmem:v60+s20+$0x0] =	vst.idx.add.f32.msk $0xffff, v54  }
0x116: {  	[tilespmem:v62+s20+$0x0] =	vst.idx.add.f32.msk $0xffff, v54  }
0x117: {  	[tilespmem:$0x6380] =	vst v58  }
0x118: {  	[tilespmem:v63+s20+$0x0] =	vst.idx.add.f32.msk $0xffff, v58  }
0x119: {  	[tilespmem:v57+s20+$0x0] =	vst.idx.add.f32.msk $0xffff, v58  }
0x11a: {  	v51 =	vld.idx.msk [tilespmem:v31+s14+$0x0], $0xffff  }
0x11b: {  	v52 =	vld.idx.msk [tilespmem:v32+s14+$0x0], $0xffff  }
0x11c: {  	v53 =	vld.idx.msk [tilespmem:v33+s14+$0x0], $0xffff  }
0x11d: {  	v54 =	vld.idx.msk [tilespmem:v34+s14+$0x0], $0xffff  }
0x11e: {  	v55 =	vld.idx.msk [tilespmem:v36+s15+$0x0], $0xffff  }
0x11f: {  	v56 =	vld.idx.msk [tilespmem:v37+s15+$0x0], $0xffff  }
0x120: {  	v57 =	vld.idx.msk [tilespmem:v38+s15+$0x0], $0xffff  }
0x121: {  	v58 =	vld.idx.msk [tilespmem:v39+s15+$0x0], $0xffff  }
0x122: {  	v59 =	vld.idx.msk [tilespmem:v35+s14+$0x0], $0xffff  }
0x123: {  	v60 =	vld.idx.msk [tilespmem:v40+s15+$0x0], $0xffff;
	_ =	sdelay $0x2  }
0x124: {  	v51 =	vadd.f32 v55, v51;
	v52 =	vadd.f32 v56, v52  }
0x125: {  	v53 =	vadd.f32 v57, v53;
	v54 =	vadd.f32 v58, v54  }
0x126: {  	v60 =	vadd.f32 v60, v59;
	v55 =	vmul.f32 $9.999999770e-03, v51;
	v56 =	vmul.f32 $9.999999770e-03, v52  }
0x127: {  	v61 =	vmul.f32 $9.999999770e-03, v53;
	v62 =	vmul.f32 $9.999999770e-03, v54  }
0x128: {  	v63 =	vmul.f32 $9.999999770e-03, v60;
	v51 =	vmax.f32 v51, v55  }
0x129: {  	v52 =	vmax.f32 v52, v56;
	v53 =	vmax.f32 v53, v61;
	v54 =	vmax.f32 v54, v62  }
0x12a: {  	v56 =	vmax.f32 v51, v52;
	v58 =	vmax.f32 v53, v54  }
0x12b: {  	v55 =	vmax.f32 v60, v63;
	v56 =	vmax.f32 v56, v58  }
0x12c: {  	v56 =	vmax.f32 v56, v55  }
0x12d: {  	v51 =	vsub.f32 v51, v56  }
0x12e: {  	v52 =	vsub.f32 v52, v56  }
0x12f: {  	v53 =	vsub.f32 v53, v56;
	v51 =	vmul.f32 $1.442695020e+00, v51  }
0x130: {  	v54 =	vsub.f32 v54, v56;
	v52 =	vmul.f32 $1.442695020e+00, v52  }
0x131: {  	v58 =	vmul.f32 $1.442695020e+00, v53;
	(erf) = vpow2.f32 v51  }
0x132: {  	v59 =	vmul.f32 $1.442695020e+00, v54;
	(erf) = vpow2.f32 v52  }
0x133: {  	(erf) = vpow2.f32 v58  }
0x134: {  	v60 =	vsub.f32 v55, v56;
	(erf) = vpow2.f32 v59;
	_ =	sdelay $0x1  }
0x135: {  	v51 =	vmul.f32 $1.442695020e+00, v60;
	_ =	sdelay $0x1  }
0x136: {  	(erf) = vpow2.f32 v51;
	_ =	sdelay $0x1  }
0x137: {  	v61 =	vpop (erf)  }
0x138: {  	v52 =	vpop (erf)  }
0x139: {  	v53 =	vpop (erf)  }
0x13a: {  	v54 =	vpop (erf)  }
0x13b: {  	v62 =	vadd.f32 v52, v61;
	v63 =	vadd.f32 v54, v53;
	_ =	sdelay $0x1  }
0x13c: {  	v55 =	vadd.f32 v63, v62  }
0x13d: {  	v56 =	vpop (erf)  }
0x13e: {  	v55 =	vadd.f32 v55, v56;
	_ =	sdelay $0x1  }
0x13f: {  	(erf) = vrcp.f32 v55;
	_ =	sdelay $0x4  }
0x140: {  	v55 =	vld [tilespmem:s1+$0x30]  }
0x141: {  	v57 =	vld [tilespmem:s1+$0x2740];
	_ =	sdelay $0x2  }
0x142: {  	v58 =	vpop (erf)  }
0x143: {  	v51 =	vmul.f32 v58, v61  }
0x144: {  	v59 =	vadd.s32 $0x2800, v55  }
0x145: {  	v60 =	vadd.s32 $0x2800, v57;
	[tilespmem:$0x6250] =	vst v51  }
0x146: {  	v52 =	vmul.f32 v58, v52;
	[tilespmem:v55+s20+$0x0] =	vst.idx.add.f32.msk $0xffff, v51  }
0x147: {  	[tilespmem:v57+s20+$0x0] =	vst.idx.add.f32.msk $0xffff, v51;
	v51 =	vadd.s32 $0x5000, v55  }
0x148: {  	v61 =	vadd.s32 $0x5000, v57;
	[tilespmem:$0x62A0] =	vst v52  }
0x149: {  	v53 =	vmul.f32 v58, v53;
	[tilespmem:v59+s20+$0x0] =	vst.idx.add.f32.msk $0xffff, v52  }
0x14a: {  	[tilespmem:v60+s20+$0x0] =	vst.idx.add.f32.msk $0xffff, v52;
	v60 =	vadd.s32 $0x7800, v55  }
0x14b: {  	v62 =	vadd.s32 $0x7800, v57;
	[tilespmem:$0x62F0] =	vst v53  }
0x14c: {  	v54 =	vmul.f32 v58, v54;
	[tilespmem:v51+s20+$0x0] =	vst.idx.add.f32.msk $0xffff, v53  }
0x14d: {  	v63 =	vadd.s32 $0xA000, v55;
	[tilespmem:v61+s20+$0x0] =	vst.idx.add.f32.msk $0xffff, v53  }
0x14e: {  	v57 =	vadd.s32 $0xA000, v57;
	[tilespmem:$0x6340] =	vst v54  }
0x14f: {  	v58 =	vmul.f32 v58, v56;
	[tilespmem:v60+s20+$0x0] =	vst.idx.add.f32.msk $0xffff, v54  }
0x150: {  	[tilespmem:v62+s20+$0x0] =	vst.idx.add.f32.msk $0xffff, v54  }
0x151: {  	[tilespmem:$0x6390] =	vst v58  }
0x152: {  	[tilespmem:v63+s20+$0x0] =	vst.idx.add.f32.msk $0xffff, v58  }
0x153: {  	[tilespmem:v57+s20+$0x0] =	vst.idx.add.f32.msk $0xffff, v58  }
0x154: {  	v51 =	vld.idx.msk [tilespmem:v41+s14+$0x0], $0xffff  }
0x155: {  	v52 =	vld.idx.msk [tilespmem:v42+s14+$0x0], $0xffff  }
0x156: {  	v53 =	vld.idx.msk [tilespmem:v43+s14+$0x0], $0xffff  }
0x157: {  	v54 =	vld.idx.msk [tilespmem:v44+s14+$0x0], $0xffff  }
0x158: {  	v55 =	vld.idx.msk [tilespmem:v46+s15+$0x0], $0xffff  }
0x159: {  	v56 =	vld.idx.msk [tilespmem:v47+s15+$0x0], $0xffff  }
0x15a: {  	v57 =	vld.idx.msk [tilespmem:v48+s15+$0x0], $0xffff  }
0x15b: {  	v58 =	vld.idx.msk [tilespmem:v49+s15+$0x0], $0xffff  }
0x15c: {  	v59 =	vld.idx.msk [tilespmem:v45+s14+$0x0], $0xffff  }
0x15d: {  	v60 =	vld.idx.msk [tilespmem:v50+s15+$0x0], $0xffff;
	_ =	sdelay $0x2  }
0x15e: {  	v51 =	vadd.f32 v55, v51;
	v52 =	vadd.f32 v56, v52  }
0x15f: {  	v53 =	vadd.f32 v57, v53;
	v54 =	vadd.f32 v58, v54  }
0x160: {  	v60 =	vadd.f32 v60, v59;
	v55 =	vmul.f32 $9.999999770e-03, v51;
	v56 =	vmul.f32 $9.999999770e-03, v52  }
0x161: {  	v61 =	vmul.f32 $9.999999770e-03, v53;
	v62 =	vmul.f32 $9.999999770e-03, v54  }
0x162: {  	v63 =	vmul.f32 $9.999999770e-03, v60;
	v51 =	vmax.f32 v51, v55  }
0x163: {  	v52 =	vmax.f32 v52, v56;
	v53 =	vmax.f32 v53, v61;
	v54 =	vmax.f32 v54, v62  }
0x164: {  	v56 =	vmax.f32 v51, v52;
	v58 =	vmax.f32 v53, v54  }
0x165: {  	v55 =	vmax.f32 v60, v63;
	v56 =	vmax.f32 v56, v58  }
0x166: {  	v56 =	vmax.f32 v56, v55  }
0x167: {  	v51 =	vsub.f32 v51, v56  }
0x168: {  	v52 =	vsub.f32 v52, v56  }
0x169: {  	v53 =	vsub.f32 v53, v56;
	v51 =	vmul.f32 $1.442695020e+00, v51  }
0x16a: {  	v54 =	vsub.f32 v54, v56;
	v52 =	vmul.f32 $1.442695020e+00, v52  }
0x16b: {  	v58 =	vmul.f32 $1.442695020e+00, v53;
	(erf) = vpow2.f32 v51  }
0x16c: {  	v59 =	vmul.f32 $1.442695020e+00, v54;
	(erf) = vpow2.f32 v52  }
0x16d: {  	(erf) = vpow2.f32 v58  }
0x16e: {  	v60 =	vsub.f32 v55, v56;
	(erf) = vpow2.f32 v59;
	_ =	sdelay $0x1  }
0x16f: {  	v51 =	vmul.f32 $1.442695020e+00, v60;
	_ =	sdelay $0x1  }
0x170: {  	(erf) = vpow2.f32 v51;
	_ =	sdelay $0x1  }
0x171: {  	v61 =	vpop (erf)  }
0x172: {  	v52 =	vpop (erf)  }
0x173: {  	v53 =	vpop (erf)  }
0x174: {  	v54 =	vpop (erf)  }
0x175: {  	v62 =	vadd.f32 v52, v61;
	v63 =	vadd.f32 v54, v53;
	_ =	sdelay $0x1  }
0x176: {  	v55 =	vadd.f32 v63, v62  }
0x177: {  	v56 =	vpop (erf)  }
0x178: {  	v55 =	vadd.f32 v55, v56;
	_ =	sdelay $0x1  }
0x179: {  	(erf) = vrcp.f32 v55;
	_ =	sdelay $0x4  }
0x17a: {  	v55 =	vld [tilespmem:s1+$0x40]  }
0x17b: {  	v57 =	vld [tilespmem:s1+$0x2750];
	_ =	sdelay $0x2  }
0x17c: {  	v58 =	vpop (erf)  }
0x17d: {  	v51 =	vmul.f32 v58, v61  }
0x17e: {  	v59 =	vadd.s32 $0x2800, v55  }
0x17f: {  	v60 =	vadd.s32 $0x2800, v57;
	[tilespmem:$0x6260] =	vst v51  }
0x180: {  	v52 =	vmul.f32 v58, v52;
	[tilespmem:v55+s20+$0x0] =	vst.idx.add.f32.msk $0xffff, v51  }
0x181: {  	[tilespmem:v57+s20+$0x0] =	vst.idx.add.f32.msk $0xffff, v51;
	v51 =	vadd.s32 $0x5000, v55  }
0x182: {  	v61 =	vadd.s32 $0x5000, v57;
	[tilespmem:$0x62B0] =	vst v52  }
0x183: {  	v53 =	vmul.f32 v58, v53;
	[tilespmem:v59+s20+$0x0] =	vst.idx.add.f32.msk $0xffff, v52  }
0x184: {  	[tilespmem:v60+s20+$0x0] =	vst.idx.add.f32.msk $0xffff, v52;
	v60 =	vadd.s32 $0x7800, v55  }
0x185: {  	v62 =	vadd.s32 $0x7800, v57;
	[tilespmem:$0x6300] =	vst v53  }
0x186: {  	v54 =	vmul.f32 v58, v54;
	[tilespmem:v51+s20+$0x0] =	vst.idx.add.f32.msk $0xffff, v53  }
0x187: {  	v63 =	vadd.s32 $0xA000, v55;
	[tilespmem:v61+s20+$0x0] =	vst.idx.add.f32.msk $0xffff, v53  }
0x188: {  	v57 =	vadd.s32 $0xA000, v57;
	[tilespmem:$0x6350] =	vst v54  }
0x189: {  	v58 =	vmul.f32 v58, v56;
	[tilespmem:v60+s20+$0x0] =	vst.idx.add.f32.msk $0xffff, v54  }
0x18a: {  	[tilespmem:v62+s20+$0x0] =	vst.idx.add.f32.msk $0xffff, v54  }
0x18b: {  	[tilespmem:$0x63A0] =	vst v58  }
0x18c: {  	[tilespmem:v63+s20+$0x0] =	vst.idx.add.f32.msk $0xffff, v58  }
0x18d: {  	[tilespmem:v57+s20+$0x0] =	vst.idx.add.f32.msk $0xffff, v58  }
0x18e: {  	[hbm4b:s30+s13] =	stream.strided.scatter [tilespmem:s21], [sflag:$0x5], $0x280, s12, s13, $0x38;
	[tilespmem:$0x1A720] =	vst v63  }
0x18f: {  	s0 =	sadd.s32 $0xA0, s1  }
0x190: {  	[tilespmem:s14], [sflag:$0x1] =	stream.indirect.gather [hbm4b:s3+s13], $0x10, s0, s13, $0xb8;
	[tilespmem:$0x1A720] =	vst v63  }
0x191: {  	s0 =	sadd.s32 $0x27B0, s1  }
0x192: {  	[tilespmem:s15], [sflag:$0x3] =	stream.indirect.gather [hbm4b:s3+s13], $0x10, s0, s13, $0xb8;
	[tilespmem:$0x1A720] =	vst v63  }
0x193: {  	_ =	swait.ge [sflag:s22], $0x500  }
0x194: {  	[sflag:s22] =	ssyncset.done $0x0  }
0x195: {  	[sflag:s22] =	ssyncadd.s32 $0xFFFFFB00  }
0x196: {  	_ =	swait.ge [sflag:s23], $0x500  }
0x197: {  	[sflag:s23] =	ssyncset.done $0x0  }
0x198: {  	s0 =	simm.s32 @!p0 $0x6;
	[sflag:s23] =	ssyncadd.s32 $0xFFFFFB00  }
0x199: {  	_ =	swait.ge @!p0 [sflag:s0], $0x280  }
0x19a: {  	[sflag:s0] =	ssyncset.done @!p0 $0x0  }
0x19b: {  	[sflag:s0] =	ssyncadd.s32 @!p0 $0xFFFFFD80  }
0x19c: {  	v51 =	vld.idx.msk [tilespmem:v0+s16+$0x0], $0xffff  }
0x19d: {  	v52 =	vld.idx.msk [tilespmem:v2+s16+$0x0], $0xffff  }
0x19e: {  	v53 =	vld.idx.msk [tilespmem:v3+s16+$0x0], $0xffff  }
0x19f: {  	v54 =	vld.idx.msk [tilespmem:v4+s16+$0x0], $0xffff  }
0x1a0: {  	v55 =	vld.idx.msk [tilespmem:v6+s17+$0x0], $0xffff  }
0x1a1: {  	v56 =	vld.idx.msk [tilespmem:v7+s17+$0x0], $0xffff  }
0x1a2: {  	v57 =	vld.idx.msk [tilespmem:v8+s17+$0x0], $0xffff  }
0x1a3: {  	v58 =	vld.idx.msk [tilespmem:v9+s17+$0x0], $0xffff  }
0x1a4: {  	v59 =	vld.idx.msk [tilespmem:v5+s16+$0x0], $0xffff  }
0x1a5: {  	v60 =	vld.idx.msk [tilespmem:v10+s17+$0x0], $0xffff;
	_ =	sdelay $0x2  }
0x1a6: {  	v51 =	vadd.f32 v55, v51;
	v52 =	vadd.f32 v56, v52  }
0x1a7: {  	v53 =	vadd.f32 v57, v53;
	v54 =	vadd.f32 v58, v54  }
0x1a8: {  	v60 =	vadd.f32 v60, v59;
	v55 =	vmul.f32 $9.999999770e-03, v51;
	v56 =	vmul.f32 $9.999999770e-03, v52  }
0x1a9: {  	v61 =	vmul.f32 $9.999999770e-03, v53;
	v62 =	vmul.f32 $9.999999770e-03, v54  }
0x1aa: {  	v63 =	vmul.f32 $9.999999770e-03, v60;
	v51 =	vmax.f32 v51, v55  }
0x1ab: {  	v52 =	vmax.f32 v52, v56;
	v53 =	vmax.f32 v53, v61;
	v54 =	vmax.f32 v54, v62  }
0x1ac: {  	v56 =	vmax.f32 v51, v52;
	v58 =	vmax.f32 v53, v54  }
0x1ad: {  	v55 =	vmax.f32 v60, v63;
	v56 =	vmax.f32 v56, v58  }
0x1ae: {  	v56 =	vmax.f32 v56, v55  }
0x1af: {  	v51 =	vsub.f32 v51, v56  }
0x1b0: {  	v52 =	vsub.f32 v52, v56  }
0x1b1: {  	v53 =	vsub.f32 v53, v56;
	v51 =	vmul.f32 $1.442695020e+00, v51  }
0x1b2: {  	v54 =	vsub.f32 v54, v56;
	v52 =	vmul.f32 $1.442695020e+00, v52  }
0x1b3: {  	v58 =	vmul.f32 $1.442695020e+00, v53;
	(erf) = vpow2.f32 v51  }
0x1b4: {  	v59 =	vmul.f32 $1.442695020e+00, v54;
	(erf) = vpow2.f32 v52  }
0x1b5: {  	(erf) = vpow2.f32 v58  }
0x1b6: {  	v60 =	vsub.f32 v55, v56;
	(erf) = vpow2.f32 v59;
	_ =	sdelay $0x1  }
0x1b7: {  	v51 =	vmul.f32 $1.442695020e+00, v60;
	_ =	sdelay $0x1  }
0x1b8: {  	(erf) = vpow2.f32 v51;
	_ =	sdelay $0x1  }
0x1b9: {  	v61 =	vpop (erf)  }
0x1ba: {  	v52 =	vpop (erf)  }
0x1bb: {  	v53 =	vpop (erf)  }
0x1bc: {  	v54 =	vpop (erf)  }
0x1bd: {  	v62 =	vadd.f32 v52, v61;
	v63 =	vadd.f32 v54, v53;
	_ =	sdelay $0x1  }
0x1be: {  	v55 =	vadd.f32 v63, v62  }
0x1bf: {  	v56 =	vpop (erf)  }
0x1c0: {  	v55 =	vadd.f32 v55, v56;
	_ =	sdelay $0x1  }
0x1c1: {  	(erf) = vrcp.f32 v55;
	_ =	sdelay $0x4  }
0x1c2: {  	v55 =	vld [tilespmem:s1+$0x50]  }
0x1c3: {  	v57 =	vld [tilespmem:s1+$0x2760];
	_ =	sdelay $0x2  }
0x1c4: {  	v58 =	vpop (erf)  }
0x1c5: {  	v51 =	vmul.f32 v58, v61  }
0x1c6: {  	v59 =	vadd.s32 $0x2800, v55  }
0x1c7: {  	v60 =	vadd.s32 $0x2800, v57;
	[tilespmem:$0x64A0] =	vst v51  }
0x1c8: {  	v52 =	vmul.f32 v58, v52;
	[tilespmem:v55+s20+$0x0] =	vst.idx.add.f32.msk $0xffff, v51  }
0x1c9: {  	[tilespmem:v57+s20+$0x0] =	vst.idx.add.f32.msk $0xffff, v51;
	v51 =	vadd.s32 $0x5000, v55  }
0x1ca: {  	v61 =	vadd.s32 $0x5000, v57;
	[tilespmem:$0x64F0] =	vst v52  }
0x1cb: {  	v53 =	vmul.f32 v58, v53;
	[tilespmem:v59+s20+$0x0] =	vst.idx.add.f32.msk $0xffff, v52  }
0x1cc: {  	[tilespmem:v60+s20+$0x0] =	vst.idx.add.f32.msk $0xffff, v52;
	v60 =	vadd.s32 $0x7800, v55  }
0x1cd: {  	v62 =	vadd.s32 $0x7800, v57;
	[tilespmem:$0x6540] =	vst v53  }
0x1ce: {  	v54 =	vmul.f32 v58, v54;
	[tilespmem:v51+s20+$0x0] =	vst.idx.add.f32.msk $0xffff, v53  }
0x1cf: {  	v63 =	vadd.s32 $0xA000, v55;
	[tilespmem:v61+s20+$0x0] =	vst.idx.add.f32.msk $0xffff, v53  }
0x1d0: {  	v57 =	vadd.s32 $0xA000, v57;
	[tilespmem:$0x6590] =	vst v54  }
0x1d1: {  	v58 =	vmul.f32 v58, v56;
	[tilespmem:v60+s20+$0x0] =	vst.idx.add.f32.msk $0xffff, v54  }
0x1d2: {  	[tilespmem:v62+s20+$0x0] =	vst.idx.add.f32.msk $0xffff, v54  }
0x1d3: {  	[tilespmem:$0x65E0] =	vst v58  }
0x1d4: {  	[tilespmem:v63+s20+$0x0] =	vst.idx.add.f32.msk $0xffff, v58  }
0x1d5: {  	[tilespmem:v57+s20+$0x0] =	vst.idx.add.f32.msk $0xffff, v58  }
0x1d6: {  	v51 =	vld.idx.msk [tilespmem:v11+s16+$0x0], $0xffff  }
0x1d7: {  	v52 =	vld.idx.msk [tilespmem:v12+s16+$0x0], $0xffff  }
0x1d8: {  	v53 =	vld.idx.msk [tilespmem:v13+s16+$0x0], $0xffff  }
0x1d9: {  	v54 =	vld.idx.msk [tilespmem:v14+s16+$0x0], $0xffff  }
0x1da: {  	v55 =	vld.idx.msk [tilespmem:v16+s17+$0x0], $0xffff  }
0x1db: {  	v56 =	vld.idx.msk [tilespmem:v17+s17+$0x0], $0xffff  }
0x1dc: {  	v57 =	vld.idx.msk [tilespmem:v18+s17+$0x0], $0xffff  }
0x1dd: {  	v58 =	vld.idx.msk [tilespmem:v19+s17+$0x0], $0xffff  }
0x1de: {  	v59 =	vld.idx.msk [tilespmem:v15+s16+$0x0], $0xffff  }
0x1df: {  	v60 =	vld.idx.msk [tilespmem:v20+s17+$0x0], $0xffff;
	_ =	sdelay $0x2  }
0x1e0: {  	v51 =	vadd.f32 v55, v51;
	v52 =	vadd.f32 v56, v52  }
0x1e1: {  	v53 =	vadd.f32 v57, v53;
	v54 =	vadd.f32 v58, v54  }
0x1e2: {  	v60 =	vadd.f32 v60, v59;
	v55 =	vmul.f32 $9.999999770e-03, v51;
	v56 =	vmul.f32 $9.999999770e-03, v52  }
0x1e3: {  	v61 =	vmul.f32 $9.999999770e-03, v53;
	v62 =	vmul.f32 $9.999999770e-03, v54  }
0x1e4: {  	v63 =	vmul.f32 $9.999999770e-03, v60;
	v51 =	vmax.f32 v51, v55  }
0x1e5: {  	v52 =	vmax.f32 v52, v56;
	v53 =	vmax.f32 v53, v61;
	v54 =	vmax.f32 v54, v62  }
0x1e6: {  	v56 =	vmax.f32 v51, v52;
	v58 =	vmax.f32 v53, v54  }
0x1e7: {  	v55 =	vmax.f32 v60, v63;
	v56 =	vmax.f32 v56, v58  }
0x1e8: {  	v56 =	vmax.f32 v56, v55  }
0x1e9: {  	v51 =	vsub.f32 v51, v56  }
0x1ea: {  	v52 =	vsub.f32 v52, v56  }
0x1eb: {  	v53 =	vsub.f32 v53, v56;
	v51 =	vmul.f32 $1.442695020e+00, v51  }
0x1ec: {  	v54 =	vsub.f32 v54, v56;
	v52 =	vmul.f32 $1.442695020e+00, v52  }
0x1ed: {  	v58 =	vmul.f32 $1.442695020e+00, v53;
	(erf) = vpow2.f32 v51  }
0x1ee: {  	v59 =	vmul.f32 $1.442695020e+00, v54;
	(erf) = vpow2.f32 v52  }
0x1ef: {  	(erf) = vpow2.f32 v58  }
0x1f0: {  	v60 =	vsub.f32 v55, v56;
	(erf) = vpow2.f32 v59;
	_ =	sdelay $0x1  }
0x1f1: {  	v51 =	vmul.f32 $1.442695020e+00, v60;
	_ =	sdelay $0x1  }
0x1f2: {  	(erf) = vpow2.f32 v51;
	_ =	sdelay $0x1  }
0x1f3: {  	v61 =	vpop (erf)  }
0x1f4: {  	v52 =	vpop (erf)  }
0x1f5: {  	v53 =	vpop (erf)  }
0x1f6: {  	v54 =	vpop (erf)  }
0x1f7: {  	v62 =	vadd.f32 v52, v61;
	v63 =	vadd.f32 v54, v53;
	_ =	sdelay $0x1  }
0x1f8: {  	v55 =	vadd.f32 v63, v62  }
0x1f9: {  	v56 =	vpop (erf)  }
0x1fa: {  	v55 =	vadd.f32 v55, v56;
	_ =	sdelay $0x1  }
0x1fb: {  	(erf) = vrcp.f32 v55;
	_ =	sdelay $0x4  }
0x1fc: {  	v55 =	vld [tilespmem:s1+$0x60]  }
0x1fd: {  	v57 =	vld [tilespmem:s1+$0x2770];
	_ =	sdelay $0x2  }
0x1fe: {  	v58 =	vpop (erf)  }
0x1ff: {  	v51 =	vmul.f32 v58, v61  }
0x200: {  	v59 =	vadd.s32 $0x2800, v55  }
0x201: {  	v60 =	vadd.s32 $0x2800, v57;
	[tilespmem:$0x64B0] =	vst v51  }
0x202: {  	v52 =	vmul.f32 v58, v52;
	[tilespmem:v55+s20+$0x0] =	vst.idx.add.f32.msk $0xffff, v51  }
0x203: {  	[tilespmem:v57+s20+$0x0] =	vst.idx.add.f32.msk $0xffff, v51;
	v51 =	vadd.s32 $0x5000, v55  }
0x204: {  	v61 =	vadd.s32 $0x5000, v57;
	[tilespmem:$0x6500] =	vst v52  }
0x205: {  	v53 =	vmul.f32 v58, v53;
	[tilespmem:v59+s20+$0x0] =	vst.idx.add.f32.msk $0xffff, v52  }
0x206: {  	[tilespmem:v60+s20+$0x0] =	vst.idx.add.f32.msk $0xffff, v52;
	v60 =	vadd.s32 $0x7800, v55  }
0x207: {  	v62 =	vadd.s32 $0x7800, v57;
	[tilespmem:$0x6550] =	vst v53  }
0x208: {  	v54 =	vmul.f32 v58, v54;
	[tilespmem:v51+s20+$0x0] =	vst.idx.add.f32.msk $0xffff, v53  }
0x209: {  	v63 =	vadd.s32 $0xA000, v55;
	[tilespmem:v61+s20+$0x0] =	vst.idx.add.f32.msk $0xffff, v53  }
0x20a: {  	v57 =	vadd.s32 $0xA000, v57;
	[tilespmem:$0x65A0] =	vst v54  }
0x20b: {  	v58 =	vmul.f32 v58, v56;
	[tilespmem:v60+s20+$0x0] =	vst.idx.add.f32.msk $0xffff, v54  }
0x20c: {  	[tilespmem:v62+s20+$0x0] =	vst.idx.add.f32.msk $0xffff, v54  }
0x20d: {  	[tilespmem:$0x65F0] =	vst v58  }
0x20e: {  	[tilespmem:v63+s20+$0x0] =	vst.idx.add.f32.msk $0xffff, v58  }
0x20f: {  	[tilespmem:v57+s20+$0x0] =	vst.idx.add.f32.msk $0xffff, v58  }
0x210: {  	v51 =	vld.idx.msk [tilespmem:v21+s16+$0x0], $0xffff  }
0x211: {  	v52 =	vld.idx.msk [tilespmem:v22+s16+$0x0], $0xffff  }
0x212: {  	v53 =	vld.idx.msk [tilespmem:v23+s16+$0x0], $0xffff  }
0x213: {  	v54 =	vld.idx.msk [tilespmem:v24+s16+$0x0], $0xffff  }
0x214: {  	v55 =	vld.idx.msk [tilespmem:v26+s17+$0x0], $0xffff  }
0x215: {  	v56 =	vld.idx.msk [tilespmem:v27+s17+$0x0], $0xffff  }
0x216: {  	v57 =	vld.idx.msk [tilespmem:v28+s17+$0x0], $0xffff  }
0x217: {  	v58 =	vld.idx.msk [tilespmem:v29+s17+$0x0], $0xffff  }
0x218: {  	v59 =	vld.idx.msk [tilespmem:v25+s16+$0x0], $0xffff  }
0x219: {  	v60 =	vld.idx.msk [tilespmem:v30+s17+$0x0], $0xffff;
	_ =	sdelay $0x2  }
0x21a: {  	v51 =	vadd.f32 v55, v51;
	v52 =	vadd.f32 v56, v52  }
0x21b: {  	v53 =	vadd.f32 v57, v53;
	v54 =	vadd.f32 v58, v54  }
0x21c: {  	v60 =	vadd.f32 v60, v59;
	v55 =	vmul.f32 $9.999999770e-03, v51;
	v56 =	vmul.f32 $9.999999770e-03, v52  }
0x21d: {  	v61 =	vmul.f32 $9.999999770e-03, v53;
	v62 =	vmul.f32 $9.999999770e-03, v54  }
0x21e: {  	v63 =	vmul.f32 $9.999999770e-03, v60;
	v51 =	vmax.f32 v51, v55  }
0x21f: {  	v52 =	vmax.f32 v52, v56;
	v53 =	vmax.f32 v53, v61;
	v54 =	vmax.f32 v54, v62  }
0x220: {  	v56 =	vmax.f32 v51, v52;
	v58 =	vmax.f32 v53, v54  }
0x221: {  	v55 =	vmax.f32 v60, v63;
	v56 =	vmax.f32 v56, v58  }
0x222: {  	v56 =	vmax.f32 v56, v55  }
0x223: {  	v51 =	vsub.f32 v51, v56  }
0x224: {  	v52 =	vsub.f32 v52, v56  }
0x225: {  	v53 =	vsub.f32 v53, v56;
	v51 =	vmul.f32 $1.442695020e+00, v51  }
0x226: {  	v54 =	vsub.f32 v54, v56;
	v52 =	vmul.f32 $1.442695020e+00, v52  }
0x227: {  	v58 =	vmul.f32 $1.442695020e+00, v53;
	(erf) = vpow2.f32 v51  }
0x228: {  	v59 =	vmul.f32 $1.442695020e+00, v54;
	(erf) = vpow2.f32 v52  }
0x229: {  	(erf) = vpow2.f32 v58  }
0x22a: {  	v60 =	vsub.f32 v55, v56;
	(erf) = vpow2.f32 v59;
	_ =	sdelay $0x1  }
0x22b: {  	v51 =	vmul.f32 $1.442695020e+00, v60;
	_ =	sdelay $0x1  }
0x22c: {  	(erf) = vpow2.f32 v51;
	_ =	sdelay $0x1  }
0x22d: {  	v61 =	vpop (erf)  }
0x22e: {  	v52 =	vpop (erf)  }
0x22f: {  	v53 =	vpop (erf)  }
0x230: {  	v54 =	vpop (erf)  }
0x231: {  	v62 =	vadd.f32 v52, v61;
	v63 =	vadd.f32 v54, v53;
	_ =	sdelay $0x1  }
0x232: {  	v55 =	vadd.f32 v63, v62  }
0x233: {  	v56 =	vpop (erf)  }
0x234: {  	v55 =	vadd.f32 v55, v56;
	_ =	sdelay $0x1  }
0x235: {  	(erf) = vrcp.f32 v55;
	_ =	sdelay $0x4  }
0x236: {  	v55 =	vld [tilespmem:s1+$0x70]  }
0x237: {  	v57 =	vld [tilespmem:s1+$0x2780];
	_ =	sdelay $0x2  }
0x238: {  	v58 =	vpop (erf)  }
0x239: {  	v51 =	vmul.f32 v58, v61  }
0x23a: {  	v59 =	vadd.s32 $0x2800, v55  }
0x23b: {  	v60 =	vadd.s32 $0x2800, v57;
	[tilespmem:$0x64C0] =	vst v51  }
0x23c: {  	v52 =	vmul.f32 v58, v52;
	[tilespmem:v55+s20+$0x0] =	vst.idx.add.f32.msk $0xffff, v51  }
0x23d: {  	[tilespmem:v57+s20+$0x0] =	vst.idx.add.f32.msk $0xffff, v51;
	v51 =	vadd.s32 $0x5000, v55  }
0x23e: {  	v61 =	vadd.s32 $0x5000, v57;
	[tilespmem:$0x6510] =	vst v52  }
0x23f: {  	v53 =	vmul.f32 v58, v53;
	[tilespmem:v59+s20+$0x0] =	vst.idx.add.f32.msk $0xffff, v52  }
0x240: {  	[tilespmem:v60+s20+$0x0] =	vst.idx.add.f32.msk $0xffff, v52;
	v60 =	vadd.s32 $0x7800, v55  }
0x241: {  	v62 =	vadd.s32 $0x7800, v57;
	[tilespmem:$0x6560] =	vst v53  }
0x242: {  	v54 =	vmul.f32 v58, v54;
	[tilespmem:v51+s20+$0x0] =	vst.idx.add.f32.msk $0xffff, v53  }
0x243: {  	v63 =	vadd.s32 $0xA000, v55;
	[tilespmem:v61+s20+$0x0] =	vst.idx.add.f32.msk $0xffff, v53  }
0x244: {  	v57 =	vadd.s32 $0xA000, v57;
	[tilespmem:$0x65B0] =	vst v54  }
0x245: {  	v58 =	vmul.f32 v58, v56;
	[tilespmem:v60+s20+$0x0] =	vst.idx.add.f32.msk $0xffff, v54  }
0x246: {  	[tilespmem:v62+s20+$0x0] =	vst.idx.add.f32.msk $0xffff, v54  }
0x247: {  	[tilespmem:$0x6600] =	vst v58  }
0x248: {  	[tilespmem:v63+s20+$0x0] =	vst.idx.add.f32.msk $0xffff, v58  }
0x249: {  	[tilespmem:v57+s20+$0x0] =	vst.idx.add.f32.msk $0xffff, v58  }
0x24a: {  	v51 =	vld.idx.msk [tilespmem:v31+s16+$0x0], $0xffff  }
0x24b: {  	v52 =	vld.idx.msk [tilespmem:v32+s16+$0x0], $0xffff  }
0x24c: {  	v53 =	vld.idx.msk [tilespmem:v33+s16+$0x0], $0xffff  }
0x24d: {  	v54 =	vld.idx.msk [tilespmem:v34+s16+$0x0], $0xffff  }
0x24e: {  	v55 =	vld.idx.msk [tilespmem:v36+s17+$0x0], $0xffff  }
0x24f: {  	v56 =	vld.idx.msk [tilespmem:v37+s17+$0x0], $0xffff  }
0x250: {  	v57 =	vld.idx.msk [tilespmem:v38+s17+$0x0], $0xffff  }
0x251: {  	v58 =	vld.idx.msk [tilespmem:v39+s17+$0x0], $0xffff  }
0x252: {  	v59 =	vld.idx.msk [tilespmem:v35+s16+$0x0], $0xffff  }
0x253: {  	v60 =	vld.idx.msk [tilespmem:v40+s17+$0x0], $0xffff;
	_ =	sdelay $0x2  }
0x254: {  	v51 =	vadd.f32 v55, v51;
	v52 =	vadd.f32 v56, v52  }
0x255: {  	v53 =	vadd.f32 v57, v53;
	v54 =	vadd.f32 v58, v54  }
0x256: {  	v60 =	vadd.f32 v60, v59;
	v55 =	vmul.f32 $9.999999770e-03, v51;
	v56 =	vmul.f32 $9.999999770e-03, v52  }
0x257: {  	v61 =	vmul.f32 $9.999999770e-03, v53;
	v62 =	vmul.f32 $9.999999770e-03, v54  }
0x258: {  	v63 =	vmul.f32 $9.999999770e-03, v60;
	v51 =	vmax.f32 v51, v55  }
0x259: {  	v52 =	vmax.f32 v52, v56;
	v53 =	vmax.f32 v53, v61;
	v54 =	vmax.f32 v54, v62  }
0x25a: {  	v56 =	vmax.f32 v51, v52;
	v58 =	vmax.f32 v53, v54  }
0x25b: {  	v55 =	vmax.f32 v60, v63;
	v56 =	vmax.f32 v56, v58  }
0x25c: {  	v56 =	vmax.f32 v56, v55  }
0x25d: {  	v51 =	vsub.f32 v51, v56  }
0x25e: {  	v52 =	vsub.f32 v52, v56  }
0x25f: {  	v53 =	vsub.f32 v53, v56;
	v51 =	vmul.f32 $1.442695020e+00, v51  }
0x260: {  	v54 =	vsub.f32 v54, v56;
	v52 =	vmul.f32 $1.442695020e+00, v52  }
0x261: {  	v58 =	vmul.f32 $1.442695020e+00, v53;
	(erf) = vpow2.f32 v51  }
0x262: {  	v59 =	vmul.f32 $1.442695020e+00, v54;
	(erf) = vpow2.f32 v52  }
0x263: {  	(erf) = vpow2.f32 v58  }
0x264: {  	v60 =	vsub.f32 v55, v56;
	(erf) = vpow2.f32 v59;
	_ =	sdelay $0x1  }
0x265: {  	v51 =	vmul.f32 $1.442695020e+00, v60;
	_ =	sdelay $0x1  }
0x266: {  	(erf) = vpow2.f32 v51;
	_ =	sdelay $0x1  }
0x267: {  	v61 =	vpop (erf)  }
0x268: {  	v52 =	vpop (erf)  }
0x269: {  	v53 =	vpop (erf)  }
0x26a: {  	v54 =	vpop (erf)  }
0x26b: {  	v62 =	vadd.f32 v52, v61;
	v63 =	vadd.f32 v54, v53;
	_ =	sdelay $0x1  }
0x26c: {  	v55 =	vadd.f32 v63, v62  }
0x26d: {  	v56 =	vpop (erf)  }
0x26e: {  	v55 =	vadd.f32 v55, v56;
	_ =	sdelay $0x1  }
0x26f: {  	(erf) = vrcp.f32 v55;
	_ =	sdelay $0x4  }
0x270: {  	v55 =	vld [tilespmem:s1+$0x80]  }
0x271: {  	v57 =	vld [tilespmem:s1+$0x2790];
	_ =	sdelay $0x2  }
0x272: {  	v58 =	vpop (erf)  }
0x273: {  	v51 =	vmul.f32 v58, v61  }
0x274: {  	v59 =	vadd.s32 $0x2800, v55  }
0x275: {  	v60 =	vadd.s32 $0x2800, v57;
	[tilespmem:$0x64D0] =	vst v51  }
0x276: {  	v52 =	vmul.f32 v58, v52;
	[tilespmem:v55+s20+$0x0] =	vst.idx.add.f32.msk $0xffff, v51  }
0x277: {  	[tilespmem:v57+s20+$0x0] =	vst.idx.add.f32.msk $0xffff, v51;
	v51 =	vadd.s32 $0x5000, v55  }
0x278: {  	v61 =	vadd.s32 $0x5000, v57;
	[tilespmem:$0x6520] =	vst v52  }
0x279: {  	v53 =	vmul.f32 v58, v53;
	[tilespmem:v59+s20+$0x0] =	vst.idx.add.f32.msk $0xffff, v52  }
0x27a: {  	[tilespmem:v60+s20+$0x0] =	vst.idx.add.f32.msk $0xffff, v52;
	v60 =	vadd.s32 $0x7800, v55  }
0x27b: {  	v62 =	vadd.s32 $0x7800, v57;
	[tilespmem:$0x6570] =	vst v53  }
0x27c: {  	v54 =	vmul.f32 v58, v54;
	[tilespmem:v51+s20+$0x0] =	vst.idx.add.f32.msk $0xffff, v53  }
0x27d: {  	v63 =	vadd.s32 $0xA000, v55;
	[tilespmem:v61+s20+$0x0] =	vst.idx.add.f32.msk $0xffff, v53  }
0x27e: {  	v57 =	vadd.s32 $0xA000, v57;
	[tilespmem:$0x65C0] =	vst v54  }
0x27f: {  	v58 =	vmul.f32 v58, v56;
	[tilespmem:v60+s20+$0x0] =	vst.idx.add.f32.msk $0xffff, v54  }
0x280: {  	[tilespmem:v62+s20+$0x0] =	vst.idx.add.f32.msk $0xffff, v54  }
0x281: {  	[tilespmem:$0x6610] =	vst v58  }
0x282: {  	[tilespmem:v63+s20+$0x0] =	vst.idx.add.f32.msk $0xffff, v58  }
0x283: {  	[tilespmem:v57+s20+$0x0] =	vst.idx.add.f32.msk $0xffff, v58  }
0x284: {  	v51 =	vld.idx.msk [tilespmem:v41+s16+$0x0], $0xffff  }
0x285: {  	v52 =	vld.idx.msk [tilespmem:v42+s16+$0x0], $0xffff  }
0x286: {  	v53 =	vld.idx.msk [tilespmem:v43+s16+$0x0], $0xffff  }
0x287: {  	v54 =	vld.idx.msk [tilespmem:v44+s16+$0x0], $0xffff  }
0x288: {  	v55 =	vld.idx.msk [tilespmem:v46+s17+$0x0], $0xffff  }
0x289: {  	v56 =	vld.idx.msk [tilespmem:v47+s17+$0x0], $0xffff  }
0x28a: {  	v57 =	vld.idx.msk [tilespmem:v48+s17+$0x0], $0xffff  }
0x28b: {  	v58 =	vld.idx.msk [tilespmem:v49+s17+$0x0], $0xffff  }
0x28c: {  	v59 =	vld.idx.msk [tilespmem:v45+s16+$0x0], $0xffff  }
0x28d: {  	v60 =	vld.idx.msk [tilespmem:v50+s17+$0x0], $0xffff;
	_ =	sdelay $0x2  }
0x28e: {  	v51 =	vadd.f32 v55, v51;
	v52 =	vadd.f32 v56, v52  }
0x28f: {  	v53 =	vadd.f32 v57, v53;
	v54 =	vadd.f32 v58, v54  }
0x290: {  	v60 =	vadd.f32 v60, v59;
	v55 =	vmul.f32 $9.999999770e-03, v51;
	v56 =	vmul.f32 $9.999999770e-03, v52  }
0x291: {  	v61 =	vmul.f32 $9.999999770e-03, v53;
	v62 =	vmul.f32 $9.999999770e-03, v54  }
0x292: {  	v63 =	vmul.f32 $9.999999770e-03, v60;
	v51 =	vmax.f32 v51, v55  }
0x293: {  	v52 =	vmax.f32 v52, v56;
	v53 =	vmax.f32 v53, v61;
	v54 =	vmax.f32 v54, v62  }
0x294: {  	v56 =	vmax.f32 v51, v52;
	v58 =	vmax.f32 v53, v54  }
0x295: {  	v55 =	vmax.f32 v60, v63;
	v56 =	vmax.f32 v56, v58  }
0x296: {  	v56 =	vmax.f32 v56, v55  }
0x297: {  	v51 =	vsub.f32 v51, v56  }
0x298: {  	v52 =	vsub.f32 v52, v56  }
0x299: {  	v53 =	vsub.f32 v53, v56;
	v51 =	vmul.f32 $1.442695020e+00, v51  }
0x29a: {  	v54 =	vsub.f32 v54, v56;
	v52 =	vmul.f32 $1.442695020e+00, v52  }
0x29b: {  	v58 =	vmul.f32 $1.442695020e+00, v53;
	(erf) = vpow2.f32 v51  }
0x29c: {  	v59 =	vmul.f32 $1.442695020e+00, v54;
	(erf) = vpow2.f32 v52  }
0x29d: {  	(erf) = vpow2.f32 v58  }
0x29e: {  	v60 =	vsub.f32 v55, v56;
	(erf) = vpow2.f32 v59;
	_ =	sdelay $0x1  }
0x29f: {  	v51 =	vmul.f32 $1.442695020e+00, v60;
	_ =	sdelay $0x1  }
0x2a0: {  	(erf) = vpow2.f32 v51;
	_ =	sdelay $0x1  }
0x2a1: {  	v61 =	vpop (erf)  }
0x2a2: {  	v52 =	vpop (erf)  }
0x2a3: {  	v53 =	vpop (erf)  }
0x2a4: {  	v54 =	vpop (erf)  }
0x2a5: {  	v62 =	vadd.f32 v52, v61;
	v63 =	vadd.f32 v54, v53;
	_ =	sdelay $0x1  }
0x2a6: {  	v55 =	vadd.f32 v63, v62  }
0x2a7: {  	v56 =	vpop (erf)  }
0x2a8: {  	v55 =	vadd.f32 v55, v56;
	_ =	sdelay $0x1  }
0x2a9: {  	(erf) = vrcp.f32 v55;
	_ =	sdelay $0x4  }
0x2aa: {  	v55 =	vld [tilespmem:s1+$0x90]  }
0x2ab: {  	v57 =	vld [tilespmem:s1+$0x27A0];
	_ =	sdelay $0x2  }
0x2ac: {  	v58 =	vpop (erf)  }
0x2ad: {  	v51 =	vmul.f32 v58, v61  }
0x2ae: {  	v59 =	vadd.s32 $0x2800, v55  }
0x2af: {  	v60 =	vadd.s32 $0x2800, v57;
	[tilespmem:$0x64E0] =	vst v51  }
0x2b0: {  	v52 =	vmul.f32 v58, v52;
	[tilespmem:v55+s20+$0x0] =	vst.idx.add.f32.msk $0xffff, v51  }
0x2b1: {  	[tilespmem:v57+s20+$0x0] =	vst.idx.add.f32.msk $0xffff, v51;
	v51 =	vadd.s32 $0x5000, v55  }
0x2b2: {  	v61 =	vadd.s32 $0x5000, v57;
	[tilespmem:$0x6530] =	vst v52  }
0x2b3: {  	v53 =	vmul.f32 v58, v53;
	[tilespmem:v59+s20+$0x0] =	vst.idx.add.f32.msk $0xffff, v52  }
0x2b4: {  	[tilespmem:v60+s20+$0x0] =	vst.idx.add.f32.msk $0xffff, v52;
	v52 =	vadd.s32 $0x7800, v55  }
0x2b5: {  	v60 =	vadd.s32 $0x7800, v57;
	[tilespmem:$0x6580] =	vst v53  }
0x2b6: {  	v54 =	vmul.f32 v58, v54;
	[tilespmem:v51+s20+$0x0] =	vst.idx.add.f32.msk $0xffff, v53  }
0x2b7: {  	[tilespmem:v61+s20+$0x0] =	vst.idx.add.f32.msk $0xffff, v53;
	v61 =	vadd.s32 $0xA000, v55  }
0x2b8: {  	v62 =	vadd.s32 $0xA000, v57;
	[tilespmem:$0x65D0] =	vst v54  }
0x2b9: {  	s29 =	sadd.s32 $0x280, s29;
	v63 =	vmul.f32 v58, v56;
	[tilespmem:v52+s20+$0x0] =	vst.idx.add.f32.msk $0xffff, v54  }
0x2ba: {  	p0 =	sne.s32 s29, $0x9B00;
	[tilespmem:v60+s20+$0x0] =	vst.idx.add.f32.msk $0xffff, v54  }
.Ltmp1:
0x2bb: {  	[tilespmem:$0x6620] =	vst v63;
	(pc) =	sbr.rel @p0 .LBB2_4-.Ltmp1, $4  }
0x2bc: {  	[tilespmem:v61+s20+$0x0] =	vst.idx.add.f32.msk $0xffff, v63  }
0x2bd: {  	[tilespmem:v62+s20+$0x0] =	vst.idx.add.f32.msk $0xffff, v63  }
0x2be: {  	[hbm4b:s31+s13] =	stream.strided.scatter [tilespmem:s24], [sflag:$0x6], $0x280, s12, s13, $0x38;
	[tilespmem:$0x1A720] =	vst v63  }
0x2bf: {  	s30 =	sadd.s32 $0x14, s30;
	s31 =	sadd.s32 $0x14, s31  }
0x2c0: {  	_ =	swait.ge [sflag:s18], $0x500  }
0x2c1: {  	[sflag:s18] =	ssyncset.done $0x0  }
0x2c2: {  	[sflag:s18] =	ssyncadd.s32 $0xFFFFFB00  }
0x2c3: {  	_ =	swait.ge [sflag:s19], $0x500  }
0x2c4: {  	[sflag:s19] =	ssyncset.done $0x0  }
0x2c5: {  	[sflag:s19] =	ssyncadd.s32 $0xFFFFFB00  }
0x2c6: {  	_ =	swait.ge [sflag:s25], $0x280  }
0x2c7: {  	[sflag:s25] =	ssyncset.done $0x0  }
0x2c8: {  	[sflag:s25] =	ssyncadd.s32 $0xFFFFFD80  }
0x2c9: {  	v51 =	vld.idx.msk [tilespmem:v0+s14+$0x0], $0xffff  }
0x2ca: {  	v52 =	vld.idx.msk [tilespmem:v2+s14+$0x0], $0xffff  }
0x2cb: {  	v53 =	vld.idx.msk [tilespmem:v3+s14+$0x0], $0xffff  }
0x2cc: {  	v54 =	vld.idx.msk [tilespmem:v4+s14+$0x0], $0xffff  }
0x2cd: {  	v55 =	vld.idx.msk [tilespmem:v6+s15+$0x0], $0xffff  }
0x2ce: {  	v56 =	vld.idx.msk [tilespmem:v7+s15+$0x0], $0xffff  }
0x2cf: {  	v57 =	vld.idx.msk [tilespmem:v8+s15+$0x0], $0xffff  }
0x2d0: {  	v58 =	vld.idx.msk [tilespmem:v9+s15+$0x0], $0xffff  }
0x2d1: {  	v59 =	vld.idx.msk [tilespmem:v5+s14+$0x0], $0xffff  }
0x2d2: {  	v60 =	vld.idx.msk [tilespmem:v10+s15+$0x0], $0xffff;
	_ =	sdelay $0x2  }
0x2d3: {  	v51 =	vadd.f32 v55, v51;
	v52 =	vadd.f32 v56, v52  }
0x2d4: {  	v53 =	vadd.f32 v57, v53;
	v54 =	vadd.f32 v58, v54  }
0x2d5: {  	v60 =	vadd.f32 v60, v59;
	v55 =	vmul.f32 $9.999999770e-03, v51;
	v56 =	vmul.f32 $9.999999770e-03, v52  }
0x2d6: {  	v61 =	vmul.f32 $9.999999770e-03, v53;
	v62 =	vmul.f32 $9.999999770e-03, v54  }
0x2d7: {  	v63 =	vmul.f32 $9.999999770e-03, v60;
	v51 =	vmax.f32 v51, v55  }
0x2d8: {  	v52 =	vmax.f32 v52, v56;
	v53 =	vmax.f32 v53, v61;
	v54 =	vmax.f32 v54, v62  }
0x2d9: {  	v56 =	vmax.f32 v51, v52;
	v58 =	vmax.f32 v53, v54  }
0x2da: {  	v55 =	vmax.f32 v60, v63;
	v56 =	vmax.f32 v56, v58  }
0x2db: {  	v56 =	vmax.f32 v56, v55  }
0x2dc: {  	v51 =	vsub.f32 v51, v56  }
0x2dd: {  	v52 =	vsub.f32 v52, v56  }
0x2de: {  	v53 =	vsub.f32 v53, v56;
	v51 =	vmul.f32 $1.442695020e+00, v51  }
0x2df: {  	v54 =	vsub.f32 v54, v56;
	v52 =	vmul.f32 $1.442695020e+00, v52  }
0x2e0: {  	v58 =	vmul.f32 $1.442695020e+00, v53;
	(erf) = vpow2.f32 v51  }
0x2e1: {  	v59 =	vmul.f32 $1.442695020e+00, v54;
	(erf) = vpow2.f32 v52  }
0x2e2: {  	(erf) = vpow2.f32 v58  }
0x2e3: {  	v60 =	vsub.f32 v55, v56;
	(erf) = vpow2.f32 v59;
	_ =	sdelay $0x1  }
0x2e4: {  	v51 =	vmul.f32 $1.442695020e+00, v60;
	_ =	sdelay $0x1  }
0x2e5: {  	(erf) = vpow2.f32 v51;
	_ =	sdelay $0x1  }
0x2e6: {  	v61 =	vpop (erf)  }
0x2e7: {  	v52 =	vpop (erf)  }
0x2e8: {  	v53 =	vpop (erf)  }
0x2e9: {  	v54 =	vpop (erf)  }
0x2ea: {  	v62 =	vadd.f32 v52, v61;
	v63 =	vadd.f32 v54, v53;
	_ =	sdelay $0x1  }
0x2eb: {  	v55 =	vadd.f32 v63, v62  }
0x2ec: {  	v56 =	vpop (erf)  }
0x2ed: {  	v55 =	vadd.f32 v55, v56;
	_ =	sdelay $0x1  }
0x2ee: {  	(erf) = vrcp.f32 v55;
	_ =	sdelay $0x4  }
0x2ef: {  	v55 =	vld [tilespmem:$0x26C0]  }
0x2f0: {  	v57 =	vld [tilespmem:$0x4DD0];
	_ =	sdelay $0x2  }
0x2f1: {  	v58 =	vpop (erf)  }
0x2f2: {  	v51 =	vmul.f32 v58, v61  }
0x2f3: {  	v59 =	vadd.s32 $0x2800, v55  }
0x2f4: {  	v60 =	vadd.s32 $0x2800, v57;
	[tilespmem:$0x6220] =	vst v51  }
0x2f5: {  	v52 =	vmul.f32 v58, v52;
	[tilespmem:v55+s20+$0x0] =	vst.idx.add.f32.msk $0xffff, v51  }
0x2f6: {  	[tilespmem:v57+s20+$0x0] =	vst.idx.add.f32.msk $0xffff, v51;
	v51 =	vadd.s32 $0x5000, v55  }
0x2f7: {  	v61 =	vadd.s32 $0x5000, v57;
	[tilespmem:$0x6270] =	vst v52  }
0x2f8: {  	v53 =	vmul.f32 v58, v53;
	[tilespmem:v59+s20+$0x0] =	vst.idx.add.f32.msk $0xffff, v52  }
0x2f9: {  	[tilespmem:v60+s20+$0x0] =	vst.idx.add.f32.msk $0xffff, v52;
	v60 =	vadd.s32 $0x7800, v55  }
0x2fa: {  	v62 =	vadd.s32 $0x7800, v57;
	[tilespmem:$0x62C0] =	vst v53  }
0x2fb: {  	v54 =	vmul.f32 v58, v54;
	[tilespmem:v51+s20+$0x0] =	vst.idx.add.f32.msk $0xffff, v53  }
0x2fc: {  	v63 =	vadd.s32 $0xA000, v55;
	[tilespmem:v61+s20+$0x0] =	vst.idx.add.f32.msk $0xffff, v53  }
0x2fd: {  	v57 =	vadd.s32 $0xA000, v57;
	[tilespmem:$0x6310] =	vst v54  }
0x2fe: {  	v58 =	vmul.f32 v58, v56;
	[tilespmem:v60+s20+$0x0] =	vst.idx.add.f32.msk $0xffff, v54  }
0x2ff: {  	[tilespmem:v62+s20+$0x0] =	vst.idx.add.f32.msk $0xffff, v54  }
0x300: {  	[tilespmem:$0x6360] =	vst v58  }
0x301: {  	[tilespmem:v63+s20+$0x0] =	vst.idx.add.f32.msk $0xffff, v58  }
0x302: {  	[tilespmem:v57+s20+$0x0] =	vst.idx.add.f32.msk $0xffff, v58  }
0x303: {  	v51 =	vld.idx.msk [tilespmem:v11+s14+$0x0], $0xffff  }
0x304: {  	v52 =	vld.idx.msk [tilespmem:v12+s14+$0x0], $0xffff  }
0x305: {  	v53 =	vld.idx.msk [tilespmem:v13+s14+$0x0], $0xffff  }
0x306: {  	v54 =	vld.idx.msk [tilespmem:v14+s14+$0x0], $0xffff  }
0x307: {  	v55 =	vld.idx.msk [tilespmem:v16+s15+$0x0], $0xffff  }
0x308: {  	v56 =	vld.idx.msk [tilespmem:v17+s15+$0x0], $0xffff  }
0x309: {  	v57 =	vld.idx.msk [tilespmem:v18+s15+$0x0], $0xffff  }
0x30a: {  	v58 =	vld.idx.msk [tilespmem:v19+s15+$0x0], $0xffff  }
0x30b: {  	v59 =	vld.idx.msk [tilespmem:v15+s14+$0x0], $0xffff  }
0x30c: {  	v60 =	vld.idx.msk [tilespmem:v20+s15+$0x0], $0xffff;
	_ =	sdelay $0x2  }
0x30d: {  	v51 =	vadd.f32 v55, v51;
	v52 =	vadd.f32 v56, v52  }
0x30e: {  	v53 =	vadd.f32 v57, v53;
	v54 =	vadd.f32 v58, v54  }
0x30f: {  	v60 =	vadd.f32 v60, v59;
	v55 =	vmul.f32 $9.999999770e-03, v51;
	v56 =	vmul.f32 $9.999999770e-03, v52  }
0x310: {  	v61 =	vmul.f32 $9.999999770e-03, v53;
	v62 =	vmul.f32 $9.999999770e-03, v54  }
0x311: {  	v63 =	vmul.f32 $9.999999770e-03, v60;
	v51 =	vmax.f32 v51, v55  }
0x312: {  	v52 =	vmax.f32 v52, v56;
	v53 =	vmax.f32 v53, v61;
	v54 =	vmax.f32 v54, v62  }
0x313: {  	v56 =	vmax.f32 v51, v52;
	v58 =	vmax.f32 v53, v54  }
0x314: {  	v55 =	vmax.f32 v60, v63;
	v56 =	vmax.f32 v56, v58  }
0x315: {  	v56 =	vmax.f32 v56, v55  }
0x316: {  	v51 =	vsub.f32 v51, v56  }
0x317: {  	v52 =	vsub.f32 v52, v56  }
0x318: {  	v53 =	vsub.f32 v53, v56;
	v51 =	vmul.f32 $1.442695020e+00, v51  }
0x319: {  	v54 =	vsub.f32 v54, v56;
	v52 =	vmul.f32 $1.442695020e+00, v52  }
0x31a: {  	v58 =	vmul.f32 $1.442695020e+00, v53;
	(erf) = vpow2.f32 v51  }
0x31b: {  	v59 =	vmul.f32 $1.442695020e+00, v54;
	(erf) = vpow2.f32 v52  }
0x31c: {  	(erf) = vpow2.f32 v58  }
0x31d: {  	v60 =	vsub.f32 v55, v56;
	(erf) = vpow2.f32 v59;
	_ =	sdelay $0x1  }
0x31e: {  	v51 =	vmul.f32 $1.442695020e+00, v60;
	_ =	sdelay $0x1  }
0x31f: {  	(erf) = vpow2.f32 v51;
	_ =	sdelay $0x1  }
0x320: {  	v61 =	vpop (erf)  }
0x321: {  	v52 =	vpop (erf)  }
0x322: {  	v53 =	vpop (erf)  }
0x323: {  	v54 =	vpop (erf)  }
0x324: {  	v62 =	vadd.f32 v52, v61;
	v63 =	vadd.f32 v54, v53;
	_ =	sdelay $0x1  }
0x325: {  	v55 =	vadd.f32 v63, v62  }
0x326: {  	v56 =	vpop (erf)  }
0x327: {  	v55 =	vadd.f32 v55, v56;
	_ =	sdelay $0x1  }
0x328: {  	(erf) = vrcp.f32 v55;
	_ =	sdelay $0x4  }
0x329: {  	v55 =	vld [tilespmem:$0x26D0]  }
0x32a: {  	v57 =	vld [tilespmem:$0x4DE0];
	_ =	sdelay $0x2  }
0x32b: {  	v58 =	vpop (erf)  }
0x32c: {  	v51 =	vmul.f32 v58, v61  }
0x32d: {  	v59 =	vadd.s32 $0x2800, v55  }
0x32e: {  	v60 =	vadd.s32 $0x2800, v57;
	[tilespmem:$0x6230] =	vst v51  }
0x32f: {  	v52 =	vmul.f32 v58, v52;
	[tilespmem:v55+s20+$0x0] =	vst.idx.add.f32.msk $0xffff, v51  }
0x330: {  	[tilespmem:v57+s20+$0x0] =	vst.idx.add.f32.msk $0xffff, v51;
	v51 =	vadd.s32 $0x5000, v55  }
0x331: {  	v61 =	vadd.s32 $0x5000, v57;
	[tilespmem:$0x6280] =	vst v52  }
0x332: {  	v53 =	vmul.f32 v58, v53;
	[tilespmem:v59+s20+$0x0] =	vst.idx.add.f32.msk $0xffff, v52  }
0x333: {  	[tilespmem:v60+s20+$0x0] =	vst.idx.add.f32.msk $0xffff, v52;
	v60 =	vadd.s32 $0x7800, v55  }
0x334: {  	v62 =	vadd.s32 $0x7800, v57;
	[tilespmem:$0x62D0] =	vst v53  }
0x335: {  	v54 =	vmul.f32 v58, v54;
	[tilespmem:v51+s20+$0x0] =	vst.idx.add.f32.msk $0xffff, v53  }
0x336: {  	v63 =	vadd.s32 $0xA000, v55;
	[tilespmem:v61+s20+$0x0] =	vst.idx.add.f32.msk $0xffff, v53  }
0x337: {  	v57 =	vadd.s32 $0xA000, v57;
	[tilespmem:$0x6320] =	vst v54  }
0x338: {  	v58 =	vmul.f32 v58, v56;
	[tilespmem:v60+s20+$0x0] =	vst.idx.add.f32.msk $0xffff, v54  }
0x339: {  	[tilespmem:v62+s20+$0x0] =	vst.idx.add.f32.msk $0xffff, v54  }
0x33a: {  	[tilespmem:$0x6370] =	vst v58  }
0x33b: {  	[tilespmem:v63+s20+$0x0] =	vst.idx.add.f32.msk $0xffff, v58  }
0x33c: {  	[tilespmem:v57+s20+$0x0] =	vst.idx.add.f32.msk $0xffff, v58  }
0x33d: {  	v51 =	vld.idx.msk [tilespmem:v21+s14+$0x0], $0xffff  }
0x33e: {  	v52 =	vld.idx.msk [tilespmem:v22+s14+$0x0], $0xffff  }
0x33f: {  	v53 =	vld.idx.msk [tilespmem:v23+s14+$0x0], $0xffff  }
0x340: {  	v54 =	vld.idx.msk [tilespmem:v24+s14+$0x0], $0xffff  }
0x341: {  	v55 =	vld.idx.msk [tilespmem:v26+s15+$0x0], $0xffff  }
0x342: {  	v56 =	vld.idx.msk [tilespmem:v27+s15+$0x0], $0xffff  }
0x343: {  	v57 =	vld.idx.msk [tilespmem:v28+s15+$0x0], $0xffff  }
0x344: {  	v58 =	vld.idx.msk [tilespmem:v29+s15+$0x0], $0xffff  }
0x345: {  	v59 =	vld.idx.msk [tilespmem:v25+s14+$0x0], $0xffff  }
0x346: {  	v60 =	vld.idx.msk [tilespmem:v30+s15+$0x0], $0xffff;
	_ =	sdelay $0x2  }
0x347: {  	v51 =	vadd.f32 v55, v51;
	v52 =	vadd.f32 v56, v52  }
0x348: {  	v53 =	vadd.f32 v57, v53;
	v54 =	vadd.f32 v58, v54  }
0x349: {  	v60 =	vadd.f32 v60, v59;
	v55 =	vmul.f32 $9.999999770e-03, v51;
	v56 =	vmul.f32 $9.999999770e-03, v52  }
0x34a: {  	v61 =	vmul.f32 $9.999999770e-03, v53;
	v62 =	vmul.f32 $9.999999770e-03, v54  }
0x34b: {  	v63 =	vmul.f32 $9.999999770e-03, v60;
	v51 =	vmax.f32 v51, v55  }
0x34c: {  	v52 =	vmax.f32 v52, v56;
	v53 =	vmax.f32 v53, v61;
	v54 =	vmax.f32 v54, v62  }
0x34d: {  	v56 =	vmax.f32 v51, v52;
	v58 =	vmax.f32 v53, v54  }
0x34e: {  	v55 =	vmax.f32 v60, v63;
	v56 =	vmax.f32 v56, v58  }
0x34f: {  	v56 =	vmax.f32 v56, v55  }
0x350: {  	v51 =	vsub.f32 v51, v56  }
0x351: {  	v52 =	vsub.f32 v52, v56  }
0x352: {  	v53 =	vsub.f32 v53, v56;
	v51 =	vmul.f32 $1.442695020e+00, v51  }
0x353: {  	v54 =	vsub.f32 v54, v56;
	v52 =	vmul.f32 $1.442695020e+00, v52  }
0x354: {  	v58 =	vmul.f32 $1.442695020e+00, v53;
	(erf) = vpow2.f32 v51  }
0x355: {  	v59 =	vmul.f32 $1.442695020e+00, v54;
	(erf) = vpow2.f32 v52  }
0x356: {  	(erf) = vpow2.f32 v58  }
0x357: {  	v60 =	vsub.f32 v55, v56;
	(erf) = vpow2.f32 v59;
	_ =	sdelay $0x1  }
0x358: {  	v51 =	vmul.f32 $1.442695020e+00, v60;
	_ =	sdelay $0x1  }
0x359: {  	(erf) = vpow2.f32 v51;
	_ =	sdelay $0x1  }
0x35a: {  	v61 =	vpop (erf)  }
0x35b: {  	v52 =	vpop (erf)  }
0x35c: {  	v53 =	vpop (erf)  }
0x35d: {  	v54 =	vpop (erf)  }
0x35e: {  	v62 =	vadd.f32 v52, v61;
	v63 =	vadd.f32 v54, v53;
	_ =	sdelay $0x1  }
0x35f: {  	v55 =	vadd.f32 v63, v62  }
0x360: {  	v56 =	vpop (erf)  }
0x361: {  	v55 =	vadd.f32 v55, v56;
	_ =	sdelay $0x1  }
0x362: {  	(erf) = vrcp.f32 v55;
	_ =	sdelay $0x4  }
0x363: {  	v55 =	vld [tilespmem:$0x26E0]  }
0x364: {  	v57 =	vld [tilespmem:$0x4DF0];
	_ =	sdelay $0x2  }
0x365: {  	v58 =	vpop (erf)  }
0x366: {  	v51 =	vmul.f32 v58, v61  }
0x367: {  	v59 =	vadd.s32 $0x2800, v55  }
0x368: {  	v60 =	vadd.s32 $0x2800, v57;
	[tilespmem:$0x6240] =	vst v51  }
0x369: {  	v52 =	vmul.f32 v58, v52;
	[tilespmem:v55+s20+$0x0] =	vst.idx.add.f32.msk $0xffff, v51  }
0x36a: {  	[tilespmem:v57+s20+$0x0] =	vst.idx.add.f32.msk $0xffff, v51;
	v51 =	vadd.s32 $0x5000, v55  }
0x36b: {  	v61 =	vadd.s32 $0x5000, v57;
	[tilespmem:$0x6290] =	vst v52  }
0x36c: {  	v53 =	vmul.f32 v58, v53;
	[tilespmem:v59+s20+$0x0] =	vst.idx.add.f32.msk $0xffff, v52  }
0x36d: {  	[tilespmem:v60+s20+$0x0] =	vst.idx.add.f32.msk $0xffff, v52;
	v60 =	vadd.s32 $0x7800, v55  }
0x36e: {  	v62 =	vadd.s32 $0x7800, v57;
	[tilespmem:$0x62E0] =	vst v53  }
0x36f: {  	v54 =	vmul.f32 v58, v54;
	[tilespmem:v51+s20+$0x0] =	vst.idx.add.f32.msk $0xffff, v53  }
0x370: {  	v63 =	vadd.s32 $0xA000, v55;
	[tilespmem:v61+s20+$0x0] =	vst.idx.add.f32.msk $0xffff, v53  }
0x371: {  	v57 =	vadd.s32 $0xA000, v57;
	[tilespmem:$0x6330] =	vst v54  }
0x372: {  	v58 =	vmul.f32 v58, v56;
	[tilespmem:v60+s20+$0x0] =	vst.idx.add.f32.msk $0xffff, v54  }
0x373: {  	[tilespmem:v62+s20+$0x0] =	vst.idx.add.f32.msk $0xffff, v54  }
0x374: {  	[tilespmem:$0x6380] =	vst v58  }
0x375: {  	[tilespmem:v63+s20+$0x0] =	vst.idx.add.f32.msk $0xffff, v58  }
0x376: {  	[tilespmem:v57+s20+$0x0] =	vst.idx.add.f32.msk $0xffff, v58  }
0x377: {  	v51 =	vld.idx.msk [tilespmem:v31+s14+$0x0], $0xffff  }
0x378: {  	v52 =	vld.idx.msk [tilespmem:v32+s14+$0x0], $0xffff  }
0x379: {  	v53 =	vld.idx.msk [tilespmem:v33+s14+$0x0], $0xffff  }
0x37a: {  	v54 =	vld.idx.msk [tilespmem:v34+s14+$0x0], $0xffff  }
0x37b: {  	v55 =	vld.idx.msk [tilespmem:v36+s15+$0x0], $0xffff  }
0x37c: {  	v56 =	vld.idx.msk [tilespmem:v37+s15+$0x0], $0xffff  }
0x37d: {  	v57 =	vld.idx.msk [tilespmem:v38+s15+$0x0], $0xffff  }
0x37e: {  	v58 =	vld.idx.msk [tilespmem:v39+s15+$0x0], $0xffff  }
0x37f: {  	v59 =	vld.idx.msk [tilespmem:v35+s14+$0x0], $0xffff  }
0x380: {  	v60 =	vld.idx.msk [tilespmem:v40+s15+$0x0], $0xffff;
	_ =	sdelay $0x2  }
0x381: {  	v51 =	vadd.f32 v55, v51;
	v52 =	vadd.f32 v56, v52  }
0x382: {  	v53 =	vadd.f32 v57, v53;
	v54 =	vadd.f32 v58, v54  }
0x383: {  	v60 =	vadd.f32 v60, v59;
	v55 =	vmul.f32 $9.999999770e-03, v51;
	v56 =	vmul.f32 $9.999999770e-03, v52  }
0x384: {  	v61 =	vmul.f32 $9.999999770e-03, v53;
	v62 =	vmul.f32 $9.999999770e-03, v54  }
0x385: {  	v63 =	vmul.f32 $9.999999770e-03, v60;
	v51 =	vmax.f32 v51, v55  }
0x386: {  	v52 =	vmax.f32 v52, v56;
	v53 =	vmax.f32 v53, v61;
	v54 =	vmax.f32 v54, v62  }
0x387: {  	v56 =	vmax.f32 v51, v52;
	v58 =	vmax.f32 v53, v54  }
0x388: {  	v55 =	vmax.f32 v60, v63;
	v56 =	vmax.f32 v56, v58  }
0x389: {  	v56 =	vmax.f32 v56, v55  }
0x38a: {  	v51 =	vsub.f32 v51, v56  }
0x38b: {  	v52 =	vsub.f32 v52, v56  }
0x38c: {  	v53 =	vsub.f32 v53, v56;
	v51 =	vmul.f32 $1.442695020e+00, v51  }
0x38d: {  	v54 =	vsub.f32 v54, v56;
	v52 =	vmul.f32 $1.442695020e+00, v52  }
0x38e: {  	v58 =	vmul.f32 $1.442695020e+00, v53;
	(erf) = vpow2.f32 v51  }
0x38f: {  	v59 =	vmul.f32 $1.442695020e+00, v54;
	(erf) = vpow2.f32 v52  }
0x390: {  	(erf) = vpow2.f32 v58  }
0x391: {  	v60 =	vsub.f32 v55, v56;
	(erf) = vpow2.f32 v59;
	_ =	sdelay $0x1  }
0x392: {  	v51 =	vmul.f32 $1.442695020e+00, v60;
	_ =	sdelay $0x1  }
0x393: {  	(erf) = vpow2.f32 v51;
	_ =	sdelay $0x1  }
0x394: {  	v61 =	vpop (erf)  }
0x395: {  	v52 =	vpop (erf)  }
0x396: {  	v53 =	vpop (erf)  }
0x397: {  	v54 =	vpop (erf)  }
0x398: {  	v62 =	vadd.f32 v52, v61;
	v63 =	vadd.f32 v54, v53;
	_ =	sdelay $0x1  }
0x399: {  	v55 =	vadd.f32 v63, v62  }
0x39a: {  	v56 =	vpop (erf)  }
0x39b: {  	v55 =	vadd.f32 v55, v56;
	_ =	sdelay $0x1  }
0x39c: {  	(erf) = vrcp.f32 v55;
	_ =	sdelay $0x4  }
0x39d: {  	v55 =	vld [tilespmem:$0x26F0]  }
0x39e: {  	v57 =	vld [tilespmem:$0x4E00];
	_ =	sdelay $0x2  }
0x39f: {  	v58 =	vpop (erf)  }
0x3a0: {  	v51 =	vmul.f32 v58, v61  }
0x3a1: {  	v59 =	vadd.s32 $0x2800, v55  }
0x3a2: {  	v60 =	vadd.s32 $0x2800, v57;
	[tilespmem:$0x6250] =	vst v51  }
0x3a3: {  	v52 =	vmul.f32 v58, v52;
	[tilespmem:v55+s20+$0x0] =	vst.idx.add.f32.msk $0xffff, v51  }
0x3a4: {  	[tilespmem:v57+s20+$0x0] =	vst.idx.add.f32.msk $0xffff, v51;
	v51 =	vadd.s32 $0x5000, v55  }
0x3a5: {  	v61 =	vadd.s32 $0x5000, v57;
	[tilespmem:$0x62A0] =	vst v52  }
0x3a6: {  	v53 =	vmul.f32 v58, v53;
	[tilespmem:v59+s20+$0x0] =	vst.idx.add.f32.msk $0xffff, v52  }
0x3a7: {  	[tilespmem:v60+s20+$0x0] =	vst.idx.add.f32.msk $0xffff, v52;
	v60 =	vadd.s32 $0x7800, v55  }
0x3a8: {  	v62 =	vadd.s32 $0x7800, v57;
	[tilespmem:$0x62F0] =	vst v53  }
0x3a9: {  	v54 =	vmul.f32 v58, v54;
	[tilespmem:v51+s20+$0x0] =	vst.idx.add.f32.msk $0xffff, v53  }
0x3aa: {  	v63 =	vadd.s32 $0xA000, v55;
	[tilespmem:v61+s20+$0x0] =	vst.idx.add.f32.msk $0xffff, v53  }
0x3ab: {  	v57 =	vadd.s32 $0xA000, v57;
	[tilespmem:$0x6340] =	vst v54  }
0x3ac: {  	v58 =	vmul.f32 v58, v56;
	[tilespmem:v60+s20+$0x0] =	vst.idx.add.f32.msk $0xffff, v54  }
0x3ad: {  	[tilespmem:v62+s20+$0x0] =	vst.idx.add.f32.msk $0xffff, v54  }
0x3ae: {  	[tilespmem:$0x6390] =	vst v58  }
0x3af: {  	[tilespmem:v63+s20+$0x0] =	vst.idx.add.f32.msk $0xffff, v58  }
0x3b0: {  	[tilespmem:v57+s20+$0x0] =	vst.idx.add.f32.msk $0xffff, v58  }
0x3b1: {  	v51 =	vld.idx.msk [tilespmem:v41+s14+$0x0], $0xffff  }
0x3b2: {  	v52 =	vld.idx.msk [tilespmem:v42+s14+$0x0], $0xffff  }
0x3b3: {  	v53 =	vld.idx.msk [tilespmem:v43+s14+$0x0], $0xffff  }
0x3b4: {  	v54 =	vld.idx.msk [tilespmem:v44+s14+$0x0], $0xffff  }
0x3b5: {  	v55 =	vld.idx.msk [tilespmem:v46+s15+$0x0], $0xffff  }
0x3b6: {  	v56 =	vld.idx.msk [tilespmem:v47+s15+$0x0], $0xffff  }
0x3b7: {  	v57 =	vld.idx.msk [tilespmem:v48+s15+$0x0], $0xffff  }
0x3b8: {  	v58 =	vld.idx.msk [tilespmem:v49+s15+$0x0], $0xffff  }
0x3b9: {  	v59 =	vld.idx.msk [tilespmem:v45+s14+$0x0], $0xffff  }
0x3ba: {  	v60 =	vld.idx.msk [tilespmem:v50+s15+$0x0], $0xffff;
	_ =	sdelay $0x2  }
0x3bb: {  	v51 =	vadd.f32 v55, v51;
	v52 =	vadd.f32 v56, v52  }
0x3bc: {  	v53 =	vadd.f32 v57, v53;
	v54 =	vadd.f32 v58, v54  }
0x3bd: {  	v60 =	vadd.f32 v60, v59;
	v55 =	vmul.f32 $9.999999770e-03, v51;
	v56 =	vmul.f32 $9.999999770e-03, v52  }
0x3be: {  	v61 =	vmul.f32 $9.999999770e-03, v53;
	v62 =	vmul.f32 $9.999999770e-03, v54  }
0x3bf: {  	v63 =	vmul.f32 $9.999999770e-03, v60;
	v51 =	vmax.f32 v51, v55  }
0x3c0: {  	v52 =	vmax.f32 v52, v56;
	v53 =	vmax.f32 v53, v61;
	v54 =	vmax.f32 v54, v62  }
0x3c1: {  	v56 =	vmax.f32 v51, v52;
	v58 =	vmax.f32 v53, v54  }
0x3c2: {  	v55 =	vmax.f32 v60, v63;
	v56 =	vmax.f32 v56, v58  }
0x3c3: {  	v56 =	vmax.f32 v56, v55  }
0x3c4: {  	v51 =	vsub.f32 v51, v56  }
0x3c5: {  	v52 =	vsub.f32 v52, v56  }
0x3c6: {  	v53 =	vsub.f32 v53, v56;
	v51 =	vmul.f32 $1.442695020e+00, v51  }
0x3c7: {  	v54 =	vsub.f32 v54, v56;
	v52 =	vmul.f32 $1.442695020e+00, v52  }
0x3c8: {  	v58 =	vmul.f32 $1.442695020e+00, v53;
	(erf) = vpow2.f32 v51  }
0x3c9: {  	v59 =	vmul.f32 $1.442695020e+00, v54;
	(erf) = vpow2.f32 v52  }
0x3ca: {  	(erf) = vpow2.f32 v58  }
0x3cb: {  	v60 =	vsub.f32 v55, v56;
	(erf) = vpow2.f32 v59;
	_ =	sdelay $0x1  }
0x3cc: {  	v51 =	vmul.f32 $1.442695020e+00, v60;
	_ =	sdelay $0x1  }
0x3cd: {  	(erf) = vpow2.f32 v51;
	_ =	sdelay $0x1  }
0x3ce: {  	v61 =	vpop (erf)  }
0x3cf: {  	v52 =	vpop (erf)  }
0x3d0: {  	v53 =	vpop (erf)  }
0x3d1: {  	v54 =	vpop (erf)  }
0x3d2: {  	v62 =	vadd.f32 v52, v61;
	v63 =	vadd.f32 v54, v53;
	_ =	sdelay $0x1  }
0x3d3: {  	v55 =	vadd.f32 v63, v62  }
0x3d4: {  	v56 =	vpop (erf)  }
0x3d5: {  	v55 =	vadd.f32 v55, v56;
	_ =	sdelay $0x1  }
0x3d6: {  	(erf) = vrcp.f32 v55;
	_ =	sdelay $0x4  }
0x3d7: {  	v55 =	vld [tilespmem:$0x2700]  }
0x3d8: {  	v57 =	vld [tilespmem:$0x4E10];
	_ =	sdelay $0x2  }
0x3d9: {  	v58 =	vpop (erf)  }
0x3da: {  	v51 =	vmul.f32 v58, v61  }
0x3db: {  	v59 =	vadd.s32 $0x2800, v55  }
0x3dc: {  	v60 =	vadd.s32 $0x2800, v57;
	[tilespmem:$0x6260] =	vst v51  }
0x3dd: {  	v52 =	vmul.f32 v58, v52;
	[tilespmem:v55+s20+$0x0] =	vst.idx.add.f32.msk $0xffff, v51  }
0x3de: {  	[tilespmem:v57+s20+$0x0] =	vst.idx.add.f32.msk $0xffff, v51;
	v51 =	vadd.s32 $0x5000, v55  }
0x3df: {  	v61 =	vadd.s32 $0x5000, v57;
	[tilespmem:$0x62B0] =	vst v52  }
0x3e0: {  	v53 =	vmul.f32 v58, v53;
	[tilespmem:v59+s20+$0x0] =	vst.idx.add.f32.msk $0xffff, v52  }
0x3e1: {  	[tilespmem:v60+s20+$0x0] =	vst.idx.add.f32.msk $0xffff, v52;
	v52 =	vadd.s32 $0x7800, v55  }
0x3e2: {  	v60 =	vadd.s32 $0x7800, v57;
	[tilespmem:$0x6300] =	vst v53  }
0x3e3: {  	v54 =	vmul.f32 v58, v54;
	[tilespmem:v51+s20+$0x0] =	vst.idx.add.f32.msk $0xffff, v53  }
0x3e4: {  	[tilespmem:v61+s20+$0x0] =	vst.idx.add.f32.msk $0xffff, v53;
	v61 =	vadd.s32 $0xA000, v55  }
0x3e5: {  	v62 =	vadd.s32 $0xA000, v57;
	[tilespmem:$0x6350] =	vst v54  }
0x3e6: {  	v63 =	vmul.f32 v58, v56;
	[tilespmem:v52+s20+$0x0] =	vst.idx.add.f32.msk $0xffff, v54  }
0x3e7: {  	[tilespmem:v60+s20+$0x0] =	vst.idx.add.f32.msk $0xffff, v54  }
0x3e8: {  	[tilespmem:$0x63A0] =	vst v63  }
0x3e9: {  	[tilespmem:v61+s20+$0x0] =	vst.idx.add.f32.msk $0xffff, v63  }
0x3ea: {  	[tilespmem:v62+s20+$0x0] =	vst.idx.add.f32.msk $0xffff, v63  }
0x3eb: {  	[hbm4b:s6+s13] =	stream.strided.scatter [tilespmem:s21], [sflag:$0x5], $0x280, s12, s13, $0x38;
	[tilespmem:$0x1A720] =	vst v63  }
0x3ec: {  	_ =	swait.ge [sflag:s26], $0x280  }
0x3ed: {  	[sflag:s26] =	ssyncset.done $0x0  }
0x3ee: {  	[sflag:s26] =	ssyncadd.s32 $0xFFFFFD80  }
0x3ef: {  	s28 =	sadd.s32 $0x1, s28;
	_ =	swait.ge [sflag:s25], $0x280  }
0x3f0: {  	p0 =	sne.s32 s28, s8;
	[sflag:s25] =	ssyncset.done $0x0  }
.Ltmp2:
0x3f1: {  	[sflag:s25] =	ssyncadd.s32 $0xFFFFFD80;
	(pc) =	sbr.rel @p0 .LBB2_1-.Ltmp2, $4  }
0x3f2: {  	[hbm4b:s7+s2] =	stream.linear.scatter [tilespmem:s20], [sflag:$0x7], $0x14000, $0x38;
	[tilespmem:$0x1A720] =	vst v63  }
0x3f3: {  	_ =	swait.ge [sflag:s11], $0x14000  }
0x3f4: {  	[sflag:s11] =	ssyncset.done $0x0  }
0x3f5: {  	[sflag:s11] =	ssyncadd.s32 $0xFFFEC000  }
0x3f6: {  	_ =	sfence.sel $0x180000  }
0x3f7: {  	[bflag:$0x0] =	sbarrier.arrive $0xFFFF  }
0x3f8: {  	_ =	strace $0x90000047  }
0x3f9: {  	s0 =	stileid.u32;
	[bflag:$0x2] =	sbarrier.arrive $0xFFFF  }
0x3fa: {  	p0 =	sne.s32 s0, $0x0;
	s0 =	rddreg [dreg:$0x3]  }
0x3fb: {  	s0 =	sadd.s32 @!p0 $0x100000, s0  }
0x3fc: {  	[sflag:s0] =	ssyncadd.tile.s32 @!p0 $0x1;
	_ =	shalt  }
.Lfunc_end2:
_tile_overlayer_lowered:
.L_overlay_start_2:
0x3fd: {  	(tag) =	ssettag $0x2  }
0x3fe: {  	s0 =	rddreg [dreg:$0x0];
	s2 =	stileid.u32  }
0x3ff: {  	s1 =	rddreg [dreg:$0x1];
	p0 =	sne.s32 s2, $0x0  }
0x400: {  	s3 =	rddreg [dreg:$0x2];
	[bflag:$0x3] =	sbarrier.arrive $0xFFFF;
	s2 =	simm.s32 @!p0 $0x1C07  }
0x401: {  	[timem:s3], [sflag:s2] =	dma.local @!p0 [hbm:s0], s1  }
0x402: {  	s0 =	simm.s32 @!p0 $0x7  }
0x403: {  	_ =	swait.ge @!p0 [sflag:s0], s1  }
0x404: {  	s1 =	ssub.s32 @!p0 $0x0, s1;
	[sflag:s0] =	ssyncset.done @!p0 $0x0  }
0x405: {  	[sflag:s0] =	ssyncadd.s32 @!p0 s1  }
0x406: {  	[bflag:$0x3] =	sbarrier.arrive $0xFFFF  }
0x407: {  	_ =	shalt  }

</sc_bundles>
